<compile_context>
chip_gen: v7x
topology: tpu7x:2x2x1
jax: 0.10.2.dev20260603
libtpu: 0.0.44.dev20260713+nightly
codegen_flags: <defaults>
</compile_context>

<pallas_src>
import jax
import jax.numpy as jnp
from jax.experimental import pallas as pl
from jax.experimental.pallas import tpu as pltpu

N = 4096
G = 20000
K = 128
SL = 32
LN = 128


def _gather_rows_kernel(idx_ref, x_hbm, out_hbm, sem):
    copies = [
        pltpu.make_async_copy(x_hbm.at[idx_ref[k]], out_hbm.at[k], sem)
        for k in range(K)
    ]
    for c in copies:
        c.start()
    for c in copies:
        c.wait()


def _row_gather(x_t, src_indices):
    return pl.pallas_call(
        _gather_rows_kernel,
        in_specs=[
            pl.BlockSpec(memory_space=pltpu.SMEM),
            pl.BlockSpec(memory_space=pl.ANY),
        ],
        out_specs=pl.BlockSpec(memory_space=pl.ANY),
        out_shape=jax.ShapeDtypeStruct((K, SL, LN), jnp.float32),
        scratch_shapes=[pltpu.SemaphoreType.DMA],
    )(src_indices, x_t)


def kernel(x_ng, src_indices):
    x_t = x_ng.T.reshape(G, SL, LN)
    out_t = _row_gather(x_t, src_indices)
    return out_t.reshape(K, N).T

# --- scband reference (transcript-rebuilt; emitter-appended) ---
"""Pipeline reference for scband-filter-10075993276902 (READ-ONLY COPY).

The authoritative reference and input builder live on the scoring server;
editing this copy changes nothing except your own understanding.
"""

import jax, jax.numpy as jnp
import numpy as np

# The torch Filter module resolves filter_list (strings) against var_names_g (strings)
# on the host to produce integer src_indices (here: genes g127..g0 in a 20000-gene input
# named g0..g19999, so src_indices = [127, 126, ..., 0]). The device computation is the
# column gather x_ng[:, src_indices].

def setup_inputs(seed: int = 0) -> dict:
    key = jax.random.key(seed)
    x_ng = jax.random.normal(key, (4096, 20000), dtype=jnp.float32)
    src_indices = jnp.arange(127, -1, -1, dtype=jnp.int32)  # filter_list order mapped to input columns
    return {"x_ng": x_ng, "src_indices": src_indices}


def reference(x_ng, src_indices):
    # ordering=True, allow_missing=False branch: x_ng = x_ng[:, result]
    return jnp.take(x_ng, src_indices, axis=1)

if __name__ == "__main__":
    import jax
    _d = setup_inputs()
    print(jax.jit(kernel)(*tuple(_d.values())))

</pallas_src>

<mosaic_0001>
module attributes {stable_mosaic.version = 14 : i64} {
  func.func @_gather_rows_kernel(%arg0: memref<128xi32, #tpu.memory_space<smem>>, %arg1: memref<20000x32x128xf32, #tpu.memory_space<any>>, %arg2: memref<128x32x128xf32, #tpu.memory_space<any>>, %arg3: memref<!tpu.dma_semaphore, #tpu.memory_space<semaphore_mem>>) attributes {dimension_semantics = [], scalar_prefetch = 0 : i64, scratch_operands = 1 : i64, tpu.core_type = #tpu.core_type<tc>} {
    %get3A = arith.constant 0 : index
    %get3A_0 = memref.load %arg0[%get3A] : memref<128xi32, #tpu.memory_space<smem>>
    %get3A_1 = arith.constant 1 : index
    %get3A_2 = memref.load %arg0[%get3A_1] : memref<128xi32, #tpu.memory_space<smem>>
    %get3A_3 = arith.constant 2 : index
    %get3A_4 = memref.load %arg0[%get3A_3] : memref<128xi32, #tpu.memory_space<smem>>
    %get3A_5 = arith.constant 3 : index
    %get3A_6 = memref.load %arg0[%get3A_5] : memref<128xi32, #tpu.memory_space<smem>>
    %get3A_7 = arith.constant 4 : index
    %get3A_8 = memref.load %arg0[%get3A_7] : memref<128xi32, #tpu.memory_space<smem>>
    %get3A_9 = arith.constant 5 : index
    %get3A_10 = memref.load %arg0[%get3A_9] : memref<128xi32, #tpu.memory_space<smem>>
    %get3A_11 = arith.constant 6 : index
    %get3A_12 = memref.load %arg0[%get3A_11] : memref<128xi32, #tpu.memory_space<smem>>
    %get3A_13 = arith.constant 7 : index
    %get3A_14 = memref.load %arg0[%get3A_13] : memref<128xi32, #tpu.memory_space<smem>>
    %get3A_15 = arith.constant 8 : index
    %get3A_16 = memref.load %arg0[%get3A_15] : memref<128xi32, #tpu.memory_space<smem>>
    %get3A_17 = arith.constant 9 : index
    %get3A_18 = memref.load %arg0[%get3A_17] : memref<128xi32, #tpu.memory_space<smem>>
    %get3A_19 = arith.constant 10 : index
    %get3A_20 = memref.load %arg0[%get3A_19] : memref<128xi32, #tpu.memory_space<smem>>
    %get3A_21 = arith.constant 11 : index
    %get3A_22 = memref.load %arg0[%get3A_21] : memref<128xi32, #tpu.memory_space<smem>>
    %get3A_23 = arith.constant 12 : index
    %get3A_24 = memref.load %arg0[%get3A_23] : memref<128xi32, #tpu.memory_space<smem>>
    %get3A_25 = arith.constant 13 : index
    %get3A_26 = memref.load %arg0[%get3A_25] : memref<128xi32, #tpu.memory_space<smem>>
    %get3A_27 = arith.constant 14 : index
    %get3A_28 = memref.load %arg0[%get3A_27] : memref<128xi32, #tpu.memory_space<smem>>
    %get3A_29 = arith.constant 15 : index
    %get3A_30 = memref.load %arg0[%get3A_29] : memref<128xi32, #tpu.memory_space<smem>>
    %get3A_31 = arith.constant 16 : index
    %get3A_32 = memref.load %arg0[%get3A_31] : memref<128xi32, #tpu.memory_space<smem>>
    %get3A_33 = arith.constant 17 : index
    %get3A_34 = memref.load %arg0[%get3A_33] : memref<128xi32, #tpu.memory_space<smem>>
    %get3A_35 = arith.constant 18 : index
    %get3A_36 = memref.load %arg0[%get3A_35] : memref<128xi32, #tpu.memory_space<smem>>
    %get3A_37 = arith.constant 19 : index
    %get3A_38 = memref.load %arg0[%get3A_37] : memref<128xi32, #tpu.memory_space<smem>>
    %get3A_39 = arith.constant 20 : index
    %get3A_40 = memref.load %arg0[%get3A_39] : memref<128xi32, #tpu.memory_space<smem>>
    %get3A_41 = arith.constant 21 : index
    %get3A_42 = memref.load %arg0[%get3A_41] : memref<128xi32, #tpu.memory_space<smem>>
    %get3A_43 = arith.constant 22 : index
    %get3A_44 = memref.load %arg0[%get3A_43] : memref<128xi32, #tpu.memory_space<smem>>
    %get3A_45 = arith.constant 23 : index
    %get3A_46 = memref.load %arg0[%get3A_45] : memref<128xi32, #tpu.memory_space<smem>>
    %get3A_47 = arith.constant 24 : index
    %get3A_48 = memref.load %arg0[%get3A_47] : memref<128xi32, #tpu.memory_space<smem>>
    %get3A_49 = arith.constant 25 : index
    %get3A_50 = memref.load %arg0[%get3A_49] : memref<128xi32, #tpu.memory_space<smem>>
    %get3A_51 = arith.constant 26 : index
    %get3A_52 = memref.load %arg0[%get3A_51] : memref<128xi32, #tpu.memory_space<smem>>
    %get3A_53 = arith.constant 27 : index
    %get3A_54 = memref.load %arg0[%get3A_53] : memref<128xi32, #tpu.memory_space<smem>>
    %get3A_55 = arith.constant 28 : index
    %get3A_56 = memref.load %arg0[%get3A_55] : memref<128xi32, #tpu.memory_space<smem>>
    %get3A_57 = arith.constant 29 : index
    %get3A_58 = memref.load %arg0[%get3A_57] : memref<128xi32, #tpu.memory_space<smem>>
    %get3A_59 = arith.constant 30 : index
    %get3A_60 = memref.load %arg0[%get3A_59] : memref<128xi32, #tpu.memory_space<smem>>
    %get3A_61 = arith.constant 31 : index
    %get3A_62 = memref.load %arg0[%get3A_61] : memref<128xi32, #tpu.memory_space<smem>>
    %get3A_63 = arith.constant 32 : index
    %get3A_64 = memref.load %arg0[%get3A_63] : memref<128xi32, #tpu.memory_space<smem>>
    %get3A_65 = arith.constant 33 : index
    %get3A_66 = memref.load %arg0[%get3A_65] : memref<128xi32, #tpu.memory_space<smem>>
    %get3A_67 = arith.constant 34 : index
    %get3A_68 = memref.load %arg0[%get3A_67] : memref<128xi32, #tpu.memory_space<smem>>
    %get3A_69 = arith.constant 35 : index
    %get3A_70 = memref.load %arg0[%get3A_69] : memref<128xi32, #tpu.memory_space<smem>>
    %get3A_71 = arith.constant 36 : index
    %get3A_72 = memref.load %arg0[%get3A_71] : memref<128xi32, #tpu.memory_space<smem>>
    %get3A_73 = arith.constant 37 : index
    %get3A_74 = memref.load %arg0[%get3A_73] : memref<128xi32, #tpu.memory_space<smem>>
    %get3A_75 = arith.constant 38 : index
    %get3A_76 = memref.load %arg0[%get3A_75] : memref<128xi32, #tpu.memory_space<smem>>
    %get3A_77 = arith.constant 39 : index
    %get3A_78 = memref.load %arg0[%get3A_77] : memref<128xi32, #tpu.memory_space<smem>>
    %get3A_79 = arith.constant 40 : index
    %get3A_80 = memref.load %arg0[%get3A_79] : memref<128xi32, #tpu.memory_space<smem>>
    %get3A_81 = arith.constant 41 : index
    %get3A_82 = memref.load %arg0[%get3A_81] : memref<128xi32, #tpu.memory_space<smem>>
    %get3A_83 = arith.constant 42 : index
    %get3A_84 = memref.load %arg0[%get3A_83] : memref<128xi32, #tpu.memory_space<smem>>
    %get3A_85 = arith.constant 43 : index
    %get3A_86 = memref.load %arg0[%get3A_85] : memref<128xi32, #tpu.memory_space<smem>>
    %get3A_87 = arith.constant 44 : index
    %get3A_88 = memref.load %arg0[%get3A_87] : memref<128xi32, #tpu.memory_space<smem>>
    %get3A_89 = arith.constant 45 : index
    %get3A_90 = memref.load %arg0[%get3A_89] : memref<128xi32, #tpu.memory_space<smem>>
    %get3A_91 = arith.constant 46 : index
    %get3A_92 = memref.load %arg0[%get3A_91] : memref<128xi32, #tpu.memory_space<smem>>
    %get3A_93 = arith.constant 47 : index
    %get3A_94 = memref.load %arg0[%get3A_93] : memref<128xi32, #tpu.memory_space<smem>>
    %get3A_95 = arith.constant 48 : index
    %get3A_96 = memref.load %arg0[%get3A_95] : memref<128xi32, #tpu.memory_space<smem>>
    %get3A_97 = arith.constant 49 : index
    %get3A_98 = memref.load %arg0[%get3A_97] : memref<128xi32, #tpu.memory_space<smem>>
    %get3A_99 = arith.constant 50 : index
    %get3A_100 = memref.load %arg0[%get3A_99] : memref<128xi32, #tpu.memory_space<smem>>
    %get3A_101 = arith.constant 51 : index
    %get3A_102 = memref.load %arg0[%get3A_101] : memref<128xi32, #tpu.memory_space<smem>>
    %get3A_103 = arith.constant 52 : index
    %get3A_104 = memref.load %arg0[%get3A_103] : memref<128xi32, #tpu.memory_space<smem>>
    %get3A_105 = arith.constant 53 : index
    %get3A_106 = memref.load %arg0[%get3A_105] : memref<128xi32, #tpu.memory_space<smem>>
    %get3A_107 = arith.constant 54 : index
    %get3A_108 = memref.load %arg0[%get3A_107] : memref<128xi32, #tpu.memory_space<smem>>
    %get3A_109 = arith.constant 55 : index
    %get3A_110 = memref.load %arg0[%get3A_109] : memref<128xi32, #tpu.memory_space<smem>>
    %get3A_111 = arith.constant 56 : index
    %get3A_112 = memref.load %arg0[%get3A_111] : memref<128xi32, #tpu.memory_space<smem>>
    %get3A_113 = arith.constant 57 : index
    %get3A_114 = memref.load %arg0[%get3A_113] : memref<128xi32, #tpu.memory_space<smem>>
    %get3A_115 = arith.constant 58 : index
    %get3A_116 = memref.load %arg0[%get3A_115] : memref<128xi32, #tpu.memory_space<smem>>
    %get3A_117 = arith.constant 59 : index
    %get3A_118 = memref.load %arg0[%get3A_117] : memref<128xi32, #tpu.memory_space<smem>>
    %get3A_119 = arith.constant 60 : index
    %get3A_120 = memref.load %arg0[%get3A_119] : memref<128xi32, #tpu.memory_space<smem>>
    %get3A_121 = arith.constant 61 : index
    %get3A_122 = memref.load %arg0[%get3A_121] : memref<128xi32, #tpu.memory_space<smem>>
    %get3A_123 = arith.constant 62 : index
    %get3A_124 = memref.load %arg0[%get3A_123] : memref<128xi32, #tpu.memory_space<smem>>
    %get3A_125 = arith.constant 63 : index
    %get3A_126 = memref.load %arg0[%get3A_125] : memref<128xi32, #tpu.memory_space<smem>>
    %get3A_127 = arith.constant 64 : index
    %get3A_128 = memref.load %arg0[%get3A_127] : memref<128xi32, #tpu.memory_space<smem>>
    %get3A_129 = arith.constant 65 : index
    %get3A_130 = memref.load %arg0[%get3A_129] : memref<128xi32, #tpu.memory_space<smem>>
    %get3A_131 = arith.constant 66 : index
    %get3A_132 = memref.load %arg0[%get3A_131] : memref<128xi32, #tpu.memory_space<smem>>
    %get3A_133 = arith.constant 67 : index
    %get3A_134 = memref.load %arg0[%get3A_133] : memref<128xi32, #tpu.memory_space<smem>>
    %get3A_135 = arith.constant 68 : index
    %get3A_136 = memref.load %arg0[%get3A_135] : memref<128xi32, #tpu.memory_space<smem>>
    %get3A_137 = arith.constant 69 : index
    %get3A_138 = memref.load %arg0[%get3A_137] : memref<128xi32, #tpu.memory_space<smem>>
    %get3A_139 = arith.constant 70 : index
    %get3A_140 = memref.load %arg0[%get3A_139] : memref<128xi32, #tpu.memory_space<smem>>
    %get3A_141 = arith.constant 71 : index
    %get3A_142 = memref.load %arg0[%get3A_141] : memref<128xi32, #tpu.memory_space<smem>>
    %get3A_143 = arith.constant 72 : index
    %get3A_144 = memref.load %arg0[%get3A_143] : memref<128xi32, #tpu.memory_space<smem>>
    %get3A_145 = arith.constant 73 : index
    %get3A_146 = memref.load %arg0[%get3A_145] : memref<128xi32, #tpu.memory_space<smem>>
    %get3A_147 = arith.constant 74 : index
    %get3A_148 = memref.load %arg0[%get3A_147] : memref<128xi32, #tpu.memory_space<smem>>
    %get3A_149 = arith.constant 75 : index
    %get3A_150 = memref.load %arg0[%get3A_149] : memref<128xi32, #tpu.memory_space<smem>>
    %get3A_151 = arith.constant 76 : index
    %get3A_152 = memref.load %arg0[%get3A_151] : memref<128xi32, #tpu.memory_space<smem>>
    %get3A_153 = arith.constant 77 : index
    %get3A_154 = memref.load %arg0[%get3A_153] : memref<128xi32, #tpu.memory_space<smem>>
    %get3A_155 = arith.constant 78 : index
    %get3A_156 = memref.load %arg0[%get3A_155] : memref<128xi32, #tpu.memory_space<smem>>
    %get3A_157 = arith.constant 79 : index
    %get3A_158 = memref.load %arg0[%get3A_157] : memref<128xi32, #tpu.memory_space<smem>>
    %get3A_159 = arith.constant 80 : index
    %get3A_160 = memref.load %arg0[%get3A_159] : memref<128xi32, #tpu.memory_space<smem>>
    %get3A_161 = arith.constant 81 : index
    %get3A_162 = memref.load %arg0[%get3A_161] : memref<128xi32, #tpu.memory_space<smem>>
    %get3A_163 = arith.constant 82 : index
    %get3A_164 = memref.load %arg0[%get3A_163] : memref<128xi32, #tpu.memory_space<smem>>
    %get3A_165 = arith.constant 83 : index
    %get3A_166 = memref.load %arg0[%get3A_165] : memref<128xi32, #tpu.memory_space<smem>>
    %get3A_167 = arith.constant 84 : index
    %get3A_168 = memref.load %arg0[%get3A_167] : memref<128xi32, #tpu.memory_space<smem>>
    %get3A_169 = arith.constant 85 : index
    %get3A_170 = memref.load %arg0[%get3A_169] : memref<128xi32, #tpu.memory_space<smem>>
    %get3A_171 = arith.constant 86 : index
    %get3A_172 = memref.load %arg0[%get3A_171] : memref<128xi32, #tpu.memory_space<smem>>
    %get3A_173 = arith.constant 87 : index
    %get3A_174 = memref.load %arg0[%get3A_173] : memref<128xi32, #tpu.memory_space<smem>>
    %get3A_175 = arith.constant 88 : index
    %get3A_176 = memref.load %arg0[%get3A_175] : memref<128xi32, #tpu.memory_space<smem>>
    %get3A_177 = arith.constant 89 : index
    %get3A_178 = memref.load %arg0[%get3A_177] : memref<128xi32, #tpu.memory_space<smem>>
    %get3A_179 = arith.constant 90 : index
    %get3A_180 = memref.load %arg0[%get3A_179] : memref<128xi32, #tpu.memory_space<smem>>
    %get3A_181 = arith.constant 91 : index
    %get3A_182 = memref.load %arg0[%get3A_181] : memref<128xi32, #tpu.memory_space<smem>>
    %get3A_183 = arith.constant 92 : index
    %get3A_184 = memref.load %arg0[%get3A_183] : memref<128xi32, #tpu.memory_space<smem>>
    %get3A_185 = arith.constant 93 : index
    %get3A_186 = memref.load %arg0[%get3A_185] : memref<128xi32, #tpu.memory_space<smem>>
    %get3A_187 = arith.constant 94 : index
    %get3A_188 = memref.load %arg0[%get3A_187] : memref<128xi32, #tpu.memory_space<smem>>
    %get3A_189 = arith.constant 95 : index
    %get3A_190 = memref.load %arg0[%get3A_189] : memref<128xi32, #tpu.memory_space<smem>>
    %get3A_191 = arith.constant 96 : index
    %get3A_192 = memref.load %arg0[%get3A_191] : memref<128xi32, #tpu.memory_space<smem>>
    %get3A_193 = arith.constant 97 : index
    %get3A_194 = memref.load %arg0[%get3A_193] : memref<128xi32, #tpu.memory_space<smem>>
    %get3A_195 = arith.constant 98 : index
    %get3A_196 = memref.load %arg0[%get3A_195] : memref<128xi32, #tpu.memory_space<smem>>
    %get3A_197 = arith.constant 99 : index
    %get3A_198 = memref.load %arg0[%get3A_197] : memref<128xi32, #tpu.memory_space<smem>>
    %get3A_199 = arith.constant 100 : index
    %get3A_200 = memref.load %arg0[%get3A_199] : memref<128xi32, #tpu.memory_space<smem>>
    %get3A_201 = arith.constant 101 : index
    %get3A_202 = memref.load %arg0[%get3A_201] : memref<128xi32, #tpu.memory_space<smem>>
    %get3A_203 = arith.constant 102 : index
    %get3A_204 = memref.load %arg0[%get3A_203] : memref<128xi32, #tpu.memory_space<smem>>
    %get3A_205 = arith.constant 103 : index
    %get3A_206 = memref.load %arg0[%get3A_205] : memref<128xi32, #tpu.memory_space<smem>>
    %get3A_207 = arith.constant 104 : index
    %get3A_208 = memref.load %arg0[%get3A_207] : memref<128xi32, #tpu.memory_space<smem>>
    %get3A_209 = arith.constant 105 : index
    %get3A_210 = memref.load %arg0[%get3A_209] : memref<128xi32, #tpu.memory_space<smem>>
    %get3A_211 = arith.constant 106 : index
    %get3A_212 = memref.load %arg0[%get3A_211] : memref<128xi32, #tpu.memory_space<smem>>
    %get3A_213 = arith.constant 107 : index
    %get3A_214 = memref.load %arg0[%get3A_213] : memref<128xi32, #tpu.memory_space<smem>>
    %get3A_215 = arith.constant 108 : index
    %get3A_216 = memref.load %arg0[%get3A_215] : memref<128xi32, #tpu.memory_space<smem>>
    %get3A_217 = arith.constant 109 : index
    %get3A_218 = memref.load %arg0[%get3A_217] : memref<128xi32, #tpu.memory_space<smem>>
    %get3A_219 = arith.constant 110 : index
    %get3A_220 = memref.load %arg0[%get3A_219] : memref<128xi32, #tpu.memory_space<smem>>
    %get3A_221 = arith.constant 111 : index
    %get3A_222 = memref.load %arg0[%get3A_221] : memref<128xi32, #tpu.memory_space<smem>>
    %get3A_223 = arith.constant 112 : index
    %get3A_224 = memref.load %arg0[%get3A_223] : memref<128xi32, #tpu.memory_space<smem>>
    %get3A_225 = arith.constant 113 : index
    %get3A_226 = memref.load %arg0[%get3A_225] : memref<128xi32, #tpu.memory_space<smem>>
    %get3A_227 = arith.constant 114 : index
    %get3A_228 = memref.load %arg0[%get3A_227] : memref<128xi32, #tpu.memory_space<smem>>
    %get3A_229 = arith.constant 115 : index
    %get3A_230 = memref.load %arg0[%get3A_229] : memref<128xi32, #tpu.memory_space<smem>>
    %get3A_231 = arith.constant 116 : index
    %get3A_232 = memref.load %arg0[%get3A_231] : memref<128xi32, #tpu.memory_space<smem>>
    %get3A_233 = arith.constant 117 : index
    %get3A_234 = memref.load %arg0[%get3A_233] : memref<128xi32, #tpu.memory_space<smem>>
    %get3A_235 = arith.constant 118 : index
    %get3A_236 = memref.load %arg0[%get3A_235] : memref<128xi32, #tpu.memory_space<smem>>
    %get3A_237 = arith.constant 119 : index
    %get3A_238 = memref.load %arg0[%get3A_237] : memref<128xi32, #tpu.memory_space<smem>>
    %get3A_239 = arith.constant 120 : index
    %get3A_240 = memref.load %arg0[%get3A_239] : memref<128xi32, #tpu.memory_space<smem>>
    %get3A_241 = arith.constant 121 : index
    %get3A_242 = memref.load %arg0[%get3A_241] : memref<128xi32, #tpu.memory_space<smem>>
    %get3A_243 = arith.constant 122 : index
    %get3A_244 = memref.load %arg0[%get3A_243] : memref<128xi32, #tpu.memory_space<smem>>
    %get3A_245 = arith.constant 123 : index
    %get3A_246 = memref.load %arg0[%get3A_245] : memref<128xi32, #tpu.memory_space<smem>>
    %get3A_247 = arith.constant 124 : index
    %get3A_248 = memref.load %arg0[%get3A_247] : memref<128xi32, #tpu.memory_space<smem>>
    %get3A_249 = arith.constant 125 : index
    %get3A_250 = memref.load %arg0[%get3A_249] : memref<128xi32, #tpu.memory_space<smem>>
    %get3A_251 = arith.constant 126 : index
    %get3A_252 = memref.load %arg0[%get3A_251] : memref<128xi32, #tpu.memory_space<smem>>
    %get3A_253 = arith.constant 127 : index
    %get3A_254 = memref.load %arg0[%get3A_253] : memref<128xi32, #tpu.memory_space<smem>>
    %dma_start3A = arith.constant 0 : i32
    %dma_start3A_255 = arith.constant 0 : i32
    %dma_start3A_256 = arith.constant 0 : i32
    %dma_start3A_257 = tpu.memref_slice %arg2[%dma_start3A, %dma_start3A_255, %dma_start3A_256] : memref<128x32x128xf32, #tpu.memory_space<any>> -> memref<1x32x128xf32, #tpu.memory_space<any>>
    %dma_start3A_258 = tpu.memref_squeeze %dma_start3A_257 : memref<1x32x128xf32, #tpu.memory_space<any>> -> memref<32x128xf32, #tpu.memory_space<any>>
    %dma_start3A_259 = arith.constant 0 : i32
    %dma_start3A_260 = arith.constant 0 : i32
    %dma_start3A_261 = tpu.memref_slice %arg1[%get3A_0, %dma_start3A_259, %dma_start3A_260] : memref<20000x32x128xf32, #tpu.memory_space<any>> -> memref<1x32x128xf32, #tpu.memory_space<any>>
    %dma_start3A_262 = tpu.memref_squeeze %dma_start3A_261 : memref<1x32x128xf32, #tpu.memory_space<any>> -> memref<32x128xf32, #tpu.memory_space<any>>
    tpu.enqueue_dma source(%dma_start3A_262 : memref<32x128xf32, #tpu.memory_space<any>>) target(%dma_start3A_258 : memref<32x128xf32, #tpu.memory_space<any>>) target_semaphore(%arg3 : memref<!tpu.dma_semaphore, #tpu.memory_space<semaphore_mem>>)
    %dma_start3A_263 = arith.constant 1 : i32
    %dma_start3A_264 = arith.constant 0 : i32
    %dma_start3A_265 = arith.constant 0 : i32
    %dma_start3A_266 = tpu.memref_slice %arg2[%dma_start3A_263, %dma_start3A_264, %dma_start3A_265] : memref<128x32x128xf32, #tpu.memory_space<any>> -> memref<1x32x128xf32, #tpu.memory_space<any>>
    %dma_start3A_267 = tpu.memref_squeeze %dma_start3A_266 : memref<1x32x128xf32, #tpu.memory_space<any>> -> memref<32x128xf32, #tpu.memory_space<any>>
    %dma_start3A_268 = arith.constant 0 : i32
    %dma_start3A_269 = arith.constant 0 : i32
    %dma_start3A_270 = tpu.memref_slice %arg1[%get3A_2, %dma_start3A_268, %dma_start3A_269] : memref<20000x32x128xf32, #tpu.memory_space<any>> -> memref<1x32x128xf32, #tpu.memory_space<any>>
    %dma_start3A_271 = tpu.memref_squeeze %dma_start3A_270 : memref<1x32x128xf32, #tpu.memory_space<any>> -> memref<32x128xf32, #tpu.memory_space<any>>
    tpu.enqueue_dma source(%dma_start3A_271 : memref<32x128xf32, #tpu.memory_space<any>>) target(%dma_start3A_267 : memref<32x128xf32, #tpu.memory_space<any>>) target_semaphore(%arg3 : memref<!tpu.dma_semaphore, #tpu.memory_space<semaphore_mem>>)
    %dma_start3A_272 = arith.constant 2 : i32
    %dma_start3A_273 = arith.constant 0 : i32
    %dma_start3A_274 = arith.constant 0 : i32
    %dma_start3A_275 = tpu.memref_slice %arg2[%dma_start3A_272, %dma_start3A_273, %dma_start3A_274] : memref<128x32x128xf32, #tpu.memory_space<any>> -> memref<1x32x128xf32, #tpu.memory_space<any>>
    %dma_start3A_276 = tpu.memref_squeeze %dma_start3A_275 : memref<1x32x128xf32, #tpu.memory_space<any>> -> memref<32x128xf32, #tpu.memory_space<any>>
    %dma_start3A_277 = arith.constant 0 : i32
    %dma_start3A_278 = arith.constant 0 : i32
    %dma_start3A_279 = tpu.memref_slice %arg1[%get3A_4, %dma_start3A_277, %dma_start3A_278] : memref<20000x32x128xf32, #tpu.memory_space<any>> -> memref<1x32x128xf32, #tpu.memory_space<any>>
    %dma_start3A_280 = tpu.memref_squeeze %dma_start3A_279 : memref<1x32x128xf32, #tpu.memory_space<any>> -> memref<32x128xf32, #tpu.memory_space<any>>
    tpu.enqueue_dma source(%dma_start3A_280 : memref<32x128xf32, #tpu.memory_space<any>>) target(%dma_start3A_276 : memref<32x128xf32, #tpu.memory_space<any>>) target_semaphore(%arg3 : memref<!tpu.dma_semaphore, #tpu.memory_space<semaphore_mem>>)
    %dma_start3A_281 = arith.constant 3 : i32
    %dma_start3A_282 = arith.constant 0 : i32
    %dma_start3A_283 = arith.constant 0 : i32
    %dma_start3A_284 = tpu.memref_slice %arg2[%dma_start3A_281, %dma_start3A_282, %dma_start3A_283] : memref<128x32x128xf32, #tpu.memory_space<any>> -> memref<1x32x128xf32, #tpu.memory_space<any>>
    %dma_start3A_285 = tpu.memref_squeeze %dma_start3A_284 : memref<1x32x128xf32, #tpu.memory_space<any>> -> memref<32x128xf32, #tpu.memory_space<any>>
    %dma_start3A_286 = arith.constant 0 : i32
    %dma_start3A_287 = arith.constant 0 : i32
    %dma_start3A_288 = tpu.memref_slice %arg1[%get3A_6, %dma_start3A_286, %dma_start3A_287] : memref<20000x32x128xf32, #tpu.memory_space<any>> -> memref<1x32x128xf32, #tpu.memory_space<any>>
    %dma_start3A_289 = tpu.memref_squeeze %dma_start3A_288 : memref<1x32x128xf32, #tpu.memory_space<any>> -> memref<32x128xf32, #tpu.memory_space<any>>
    tpu.enqueue_dma source(%dma_start3A_289 : memref<32x128xf32, #tpu.memory_space<any>>) target(%dma_start3A_285 : memref<32x128xf32, #tpu.memory_space<any>>) target_semaphore(%arg3 : memref<!tpu.dma_semaphore, #tpu.memory_space<semaphore_mem>>)
    %dma_start3A_290 = arith.constant 4 : i32
    %dma_start3A_291 = arith.constant 0 : i32
    %dma_start3A_292 = arith.constant 0 : i32
    %dma_start3A_293 = tpu.memref_slice %arg2[%dma_start3A_290, %dma_start3A_291, %dma_start3A_292] : memref<128x32x128xf32, #tpu.memory_space<any>> -> memref<1x32x128xf32, #tpu.memory_space<any>>
    %dma_start3A_294 = tpu.memref_squeeze %dma_start3A_293 : memref<1x32x128xf32, #tpu.memory_space<any>> -> memref<32x128xf32, #tpu.memory_space<any>>
    %dma_start3A_295 = arith.constant 0 : i32
    %dma_start3A_296 = arith.constant 0 : i32
    %dma_start3A_297 = tpu.memref_slice %arg1[%get3A_8, %dma_start3A_295, %dma_start3A_296] : memref<20000x32x128xf32, #tpu.memory_space<any>> -> memref<1x32x128xf32, #tpu.memory_space<any>>
    %dma_start3A_298 = tpu.memref_squeeze %dma_start3A_297 : memref<1x32x128xf32, #tpu.memory_space<any>> -> memref<32x128xf32, #tpu.memory_space<any>>
    tpu.enqueue_dma source(%dma_start3A_298 : memref<32x128xf32, #tpu.memory_space<any>>) target(%dma_start3A_294 : memref<32x128xf32, #tpu.memory_space<any>>) target_semaphore(%arg3 : memref<!tpu.dma_semaphore, #tpu.memory_space<semaphore_mem>>)
    %dma_start3A_299 = arith.constant 5 : i32
    %dma_start3A_300 = arith.constant 0 : i32
    %dma_start3A_301 = arith.constant 0 : i32
    %dma_start3A_302 = tpu.memref_slice %arg2[%dma_start3A_299, %dma_start3A_300, %dma_start3A_301] : memref<128x32x128xf32, #tpu.memory_space<any>> -> memref<1x32x128xf32, #tpu.memory_space<any>>
    %dma_start3A_303 = tpu.memref_squeeze %dma_start3A_302 : memref<1x32x128xf32, #tpu.memory_space<any>> -> memref<32x128xf32, #tpu.memory_space<any>>
    %dma_start3A_304 = arith.constant 0 : i32
    %dma_start3A_305 = arith.constant 0 : i32
    %dma_start3A_306 = tpu.memref_slice %arg1[%get3A_10, %dma_start3A_304, %dma_start3A_305] : memref<20000x32x128xf32, #tpu.memory_space<any>> -> memref<1x32x128xf32, #tpu.memory_space<any>>
    %dma_start3A_307 = tpu.memref_squeeze %dma_start3A_306 : memref<1x32x128xf32, #tpu.memory_space<any>> -> memref<32x128xf32, #tpu.memory_space<any>>
    tpu.enqueue_dma source(%dma_start3A_307 : memref<32x128xf32, #tpu.memory_space<any>>) target(%dma_start3A_303 : memref<32x128xf32, #tpu.memory_space<any>>) target_semaphore(%arg3 : memref<!tpu.dma_semaphore, #tpu.memory_space<semaphore_mem>>)
    %dma_start3A_308 = arith.constant 6 : i32
    %dma_start3A_309 = arith.constant 0 : i32
    %dma_start3A_310 = arith.constant 0 : i32
    %dma_start3A_311 = tpu.memref_slice %arg2[%dma_start3A_308, %dma_start3A_309, %dma_start3A_310] : memref<128x32x128xf32, #tpu.memory_space<any>> -> memref<1x32x128xf32, #tpu.memory_space<any>>
    %dma_start3A_312 = tpu.memref_squeeze %dma_start3A_311 : memref<1x32x128xf32, #tpu.memory_space<any>> -> memref<32x128xf32, #tpu.memory_space<any>>
    %dma_start3A_313 = arith.constant 0 : i32
    %dma_start3A_314 = arith.constant 0 : i32
    %dma_start3A_315 = tpu.memref_slice %arg1[%get3A_12, %dma_start3A_313, %dma_start3A_314] : memref<20000x32x128xf32, #tpu.memory_space<any>> -> memref<1x32x128xf32, #tpu.memory_space<any>>
    %dma_start3A_316 = tpu.memref_squeeze %dma_start3A_315 : memref<1x32x128xf32, #tpu.memory_space<any>> -> memref<32x128xf32, #tpu.memory_space<any>>
    tpu.enqueue_dma source(%dma_start3A_316 : memref<32x128xf32, #tpu.memory_space<any>>) target(%dma_start3A_312 : memref<32x128xf32, #tpu.memory_space<any>>) target_semaphore(%arg3 : memref<!tpu.dma_semaphore, #tpu.memory_space<semaphore_mem>>)
    %dma_start3A_317 = arith.constant 7 : i32
    %dma_start3A_318 = arith.constant 0 : i32
    %dma_start3A_319 = arith.constant 0 : i32
    %dma_start3A_320 = tpu.memref_slice %arg2[%dma_start3A_317, %dma_start3A_318, %dma_start3A_319] : memref<128x32x128xf32, #tpu.memory_space<any>> -> memref<1x32x128xf32, #tpu.memory_space<any>>
    %dma_start3A_321 = tpu.memref_squeeze %dma_start3A_320 : memref<1x32x128xf32, #tpu.memory_space<any>> -> memref<32x128xf32, #tpu.memory_space<any>>
    %dma_start3A_322 = arith.constant 0 : i32
    %dma_start3A_323 = arith.constant 0 : i32
    %dma_start3A_324 = tpu.memref_slice %arg1[%get3A_14, %dma_start3A_322, %dma_start3A_323] : memref<20000x32x128xf32, #tpu.memory_space<any>> -> memref<1x32x128xf32, #tpu.memory_space<any>>
    %dma_start3A_325 = tpu.memref_squeeze %dma_start3A_324 : memref<1x32x128xf32, #tpu.memory_space<any>> -> memref<32x128xf32, #tpu.memory_space<any>>
    tpu.enqueue_dma source(%dma_start3A_325 : memref<32x128xf32, #tpu.memory_space<any>>) target(%dma_start3A_321 : memref<32x128xf32, #tpu.memory_space<any>>) target_semaphore(%arg3 : memref<!tpu.dma_semaphore, #tpu.memory_space<semaphore_mem>>)
    %dma_start3A_326 = arith.constant 8 : i32
    %dma_start3A_327 = arith.constant 0 : i32
    %dma_start3A_328 = arith.constant 0 : i32
    %dma_start3A_329 = tpu.memref_slice %arg2[%dma_start3A_326, %dma_start3A_327, %dma_start3A_328] : memref<128x32x128xf32, #tpu.memory_space<any>> -> memref<1x32x128xf32, #tpu.memory_space<any>>
    %dma_start3A_330 = tpu.memref_squeeze %dma_start3A_329 : memref<1x32x128xf32, #tpu.memory_space<any>> -> memref<32x128xf32, #tpu.memory_space<any>>
    %dma_start3A_331 = arith.constant 0 : i32
    %dma_start3A_332 = arith.constant 0 : i32
    %dma_start3A_333 = tpu.memref_slice %arg1[%get3A_16, %dma_start3A_331, %dma_start3A_332] : memref<20000x32x128xf32, #tpu.memory_space<any>> -> memref<1x32x128xf32, #tpu.memory_space<any>>
    %dma_start3A_334 = tpu.memref_squeeze %dma_start3A_333 : memref<1x32x128xf32, #tpu.memory_space<any>> -> memref<32x128xf32, #tpu.memory_space<any>>
    tpu.enqueue_dma source(%dma_start3A_334 : memref<32x128xf32, #tpu.memory_space<any>>) target(%dma_start3A_330 : memref<32x128xf32, #tpu.memory_space<any>>) target_semaphore(%arg3 : memref<!tpu.dma_semaphore, #tpu.memory_space<semaphore_mem>>)
    %dma_start3A_335 = arith.constant 9 : i32
    %dma_start3A_336 = arith.constant 0 : i32
    %dma_start3A_337 = arith.constant 0 : i32
    %dma_start3A_338 = tpu.memref_slice %arg2[%dma_start3A_335, %dma_start3A_336, %dma_start3A_337] : memref<128x32x128xf32, #tpu.memory_space<any>> -> memref<1x32x128xf32, #tpu.memory_space<any>>
    %dma_start3A_339 = tpu.memref_squeeze %dma_start3A_338 : memref<1x32x128xf32, #tpu.memory_space<any>> -> memref<32x128xf32, #tpu.memory_space<any>>
    %dma_start3A_340 = arith.constant 0 : i32
    %dma_start3A_341 = arith.constant 0 : i32
    %dma_start3A_342 = tpu.memref_slice %arg1[%get3A_18, %dma_start3A_340, %dma_start3A_341] : memref<20000x32x128xf32, #tpu.memory_space<any>> -> memref<1x32x128xf32, #tpu.memory_space<any>>
    %dma_start3A_343 = tpu.memref_squeeze %dma_start3A_342 : memref<1x32x128xf32, #tpu.memory_space<any>> -> memref<32x128xf32, #tpu.memory_space<any>>
    tpu.enqueue_dma source(%dma_start3A_343 : memref<32x128xf32, #tpu.memory_space<any>>) target(%dma_start3A_339 : memref<32x128xf32, #tpu.memory_space<any>>) target_semaphore(%arg3 : memref<!tpu.dma_semaphore, #tpu.memory_space<semaphore_mem>>)
    %dma_start3A_344 = arith.constant 10 : i32
    %dma_start3A_345 = arith.constant 0 : i32
    %dma_start3A_346 = arith.constant 0 : i32
    %dma_start3A_347 = tpu.memref_slice %arg2[%dma_start3A_344, %dma_start3A_345, %dma_start3A_346] : memref<128x32x128xf32, #tpu.memory_space<any>> -> memref<1x32x128xf32, #tpu.memory_space<any>>
    %dma_start3A_348 = tpu.memref_squeeze %dma_start3A_347 : memref<1x32x128xf32, #tpu.memory_space<any>> -> memref<32x128xf32, #tpu.memory_space<any>>
    %dma_start3A_349 = arith.constant 0 : i32
    %dma_start3A_350 = arith.constant 0 : i32
    %dma_start3A_351 = tpu.memref_slice %arg1[%get3A_20, %dma_start3A_349, %dma_start3A_350] : memref<20000x32x128xf32, #tpu.memory_space<any>> -> memref<1x32x128xf32, #tpu.memory_space<any>>
    %dma_start3A_352 = tpu.memref_squeeze %dma_start3A_351 : memref<1x32x128xf32, #tpu.memory_space<any>> -> memref<32x128xf32, #tpu.memory_space<any>>
    tpu.enqueue_dma source(%dma_start3A_352 : memref<32x128xf32, #tpu.memory_space<any>>) target(%dma_start3A_348 : memref<32x128xf32, #tpu.memory_space<any>>) target_semaphore(%arg3 : memref<!tpu.dma_semaphore, #tpu.memory_space<semaphore_mem>>)
    %dma_start3A_353 = arith.constant 11 : i32
    %dma_start3A_354 = arith.constant 0 : i32
    %dma_start3A_355 = arith.constant 0 : i32
    %dma_start3A_356 = tpu.memref_slice %arg2[%dma_start3A_353, %dma_start3A_354, %dma_start3A_355] : memref<128x32x128xf32, #tpu.memory_space<any>> -> memref<1x32x128xf32, #tpu.memory_space<any>>
    %dma_start3A_357 = tpu.memref_squeeze %dma_start3A_356 : memref<1x32x128xf32, #tpu.memory_space<any>> -> memref<32x128xf32, #tpu.memory_space<any>>
    %dma_start3A_358 = arith.constant 0 : i32
    %dma_start3A_359 = arith.constant 0 : i32
    %dma_start3A_360 = tpu.memref_slice %arg1[%get3A_22, %dma_start3A_358, %dma_start3A_359] : memref<20000x32x128xf32, #tpu.memory_space<any>> -> memref<1x32x128xf32, #tpu.memory_space<any>>
    %dma_start3A_361 = tpu.memref_squeeze %dma_start3A_360 : memref<1x32x128xf32, #tpu.memory_space<any>> -> memref<32x128xf32, #tpu.memory_space<any>>
    tpu.enqueue_dma source(%dma_start3A_361 : memref<32x128xf32, #tpu.memory_space<any>>) target(%dma_start3A_357 : memref<32x128xf32, #tpu.memory_space<any>>) target_semaphore(%arg3 : memref<!tpu.dma_semaphore, #tpu.memory_space<semaphore_mem>>)
    %dma_start3A_362 = arith.constant 12 : i32
    %dma_start3A_363 = arith.constant 0 : i32
    %dma_start3A_364 = arith.constant 0 : i32
    %dma_start3A_365 = tpu.memref_slice %arg2[%dma_start3A_362, %dma_start3A_363, %dma_start3A_364] : memref<128x32x128xf32, #tpu.memory_space<any>> -> memref<1x32x128xf32, #tpu.memory_space<any>>
    %dma_start3A_366 = tpu.memref_squeeze %dma_start3A_365 : memref<1x32x128xf32, #tpu.memory_space<any>> -> memref<32x128xf32, #tpu.memory_space<any>>
    %dma_start3A_367 = arith.constant 0 : i32
    %dma_start3A_368 = arith.constant 0 : i32
    %dma_start3A_369 = tpu.memref_slice %arg1[%get3A_24, %dma_start3A_367, %dma_start3A_368] : memref<20000x32x128xf32, #tpu.memory_space<any>> -> memref<1x32x128xf32, #tpu.memory_space<any>>
    %dma_start3A_370 = tpu.memref_squeeze %dma_start3A_369 : memref<1x32x128xf32, #tpu.memory_space<any>> -> memref<32x128xf32, #tpu.memory_space<any>>
    tpu.enqueue_dma source(%dma_start3A_370 : memref<32x128xf32, #tpu.memory_space<any>>) target(%dma_start3A_366 : memref<32x128xf32, #tpu.memory_space<any>>) target_semaphore(%arg3 : memref<!tpu.dma_semaphore, #tpu.memory_space<semaphore_mem>>)
    %dma_start3A_371 = arith.constant 13 : i32
    %dma_start3A_372 = arith.constant 0 : i32
    %dma_start3A_373 = arith.constant 0 : i32
    %dma_start3A_374 = tpu.memref_slice %arg2[%dma_start3A_371, %dma_start3A_372, %dma_start3A_373] : memref<128x32x128xf32, #tpu.memory_space<any>> -> memref<1x32x128xf32, #tpu.memory_space<any>>
    %dma_start3A_375 = tpu.memref_squeeze %dma_start3A_374 : memref<1x32x128xf32, #tpu.memory_space<any>> -> memref<32x128xf32, #tpu.memory_space<any>>
    %dma_start3A_376 = arith.constant 0 : i32
    %dma_start3A_377 = arith.constant 0 : i32
    %dma_start3A_378 = tpu.memref_slice %arg1[%get3A_26, %dma_start3A_376, %dma_start3A_377] : memref<20000x32x128xf32, #tpu.memory_space<any>> -> memref<1x32x128xf32, #tpu.memory_space<any>>
    %dma_start3A_379 = tpu.memref_squeeze %dma_start3A_378 : memref<1x32x128xf32, #tpu.memory_space<any>> -> memref<32x128xf32, #tpu.memory_space<any>>
    tpu.enqueue_dma source(%dma_start3A_379 : memref<32x128xf32, #tpu.memory_space<any>>) target(%dma_start3A_375 : memref<32x128xf32, #tpu.memory_space<any>>) target_semaphore(%arg3 : memref<!tpu.dma_semaphore, #tpu.memory_space<semaphore_mem>>)
    %dma_start3A_380 = arith.constant 14 : i32
    %dma_start3A_381 = arith.constant 0 : i32
    %dma_start3A_382 = arith.constant 0 : i32
    %dma_start3A_383 = tpu.memref_slice %arg2[%dma_start3A_380, %dma_start3A_381, %dma_start3A_382] : memref<128x32x128xf32, #tpu.memory_space<any>> -> memref<1x32x128xf32, #tpu.memory_space<any>>
    %dma_start3A_384 = tpu.memref_squeeze %dma_start3A_383 : memref<1x32x128xf32, #tpu.memory_space<any>> -> memref<32x128xf32, #tpu.memory_space<any>>
    %dma_start3A_385 = arith.constant 0 : i32
    %dma_start3A_386 = arith.constant 0 : i32
    %dma_start3A_387 = tpu.memref_slice %arg1[%get3A_28, %dma_start3A_385, %dma_start3A_386] : memref<20000x32x128xf32, #tpu.memory_space<any>> -> memref<1x32x128xf32, #tpu.memory_space<any>>
    %dma_start3A_388 = tpu.memref_squeeze %dma_start3A_387 : memref<1x32x128xf32, #tpu.memory_space<any>> -> memref<32x128xf32, #tpu.memory_space<any>>
    tpu.enqueue_dma source(%dma_start3A_388 : memref<32x128xf32, #tpu.memory_space<any>>) target(%dma_start3A_384 : memref<32x128xf32, #tpu.memory_space<any>>) target_semaphore(%arg3 : memref<!tpu.dma_semaphore, #tpu.memory_space<semaphore_mem>>)
    %dma_start3A_389 = arith.constant 15 : i32
    %dma_start3A_390 = arith.constant 0 : i32
    %dma_start3A_391 = arith.constant 0 : i32
    %dma_start3A_392 = tpu.memref_slice %arg2[%dma_start3A_389, %dma_start3A_390, %dma_start3A_391] : memref<128x32x128xf32, #tpu.memory_space<any>> -> memref<1x32x128xf32, #tpu.memory_space<any>>
    %dma_start3A_393 = tpu.memref_squeeze %dma_start3A_392 : memref<1x32x128xf32, #tpu.memory_space<any>> -> memref<32x128xf32, #tpu.memory_space<any>>
    %dma_start3A_394 = arith.constant 0 : i32
    %dma_start3A_395 = arith.constant 0 : i32
    %dma_start3A_396 = tpu.memref_slice %arg1[%get3A_30, %dma_start3A_394, %dma_start3A_395] : memref<20000x32x128xf32, #tpu.memory_space<any>> -> memref<1x32x128xf32, #tpu.memory_space<any>>
    %dma_start3A_397 = tpu.memref_squeeze %dma_start3A_396 : memref<1x32x128xf32, #tpu.memory_space<any>> -> memref<32x128xf32, #tpu.memory_space<any>>
    tpu.enqueue_dma source(%dma_start3A_397 : memref<32x128xf32, #tpu.memory_space<any>>) target(%dma_start3A_393 : memref<32x128xf32, #tpu.memory_space<any>>) target_semaphore(%arg3 : memref<!tpu.dma_semaphore, #tpu.memory_space<semaphore_mem>>)
    %dma_start3A_398 = arith.constant 16 : i32
    %dma_start3A_399 = arith.constant 0 : i32
    %dma_start3A_400 = arith.constant 0 : i32
    %dma_start3A_401 = tpu.memref_slice %arg2[%dma_start3A_398, %dma_start3A_399, %dma_start3A_400] : memref<128x32x128xf32, #tpu.memory_space<any>> -> memref<1x32x128xf32, #tpu.memory_space<any>>
    %dma_start3A_402 = tpu.memref_squeeze %dma_start3A_401 : memref<1x32x128xf32, #tpu.memory_space<any>> -> memref<32x128xf32, #tpu.memory_space<any>>
    %dma_start3A_403 = arith.constant 0 : i32
    %dma_start3A_404 = arith.constant 0 : i32
    %dma_start3A_405 = tpu.memref_slice %arg1[%get3A_32, %dma_start3A_403, %dma_start3A_404] : memref<20000x32x128xf32, #tpu.memory_space<any>> -> memref<1x32x128xf32, #tpu.memory_space<any>>
    %dma_start3A_406 = tpu.memref_squeeze %dma_start3A_405 : memref<1x32x128xf32, #tpu.memory_space<any>> -> memref<32x128xf32, #tpu.memory_space<any>>
    tpu.enqueue_dma source(%dma_start3A_406 : memref<32x128xf32, #tpu.memory_space<any>>) target(%dma_start3A_402 : memref<32x128xf32, #tpu.memory_space<any>>) target_semaphore(%arg3 : memref<!tpu.dma_semaphore, #tpu.memory_space<semaphore_mem>>)
    %dma_start3A_407 = arith.constant 17 : i32
    %dma_start3A_408 = arith.constant 0 : i32
    %dma_start3A_409 = arith.constant 0 : i32
    %dma_start3A_410 = tpu.memref_slice %arg2[%dma_start3A_407, %dma_start3A_408, %dma_start3A_409] : memref<128x32x128xf32, #tpu.memory_space<any>> -> memref<1x32x128xf32, #tpu.memory_space<any>>
    %dma_start3A_411 = tpu.memref_squeeze %dma_start3A_410 : memref<1x32x128xf32, #tpu.memory_space<any>> -> memref<32x128xf32, #tpu.memory_space<any>>
    %dma_start3A_412 = arith.constant 0 : i32
    %dma_start3A_413 = arith.constant 0 : i32
    %dma_start3A_414 = tpu.memref_slice %arg1[%get3A_34, %dma_start3A_412, %dma_start3A_413] : memref<20000x32x128xf32, #tpu.memory_space<any>> -> memref<1x32x128xf32, #tpu.memory_space<any>>
    %dma_start3A_415 = tpu.memref_squeeze %dma_start3A_414 : memref<1x32x128xf32, #tpu.memory_space<any>> -> memref<32x128xf32, #tpu.memory_space<any>>
    tpu.enqueue_dma source(%dma_start3A_415 : memref<32x128xf32, #tpu.memory_space<any>>) target(%dma_start3A_411 : memref<32x128xf32, #tpu.memory_space<any>>) target_semaphore(%arg3 : memref<!tpu.dma_semaphore, #tpu.memory_space<semaphore_mem>>)
    %dma_start3A_416 = arith.constant 18 : i32
    %dma_start3A_417 = arith.constant 0 : i32
    %dma_start3A_418 = arith.constant 0 : i32
    %dma_start3A_419 = tpu.memref_slice %arg2[%dma_start3A_416, %dma_start3A_417, %dma_start3A_418] : memref<128x32x128xf32, #tpu.memory_space<any>> -> memref<1x32x128xf32, #tpu.memory_space<any>>
    %dma_start3A_420 = tpu.memref_squeeze %dma_start3A_419 : memref<1x32x128xf32, #tpu.memory_space<any>> -> memref<32x128xf32, #tpu.memory_space<any>>
    %dma_start3A_421 = arith.constant 0 : i32
    %dma_start3A_422 = arith.constant 0 : i32
    %dma_start3A_423 = tpu.memref_slice %arg1[%get3A_36, %dma_start3A_421, %dma_start3A_422] : memref<20000x32x128xf32, #tpu.memory_space<any>> -> memref<1x32x128xf32, #tpu.memory_space<any>>
    %dma_start3A_424 = tpu.memref_squeeze %dma_start3A_423 : memref<1x32x128xf32, #tpu.memory_space<any>> -> memref<32x128xf32, #tpu.memory_space<any>>
    tpu.enqueue_dma source(%dma_start3A_424 : memref<32x128xf32, #tpu.memory_space<any>>) target(%dma_start3A_420 : memref<32x128xf32, #tpu.memory_space<any>>) target_semaphore(%arg3 : memref<!tpu.dma_semaphore, #tpu.memory_space<semaphore_mem>>)
    %dma_start3A_425 = arith.constant 19 : i32
    %dma_start3A_426 = arith.constant 0 : i32
    %dma_start3A_427 = arith.constant 0 : i32
    %dma_start3A_428 = tpu.memref_slice %arg2[%dma_start3A_425, %dma_start3A_426, %dma_start3A_427] : memref<128x32x128xf32, #tpu.memory_space<any>> -> memref<1x32x128xf32, #tpu.memory_space<any>>
    %dma_start3A_429 = tpu.memref_squeeze %dma_start3A_428 : memref<1x32x128xf32, #tpu.memory_space<any>> -> memref<32x128xf32, #tpu.memory_space<any>>
    %dma_start3A_430 = arith.constant 0 : i32
    %dma_start3A_431 = arith.constant 0 : i32
    %dma_start3A_432 = tpu.memref_slice %arg1[%get3A_38, %dma_start3A_430, %dma_start3A_431] : memref<20000x32x128xf32, #tpu.memory_space<any>> -> memref<1x32x128xf32, #tpu.memory_space<any>>
    %dma_start3A_433 = tpu.memref_squeeze %dma_start3A_432 : memref<1x32x128xf32, #tpu.memory_space<any>> -> memref<32x128xf32, #tpu.memory_space<any>>
    tpu.enqueue_dma source(%dma_start3A_433 : memref<32x128xf32, #tpu.memory_space<any>>) target(%dma_start3A_429 : memref<32x128xf32, #tpu.memory_space<any>>) target_semaphore(%arg3 : memref<!tpu.dma_semaphore, #tpu.memory_space<semaphore_mem>>)
    %dma_start3A_434 = arith.constant 20 : i32
    %dma_start3A_435 = arith.constant 0 : i32
    %dma_start3A_436 = arith.constant 0 : i32
    %dma_start3A_437 = tpu.memref_slice %arg2[%dma_start3A_434, %dma_start3A_435, %dma_start3A_436] : memref<128x32x128xf32, #tpu.memory_space<any>> -> memref<1x32x128xf32, #tpu.memory_space<any>>
    %dma_start3A_438 = tpu.memref_squeeze %dma_start3A_437 : memref<1x32x128xf32, #tpu.memory_space<any>> -> memref<32x128xf32, #tpu.memory_space<any>>
    %dma_start3A_439 = arith.constant 0 : i32
    %dma_start3A_440 = arith.constant 0 : i32
    %dma_start3A_441 = tpu.memref_slice %arg1[%get3A_40, %dma_start3A_439, %dma_start3A_440] : memref<20000x32x128xf32, #tpu.memory_space<any>> -> memref<1x32x128xf32, #tpu.memory_space<any>>
    %dma_start3A_442 = tpu.memref_squeeze %dma_start3A_441 : memref<1x32x128xf32, #tpu.memory_space<any>> -> memref<32x128xf32, #tpu.memory_space<any>>
    tpu.enqueue_dma source(%dma_start3A_442 : memref<32x128xf32, #tpu.memory_space<any>>) target(%dma_start3A_438 : memref<32x128xf32, #tpu.memory_space<any>>) target_semaphore(%arg3 : memref<!tpu.dma_semaphore, #tpu.memory_space<semaphore_mem>>)
    %dma_start3A_443 = arith.constant 21 : i32
    %dma_start3A_444 = arith.constant 0 : i32
    %dma_start3A_445 = arith.constant 0 : i32
    %dma_start3A_446 = tpu.memref_slice %arg2[%dma_start3A_443, %dma_start3A_444, %dma_start3A_445] : memref<128x32x128xf32, #tpu.memory_space<any>> -> memref<1x32x128xf32, #tpu.memory_space<any>>
    %dma_start3A_447 = tpu.memref_squeeze %dma_start3A_446 : memref<1x32x128xf32, #tpu.memory_space<any>> -> memref<32x128xf32, #tpu.memory_space<any>>
    %dma_start3A_448 = arith.constant 0 : i32
    %dma_start3A_449 = arith.constant 0 : i32
    %dma_start3A_450 = tpu.memref_slice %arg1[%get3A_42, %dma_start3A_448, %dma_start3A_449] : memref<20000x32x128xf32, #tpu.memory_space<any>> -> memref<1x32x128xf32, #tpu.memory_space<any>>
    %dma_start3A_451 = tpu.memref_squeeze %dma_start3A_450 : memref<1x32x128xf32, #tpu.memory_space<any>> -> memref<32x128xf32, #tpu.memory_space<any>>
    tpu.enqueue_dma source(%dma_start3A_451 : memref<32x128xf32, #tpu.memory_space<any>>) target(%dma_start3A_447 : memref<32x128xf32, #tpu.memory_space<any>>) target_semaphore(%arg3 : memref<!tpu.dma_semaphore, #tpu.memory_space<semaphore_mem>>)
    %dma_start3A_452 = arith.constant 22 : i32
    %dma_start3A_453 = arith.constant 0 : i32
    %dma_start3A_454 = arith.constant 0 : i32
    %dma_start3A_455 = tpu.memref_slice %arg2[%dma_start3A_452, %dma_start3A_453, %dma_start3A_454] : memref<128x32x128xf32, #tpu.memory_space<any>> -> memref<1x32x128xf32, #tpu.memory_space<any>>
    %dma_start3A_456 = tpu.memref_squeeze %dma_start3A_455 : memref<1x32x128xf32, #tpu.memory_space<any>> -> memref<32x128xf32, #tpu.memory_space<any>>
    %dma_start3A_457 = arith.constant 0 : i32
    %dma_start3A_458 = arith.constant 0 : i32
    %dma_start3A_459 = tpu.memref_slice %arg1[%get3A_44, %dma_start3A_457, %dma_start3A_458] : memref<20000x32x128xf32, #tpu.memory_space<any>> -> memref<1x32x128xf32, #tpu.memory_space<any>>
    %dma_start3A_460 = tpu.memref_squeeze %dma_start3A_459 : memref<1x32x128xf32, #tpu.memory_space<any>> -> memref<32x128xf32, #tpu.memory_space<any>>
    tpu.enqueue_dma source(%dma_start3A_460 : memref<32x128xf32, #tpu.memory_space<any>>) target(%dma_start3A_456 : memref<32x128xf32, #tpu.memory_space<any>>) target_semaphore(%arg3 : memref<!tpu.dma_semaphore, #tpu.memory_space<semaphore_mem>>)
    %dma_start3A_461 = arith.constant 23 : i32
    %dma_start3A_462 = arith.constant 0 : i32
    %dma_start3A_463 = arith.constant 0 : i32
    %dma_start3A_464 = tpu.memref_slice %arg2[%dma_start3A_461, %dma_start3A_462, %dma_start3A_463] : memref<128x32x128xf32, #tpu.memory_space<any>> -> memref<1x32x128xf32, #tpu.memory_space<any>>
    %dma_start3A_465 = tpu.memref_squeeze %dma_start3A_464 : memref<1x32x128xf32, #tpu.memory_space<any>> -> memref<32x128xf32, #tpu.memory_space<any>>
    %dma_start3A_466 = arith.constant 0 : i32
    %dma_start3A_467 = arith.constant 0 : i32
    %dma_start3A_468 = tpu.memref_slice %arg1[%get3A_46, %dma_start3A_466, %dma_start3A_467] : memref<20000x32x128xf32, #tpu.memory_space<any>> -> memref<1x32x128xf32, #tpu.memory_space<any>>
    %dma_start3A_469 = tpu.memref_squeeze %dma_start3A_468 : memref<1x32x128xf32, #tpu.memory_space<any>> -> memref<32x128xf32, #tpu.memory_space<any>>
    tpu.enqueue_dma source(%dma_start3A_469 : memref<32x128xf32, #tpu.memory_space<any>>) target(%dma_start3A_465 : memref<32x128xf32, #tpu.memory_space<any>>) target_semaphore(%arg3 : memref<!tpu.dma_semaphore, #tpu.memory_space<semaphore_mem>>)
    %dma_start3A_470 = arith.constant 24 : i32
    %dma_start3A_471 = arith.constant 0 : i32
    %dma_start3A_472 = arith.constant 0 : i32
    %dma_start3A_473 = tpu.memref_slice %arg2[%dma_start3A_470, %dma_start3A_471, %dma_start3A_472] : memref<128x32x128xf32, #tpu.memory_space<any>> -> memref<1x32x128xf32, #tpu.memory_space<any>>
    %dma_start3A_474 = tpu.memref_squeeze %dma_start3A_473 : memref<1x32x128xf32, #tpu.memory_space<any>> -> memref<32x128xf32, #tpu.memory_space<any>>
    %dma_start3A_475 = arith.constant 0 : i32
    %dma_start3A_476 = arith.constant 0 : i32
    %dma_start3A_477 = tpu.memref_slice %arg1[%get3A_48, %dma_start3A_475, %dma_start3A_476] : memref<20000x32x128xf32, #tpu.memory_space<any>> -> memref<1x32x128xf32, #tpu.memory_space<any>>
    %dma_start3A_478 = tpu.memref_squeeze %dma_start3A_477 : memref<1x32x128xf32, #tpu.memory_space<any>> -> memref<32x128xf32, #tpu.memory_space<any>>
    tpu.enqueue_dma source(%dma_start3A_478 : memref<32x128xf32, #tpu.memory_space<any>>) target(%dma_start3A_474 : memref<32x128xf32, #tpu.memory_space<any>>) target_semaphore(%arg3 : memref<!tpu.dma_semaphore, #tpu.memory_space<semaphore_mem>>)
    %dma_start3A_479 = arith.constant 25 : i32
    %dma_start3A_480 = arith.constant 0 : i32
    %dma_start3A_481 = arith.constant 0 : i32
    %dma_start3A_482 = tpu.memref_slice %arg2[%dma_start3A_479, %dma_start3A_480, %dma_start3A_481] : memref<128x32x128xf32, #tpu.memory_space<any>> -> memref<1x32x128xf32, #tpu.memory_space<any>>
    %dma_start3A_483 = tpu.memref_squeeze %dma_start3A_482 : memref<1x32x128xf32, #tpu.memory_space<any>> -> memref<32x128xf32, #tpu.memory_space<any>>
    %dma_start3A_484 = arith.constant 0 : i32
    %dma_start3A_485 = arith.constant 0 : i32
    %dma_start3A_486 = tpu.memref_slice %arg1[%get3A_50, %dma_start3A_484, %dma_start3A_485] : memref<20000x32x128xf32, #tpu.memory_space<any>> -> memref<1x32x128xf32, #tpu.memory_space<any>>
    %dma_start3A_487 = tpu.memref_squeeze %dma_start3A_486 : memref<1x32x128xf32, #tpu.memory_space<any>> -> memref<32x128xf32, #tpu.memory_space<any>>
    tpu.enqueue_dma source(%dma_start3A_487 : memref<32x128xf32, #tpu.memory_space<any>>) target(%dma_start3A_483 : memref<32x128xf32, #tpu.memory_space<any>>) target_semaphore(%arg3 : memref<!tpu.dma_semaphore, #tpu.memory_space<semaphore_mem>>)
    %dma_start3A_488 = arith.constant 26 : i32
    %dma_start3A_489 = arith.constant 0 : i32
    %dma_start3A_490 = arith.constant 0 : i32
    %dma_start3A_491 = tpu.memref_slice %arg2[%dma_start3A_488, %dma_start3A_489, %dma_start3A_490] : memref<128x32x128xf32, #tpu.memory_space<any>> -> memref<1x32x128xf32, #tpu.memory_space<any>>
    %dma_start3A_492 = tpu.memref_squeeze %dma_start3A_491 : memref<1x32x128xf32, #tpu.memory_space<any>> -> memref<32x128xf32, #tpu.memory_space<any>>
    %dma_start3A_493 = arith.constant 0 : i32
    %dma_start3A_494 = arith.constant 0 : i32
    %dma_start3A_495 = tpu.memref_slice %arg1[%get3A_52, %dma_start3A_493, %dma_start3A_494] : memref<20000x32x128xf32, #tpu.memory_space<any>> -> memref<1x32x128xf32, #tpu.memory_space<any>>
    %dma_start3A_496 = tpu.memref_squeeze %dma_start3A_495 : memref<1x32x128xf32, #tpu.memory_space<any>> -> memref<32x128xf32, #tpu.memory_space<any>>
    tpu.enqueue_dma source(%dma_start3A_496 : memref<32x128xf32, #tpu.memory_space<any>>) target(%dma_start3A_492 : memref<32x128xf32, #tpu.memory_space<any>>) target_semaphore(%arg3 : memref<!tpu.dma_semaphore, #tpu.memory_space<semaphore_mem>>)
    %dma_start3A_497 = arith.constant 27 : i32
    %dma_start3A_498 = arith.constant 0 : i32
    %dma_start3A_499 = arith.constant 0 : i32
    %dma_start3A_500 = tpu.memref_slice %arg2[%dma_start3A_497, %dma_start3A_498, %dma_start3A_499] : memref<128x32x128xf32, #tpu.memory_space<any>> -> memref<1x32x128xf32, #tpu.memory_space<any>>
    %dma_start3A_501 = tpu.memref_squeeze %dma_start3A_500 : memref<1x32x128xf32, #tpu.memory_space<any>> -> memref<32x128xf32, #tpu.memory_space<any>>
    %dma_start3A_502 = arith.constant 0 : i32
    %dma_start3A_503 = arith.constant 0 : i32
    %dma_start3A_504 = tpu.memref_slice %arg1[%get3A_54, %dma_start3A_502, %dma_start3A_503] : memref<20000x32x128xf32, #tpu.memory_space<any>> -> memref<1x32x128xf32, #tpu.memory_space<any>>
    %dma_start3A_505 = tpu.memref_squeeze %dma_start3A_504 : memref<1x32x128xf32, #tpu.memory_space<any>> -> memref<32x128xf32, #tpu.memory_space<any>>
    tpu.enqueue_dma source(%dma_start3A_505 : memref<32x128xf32, #tpu.memory_space<any>>) target(%dma_start3A_501 : memref<32x128xf32, #tpu.memory_space<any>>) target_semaphore(%arg3 : memref<!tpu.dma_semaphore, #tpu.memory_space<semaphore_mem>>)
    %dma_start3A_506 = arith.constant 28 : i32
    %dma_start3A_507 = arith.constant 0 : i32
    %dma_start3A_508 = arith.constant 0 : i32
    %dma_start3A_509 = tpu.memref_slice %arg2[%dma_start3A_506, %dma_start3A_507, %dma_start3A_508] : memref<128x32x128xf32, #tpu.memory_space<any>> -> memref<1x32x128xf32, #tpu.memory_space<any>>
    %dma_start3A_510 = tpu.memref_squeeze %dma_start3A_509 : memref<1x32x128xf32, #tpu.memory_space<any>> -> memref<32x128xf32, #tpu.memory_space<any>>
    %dma_start3A_511 = arith.constant 0 : i32
    %dma_start3A_512 = arith.constant 0 : i32
    %dma_start3A_513 = tpu.memref_slice %arg1[%get3A_56, %dma_start3A_511, %dma_start3A_512] : memref<20000x32x128xf32, #tpu.memory_space<any>> -> memref<1x32x128xf32, #tpu.memory_space<any>>
    %dma_start3A_514 = tpu.memref_squeeze %dma_start3A_513 : memref<1x32x128xf32, #tpu.memory_space<any>> -> memref<32x128xf32, #tpu.memory_space<any>>
    tpu.enqueue_dma source(%dma_start3A_514 : memref<32x128xf32, #tpu.memory_space<any>>) target(%dma_start3A_510 : memref<32x128xf32, #tpu.memory_space<any>>) target_semaphore(%arg3 : memref<!tpu.dma_semaphore, #tpu.memory_space<semaphore_mem>>)
    %dma_start3A_515 = arith.constant 29 : i32
    %dma_start3A_516 = arith.constant 0 : i32
    %dma_start3A_517 = arith.constant 0 : i32
    %dma_start3A_518 = tpu.memref_slice %arg2[%dma_start3A_515, %dma_start3A_516, %dma_start3A_517] : memref<128x32x128xf32, #tpu.memory_space<any>> -> memref<1x32x128xf32, #tpu.memory_space<any>>
    %dma_start3A_519 = tpu.memref_squeeze %dma_start3A_518 : memref<1x32x128xf32, #tpu.memory_space<any>> -> memref<32x128xf32, #tpu.memory_space<any>>
    %dma_start3A_520 = arith.constant 0 : i32
    %dma_start3A_521 = arith.constant 0 : i32
    %dma_start3A_522 = tpu.memref_slice %arg1[%get3A_58, %dma_start3A_520, %dma_start3A_521] : memref<20000x32x128xf32, #tpu.memory_space<any>> -> memref<1x32x128xf32, #tpu.memory_space<any>>
    %dma_start3A_523 = tpu.memref_squeeze %dma_start3A_522 : memref<1x32x128xf32, #tpu.memory_space<any>> -> memref<32x128xf32, #tpu.memory_space<any>>
    tpu.enqueue_dma source(%dma_start3A_523 : memref<32x128xf32, #tpu.memory_space<any>>) target(%dma_start3A_519 : memref<32x128xf32, #tpu.memory_space<any>>) target_semaphore(%arg3 : memref<!tpu.dma_semaphore, #tpu.memory_space<semaphore_mem>>)
    %dma_start3A_524 = arith.constant 30 : i32
    %dma_start3A_525 = arith.constant 0 : i32
    %dma_start3A_526 = arith.constant 0 : i32
    %dma_start3A_527 = tpu.memref_slice %arg2[%dma_start3A_524, %dma_start3A_525, %dma_start3A_526] : memref<128x32x128xf32, #tpu.memory_space<any>> -> memref<1x32x128xf32, #tpu.memory_space<any>>
    %dma_start3A_528 = tpu.memref_squeeze %dma_start3A_527 : memref<1x32x128xf32, #tpu.memory_space<any>> -> memref<32x128xf32, #tpu.memory_space<any>>
    %dma_start3A_529 = arith.constant 0 : i32
    %dma_start3A_530 = arith.constant 0 : i32
    %dma_start3A_531 = tpu.memref_slice %arg1[%get3A_60, %dma_start3A_529, %dma_start3A_530] : memref<20000x32x128xf32, #tpu.memory_space<any>> -> memref<1x32x128xf32, #tpu.memory_space<any>>
    %dma_start3A_532 = tpu.memref_squeeze %dma_start3A_531 : memref<1x32x128xf32, #tpu.memory_space<any>> -> memref<32x128xf32, #tpu.memory_space<any>>
    tpu.enqueue_dma source(%dma_start3A_532 : memref<32x128xf32, #tpu.memory_space<any>>) target(%dma_start3A_528 : memref<32x128xf32, #tpu.memory_space<any>>) target_semaphore(%arg3 : memref<!tpu.dma_semaphore, #tpu.memory_space<semaphore_mem>>)
    %dma_start3A_533 = arith.constant 31 : i32
    %dma_start3A_534 = arith.constant 0 : i32
    %dma_start3A_535 = arith.constant 0 : i32
    %dma_start3A_536 = tpu.memref_slice %arg2[%dma_start3A_533, %dma_start3A_534, %dma_start3A_535] : memref<128x32x128xf32, #tpu.memory_space<any>> -> memref<1x32x128xf32, #tpu.memory_space<any>>
    %dma_start3A_537 = tpu.memref_squeeze %dma_start3A_536 : memref<1x32x128xf32, #tpu.memory_space<any>> -> memref<32x128xf32, #tpu.memory_space<any>>
    %dma_start3A_538 = arith.constant 0 : i32
    %dma_start3A_539 = arith.constant 0 : i32
    %dma_start3A_540 = tpu.memref_slice %arg1[%get3A_62, %dma_start3A_538, %dma_start3A_539] : memref<20000x32x128xf32, #tpu.memory_space<any>> -> memref<1x32x128xf32, #tpu.memory_space<any>>
    %dma_start3A_541 = tpu.memref_squeeze %dma_start3A_540 : memref<1x32x128xf32, #tpu.memory_space<any>> -> memref<32x128xf32, #tpu.memory_space<any>>
    tpu.enqueue_dma source(%dma_start3A_541 : memref<32x128xf32, #tpu.memory_space<any>>) target(%dma_start3A_537 : memref<32x128xf32, #tpu.memory_space<any>>) target_semaphore(%arg3 : memref<!tpu.dma_semaphore, #tpu.memory_space<semaphore_mem>>)
    %dma_start3A_542 = arith.constant 32 : i32
    %dma_start3A_543 = arith.constant 0 : i32
    %dma_start3A_544 = arith.constant 0 : i32
    %dma_start3A_545 = tpu.memref_slice %arg2[%dma_start3A_542, %dma_start3A_543, %dma_start3A_544] : memref<128x32x128xf32, #tpu.memory_space<any>> -> memref<1x32x128xf32, #tpu.memory_space<any>>
    %dma_start3A_546 = tpu.memref_squeeze %dma_start3A_545 : memref<1x32x128xf32, #tpu.memory_space<any>> -> memref<32x128xf32, #tpu.memory_space<any>>
    %dma_start3A_547 = arith.constant 0 : i32
    %dma_start3A_548 = arith.constant 0 : i32
    %dma_start3A_549 = tpu.memref_slice %arg1[%get3A_64, %dma_start3A_547, %dma_start3A_548] : memref<20000x32x128xf32, #tpu.memory_space<any>> -> memref<1x32x128xf32, #tpu.memory_space<any>>
    %dma_start3A_550 = tpu.memref_squeeze %dma_start3A_549 : memref<1x32x128xf32, #tpu.memory_space<any>> -> memref<32x128xf32, #tpu.memory_space<any>>
    tpu.enqueue_dma source(%dma_start3A_550 : memref<32x128xf32, #tpu.memory_space<any>>) target(%dma_start3A_546 : memref<32x128xf32, #tpu.memory_space<any>>) target_semaphore(%arg3 : memref<!tpu.dma_semaphore, #tpu.memory_space<semaphore_mem>>)
    %dma_start3A_551 = arith.constant 33 : i32
    %dma_start3A_552 = arith.constant 0 : i32
    %dma_start3A_553 = arith.constant 0 : i32
    %dma_start3A_554 = tpu.memref_slice %arg2[%dma_start3A_551, %dma_start3A_552, %dma_start3A_553] : memref<128x32x128xf32, #tpu.memory_space<any>> -> memref<1x32x128xf32, #tpu.memory_space<any>>
    %dma_start3A_555 = tpu.memref_squeeze %dma_start3A_554 : memref<1x32x128xf32, #tpu.memory_space<any>> -> memref<32x128xf32, #tpu.memory_space<any>>
    %dma_start3A_556 = arith.constant 0 : i32
    %dma_start3A_557 = arith.constant 0 : i32
    %dma_start3A_558 = tpu.memref_slice %arg1[%get3A_66, %dma_start3A_556, %dma_start3A_557] : memref<20000x32x128xf32, #tpu.memory_space<any>> -> memref<1x32x128xf32, #tpu.memory_space<any>>
    %dma_start3A_559 = tpu.memref_squeeze %dma_start3A_558 : memref<1x32x128xf32, #tpu.memory_space<any>> -> memref<32x128xf32, #tpu.memory_space<any>>
    tpu.enqueue_dma source(%dma_start3A_559 : memref<32x128xf32, #tpu.memory_space<any>>) target(%dma_start3A_555 : memref<32x128xf32, #tpu.memory_space<any>>) target_semaphore(%arg3 : memref<!tpu.dma_semaphore, #tpu.memory_space<semaphore_mem>>)
    %dma_start3A_560 = arith.constant 34 : i32
    %dma_start3A_561 = arith.constant 0 : i32
    %dma_start3A_562 = arith.constant 0 : i32
    %dma_start3A_563 = tpu.memref_slice %arg2[%dma_start3A_560, %dma_start3A_561, %dma_start3A_562] : memref<128x32x128xf32, #tpu.memory_space<any>> -> memref<1x32x128xf32, #tpu.memory_space<any>>
    %dma_start3A_564 = tpu.memref_squeeze %dma_start3A_563 : memref<1x32x128xf32, #tpu.memory_space<any>> -> memref<32x128xf32, #tpu.memory_space<any>>
    %dma_start3A_565 = arith.constant 0 : i32
    %dma_start3A_566 = arith.constant 0 : i32
    %dma_start3A_567 = tpu.memref_slice %arg1[%get3A_68, %dma_start3A_565, %dma_start3A_566] : memref<20000x32x128xf32, #tpu.memory_space<any>> -> memref<1x32x128xf32, #tpu.memory_space<any>>
    %dma_start3A_568 = tpu.memref_squeeze %dma_start3A_567 : memref<1x32x128xf32, #tpu.memory_space<any>> -> memref<32x128xf32, #tpu.memory_space<any>>
    tpu.enqueue_dma source(%dma_start3A_568 : memref<32x128xf32, #tpu.memory_space<any>>) target(%dma_start3A_564 : memref<32x128xf32, #tpu.memory_space<any>>) target_semaphore(%arg3 : memref<!tpu.dma_semaphore, #tpu.memory_space<semaphore_mem>>)
    %dma_start3A_569 = arith.constant 35 : i32
    %dma_start3A_570 = arith.constant 0 : i32
    %dma_start3A_571 = arith.constant 0 : i32
    %dma_start3A_572 = tpu.memref_slice %arg2[%dma_start3A_569, %dma_start3A_570, %dma_start3A_571] : memref<128x32x128xf32, #tpu.memory_space<any>> -> memref<1x32x128xf32, #tpu.memory_space<any>>
    %dma_start3A_573 = tpu.memref_squeeze %dma_start3A_572 : memref<1x32x128xf32, #tpu.memory_space<any>> -> memref<32x128xf32, #tpu.memory_space<any>>
    %dma_start3A_574 = arith.constant 0 : i32
    %dma_start3A_575 = arith.constant 0 : i32
    %dma_start3A_576 = tpu.memref_slice %arg1[%get3A_70, %dma_start3A_574, %dma_start3A_575] : memref<20000x32x128xf32, #tpu.memory_space<any>> -> memref<1x32x128xf32, #tpu.memory_space<any>>
    %dma_start3A_577 = tpu.memref_squeeze %dma_start3A_576 : memref<1x32x128xf32, #tpu.memory_space<any>> -> memref<32x128xf32, #tpu.memory_space<any>>
    tpu.enqueue_dma source(%dma_start3A_577 : memref<32x128xf32, #tpu.memory_space<any>>) target(%dma_start3A_573 : memref<32x128xf32, #tpu.memory_space<any>>) target_semaphore(%arg3 : memref<!tpu.dma_semaphore, #tpu.memory_space<semaphore_mem>>)
    %dma_start3A_578 = arith.constant 36 : i32
    %dma_start3A_579 = arith.constant 0 : i32
    %dma_start3A_580 = arith.constant 0 : i32
    %dma_start3A_581 = tpu.memref_slice %arg2[%dma_start3A_578, %dma_start3A_579, %dma_start3A_580] : memref<128x32x128xf32, #tpu.memory_space<any>> -> memref<1x32x128xf32, #tpu.memory_space<any>>
    %dma_start3A_582 = tpu.memref_squeeze %dma_start3A_581 : memref<1x32x128xf32, #tpu.memory_space<any>> -> memref<32x128xf32, #tpu.memory_space<any>>
    %dma_start3A_583 = arith.constant 0 : i32
    %dma_start3A_584 = arith.constant 0 : i32
    %dma_start3A_585 = tpu.memref_slice %arg1[%get3A_72, %dma_start3A_583, %dma_start3A_584] : memref<20000x32x128xf32, #tpu.memory_space<any>> -> memref<1x32x128xf32, #tpu.memory_space<any>>
    %dma_start3A_586 = tpu.memref_squeeze %dma_start3A_585 : memref<1x32x128xf32, #tpu.memory_space<any>> -> memref<32x128xf32, #tpu.memory_space<any>>
    tpu.enqueue_dma source(%dma_start3A_586 : memref<32x128xf32, #tpu.memory_space<any>>) target(%dma_start3A_582 : memref<32x128xf32, #tpu.memory_space<any>>) target_semaphore(%arg3 : memref<!tpu.dma_semaphore, #tpu.memory_space<semaphore_mem>>)
    %dma_start3A_587 = arith.constant 37 : i32
    %dma_start3A_588 = arith.constant 0 : i32
    %dma_start3A_589 = arith.constant 0 : i32
    %dma_start3A_590 = tpu.memref_slice %arg2[%dma_start3A_587, %dma_start3A_588, %dma_start3A_589] : memref<128x32x128xf32, #tpu.memory_space<any>> -> memref<1x32x128xf32, #tpu.memory_space<any>>
    %dma_start3A_591 = tpu.memref_squeeze %dma_start3A_590 : memref<1x32x128xf32, #tpu.memory_space<any>> -> memref<32x128xf32, #tpu.memory_space<any>>
    %dma_start3A_592 = arith.constant 0 : i32
    %dma_start3A_593 = arith.constant 0 : i32
    %dma_start3A_594 = tpu.memref_slice %arg1[%get3A_74, %dma_start3A_592, %dma_start3A_593] : memref<20000x32x128xf32, #tpu.memory_space<any>> -> memref<1x32x128xf32, #tpu.memory_space<any>>
    %dma_start3A_595 = tpu.memref_squeeze %dma_start3A_594 : memref<1x32x128xf32, #tpu.memory_space<any>> -> memref<32x128xf32, #tpu.memory_space<any>>
    tpu.enqueue_dma source(%dma_start3A_595 : memref<32x128xf32, #tpu.memory_space<any>>) target(%dma_start3A_591 : memref<32x128xf32, #tpu.memory_space<any>>) target_semaphore(%arg3 : memref<!tpu.dma_semaphore, #tpu.memory_space<semaphore_mem>>)
    %dma_start3A_596 = arith.constant 38 : i32
    %dma_start3A_597 = arith.constant 0 : i32
    %dma_start3A_598 = arith.constant 0 : i32
    %dma_start3A_599 = tpu.memref_slice %arg2[%dma_start3A_596, %dma_start3A_597, %dma_start3A_598] : memref<128x32x128xf32, #tpu.memory_space<any>> -> memref<1x32x128xf32, #tpu.memory_space<any>>
    %dma_start3A_600 = tpu.memref_squeeze %dma_start3A_599 : memref<1x32x128xf32, #tpu.memory_space<any>> -> memref<32x128xf32, #tpu.memory_space<any>>
    %dma_start3A_601 = arith.constant 0 : i32
    %dma_start3A_602 = arith.constant 0 : i32
    %dma_start3A_603 = tpu.memref_slice %arg1[%get3A_76, %dma_start3A_601, %dma_start3A_602] : memref<20000x32x128xf32, #tpu.memory_space<any>> -> memref<1x32x128xf32, #tpu.memory_space<any>>
    %dma_start3A_604 = tpu.memref_squeeze %dma_start3A_603 : memref<1x32x128xf32, #tpu.memory_space<any>> -> memref<32x128xf32, #tpu.memory_space<any>>
    tpu.enqueue_dma source(%dma_start3A_604 : memref<32x128xf32, #tpu.memory_space<any>>) target(%dma_start3A_600 : memref<32x128xf32, #tpu.memory_space<any>>) target_semaphore(%arg3 : memref<!tpu.dma_semaphore, #tpu.memory_space<semaphore_mem>>)
    %dma_start3A_605 = arith.constant 39 : i32
    %dma_start3A_606 = arith.constant 0 : i32
    %dma_start3A_607 = arith.constant 0 : i32
    %dma_start3A_608 = tpu.memref_slice %arg2[%dma_start3A_605, %dma_start3A_606, %dma_start3A_607] : memref<128x32x128xf32, #tpu.memory_space<any>> -> memref<1x32x128xf32, #tpu.memory_space<any>>
    %dma_start3A_609 = tpu.memref_squeeze %dma_start3A_608 : memref<1x32x128xf32, #tpu.memory_space<any>> -> memref<32x128xf32, #tpu.memory_space<any>>
    %dma_start3A_610 = arith.constant 0 : i32
    %dma_start3A_611 = arith.constant 0 : i32
    %dma_start3A_612 = tpu.memref_slice %arg1[%get3A_78, %dma_start3A_610, %dma_start3A_611] : memref<20000x32x128xf32, #tpu.memory_space<any>> -> memref<1x32x128xf32, #tpu.memory_space<any>>
    %dma_start3A_613 = tpu.memref_squeeze %dma_start3A_612 : memref<1x32x128xf32, #tpu.memory_space<any>> -> memref<32x128xf32, #tpu.memory_space<any>>
    tpu.enqueue_dma source(%dma_start3A_613 : memref<32x128xf32, #tpu.memory_space<any>>) target(%dma_start3A_609 : memref<32x128xf32, #tpu.memory_space<any>>) target_semaphore(%arg3 : memref<!tpu.dma_semaphore, #tpu.memory_space<semaphore_mem>>)
    %dma_start3A_614 = arith.constant 40 : i32
    %dma_start3A_615 = arith.constant 0 : i32
    %dma_start3A_616 = arith.constant 0 : i32
    %dma_start3A_617 = tpu.memref_slice %arg2[%dma_start3A_614, %dma_start3A_615, %dma_start3A_616] : memref<128x32x128xf32, #tpu.memory_space<any>> -> memref<1x32x128xf32, #tpu.memory_space<any>>
    %dma_start3A_618 = tpu.memref_squeeze %dma_start3A_617 : memref<1x32x128xf32, #tpu.memory_space<any>> -> memref<32x128xf32, #tpu.memory_space<any>>
    %dma_start3A_619 = arith.constant 0 : i32
    %dma_start3A_620 = arith.constant 0 : i32
    %dma_start3A_621 = tpu.memref_slice %arg1[%get3A_80, %dma_start3A_619, %dma_start3A_620] : memref<20000x32x128xf32, #tpu.memory_space<any>> -> memref<1x32x128xf32, #tpu.memory_space<any>>
    %dma_start3A_622 = tpu.memref_squeeze %dma_start3A_621 : memref<1x32x128xf32, #tpu.memory_space<any>> -> memref<32x128xf32, #tpu.memory_space<any>>
    tpu.enqueue_dma source(%dma_start3A_622 : memref<32x128xf32, #tpu.memory_space<any>>) target(%dma_start3A_618 : memref<32x128xf32, #tpu.memory_space<any>>) target_semaphore(%arg3 : memref<!tpu.dma_semaphore, #tpu.memory_space<semaphore_mem>>)
    %dma_start3A_623 = arith.constant 41 : i32
    %dma_start3A_624 = arith.constant 0 : i32
    %dma_start3A_625 = arith.constant 0 : i32
    %dma_start3A_626 = tpu.memref_slice %arg2[%dma_start3A_623, %dma_start3A_624, %dma_start3A_625] : memref<128x32x128xf32, #tpu.memory_space<any>> -> memref<1x32x128xf32, #tpu.memory_space<any>>
    %dma_start3A_627 = tpu.memref_squeeze %dma_start3A_626 : memref<1x32x128xf32, #tpu.memory_space<any>> -> memref<32x128xf32, #tpu.memory_space<any>>
    %dma_start3A_628 = arith.constant 0 : i32
    %dma_start3A_629 = arith.constant 0 : i32
    %dma_start3A_630 = tpu.memref_slice %arg1[%get3A_82, %dma_start3A_628, %dma_start3A_629] : memref<20000x32x128xf32, #tpu.memory_space<any>> -> memref<1x32x128xf32, #tpu.memory_space<any>>
    %dma_start3A_631 = tpu.memref_squeeze %dma_start3A_630 : memref<1x32x128xf32, #tpu.memory_space<any>> -> memref<32x128xf32, #tpu.memory_space<any>>
    tpu.enqueue_dma source(%dma_start3A_631 : memref<32x128xf32, #tpu.memory_space<any>>) target(%dma_start3A_627 : memref<32x128xf32, #tpu.memory_space<any>>) target_semaphore(%arg3 : memref<!tpu.dma_semaphore, #tpu.memory_space<semaphore_mem>>)
    %dma_start3A_632 = arith.constant 42 : i32
    %dma_start3A_633 = arith.constant 0 : i32
    %dma_start3A_634 = arith.constant 0 : i32
    %dma_start3A_635 = tpu.memref_slice %arg2[%dma_start3A_632, %dma_start3A_633, %dma_start3A_634] : memref<128x32x128xf32, #tpu.memory_space<any>> -> memref<1x32x128xf32, #tpu.memory_space<any>>
    %dma_start3A_636 = tpu.memref_squeeze %dma_start3A_635 : memref<1x32x128xf32, #tpu.memory_space<any>> -> memref<32x128xf32, #tpu.memory_space<any>>
    %dma_start3A_637 = arith.constant 0 : i32
    %dma_start3A_638 = arith.constant 0 : i32
    %dma_start3A_639 = tpu.memref_slice %arg1[%get3A_84, %dma_start3A_637, %dma_start3A_638] : memref<20000x32x128xf32, #tpu.memory_space<any>> -> memref<1x32x128xf32, #tpu.memory_space<any>>
    %dma_start3A_640 = tpu.memref_squeeze %dma_start3A_639 : memref<1x32x128xf32, #tpu.memory_space<any>> -> memref<32x128xf32, #tpu.memory_space<any>>
    tpu.enqueue_dma source(%dma_start3A_640 : memref<32x128xf32, #tpu.memory_space<any>>) target(%dma_start3A_636 : memref<32x128xf32, #tpu.memory_space<any>>) target_semaphore(%arg3 : memref<!tpu.dma_semaphore, #tpu.memory_space<semaphore_mem>>)
    %dma_start3A_641 = arith.constant 43 : i32
    %dma_start3A_642 = arith.constant 0 : i32
    %dma_start3A_643 = arith.constant 0 : i32
    %dma_start3A_644 = tpu.memref_slice %arg2[%dma_start3A_641, %dma_start3A_642, %dma_start3A_643] : memref<128x32x128xf32, #tpu.memory_space<any>> -> memref<1x32x128xf32, #tpu.memory_space<any>>
    %dma_start3A_645 = tpu.memref_squeeze %dma_start3A_644 : memref<1x32x128xf32, #tpu.memory_space<any>> -> memref<32x128xf32, #tpu.memory_space<any>>
    %dma_start3A_646 = arith.constant 0 : i32
    %dma_start3A_647 = arith.constant 0 : i32
    %dma_start3A_648 = tpu.memref_slice %arg1[%get3A_86, %dma_start3A_646, %dma_start3A_647] : memref<20000x32x128xf32, #tpu.memory_space<any>> -> memref<1x32x128xf32, #tpu.memory_space<any>>
    %dma_start3A_649 = tpu.memref_squeeze %dma_start3A_648 : memref<1x32x128xf32, #tpu.memory_space<any>> -> memref<32x128xf32, #tpu.memory_space<any>>
    tpu.enqueue_dma source(%dma_start3A_649 : memref<32x128xf32, #tpu.memory_space<any>>) target(%dma_start3A_645 : memref<32x128xf32, #tpu.memory_space<any>>) target_semaphore(%arg3 : memref<!tpu.dma_semaphore, #tpu.memory_space<semaphore_mem>>)
    %dma_start3A_650 = arith.constant 44 : i32
    %dma_start3A_651 = arith.constant 0 : i32
    %dma_start3A_652 = arith.constant 0 : i32
    %dma_start3A_653 = tpu.memref_slice %arg2[%dma_start3A_650, %dma_start3A_651, %dma_start3A_652] : memref<128x32x128xf32, #tpu.memory_space<any>> -> memref<1x32x128xf32, #tpu.memory_space<any>>
    %dma_start3A_654 = tpu.memref_squeeze %dma_start3A_653 : memref<1x32x128xf32, #tpu.memory_space<any>> -> memref<32x128xf32, #tpu.memory_space<any>>
    %dma_start3A_655 = arith.constant 0 : i32
    %dma_start3A_656 = arith.constant 0 : i32
    %dma_start3A_657 = tpu.memref_slice %arg1[%get3A_88, %dma_start3A_655, %dma_start3A_656] : memref<20000x32x128xf32, #tpu.memory_space<any>> -> memref<1x32x128xf32, #tpu.memory_space<any>>
    %dma_start3A_658 = tpu.memref_squeeze %dma_start3A_657 : memref<1x32x128xf32, #tpu.memory_space<any>> -> memref<32x128xf32, #tpu.memory_space<any>>
    tpu.enqueue_dma source(%dma_start3A_658 : memref<32x128xf32, #tpu.memory_space<any>>) target(%dma_start3A_654 : memref<32x128xf32, #tpu.memory_space<any>>) target_semaphore(%arg3 : memref<!tpu.dma_semaphore, #tpu.memory_space<semaphore_mem>>)
    %dma_start3A_659 = arith.constant 45 : i32
    %dma_start3A_660 = arith.constant 0 : i32
    %dma_start3A_661 = arith.constant 0 : i32
    %dma_start3A_662 = tpu.memref_slice %arg2[%dma_start3A_659, %dma_start3A_660, %dma_start3A_661] : memref<128x32x128xf32, #tpu.memory_space<any>> -> memref<1x32x128xf32, #tpu.memory_space<any>>
    %dma_start3A_663 = tpu.memref_squeeze %dma_start3A_662 : memref<1x32x128xf32, #tpu.memory_space<any>> -> memref<32x128xf32, #tpu.memory_space<any>>
    %dma_start3A_664 = arith.constant 0 : i32
    %dma_start3A_665 = arith.constant 0 : i32
    %dma_start3A_666 = tpu.memref_slice %arg1[%get3A_90, %dma_start3A_664, %dma_start3A_665] : memref<20000x32x128xf32, #tpu.memory_space<any>> -> memref<1x32x128xf32, #tpu.memory_space<any>>
    %dma_start3A_667 = tpu.memref_squeeze %dma_start3A_666 : memref<1x32x128xf32, #tpu.memory_space<any>> -> memref<32x128xf32, #tpu.memory_space<any>>
    tpu.enqueue_dma source(%dma_start3A_667 : memref<32x128xf32, #tpu.memory_space<any>>) target(%dma_start3A_663 : memref<32x128xf32, #tpu.memory_space<any>>) target_semaphore(%arg3 : memref<!tpu.dma_semaphore, #tpu.memory_space<semaphore_mem>>)
    %dma_start3A_668 = arith.constant 46 : i32
    %dma_start3A_669 = arith.constant 0 : i32
    %dma_start3A_670 = arith.constant 0 : i32
    %dma_start3A_671 = tpu.memref_slice %arg2[%dma_start3A_668, %dma_start3A_669, %dma_start3A_670] : memref<128x32x128xf32, #tpu.memory_space<any>> -> memref<1x32x128xf32, #tpu.memory_space<any>>
    %dma_start3A_672 = tpu.memref_squeeze %dma_start3A_671 : memref<1x32x128xf32, #tpu.memory_space<any>> -> memref<32x128xf32, #tpu.memory_space<any>>
    %dma_start3A_673 = arith.constant 0 : i32
    %dma_start3A_674 = arith.constant 0 : i32
    %dma_start3A_675 = tpu.memref_slice %arg1[%get3A_92, %dma_start3A_673, %dma_start3A_674] : memref<20000x32x128xf32, #tpu.memory_space<any>> -> memref<1x32x128xf32, #tpu.memory_space<any>>
    %dma_start3A_676 = tpu.memref_squeeze %dma_start3A_675 : memref<1x32x128xf32, #tpu.memory_space<any>> -> memref<32x128xf32, #tpu.memory_space<any>>
    tpu.enqueue_dma source(%dma_start3A_676 : memref<32x128xf32, #tpu.memory_space<any>>) target(%dma_start3A_672 : memref<32x128xf32, #tpu.memory_space<any>>) target_semaphore(%arg3 : memref<!tpu.dma_semaphore, #tpu.memory_space<semaphore_mem>>)
    %dma_start3A_677 = arith.constant 47 : i32
    %dma_start3A_678 = arith.constant 0 : i32
    %dma_start3A_679 = arith.constant 0 : i32
    %dma_start3A_680 = tpu.memref_slice %arg2[%dma_start3A_677, %dma_start3A_678, %dma_start3A_679] : memref<128x32x128xf32, #tpu.memory_space<any>> -> memref<1x32x128xf32, #tpu.memory_space<any>>
    %dma_start3A_681 = tpu.memref_squeeze %dma_start3A_680 : memref<1x32x128xf32, #tpu.memory_space<any>> -> memref<32x128xf32, #tpu.memory_space<any>>
    %dma_start3A_682 = arith.constant 0 : i32
    %dma_start3A_683 = arith.constant 0 : i32
    %dma_start3A_684 = tpu.memref_slice %arg1[%get3A_94, %dma_start3A_682, %dma_start3A_683] : memref<20000x32x128xf32, #tpu.memory_space<any>> -> memref<1x32x128xf32, #tpu.memory_space<any>>
    %dma_start3A_685 = tpu.memref_squeeze %dma_start3A_684 : memref<1x32x128xf32, #tpu.memory_space<any>> -> memref<32x128xf32, #tpu.memory_space<any>>
    tpu.enqueue_dma source(%dma_start3A_685 : memref<32x128xf32, #tpu.memory_space<any>>) target(%dma_start3A_681 : memref<32x128xf32, #tpu.memory_space<any>>) target_semaphore(%arg3 : memref<!tpu.dma_semaphore, #tpu.memory_space<semaphore_mem>>)
    %dma_start3A_686 = arith.constant 48 : i32
    %dma_start3A_687 = arith.constant 0 : i32
    %dma_start3A_688 = arith.constant 0 : i32
    %dma_start3A_689 = tpu.memref_slice %arg2[%dma_start3A_686, %dma_start3A_687, %dma_start3A_688] : memref<128x32x128xf32, #tpu.memory_space<any>> -> memref<1x32x128xf32, #tpu.memory_space<any>>
    %dma_start3A_690 = tpu.memref_squeeze %dma_start3A_689 : memref<1x32x128xf32, #tpu.memory_space<any>> -> memref<32x128xf32, #tpu.memory_space<any>>
    %dma_start3A_691 = arith.constant 0 : i32
    %dma_start3A_692 = arith.constant 0 : i32
    %dma_start3A_693 = tpu.memref_slice %arg1[%get3A_96, %dma_start3A_691, %dma_start3A_692] : memref<20000x32x128xf32, #tpu.memory_space<any>> -> memref<1x32x128xf32, #tpu.memory_space<any>>
    %dma_start3A_694 = tpu.memref_squeeze %dma_start3A_693 : memref<1x32x128xf32, #tpu.memory_space<any>> -> memref<32x128xf32, #tpu.memory_space<any>>
    tpu.enqueue_dma source(%dma_start3A_694 : memref<32x128xf32, #tpu.memory_space<any>>) target(%dma_start3A_690 : memref<32x128xf32, #tpu.memory_space<any>>) target_semaphore(%arg3 : memref<!tpu.dma_semaphore, #tpu.memory_space<semaphore_mem>>)
    %dma_start3A_695 = arith.constant 49 : i32
    %dma_start3A_696 = arith.constant 0 : i32
    %dma_start3A_697 = arith.constant 0 : i32
    %dma_start3A_698 = tpu.memref_slice %arg2[%dma_start3A_695, %dma_start3A_696, %dma_start3A_697] : memref<128x32x128xf32, #tpu.memory_space<any>> -> memref<1x32x128xf32, #tpu.memory_space<any>>
    %dma_start3A_699 = tpu.memref_squeeze %dma_start3A_698 : memref<1x32x128xf32, #tpu.memory_space<any>> -> memref<32x128xf32, #tpu.memory_space<any>>
    %dma_start3A_700 = arith.constant 0 : i32
    %dma_start3A_701 = arith.constant 0 : i32
    %dma_start3A_702 = tpu.memref_slice %arg1[%get3A_98, %dma_start3A_700, %dma_start3A_701] : memref<20000x32x128xf32, #tpu.memory_space<any>> -> memref<1x32x128xf32, #tpu.memory_space<any>>
    %dma_start3A_703 = tpu.memref_squeeze %dma_start3A_702 : memref<1x32x128xf32, #tpu.memory_space<any>> -> memref<32x128xf32, #tpu.memory_space<any>>
    tpu.enqueue_dma source(%dma_start3A_703 : memref<32x128xf32, #tpu.memory_space<any>>) target(%dma_start3A_699 : memref<32x128xf32, #tpu.memory_space<any>>) target_semaphore(%arg3 : memref<!tpu.dma_semaphore, #tpu.memory_space<semaphore_mem>>)
    %dma_start3A_704 = arith.constant 50 : i32
    %dma_start3A_705 = arith.constant 0 : i32
    %dma_start3A_706 = arith.constant 0 : i32
    %dma_start3A_707 = tpu.memref_slice %arg2[%dma_start3A_704, %dma_start3A_705, %dma_start3A_706] : memref<128x32x128xf32, #tpu.memory_space<any>> -> memref<1x32x128xf32, #tpu.memory_space<any>>
    %dma_start3A_708 = tpu.memref_squeeze %dma_start3A_707 : memref<1x32x128xf32, #tpu.memory_space<any>> -> memref<32x128xf32, #tpu.memory_space<any>>
    %dma_start3A_709 = arith.constant 0 : i32
    %dma_start3A_710 = arith.constant 0 : i32
    %dma_start3A_711 = tpu.memref_slice %arg1[%get3A_100, %dma_start3A_709, %dma_start3A_710] : memref<20000x32x128xf32, #tpu.memory_space<any>> -> memref<1x32x128xf32, #tpu.memory_space<any>>
    %dma_start3A_712 = tpu.memref_squeeze %dma_start3A_711 : memref<1x32x128xf32, #tpu.memory_space<any>> -> memref<32x128xf32, #tpu.memory_space<any>>
    tpu.enqueue_dma source(%dma_start3A_712 : memref<32x128xf32, #tpu.memory_space<any>>) target(%dma_start3A_708 : memref<32x128xf32, #tpu.memory_space<any>>) target_semaphore(%arg3 : memref<!tpu.dma_semaphore, #tpu.memory_space<semaphore_mem>>)
    %dma_start3A_713 = arith.constant 51 : i32
    %dma_start3A_714 = arith.constant 0 : i32
    %dma_start3A_715 = arith.constant 0 : i32
    %dma_start3A_716 = tpu.memref_slice %arg2[%dma_start3A_713, %dma_start3A_714, %dma_start3A_715] : memref<128x32x128xf32, #tpu.memory_space<any>> -> memref<1x32x128xf32, #tpu.memory_space<any>>
    %dma_start3A_717 = tpu.memref_squeeze %dma_start3A_716 : memref<1x32x128xf32, #tpu.memory_space<any>> -> memref<32x128xf32, #tpu.memory_space<any>>
    %dma_start3A_718 = arith.constant 0 : i32
    %dma_start3A_719 = arith.constant 0 : i32
    %dma_start3A_720 = tpu.memref_slice %arg1[%get3A_102, %dma_start3A_718, %dma_start3A_719] : memref<20000x32x128xf32, #tpu.memory_space<any>> -> memref<1x32x128xf32, #tpu.memory_space<any>>
    %dma_start3A_721 = tpu.memref_squeeze %dma_start3A_720 : memref<1x32x128xf32, #tpu.memory_space<any>> -> memref<32x128xf32, #tpu.memory_space<any>>
    tpu.enqueue_dma source(%dma_start3A_721 : memref<32x128xf32, #tpu.memory_space<any>>) target(%dma_start3A_717 : memref<32x128xf32, #tpu.memory_space<any>>) target_semaphore(%arg3 : memref<!tpu.dma_semaphore, #tpu.memory_space<semaphore_mem>>)
    %dma_start3A_722 = arith.constant 52 : i32
    %dma_start3A_723 = arith.constant 0 : i32
    %dma_start3A_724 = arith.constant 0 : i32
    %dma_start3A_725 = tpu.memref_slice %arg2[%dma_start3A_722, %dma_start3A_723, %dma_start3A_724] : memref<128x32x128xf32, #tpu.memory_space<any>> -> memref<1x32x128xf32, #tpu.memory_space<any>>
    %dma_start3A_726 = tpu.memref_squeeze %dma_start3A_725 : memref<1x32x128xf32, #tpu.memory_space<any>> -> memref<32x128xf32, #tpu.memory_space<any>>
    %dma_start3A_727 = arith.constant 0 : i32
    %dma_start3A_728 = arith.constant 0 : i32
    %dma_start3A_729 = tpu.memref_slice %arg1[%get3A_104, %dma_start3A_727, %dma_start3A_728] : memref<20000x32x128xf32, #tpu.memory_space<any>> -> memref<1x32x128xf32, #tpu.memory_space<any>>
    %dma_start3A_730 = tpu.memref_squeeze %dma_start3A_729 : memref<1x32x128xf32, #tpu.memory_space<any>> -> memref<32x128xf32, #tpu.memory_space<any>>
    tpu.enqueue_dma source(%dma_start3A_730 : memref<32x128xf32, #tpu.memory_space<any>>) target(%dma_start3A_726 : memref<32x128xf32, #tpu.memory_space<any>>) target_semaphore(%arg3 : memref<!tpu.dma_semaphore, #tpu.memory_space<semaphore_mem>>)
    %dma_start3A_731 = arith.constant 53 : i32
    %dma_start3A_732 = arith.constant 0 : i32
    %dma_start3A_733 = arith.constant 0 : i32
    %dma_start3A_734 = tpu.memref_slice %arg2[%dma_start3A_731, %dma_start3A_732, %dma_start3A_733] : memref<128x32x128xf32, #tpu.memory_space<any>> -> memref<1x32x128xf32, #tpu.memory_space<any>>
    %dma_start3A_735 = tpu.memref_squeeze %dma_start3A_734 : memref<1x32x128xf32, #tpu.memory_space<any>> -> memref<32x128xf32, #tpu.memory_space<any>>
    %dma_start3A_736 = arith.constant 0 : i32
    %dma_start3A_737 = arith.constant 0 : i32
    %dma_start3A_738 = tpu.memref_slice %arg1[%get3A_106, %dma_start3A_736, %dma_start3A_737] : memref<20000x32x128xf32, #tpu.memory_space<any>> -> memref<1x32x128xf32, #tpu.memory_space<any>>
    %dma_start3A_739 = tpu.memref_squeeze %dma_start3A_738 : memref<1x32x128xf32, #tpu.memory_space<any>> -> memref<32x128xf32, #tpu.memory_space<any>>
    tpu.enqueue_dma source(%dma_start3A_739 : memref<32x128xf32, #tpu.memory_space<any>>) target(%dma_start3A_735 : memref<32x128xf32, #tpu.memory_space<any>>) target_semaphore(%arg3 : memref<!tpu.dma_semaphore, #tpu.memory_space<semaphore_mem>>)
    %dma_start3A_740 = arith.constant 54 : i32
    %dma_start3A_741 = arith.constant 0 : i32
    %dma_start3A_742 = arith.constant 0 : i32
    %dma_start3A_743 = tpu.memref_slice %arg2[%dma_start3A_740, %dma_start3A_741, %dma_start3A_742] : memref<128x32x128xf32, #tpu.memory_space<any>> -> memref<1x32x128xf32, #tpu.memory_space<any>>
    %dma_start3A_744 = tpu.memref_squeeze %dma_start3A_743 : memref<1x32x128xf32, #tpu.memory_space<any>> -> memref<32x128xf32, #tpu.memory_space<any>>
    %dma_start3A_745 = arith.constant 0 : i32
    %dma_start3A_746 = arith.constant 0 : i32
    %dma_start3A_747 = tpu.memref_slice %arg1[%get3A_108, %dma_start3A_745, %dma_start3A_746] : memref<20000x32x128xf32, #tpu.memory_space<any>> -> memref<1x32x128xf32, #tpu.memory_space<any>>
    %dma_start3A_748 = tpu.memref_squeeze %dma_start3A_747 : memref<1x32x128xf32, #tpu.memory_space<any>> -> memref<32x128xf32, #tpu.memory_space<any>>
    tpu.enqueue_dma source(%dma_start3A_748 : memref<32x128xf32, #tpu.memory_space<any>>) target(%dma_start3A_744 : memref<32x128xf32, #tpu.memory_space<any>>) target_semaphore(%arg3 : memref<!tpu.dma_semaphore, #tpu.memory_space<semaphore_mem>>)
    %dma_start3A_749 = arith.constant 55 : i32
    %dma_start3A_750 = arith.constant 0 : i32
    %dma_start3A_751 = arith.constant 0 : i32
    %dma_start3A_752 = tpu.memref_slice %arg2[%dma_start3A_749, %dma_start3A_750, %dma_start3A_751] : memref<128x32x128xf32, #tpu.memory_space<any>> -> memref<1x32x128xf32, #tpu.memory_space<any>>
    %dma_start3A_753 = tpu.memref_squeeze %dma_start3A_752 : memref<1x32x128xf32, #tpu.memory_space<any>> -> memref<32x128xf32, #tpu.memory_space<any>>
    %dma_start3A_754 = arith.constant 0 : i32
    %dma_start3A_755 = arith.constant 0 : i32
    %dma_start3A_756 = tpu.memref_slice %arg1[%get3A_110, %dma_start3A_754, %dma_start3A_755] : memref<20000x32x128xf32, #tpu.memory_space<any>> -> memref<1x32x128xf32, #tpu.memory_space<any>>
    %dma_start3A_757 = tpu.memref_squeeze %dma_start3A_756 : memref<1x32x128xf32, #tpu.memory_space<any>> -> memref<32x128xf32, #tpu.memory_space<any>>
    tpu.enqueue_dma source(%dma_start3A_757 : memref<32x128xf32, #tpu.memory_space<any>>) target(%dma_start3A_753 : memref<32x128xf32, #tpu.memory_space<any>>) target_semaphore(%arg3 : memref<!tpu.dma_semaphore, #tpu.memory_space<semaphore_mem>>)
    %dma_start3A_758 = arith.constant 56 : i32
    %dma_start3A_759 = arith.constant 0 : i32
    %dma_start3A_760 = arith.constant 0 : i32
    %dma_start3A_761 = tpu.memref_slice %arg2[%dma_start3A_758, %dma_start3A_759, %dma_start3A_760] : memref<128x32x128xf32, #tpu.memory_space<any>> -> memref<1x32x128xf32, #tpu.memory_space<any>>
    %dma_start3A_762 = tpu.memref_squeeze %dma_start3A_761 : memref<1x32x128xf32, #tpu.memory_space<any>> -> memref<32x128xf32, #tpu.memory_space<any>>
    %dma_start3A_763 = arith.constant 0 : i32
    %dma_start3A_764 = arith.constant 0 : i32
    %dma_start3A_765 = tpu.memref_slice %arg1[%get3A_112, %dma_start3A_763, %dma_start3A_764] : memref<20000x32x128xf32, #tpu.memory_space<any>> -> memref<1x32x128xf32, #tpu.memory_space<any>>
    %dma_start3A_766 = tpu.memref_squeeze %dma_start3A_765 : memref<1x32x128xf32, #tpu.memory_space<any>> -> memref<32x128xf32, #tpu.memory_space<any>>
    tpu.enqueue_dma source(%dma_start3A_766 : memref<32x128xf32, #tpu.memory_space<any>>) target(%dma_start3A_762 : memref<32x128xf32, #tpu.memory_space<any>>) target_semaphore(%arg3 : memref<!tpu.dma_semaphore, #tpu.memory_space<semaphore_mem>>)
    %dma_start3A_767 = arith.constant 57 : i32
    %dma_start3A_768 = arith.constant 0 : i32
    %dma_start3A_769 = arith.constant 0 : i32
    %dma_start3A_770 = tpu.memref_slice %arg2[%dma_start3A_767, %dma_start3A_768, %dma_start3A_769] : memref<128x32x128xf32, #tpu.memory_space<any>> -> memref<1x32x128xf32, #tpu.memory_space<any>>
    %dma_start3A_771 = tpu.memref_squeeze %dma_start3A_770 : memref<1x32x128xf32, #tpu.memory_space<any>> -> memref<32x128xf32, #tpu.memory_space<any>>
    %dma_start3A_772 = arith.constant 0 : i32
    %dma_start3A_773 = arith.constant 0 : i32
    %dma_start3A_774 = tpu.memref_slice %arg1[%get3A_114, %dma_start3A_772, %dma_start3A_773] : memref<20000x32x128xf32, #tpu.memory_space<any>> -> memref<1x32x128xf32, #tpu.memory_space<any>>
    %dma_start3A_775 = tpu.memref_squeeze %dma_start3A_774 : memref<1x32x128xf32, #tpu.memory_space<any>> -> memref<32x128xf32, #tpu.memory_space<any>>
    tpu.enqueue_dma source(%dma_start3A_775 : memref<32x128xf32, #tpu.memory_space<any>>) target(%dma_start3A_771 : memref<32x128xf32, #tpu.memory_space<any>>) target_semaphore(%arg3 : memref<!tpu.dma_semaphore, #tpu.memory_space<semaphore_mem>>)
    %dma_start3A_776 = arith.constant 58 : i32
    %dma_start3A_777 = arith.constant 0 : i32
    %dma_start3A_778 = arith.constant 0 : i32
    %dma_start3A_779 = tpu.memref_slice %arg2[%dma_start3A_776, %dma_start3A_777, %dma_start3A_778] : memref<128x32x128xf32, #tpu.memory_space<any>> -> memref<1x32x128xf32, #tpu.memory_space<any>>
    %dma_start3A_780 = tpu.memref_squeeze %dma_start3A_779 : memref<1x32x128xf32, #tpu.memory_space<any>> -> memref<32x128xf32, #tpu.memory_space<any>>
    %dma_start3A_781 = arith.constant 0 : i32
    %dma_start3A_782 = arith.constant 0 : i32
    %dma_start3A_783 = tpu.memref_slice %arg1[%get3A_116, %dma_start3A_781, %dma_start3A_782] : memref<20000x32x128xf32, #tpu.memory_space<any>> -> memref<1x32x128xf32, #tpu.memory_space<any>>
    %dma_start3A_784 = tpu.memref_squeeze %dma_start3A_783 : memref<1x32x128xf32, #tpu.memory_space<any>> -> memref<32x128xf32, #tpu.memory_space<any>>
    tpu.enqueue_dma source(%dma_start3A_784 : memref<32x128xf32, #tpu.memory_space<any>>) target(%dma_start3A_780 : memref<32x128xf32, #tpu.memory_space<any>>) target_semaphore(%arg3 : memref<!tpu.dma_semaphore, #tpu.memory_space<semaphore_mem>>)
    %dma_start3A_785 = arith.constant 59 : i32
    %dma_start3A_786 = arith.constant 0 : i32
    %dma_start3A_787 = arith.constant 0 : i32
    %dma_start3A_788 = tpu.memref_slice %arg2[%dma_start3A_785, %dma_start3A_786, %dma_start3A_787] : memref<128x32x128xf32, #tpu.memory_space<any>> -> memref<1x32x128xf32, #tpu.memory_space<any>>
    %dma_start3A_789 = tpu.memref_squeeze %dma_start3A_788 : memref<1x32x128xf32, #tpu.memory_space<any>> -> memref<32x128xf32, #tpu.memory_space<any>>
    %dma_start3A_790 = arith.constant 0 : i32
    %dma_start3A_791 = arith.constant 0 : i32
    %dma_start3A_792 = tpu.memref_slice %arg1[%get3A_118, %dma_start3A_790, %dma_start3A_791] : memref<20000x32x128xf32, #tpu.memory_space<any>> -> memref<1x32x128xf32, #tpu.memory_space<any>>
    %dma_start3A_793 = tpu.memref_squeeze %dma_start3A_792 : memref<1x32x128xf32, #tpu.memory_space<any>> -> memref<32x128xf32, #tpu.memory_space<any>>
    tpu.enqueue_dma source(%dma_start3A_793 : memref<32x128xf32, #tpu.memory_space<any>>) target(%dma_start3A_789 : memref<32x128xf32, #tpu.memory_space<any>>) target_semaphore(%arg3 : memref<!tpu.dma_semaphore, #tpu.memory_space<semaphore_mem>>)
    %dma_start3A_794 = arith.constant 60 : i32
    %dma_start3A_795 = arith.constant 0 : i32
    %dma_start3A_796 = arith.constant 0 : i32
    %dma_start3A_797 = tpu.memref_slice %arg2[%dma_start3A_794, %dma_start3A_795, %dma_start3A_796] : memref<128x32x128xf32, #tpu.memory_space<any>> -> memref<1x32x128xf32, #tpu.memory_space<any>>
    %dma_start3A_798 = tpu.memref_squeeze %dma_start3A_797 : memref<1x32x128xf32, #tpu.memory_space<any>> -> memref<32x128xf32, #tpu.memory_space<any>>
    %dma_start3A_799 = arith.constant 0 : i32
    %dma_start3A_800 = arith.constant 0 : i32
    %dma_start3A_801 = tpu.memref_slice %arg1[%get3A_120, %dma_start3A_799, %dma_start3A_800] : memref<20000x32x128xf32, #tpu.memory_space<any>> -> memref<1x32x128xf32, #tpu.memory_space<any>>
    %dma_start3A_802 = tpu.memref_squeeze %dma_start3A_801 : memref<1x32x128xf32, #tpu.memory_space<any>> -> memref<32x128xf32, #tpu.memory_space<any>>
    tpu.enqueue_dma source(%dma_start3A_802 : memref<32x128xf32, #tpu.memory_space<any>>) target(%dma_start3A_798 : memref<32x128xf32, #tpu.memory_space<any>>) target_semaphore(%arg3 : memref<!tpu.dma_semaphore, #tpu.memory_space<semaphore_mem>>)
    %dma_start3A_803 = arith.constant 61 : i32
    %dma_start3A_804 = arith.constant 0 : i32
    %dma_start3A_805 = arith.constant 0 : i32
    %dma_start3A_806 = tpu.memref_slice %arg2[%dma_start3A_803, %dma_start3A_804, %dma_start3A_805] : memref<128x32x128xf32, #tpu.memory_space<any>> -> memref<1x32x128xf32, #tpu.memory_space<any>>
    %dma_start3A_807 = tpu.memref_squeeze %dma_start3A_806 : memref<1x32x128xf32, #tpu.memory_space<any>> -> memref<32x128xf32, #tpu.memory_space<any>>
    %dma_start3A_808 = arith.constant 0 : i32
    %dma_start3A_809 = arith.constant 0 : i32
    %dma_start3A_810 = tpu.memref_slice %arg1[%get3A_122, %dma_start3A_808, %dma_start3A_809] : memref<20000x32x128xf32, #tpu.memory_space<any>> -> memref<1x32x128xf32, #tpu.memory_space<any>>
    %dma_start3A_811 = tpu.memref_squeeze %dma_start3A_810 : memref<1x32x128xf32, #tpu.memory_space<any>> -> memref<32x128xf32, #tpu.memory_space<any>>
    tpu.enqueue_dma source(%dma_start3A_811 : memref<32x128xf32, #tpu.memory_space<any>>) target(%dma_start3A_807 : memref<32x128xf32, #tpu.memory_space<any>>) target_semaphore(%arg3 : memref<!tpu.dma_semaphore, #tpu.memory_space<semaphore_mem>>)
    %dma_start3A_812 = arith.constant 62 : i32
    %dma_start3A_813 = arith.constant 0 : i32
    %dma_start3A_814 = arith.constant 0 : i32
    %dma_start3A_815 = tpu.memref_slice %arg2[%dma_start3A_812, %dma_start3A_813, %dma_start3A_814] : memref<128x32x128xf32, #tpu.memory_space<any>> -> memref<1x32x128xf32, #tpu.memory_space<any>>
    %dma_start3A_816 = tpu.memref_squeeze %dma_start3A_815 : memref<1x32x128xf32, #tpu.memory_space<any>> -> memref<32x128xf32, #tpu.memory_space<any>>
    %dma_start3A_817 = arith.constant 0 : i32
    %dma_start3A_818 = arith.constant 0 : i32
    %dma_start3A_819 = tpu.memref_slice %arg1[%get3A_124, %dma_start3A_817, %dma_start3A_818] : memref<20000x32x128xf32, #tpu.memory_space<any>> -> memref<1x32x128xf32, #tpu.memory_space<any>>
    %dma_start3A_820 = tpu.memref_squeeze %dma_start3A_819 : memref<1x32x128xf32, #tpu.memory_space<any>> -> memref<32x128xf32, #tpu.memory_space<any>>
    tpu.enqueue_dma source(%dma_start3A_820 : memref<32x128xf32, #tpu.memory_space<any>>) target(%dma_start3A_816 : memref<32x128xf32, #tpu.memory_space<any>>) target_semaphore(%arg3 : memref<!tpu.dma_semaphore, #tpu.memory_space<semaphore_mem>>)
    %dma_start3A_821 = arith.constant 63 : i32
    %dma_start3A_822 = arith.constant 0 : i32
    %dma_start3A_823 = arith.constant 0 : i32
    %dma_start3A_824 = tpu.memref_slice %arg2[%dma_start3A_821, %dma_start3A_822, %dma_start3A_823] : memref<128x32x128xf32, #tpu.memory_space<any>> -> memref<1x32x128xf32, #tpu.memory_space<any>>
    %dma_start3A_825 = tpu.memref_squeeze %dma_start3A_824 : memref<1x32x128xf32, #tpu.memory_space<any>> -> memref<32x128xf32, #tpu.memory_space<any>>
    %dma_start3A_826 = arith.constant 0 : i32
    %dma_start3A_827 = arith.constant 0 : i32
    %dma_start3A_828 = tpu.memref_slice %arg1[%get3A_126, %dma_start3A_826, %dma_start3A_827] : memref<20000x32x128xf32, #tpu.memory_space<any>> -> memref<1x32x128xf32, #tpu.memory_space<any>>
    %dma_start3A_829 = tpu.memref_squeeze %dma_start3A_828 : memref<1x32x128xf32, #tpu.memory_space<any>> -> memref<32x128xf32, #tpu.memory_space<any>>
    tpu.enqueue_dma source(%dma_start3A_829 : memref<32x128xf32, #tpu.memory_space<any>>) target(%dma_start3A_825 : memref<32x128xf32, #tpu.memory_space<any>>) target_semaphore(%arg3 : memref<!tpu.dma_semaphore, #tpu.memory_space<semaphore_mem>>)
    %dma_start3A_830 = arith.constant 64 : i32
    %dma_start3A_831 = arith.constant 0 : i32
    %dma_start3A_832 = arith.constant 0 : i32
    %dma_start3A_833 = tpu.memref_slice %arg2[%dma_start3A_830, %dma_start3A_831, %dma_start3A_832] : memref<128x32x128xf32, #tpu.memory_space<any>> -> memref<1x32x128xf32, #tpu.memory_space<any>>
    %dma_start3A_834 = tpu.memref_squeeze %dma_start3A_833 : memref<1x32x128xf32, #tpu.memory_space<any>> -> memref<32x128xf32, #tpu.memory_space<any>>
    %dma_start3A_835 = arith.constant 0 : i32
    %dma_start3A_836 = arith.constant 0 : i32
    %dma_start3A_837 = tpu.memref_slice %arg1[%get3A_128, %dma_start3A_835, %dma_start3A_836] : memref<20000x32x128xf32, #tpu.memory_space<any>> -> memref<1x32x128xf32, #tpu.memory_space<any>>
    %dma_start3A_838 = tpu.memref_squeeze %dma_start3A_837 : memref<1x32x128xf32, #tpu.memory_space<any>> -> memref<32x128xf32, #tpu.memory_space<any>>
    tpu.enqueue_dma source(%dma_start3A_838 : memref<32x128xf32, #tpu.memory_space<any>>) target(%dma_start3A_834 : memref<32x128xf32, #tpu.memory_space<any>>) target_semaphore(%arg3 : memref<!tpu.dma_semaphore, #tpu.memory_space<semaphore_mem>>)
    %dma_start3A_839 = arith.constant 65 : i32
    %dma_start3A_840 = arith.constant 0 : i32
    %dma_start3A_841 = arith.constant 0 : i32
    %dma_start3A_842 = tpu.memref_slice %arg2[%dma_start3A_839, %dma_start3A_840, %dma_start3A_841] : memref<128x32x128xf32, #tpu.memory_space<any>> -> memref<1x32x128xf32, #tpu.memory_space<any>>
    %dma_start3A_843 = tpu.memref_squeeze %dma_start3A_842 : memref<1x32x128xf32, #tpu.memory_space<any>> -> memref<32x128xf32, #tpu.memory_space<any>>
    %dma_start3A_844 = arith.constant 0 : i32
    %dma_start3A_845 = arith.constant 0 : i32
    %dma_start3A_846 = tpu.memref_slice %arg1[%get3A_130, %dma_start3A_844, %dma_start3A_845] : memref<20000x32x128xf32, #tpu.memory_space<any>> -> memref<1x32x128xf32, #tpu.memory_space<any>>
    %dma_start3A_847 = tpu.memref_squeeze %dma_start3A_846 : memref<1x32x128xf32, #tpu.memory_space<any>> -> memref<32x128xf32, #tpu.memory_space<any>>
    tpu.enqueue_dma source(%dma_start3A_847 : memref<32x128xf32, #tpu.memory_space<any>>) target(%dma_start3A_843 : memref<32x128xf32, #tpu.memory_space<any>>) target_semaphore(%arg3 : memref<!tpu.dma_semaphore, #tpu.memory_space<semaphore_mem>>)
    %dma_start3A_848 = arith.constant 66 : i32
    %dma_start3A_849 = arith.constant 0 : i32
    %dma_start3A_850 = arith.constant 0 : i32
    %dma_start3A_851 = tpu.memref_slice %arg2[%dma_start3A_848, %dma_start3A_849, %dma_start3A_850] : memref<128x32x128xf32, #tpu.memory_space<any>> -> memref<1x32x128xf32, #tpu.memory_space<any>>
    %dma_start3A_852 = tpu.memref_squeeze %dma_start3A_851 : memref<1x32x128xf32, #tpu.memory_space<any>> -> memref<32x128xf32, #tpu.memory_space<any>>
    %dma_start3A_853 = arith.constant 0 : i32
    %dma_start3A_854 = arith.constant 0 : i32
    %dma_start3A_855 = tpu.memref_slice %arg1[%get3A_132, %dma_start3A_853, %dma_start3A_854] : memref<20000x32x128xf32, #tpu.memory_space<any>> -> memref<1x32x128xf32, #tpu.memory_space<any>>
    %dma_start3A_856 = tpu.memref_squeeze %dma_start3A_855 : memref<1x32x128xf32, #tpu.memory_space<any>> -> memref<32x128xf32, #tpu.memory_space<any>>
    tpu.enqueue_dma source(%dma_start3A_856 : memref<32x128xf32, #tpu.memory_space<any>>) target(%dma_start3A_852 : memref<32x128xf32, #tpu.memory_space<any>>) target_semaphore(%arg3 : memref<!tpu.dma_semaphore, #tpu.memory_space<semaphore_mem>>)
    %dma_start3A_857 = arith.constant 67 : i32
    %dma_start3A_858 = arith.constant 0 : i32
    %dma_start3A_859 = arith.constant 0 : i32
    %dma_start3A_860 = tpu.memref_slice %arg2[%dma_start3A_857, %dma_start3A_858, %dma_start3A_859] : memref<128x32x128xf32, #tpu.memory_space<any>> -> memref<1x32x128xf32, #tpu.memory_space<any>>
    %dma_start3A_861 = tpu.memref_squeeze %dma_start3A_860 : memref<1x32x128xf32, #tpu.memory_space<any>> -> memref<32x128xf32, #tpu.memory_space<any>>
    %dma_start3A_862 = arith.constant 0 : i32
    %dma_start3A_863 = arith.constant 0 : i32
    %dma_start3A_864 = tpu.memref_slice %arg1[%get3A_134, %dma_start3A_862, %dma_start3A_863] : memref<20000x32x128xf32, #tpu.memory_space<any>> -> memref<1x32x128xf32, #tpu.memory_space<any>>
    %dma_start3A_865 = tpu.memref_squeeze %dma_start3A_864 : memref<1x32x128xf32, #tpu.memory_space<any>> -> memref<32x128xf32, #tpu.memory_space<any>>
    tpu.enqueue_dma source(%dma_start3A_865 : memref<32x128xf32, #tpu.memory_space<any>>) target(%dma_start3A_861 : memref<32x128xf32, #tpu.memory_space<any>>) target_semaphore(%arg3 : memref<!tpu.dma_semaphore, #tpu.memory_space<semaphore_mem>>)
    %dma_start3A_866 = arith.constant 68 : i32
    %dma_start3A_867 = arith.constant 0 : i32
    %dma_start3A_868 = arith.constant 0 : i32
    %dma_start3A_869 = tpu.memref_slice %arg2[%dma_start3A_866, %dma_start3A_867, %dma_start3A_868] : memref<128x32x128xf32, #tpu.memory_space<any>> -> memref<1x32x128xf32, #tpu.memory_space<any>>
    %dma_start3A_870 = tpu.memref_squeeze %dma_start3A_869 : memref<1x32x128xf32, #tpu.memory_space<any>> -> memref<32x128xf32, #tpu.memory_space<any>>
    %dma_start3A_871 = arith.constant 0 : i32
    %dma_start3A_872 = arith.constant 0 : i32
    %dma_start3A_873 = tpu.memref_slice %arg1[%get3A_136, %dma_start3A_871, %dma_start3A_872] : memref<20000x32x128xf32, #tpu.memory_space<any>> -> memref<1x32x128xf32, #tpu.memory_space<any>>
    %dma_start3A_874 = tpu.memref_squeeze %dma_start3A_873 : memref<1x32x128xf32, #tpu.memory_space<any>> -> memref<32x128xf32, #tpu.memory_space<any>>
    tpu.enqueue_dma source(%dma_start3A_874 : memref<32x128xf32, #tpu.memory_space<any>>) target(%dma_start3A_870 : memref<32x128xf32, #tpu.memory_space<any>>) target_semaphore(%arg3 : memref<!tpu.dma_semaphore, #tpu.memory_space<semaphore_mem>>)
    %dma_start3A_875 = arith.constant 69 : i32
    %dma_start3A_876 = arith.constant 0 : i32
    %dma_start3A_877 = arith.constant 0 : i32
    %dma_start3A_878 = tpu.memref_slice %arg2[%dma_start3A_875, %dma_start3A_876, %dma_start3A_877] : memref<128x32x128xf32, #tpu.memory_space<any>> -> memref<1x32x128xf32, #tpu.memory_space<any>>
    %dma_start3A_879 = tpu.memref_squeeze %dma_start3A_878 : memref<1x32x128xf32, #tpu.memory_space<any>> -> memref<32x128xf32, #tpu.memory_space<any>>
    %dma_start3A_880 = arith.constant 0 : i32
    %dma_start3A_881 = arith.constant 0 : i32
    %dma_start3A_882 = tpu.memref_slice %arg1[%get3A_138, %dma_start3A_880, %dma_start3A_881] : memref<20000x32x128xf32, #tpu.memory_space<any>> -> memref<1x32x128xf32, #tpu.memory_space<any>>
    %dma_start3A_883 = tpu.memref_squeeze %dma_start3A_882 : memref<1x32x128xf32, #tpu.memory_space<any>> -> memref<32x128xf32, #tpu.memory_space<any>>
    tpu.enqueue_dma source(%dma_start3A_883 : memref<32x128xf32, #tpu.memory_space<any>>) target(%dma_start3A_879 : memref<32x128xf32, #tpu.memory_space<any>>) target_semaphore(%arg3 : memref<!tpu.dma_semaphore, #tpu.memory_space<semaphore_mem>>)
    %dma_start3A_884 = arith.constant 70 : i32
    %dma_start3A_885 = arith.constant 0 : i32
    %dma_start3A_886 = arith.constant 0 : i32
    %dma_start3A_887 = tpu.memref_slice %arg2[%dma_start3A_884, %dma_start3A_885, %dma_start3A_886] : memref<128x32x128xf32, #tpu.memory_space<any>> -> memref<1x32x128xf32, #tpu.memory_space<any>>
    %dma_start3A_888 = tpu.memref_squeeze %dma_start3A_887 : memref<1x32x128xf32, #tpu.memory_space<any>> -> memref<32x128xf32, #tpu.memory_space<any>>
    %dma_start3A_889 = arith.constant 0 : i32
    %dma_start3A_890 = arith.constant 0 : i32
    %dma_start3A_891 = tpu.memref_slice %arg1[%get3A_140, %dma_start3A_889, %dma_start3A_890] : memref<20000x32x128xf32, #tpu.memory_space<any>> -> memref<1x32x128xf32, #tpu.memory_space<any>>
    %dma_start3A_892 = tpu.memref_squeeze %dma_start3A_891 : memref<1x32x128xf32, #tpu.memory_space<any>> -> memref<32x128xf32, #tpu.memory_space<any>>
    tpu.enqueue_dma source(%dma_start3A_892 : memref<32x128xf32, #tpu.memory_space<any>>) target(%dma_start3A_888 : memref<32x128xf32, #tpu.memory_space<any>>) target_semaphore(%arg3 : memref<!tpu.dma_semaphore, #tpu.memory_space<semaphore_mem>>)
    %dma_start3A_893 = arith.constant 71 : i32
    %dma_start3A_894 = arith.constant 0 : i32
    %dma_start3A_895 = arith.constant 0 : i32
    %dma_start3A_896 = tpu.memref_slice %arg2[%dma_start3A_893, %dma_start3A_894, %dma_start3A_895] : memref<128x32x128xf32, #tpu.memory_space<any>> -> memref<1x32x128xf32, #tpu.memory_space<any>>
    %dma_start3A_897 = tpu.memref_squeeze %dma_start3A_896 : memref<1x32x128xf32, #tpu.memory_space<any>> -> memref<32x128xf32, #tpu.memory_space<any>>
    %dma_start3A_898 = arith.constant 0 : i32
    %dma_start3A_899 = arith.constant 0 : i32
    %dma_start3A_900 = tpu.memref_slice %arg1[%get3A_142, %dma_start3A_898, %dma_start3A_899] : memref<20000x32x128xf32, #tpu.memory_space<any>> -> memref<1x32x128xf32, #tpu.memory_space<any>>
    %dma_start3A_901 = tpu.memref_squeeze %dma_start3A_900 : memref<1x32x128xf32, #tpu.memory_space<any>> -> memref<32x128xf32, #tpu.memory_space<any>>
    tpu.enqueue_dma source(%dma_start3A_901 : memref<32x128xf32, #tpu.memory_space<any>>) target(%dma_start3A_897 : memref<32x128xf32, #tpu.memory_space<any>>) target_semaphore(%arg3 : memref<!tpu.dma_semaphore, #tpu.memory_space<semaphore_mem>>)
    %dma_start3A_902 = arith.constant 72 : i32
    %dma_start3A_903 = arith.constant 0 : i32
    %dma_start3A_904 = arith.constant 0 : i32
    %dma_start3A_905 = tpu.memref_slice %arg2[%dma_start3A_902, %dma_start3A_903, %dma_start3A_904] : memref<128x32x128xf32, #tpu.memory_space<any>> -> memref<1x32x128xf32, #tpu.memory_space<any>>
    %dma_start3A_906 = tpu.memref_squeeze %dma_start3A_905 : memref<1x32x128xf32, #tpu.memory_space<any>> -> memref<32x128xf32, #tpu.memory_space<any>>
    %dma_start3A_907 = arith.constant 0 : i32
    %dma_start3A_908 = arith.constant 0 : i32
    %dma_start3A_909 = tpu.memref_slice %arg1[%get3A_144, %dma_start3A_907, %dma_start3A_908] : memref<20000x32x128xf32, #tpu.memory_space<any>> -> memref<1x32x128xf32, #tpu.memory_space<any>>
    %dma_start3A_910 = tpu.memref_squeeze %dma_start3A_909 : memref<1x32x128xf32, #tpu.memory_space<any>> -> memref<32x128xf32, #tpu.memory_space<any>>
    tpu.enqueue_dma source(%dma_start3A_910 : memref<32x128xf32, #tpu.memory_space<any>>) target(%dma_start3A_906 : memref<32x128xf32, #tpu.memory_space<any>>) target_semaphore(%arg3 : memref<!tpu.dma_semaphore, #tpu.memory_space<semaphore_mem>>)
    %dma_start3A_911 = arith.constant 73 : i32
    %dma_start3A_912 = arith.constant 0 : i32
    %dma_start3A_913 = arith.constant 0 : i32
    %dma_start3A_914 = tpu.memref_slice %arg2[%dma_start3A_911, %dma_start3A_912, %dma_start3A_913] : memref<128x32x128xf32, #tpu.memory_space<any>> -> memref<1x32x128xf32, #tpu.memory_space<any>>
    %dma_start3A_915 = tpu.memref_squeeze %dma_start3A_914 : memref<1x32x128xf32, #tpu.memory_space<any>> -> memref<32x128xf32, #tpu.memory_space<any>>
    %dma_start3A_916 = arith.constant 0 : i32
    %dma_start3A_917 = arith.constant 0 : i32
    %dma_start3A_918 = tpu.memref_slice %arg1[%get3A_146, %dma_start3A_916, %dma_start3A_917] : memref<20000x32x128xf32, #tpu.memory_space<any>> -> memref<1x32x128xf32, #tpu.memory_space<any>>
    %dma_start3A_919 = tpu.memref_squeeze %dma_start3A_918 : memref<1x32x128xf32, #tpu.memory_space<any>> -> memref<32x128xf32, #tpu.memory_space<any>>
    tpu.enqueue_dma source(%dma_start3A_919 : memref<32x128xf32, #tpu.memory_space<any>>) target(%dma_start3A_915 : memref<32x128xf32, #tpu.memory_space<any>>) target_semaphore(%arg3 : memref<!tpu.dma_semaphore, #tpu.memory_space<semaphore_mem>>)
    %dma_start3A_920 = arith.constant 74 : i32
    %dma_start3A_921 = arith.constant 0 : i32
    %dma_start3A_922 = arith.constant 0 : i32
    %dma_start3A_923 = tpu.memref_slice %arg2[%dma_start3A_920, %dma_start3A_921, %dma_start3A_922] : memref<128x32x128xf32, #tpu.memory_space<any>> -> memref<1x32x128xf32, #tpu.memory_space<any>>
    %dma_start3A_924 = tpu.memref_squeeze %dma_start3A_923 : memref<1x32x128xf32, #tpu.memory_space<any>> -> memref<32x128xf32, #tpu.memory_space<any>>
    %dma_start3A_925 = arith.constant 0 : i32
    %dma_start3A_926 = arith.constant 0 : i32
    %dma_start3A_927 = tpu.memref_slice %arg1[%get3A_148, %dma_start3A_925, %dma_start3A_926] : memref<20000x32x128xf32, #tpu.memory_space<any>> -> memref<1x32x128xf32, #tpu.memory_space<any>>
    %dma_start3A_928 = tpu.memref_squeeze %dma_start3A_927 : memref<1x32x128xf32, #tpu.memory_space<any>> -> memref<32x128xf32, #tpu.memory_space<any>>
    tpu.enqueue_dma source(%dma_start3A_928 : memref<32x128xf32, #tpu.memory_space<any>>) target(%dma_start3A_924 : memref<32x128xf32, #tpu.memory_space<any>>) target_semaphore(%arg3 : memref<!tpu.dma_semaphore, #tpu.memory_space<semaphore_mem>>)
    %dma_start3A_929 = arith.constant 75 : i32
    %dma_start3A_930 = arith.constant 0 : i32
    %dma_start3A_931 = arith.constant 0 : i32
    %dma_start3A_932 = tpu.memref_slice %arg2[%dma_start3A_929, %dma_start3A_930, %dma_start3A_931] : memref<128x32x128xf32, #tpu.memory_space<any>> -> memref<1x32x128xf32, #tpu.memory_space<any>>
    %dma_start3A_933 = tpu.memref_squeeze %dma_start3A_932 : memref<1x32x128xf32, #tpu.memory_space<any>> -> memref<32x128xf32, #tpu.memory_space<any>>
    %dma_start3A_934 = arith.constant 0 : i32
    %dma_start3A_935 = arith.constant 0 : i32
    %dma_start3A_936 = tpu.memref_slice %arg1[%get3A_150, %dma_start3A_934, %dma_start3A_935] : memref<20000x32x128xf32, #tpu.memory_space<any>> -> memref<1x32x128xf32, #tpu.memory_space<any>>
    %dma_start3A_937 = tpu.memref_squeeze %dma_start3A_936 : memref<1x32x128xf32, #tpu.memory_space<any>> -> memref<32x128xf32, #tpu.memory_space<any>>
    tpu.enqueue_dma source(%dma_start3A_937 : memref<32x128xf32, #tpu.memory_space<any>>) target(%dma_start3A_933 : memref<32x128xf32, #tpu.memory_space<any>>) target_semaphore(%arg3 : memref<!tpu.dma_semaphore, #tpu.memory_space<semaphore_mem>>)
    %dma_start3A_938 = arith.constant 76 : i32
    %dma_start3A_939 = arith.constant 0 : i32
    %dma_start3A_940 = arith.constant 0 : i32
    %dma_start3A_941 = tpu.memref_slice %arg2[%dma_start3A_938, %dma_start3A_939, %dma_start3A_940] : memref<128x32x128xf32, #tpu.memory_space<any>> -> memref<1x32x128xf32, #tpu.memory_space<any>>
    %dma_start3A_942 = tpu.memref_squeeze %dma_start3A_941 : memref<1x32x128xf32, #tpu.memory_space<any>> -> memref<32x128xf32, #tpu.memory_space<any>>
    %dma_start3A_943 = arith.constant 0 : i32
    %dma_start3A_944 = arith.constant 0 : i32
    %dma_start3A_945 = tpu.memref_slice %arg1[%get3A_152, %dma_start3A_943, %dma_start3A_944] : memref<20000x32x128xf32, #tpu.memory_space<any>> -> memref<1x32x128xf32, #tpu.memory_space<any>>
    %dma_start3A_946 = tpu.memref_squeeze %dma_start3A_945 : memref<1x32x128xf32, #tpu.memory_space<any>> -> memref<32x128xf32, #tpu.memory_space<any>>
    tpu.enqueue_dma source(%dma_start3A_946 : memref<32x128xf32, #tpu.memory_space<any>>) target(%dma_start3A_942 : memref<32x128xf32, #tpu.memory_space<any>>) target_semaphore(%arg3 : memref<!tpu.dma_semaphore, #tpu.memory_space<semaphore_mem>>)
    %dma_start3A_947 = arith.constant 77 : i32
    %dma_start3A_948 = arith.constant 0 : i32
    %dma_start3A_949 = arith.constant 0 : i32
    %dma_start3A_950 = tpu.memref_slice %arg2[%dma_start3A_947, %dma_start3A_948, %dma_start3A_949] : memref<128x32x128xf32, #tpu.memory_space<any>> -> memref<1x32x128xf32, #tpu.memory_space<any>>
    %dma_start3A_951 = tpu.memref_squeeze %dma_start3A_950 : memref<1x32x128xf32, #tpu.memory_space<any>> -> memref<32x128xf32, #tpu.memory_space<any>>
    %dma_start3A_952 = arith.constant 0 : i32
    %dma_start3A_953 = arith.constant 0 : i32
    %dma_start3A_954 = tpu.memref_slice %arg1[%get3A_154, %dma_start3A_952, %dma_start3A_953] : memref<20000x32x128xf32, #tpu.memory_space<any>> -> memref<1x32x128xf32, #tpu.memory_space<any>>
    %dma_start3A_955 = tpu.memref_squeeze %dma_start3A_954 : memref<1x32x128xf32, #tpu.memory_space<any>> -> memref<32x128xf32, #tpu.memory_space<any>>
    tpu.enqueue_dma source(%dma_start3A_955 : memref<32x128xf32, #tpu.memory_space<any>>) target(%dma_start3A_951 : memref<32x128xf32, #tpu.memory_space<any>>) target_semaphore(%arg3 : memref<!tpu.dma_semaphore, #tpu.memory_space<semaphore_mem>>)
    %dma_start3A_956 = arith.constant 78 : i32
    %dma_start3A_957 = arith.constant 0 : i32
    %dma_start3A_958 = arith.constant 0 : i32
    %dma_start3A_959 = tpu.memref_slice %arg2[%dma_start3A_956, %dma_start3A_957, %dma_start3A_958] : memref<128x32x128xf32, #tpu.memory_space<any>> -> memref<1x32x128xf32, #tpu.memory_space<any>>
    %dma_start3A_960 = tpu.memref_squeeze %dma_start3A_959 : memref<1x32x128xf32, #tpu.memory_space<any>> -> memref<32x128xf32, #tpu.memory_space<any>>
    %dma_start3A_961 = arith.constant 0 : i32
    %dma_start3A_962 = arith.constant 0 : i32
    %dma_start3A_963 = tpu.memref_slice %arg1[%get3A_156, %dma_start3A_961, %dma_start3A_962] : memref<20000x32x128xf32, #tpu.memory_space<any>> -> memref<1x32x128xf32, #tpu.memory_space<any>>
    %dma_start3A_964 = tpu.memref_squeeze %dma_start3A_963 : memref<1x32x128xf32, #tpu.memory_space<any>> -> memref<32x128xf32, #tpu.memory_space<any>>
    tpu.enqueue_dma source(%dma_start3A_964 : memref<32x128xf32, #tpu.memory_space<any>>) target(%dma_start3A_960 : memref<32x128xf32, #tpu.memory_space<any>>) target_semaphore(%arg3 : memref<!tpu.dma_semaphore, #tpu.memory_space<semaphore_mem>>)
    %dma_start3A_965 = arith.constant 79 : i32
    %dma_start3A_966 = arith.constant 0 : i32
    %dma_start3A_967 = arith.constant 0 : i32
    %dma_start3A_968 = tpu.memref_slice %arg2[%dma_start3A_965, %dma_start3A_966, %dma_start3A_967] : memref<128x32x128xf32, #tpu.memory_space<any>> -> memref<1x32x128xf32, #tpu.memory_space<any>>
    %dma_start3A_969 = tpu.memref_squeeze %dma_start3A_968 : memref<1x32x128xf32, #tpu.memory_space<any>> -> memref<32x128xf32, #tpu.memory_space<any>>
    %dma_start3A_970 = arith.constant 0 : i32
    %dma_start3A_971 = arith.constant 0 : i32
    %dma_start3A_972 = tpu.memref_slice %arg1[%get3A_158, %dma_start3A_970, %dma_start3A_971] : memref<20000x32x128xf32, #tpu.memory_space<any>> -> memref<1x32x128xf32, #tpu.memory_space<any>>
    %dma_start3A_973 = tpu.memref_squeeze %dma_start3A_972 : memref<1x32x128xf32, #tpu.memory_space<any>> -> memref<32x128xf32, #tpu.memory_space<any>>
    tpu.enqueue_dma source(%dma_start3A_973 : memref<32x128xf32, #tpu.memory_space<any>>) target(%dma_start3A_969 : memref<32x128xf32, #tpu.memory_space<any>>) target_semaphore(%arg3 : memref<!tpu.dma_semaphore, #tpu.memory_space<semaphore_mem>>)
    %dma_start3A_974 = arith.constant 80 : i32
    %dma_start3A_975 = arith.constant 0 : i32
    %dma_start3A_976 = arith.constant 0 : i32
    %dma_start3A_977 = tpu.memref_slice %arg2[%dma_start3A_974, %dma_start3A_975, %dma_start3A_976] : memref<128x32x128xf32, #tpu.memory_space<any>> -> memref<1x32x128xf32, #tpu.memory_space<any>>
    %dma_start3A_978 = tpu.memref_squeeze %dma_start3A_977 : memref<1x32x128xf32, #tpu.memory_space<any>> -> memref<32x128xf32, #tpu.memory_space<any>>
    %dma_start3A_979 = arith.constant 0 : i32
    %dma_start3A_980 = arith.constant 0 : i32
    %dma_start3A_981 = tpu.memref_slice %arg1[%get3A_160, %dma_start3A_979, %dma_start3A_980] : memref<20000x32x128xf32, #tpu.memory_space<any>> -> memref<1x32x128xf32, #tpu.memory_space<any>>
    %dma_start3A_982 = tpu.memref_squeeze %dma_start3A_981 : memref<1x32x128xf32, #tpu.memory_space<any>> -> memref<32x128xf32, #tpu.memory_space<any>>
    tpu.enqueue_dma source(%dma_start3A_982 : memref<32x128xf32, #tpu.memory_space<any>>) target(%dma_start3A_978 : memref<32x128xf32, #tpu.memory_space<any>>) target_semaphore(%arg3 : memref<!tpu.dma_semaphore, #tpu.memory_space<semaphore_mem>>)
    %dma_start3A_983 = arith.constant 81 : i32
    %dma_start3A_984 = arith.constant 0 : i32
    %dma_start3A_985 = arith.constant 0 : i32
    %dma_start3A_986 = tpu.memref_slice %arg2[%dma_start3A_983, %dma_start3A_984, %dma_start3A_985] : memref<128x32x128xf32, #tpu.memory_space<any>> -> memref<1x32x128xf32, #tpu.memory_space<any>>
    %dma_start3A_987 = tpu.memref_squeeze %dma_start3A_986 : memref<1x32x128xf32, #tpu.memory_space<any>> -> memref<32x128xf32, #tpu.memory_space<any>>
    %dma_start3A_988 = arith.constant 0 : i32
    %dma_start3A_989 = arith.constant 0 : i32
    %dma_start3A_990 = tpu.memref_slice %arg1[%get3A_162, %dma_start3A_988, %dma_start3A_989] : memref<20000x32x128xf32, #tpu.memory_space<any>> -> memref<1x32x128xf32, #tpu.memory_space<any>>
    %dma_start3A_991 = tpu.memref_squeeze %dma_start3A_990 : memref<1x32x128xf32, #tpu.memory_space<any>> -> memref<32x128xf32, #tpu.memory_space<any>>
    tpu.enqueue_dma source(%dma_start3A_991 : memref<32x128xf32, #tpu.memory_space<any>>) target(%dma_start3A_987 : memref<32x128xf32, #tpu.memory_space<any>>) target_semaphore(%arg3 : memref<!tpu.dma_semaphore, #tpu.memory_space<semaphore_mem>>)
    %dma_start3A_992 = arith.constant 82 : i32
    %dma_start3A_993 = arith.constant 0 : i32
    %dma_start3A_994 = arith.constant 0 : i32
    %dma_start3A_995 = tpu.memref_slice %arg2[%dma_start3A_992, %dma_start3A_993, %dma_start3A_994] : memref<128x32x128xf32, #tpu.memory_space<any>> -> memref<1x32x128xf32, #tpu.memory_space<any>>
    %dma_start3A_996 = tpu.memref_squeeze %dma_start3A_995 : memref<1x32x128xf32, #tpu.memory_space<any>> -> memref<32x128xf32, #tpu.memory_space<any>>
    %dma_start3A_997 = arith.constant 0 : i32
    %dma_start3A_998 = arith.constant 0 : i32
    %dma_start3A_999 = tpu.memref_slice %arg1[%get3A_164, %dma_start3A_997, %dma_start3A_998] : memref<20000x32x128xf32, #tpu.memory_space<any>> -> memref<1x32x128xf32, #tpu.memory_space<any>>
    %dma_start3A_1000 = tpu.memref_squeeze %dma_start3A_999 : memref<1x32x128xf32, #tpu.memory_space<any>> -> memref<32x128xf32, #tpu.memory_space<any>>
    tpu.enqueue_dma source(%dma_start3A_1000 : memref<32x128xf32, #tpu.memory_space<any>>) target(%dma_start3A_996 : memref<32x128xf32, #tpu.memory_space<any>>) target_semaphore(%arg3 : memref<!tpu.dma_semaphore, #tpu.memory_space<semaphore_mem>>)
    %dma_start3A_1001 = arith.constant 83 : i32
    %dma_start3A_1002 = arith.constant 0 : i32
    %dma_start3A_1003 = arith.constant 0 : i32
    %dma_start3A_1004 = tpu.memref_slice %arg2[%dma_start3A_1001, %dma_start3A_1002, %dma_start3A_1003] : memref<128x32x128xf32, #tpu.memory_space<any>> -> memref<1x32x128xf32, #tpu.memory_space<any>>
    %dma_start3A_1005 = tpu.memref_squeeze %dma_start3A_1004 : memref<1x32x128xf32, #tpu.memory_space<any>> -> memref<32x128xf32, #tpu.memory_space<any>>
    %dma_start3A_1006 = arith.constant 0 : i32
    %dma_start3A_1007 = arith.constant 0 : i32
    %dma_start3A_1008 = tpu.memref_slice %arg1[%get3A_166, %dma_start3A_1006, %dma_start3A_1007] : memref<20000x32x128xf32, #tpu.memory_space<any>> -> memref<1x32x128xf32, #tpu.memory_space<any>>
    %dma_start3A_1009 = tpu.memref_squeeze %dma_start3A_1008 : memref<1x32x128xf32, #tpu.memory_space<any>> -> memref<32x128xf32, #tpu.memory_space<any>>
    tpu.enqueue_dma source(%dma_start3A_1009 : memref<32x128xf32, #tpu.memory_space<any>>) target(%dma_start3A_1005 : memref<32x128xf32, #tpu.memory_space<any>>) target_semaphore(%arg3 : memref<!tpu.dma_semaphore, #tpu.memory_space<semaphore_mem>>)
    %dma_start3A_1010 = arith.constant 84 : i32
    %dma_start3A_1011 = arith.constant 0 : i32
    %dma_start3A_1012 = arith.constant 0 : i32
    %dma_start3A_1013 = tpu.memref_slice %arg2[%dma_start3A_1010, %dma_start3A_1011, %dma_start3A_1012] : memref<128x32x128xf32, #tpu.memory_space<any>> -> memref<1x32x128xf32, #tpu.memory_space<any>>
    %dma_start3A_1014 = tpu.memref_squeeze %dma_start3A_1013 : memref<1x32x128xf32, #tpu.memory_space<any>> -> memref<32x128xf32, #tpu.memory_space<any>>
    %dma_start3A_1015 = arith.constant 0 : i32
    %dma_start3A_1016 = arith.constant 0 : i32
    %dma_start3A_1017 = tpu.memref_slice %arg1[%get3A_168, %dma_start3A_1015, %dma_start3A_1016] : memref<20000x32x128xf32, #tpu.memory_space<any>> -> memref<1x32x128xf32, #tpu.memory_space<any>>
    %dma_start3A_1018 = tpu.memref_squeeze %dma_start3A_1017 : memref<1x32x128xf32, #tpu.memory_space<any>> -> memref<32x128xf32, #tpu.memory_space<any>>
    tpu.enqueue_dma source(%dma_start3A_1018 : memref<32x128xf32, #tpu.memory_space<any>>) target(%dma_start3A_1014 : memref<32x128xf32, #tpu.memory_space<any>>) target_semaphore(%arg3 : memref<!tpu.dma_semaphore, #tpu.memory_space<semaphore_mem>>)
    %dma_start3A_1019 = arith.constant 85 : i32
    %dma_start3A_1020 = arith.constant 0 : i32
    %dma_start3A_1021 = arith.constant 0 : i32
    %dma_start3A_1022 = tpu.memref_slice %arg2[%dma_start3A_1019, %dma_start3A_1020, %dma_start3A_1021] : memref<128x32x128xf32, #tpu.memory_space<any>> -> memref<1x32x128xf32, #tpu.memory_space<any>>
    %dma_start3A_1023 = tpu.memref_squeeze %dma_start3A_1022 : memref<1x32x128xf32, #tpu.memory_space<any>> -> memref<32x128xf32, #tpu.memory_space<any>>
    %dma_start3A_1024 = arith.constant 0 : i32
    %dma_start3A_1025 = arith.constant 0 : i32
    %dma_start3A_1026 = tpu.memref_slice %arg1[%get3A_170, %dma_start3A_1024, %dma_start3A_1025] : memref<20000x32x128xf32, #tpu.memory_space<any>> -> memref<1x32x128xf32, #tpu.memory_space<any>>
    %dma_start3A_1027 = tpu.memref_squeeze %dma_start3A_1026 : memref<1x32x128xf32, #tpu.memory_space<any>> -> memref<32x128xf32, #tpu.memory_space<any>>
    tpu.enqueue_dma source(%dma_start3A_1027 : memref<32x128xf32, #tpu.memory_space<any>>) target(%dma_start3A_1023 : memref<32x128xf32, #tpu.memory_space<any>>) target_semaphore(%arg3 : memref<!tpu.dma_semaphore, #tpu.memory_space<semaphore_mem>>)
    %dma_start3A_1028 = arith.constant 86 : i32
    %dma_start3A_1029 = arith.constant 0 : i32
    %dma_start3A_1030 = arith.constant 0 : i32
    %dma_start3A_1031 = tpu.memref_slice %arg2[%dma_start3A_1028, %dma_start3A_1029, %dma_start3A_1030] : memref<128x32x128xf32, #tpu.memory_space<any>> -> memref<1x32x128xf32, #tpu.memory_space<any>>
    %dma_start3A_1032 = tpu.memref_squeeze %dma_start3A_1031 : memref<1x32x128xf32, #tpu.memory_space<any>> -> memref<32x128xf32, #tpu.memory_space<any>>
    %dma_start3A_1033 = arith.constant 0 : i32
    %dma_start3A_1034 = arith.constant 0 : i32
    %dma_start3A_1035 = tpu.memref_slice %arg1[%get3A_172, %dma_start3A_1033, %dma_start3A_1034] : memref<20000x32x128xf32, #tpu.memory_space<any>> -> memref<1x32x128xf32, #tpu.memory_space<any>>
    %dma_start3A_1036 = tpu.memref_squeeze %dma_start3A_1035 : memref<1x32x128xf32, #tpu.memory_space<any>> -> memref<32x128xf32, #tpu.memory_space<any>>
    tpu.enqueue_dma source(%dma_start3A_1036 : memref<32x128xf32, #tpu.memory_space<any>>) target(%dma_start3A_1032 : memref<32x128xf32, #tpu.memory_space<any>>) target_semaphore(%arg3 : memref<!tpu.dma_semaphore, #tpu.memory_space<semaphore_mem>>)
    %dma_start3A_1037 = arith.constant 87 : i32
    %dma_start3A_1038 = arith.constant 0 : i32
    %dma_start3A_1039 = arith.constant 0 : i32
    %dma_start3A_1040 = tpu.memref_slice %arg2[%dma_start3A_1037, %dma_start3A_1038, %dma_start3A_1039] : memref<128x32x128xf32, #tpu.memory_space<any>> -> memref<1x32x128xf32, #tpu.memory_space<any>>
    %dma_start3A_1041 = tpu.memref_squeeze %dma_start3A_1040 : memref<1x32x128xf32, #tpu.memory_space<any>> -> memref<32x128xf32, #tpu.memory_space<any>>
    %dma_start3A_1042 = arith.constant 0 : i32
    %dma_start3A_1043 = arith.constant 0 : i32
    %dma_start3A_1044 = tpu.memref_slice %arg1[%get3A_174, %dma_start3A_1042, %dma_start3A_1043] : memref<20000x32x128xf32, #tpu.memory_space<any>> -> memref<1x32x128xf32, #tpu.memory_space<any>>
    %dma_start3A_1045 = tpu.memref_squeeze %dma_start3A_1044 : memref<1x32x128xf32, #tpu.memory_space<any>> -> memref<32x128xf32, #tpu.memory_space<any>>
    tpu.enqueue_dma source(%dma_start3A_1045 : memref<32x128xf32, #tpu.memory_space<any>>) target(%dma_start3A_1041 : memref<32x128xf32, #tpu.memory_space<any>>) target_semaphore(%arg3 : memref<!tpu.dma_semaphore, #tpu.memory_space<semaphore_mem>>)
    %dma_start3A_1046 = arith.constant 88 : i32
    %dma_start3A_1047 = arith.constant 0 : i32
    %dma_start3A_1048 = arith.constant 0 : i32
    %dma_start3A_1049 = tpu.memref_slice %arg2[%dma_start3A_1046, %dma_start3A_1047, %dma_start3A_1048] : memref<128x32x128xf32, #tpu.memory_space<any>> -> memref<1x32x128xf32, #tpu.memory_space<any>>
    %dma_start3A_1050 = tpu.memref_squeeze %dma_start3A_1049 : memref<1x32x128xf32, #tpu.memory_space<any>> -> memref<32x128xf32, #tpu.memory_space<any>>
    %dma_start3A_1051 = arith.constant 0 : i32
    %dma_start3A_1052 = arith.constant 0 : i32
    %dma_start3A_1053 = tpu.memref_slice %arg1[%get3A_176, %dma_start3A_1051, %dma_start3A_1052] : memref<20000x32x128xf32, #tpu.memory_space<any>> -> memref<1x32x128xf32, #tpu.memory_space<any>>
    %dma_start3A_1054 = tpu.memref_squeeze %dma_start3A_1053 : memref<1x32x128xf32, #tpu.memory_space<any>> -> memref<32x128xf32, #tpu.memory_space<any>>
    tpu.enqueue_dma source(%dma_start3A_1054 : memref<32x128xf32, #tpu.memory_space<any>>) target(%dma_start3A_1050 : memref<32x128xf32, #tpu.memory_space<any>>) target_semaphore(%arg3 : memref<!tpu.dma_semaphore, #tpu.memory_space<semaphore_mem>>)
    %dma_start3A_1055 = arith.constant 89 : i32
    %dma_start3A_1056 = arith.constant 0 : i32
    %dma_start3A_1057 = arith.constant 0 : i32
    %dma_start3A_1058 = tpu.memref_slice %arg2[%dma_start3A_1055, %dma_start3A_1056, %dma_start3A_1057] : memref<128x32x128xf32, #tpu.memory_space<any>> -> memref<1x32x128xf32, #tpu.memory_space<any>>
    %dma_start3A_1059 = tpu.memref_squeeze %dma_start3A_1058 : memref<1x32x128xf32, #tpu.memory_space<any>> -> memref<32x128xf32, #tpu.memory_space<any>>
    %dma_start3A_1060 = arith.constant 0 : i32
    %dma_start3A_1061 = arith.constant 0 : i32
    %dma_start3A_1062 = tpu.memref_slice %arg1[%get3A_178, %dma_start3A_1060, %dma_start3A_1061] : memref<20000x32x128xf32, #tpu.memory_space<any>> -> memref<1x32x128xf32, #tpu.memory_space<any>>
    %dma_start3A_1063 = tpu.memref_squeeze %dma_start3A_1062 : memref<1x32x128xf32, #tpu.memory_space<any>> -> memref<32x128xf32, #tpu.memory_space<any>>
    tpu.enqueue_dma source(%dma_start3A_1063 : memref<32x128xf32, #tpu.memory_space<any>>) target(%dma_start3A_1059 : memref<32x128xf32, #tpu.memory_space<any>>) target_semaphore(%arg3 : memref<!tpu.dma_semaphore, #tpu.memory_space<semaphore_mem>>)
    %dma_start3A_1064 = arith.constant 90 : i32
    %dma_start3A_1065 = arith.constant 0 : i32
    %dma_start3A_1066 = arith.constant 0 : i32
    %dma_start3A_1067 = tpu.memref_slice %arg2[%dma_start3A_1064, %dma_start3A_1065, %dma_start3A_1066] : memref<128x32x128xf32, #tpu.memory_space<any>> -> memref<1x32x128xf32, #tpu.memory_space<any>>
    %dma_start3A_1068 = tpu.memref_squeeze %dma_start3A_1067 : memref<1x32x128xf32, #tpu.memory_space<any>> -> memref<32x128xf32, #tpu.memory_space<any>>
    %dma_start3A_1069 = arith.constant 0 : i32
    %dma_start3A_1070 = arith.constant 0 : i32
    %dma_start3A_1071 = tpu.memref_slice %arg1[%get3A_180, %dma_start3A_1069, %dma_start3A_1070] : memref<20000x32x128xf32, #tpu.memory_space<any>> -> memref<1x32x128xf32, #tpu.memory_space<any>>
    %dma_start3A_1072 = tpu.memref_squeeze %dma_start3A_1071 : memref<1x32x128xf32, #tpu.memory_space<any>> -> memref<32x128xf32, #tpu.memory_space<any>>
    tpu.enqueue_dma source(%dma_start3A_1072 : memref<32x128xf32, #tpu.memory_space<any>>) target(%dma_start3A_1068 : memref<32x128xf32, #tpu.memory_space<any>>) target_semaphore(%arg3 : memref<!tpu.dma_semaphore, #tpu.memory_space<semaphore_mem>>)
    %dma_start3A_1073 = arith.constant 91 : i32
    %dma_start3A_1074 = arith.constant 0 : i32
    %dma_start3A_1075 = arith.constant 0 : i32
    %dma_start3A_1076 = tpu.memref_slice %arg2[%dma_start3A_1073, %dma_start3A_1074, %dma_start3A_1075] : memref<128x32x128xf32, #tpu.memory_space<any>> -> memref<1x32x128xf32, #tpu.memory_space<any>>
    %dma_start3A_1077 = tpu.memref_squeeze %dma_start3A_1076 : memref<1x32x128xf32, #tpu.memory_space<any>> -> memref<32x128xf32, #tpu.memory_space<any>>
    %dma_start3A_1078 = arith.constant 0 : i32
    %dma_start3A_1079 = arith.constant 0 : i32
    %dma_start3A_1080 = tpu.memref_slice %arg1[%get3A_182, %dma_start3A_1078, %dma_start3A_1079] : memref<20000x32x128xf32, #tpu.memory_space<any>> -> memref<1x32x128xf32, #tpu.memory_space<any>>
    %dma_start3A_1081 = tpu.memref_squeeze %dma_start3A_1080 : memref<1x32x128xf32, #tpu.memory_space<any>> -> memref<32x128xf32, #tpu.memory_space<any>>
    tpu.enqueue_dma source(%dma_start3A_1081 : memref<32x128xf32, #tpu.memory_space<any>>) target(%dma_start3A_1077 : memref<32x128xf32, #tpu.memory_space<any>>) target_semaphore(%arg3 : memref<!tpu.dma_semaphore, #tpu.memory_space<semaphore_mem>>)
    %dma_start3A_1082 = arith.constant 92 : i32
    %dma_start3A_1083 = arith.constant 0 : i32
    %dma_start3A_1084 = arith.constant 0 : i32
    %dma_start3A_1085 = tpu.memref_slice %arg2[%dma_start3A_1082, %dma_start3A_1083, %dma_start3A_1084] : memref<128x32x128xf32, #tpu.memory_space<any>> -> memref<1x32x128xf32, #tpu.memory_space<any>>
    %dma_start3A_1086 = tpu.memref_squeeze %dma_start3A_1085 : memref<1x32x128xf32, #tpu.memory_space<any>> -> memref<32x128xf32, #tpu.memory_space<any>>
    %dma_start3A_1087 = arith.constant 0 : i32
    %dma_start3A_1088 = arith.constant 0 : i32
    %dma_start3A_1089 = tpu.memref_slice %arg1[%get3A_184, %dma_start3A_1087, %dma_start3A_1088] : memref<20000x32x128xf32, #tpu.memory_space<any>> -> memref<1x32x128xf32, #tpu.memory_space<any>>
    %dma_start3A_1090 = tpu.memref_squeeze %dma_start3A_1089 : memref<1x32x128xf32, #tpu.memory_space<any>> -> memref<32x128xf32, #tpu.memory_space<any>>
    tpu.enqueue_dma source(%dma_start3A_1090 : memref<32x128xf32, #tpu.memory_space<any>>) target(%dma_start3A_1086 : memref<32x128xf32, #tpu.memory_space<any>>) target_semaphore(%arg3 : memref<!tpu.dma_semaphore, #tpu.memory_space<semaphore_mem>>)
    %dma_start3A_1091 = arith.constant 93 : i32
    %dma_start3A_1092 = arith.constant 0 : i32
    %dma_start3A_1093 = arith.constant 0 : i32
    %dma_start3A_1094 = tpu.memref_slice %arg2[%dma_start3A_1091, %dma_start3A_1092, %dma_start3A_1093] : memref<128x32x128xf32, #tpu.memory_space<any>> -> memref<1x32x128xf32, #tpu.memory_space<any>>
    %dma_start3A_1095 = tpu.memref_squeeze %dma_start3A_1094 : memref<1x32x128xf32, #tpu.memory_space<any>> -> memref<32x128xf32, #tpu.memory_space<any>>
    %dma_start3A_1096 = arith.constant 0 : i32
    %dma_start3A_1097 = arith.constant 0 : i32
    %dma_start3A_1098 = tpu.memref_slice %arg1[%get3A_186, %dma_start3A_1096, %dma_start3A_1097] : memref<20000x32x128xf32, #tpu.memory_space<any>> -> memref<1x32x128xf32, #tpu.memory_space<any>>
    %dma_start3A_1099 = tpu.memref_squeeze %dma_start3A_1098 : memref<1x32x128xf32, #tpu.memory_space<any>> -> memref<32x128xf32, #tpu.memory_space<any>>
    tpu.enqueue_dma source(%dma_start3A_1099 : memref<32x128xf32, #tpu.memory_space<any>>) target(%dma_start3A_1095 : memref<32x128xf32, #tpu.memory_space<any>>) target_semaphore(%arg3 : memref<!tpu.dma_semaphore, #tpu.memory_space<semaphore_mem>>)
    %dma_start3A_1100 = arith.constant 94 : i32
    %dma_start3A_1101 = arith.constant 0 : i32
    %dma_start3A_1102 = arith.constant 0 : i32
    %dma_start3A_1103 = tpu.memref_slice %arg2[%dma_start3A_1100, %dma_start3A_1101, %dma_start3A_1102] : memref<128x32x128xf32, #tpu.memory_space<any>> -> memref<1x32x128xf32, #tpu.memory_space<any>>
    %dma_start3A_1104 = tpu.memref_squeeze %dma_start3A_1103 : memref<1x32x128xf32, #tpu.memory_space<any>> -> memref<32x128xf32, #tpu.memory_space<any>>
    %dma_start3A_1105 = arith.constant 0 : i32
    %dma_start3A_1106 = arith.constant 0 : i32
    %dma_start3A_1107 = tpu.memref_slice %arg1[%get3A_188, %dma_start3A_1105, %dma_start3A_1106] : memref<20000x32x128xf32, #tpu.memory_space<any>> -> memref<1x32x128xf32, #tpu.memory_space<any>>
    %dma_start3A_1108 = tpu.memref_squeeze %dma_start3A_1107 : memref<1x32x128xf32, #tpu.memory_space<any>> -> memref<32x128xf32, #tpu.memory_space<any>>
    tpu.enqueue_dma source(%dma_start3A_1108 : memref<32x128xf32, #tpu.memory_space<any>>) target(%dma_start3A_1104 : memref<32x128xf32, #tpu.memory_space<any>>) target_semaphore(%arg3 : memref<!tpu.dma_semaphore, #tpu.memory_space<semaphore_mem>>)
    %dma_start3A_1109 = arith.constant 95 : i32
    %dma_start3A_1110 = arith.constant 0 : i32
    %dma_start3A_1111 = arith.constant 0 : i32
    %dma_start3A_1112 = tpu.memref_slice %arg2[%dma_start3A_1109, %dma_start3A_1110, %dma_start3A_1111] : memref<128x32x128xf32, #tpu.memory_space<any>> -> memref<1x32x128xf32, #tpu.memory_space<any>>
    %dma_start3A_1113 = tpu.memref_squeeze %dma_start3A_1112 : memref<1x32x128xf32, #tpu.memory_space<any>> -> memref<32x128xf32, #tpu.memory_space<any>>
    %dma_start3A_1114 = arith.constant 0 : i32
    %dma_start3A_1115 = arith.constant 0 : i32
    %dma_start3A_1116 = tpu.memref_slice %arg1[%get3A_190, %dma_start3A_1114, %dma_start3A_1115] : memref<20000x32x128xf32, #tpu.memory_space<any>> -> memref<1x32x128xf32, #tpu.memory_space<any>>
    %dma_start3A_1117 = tpu.memref_squeeze %dma_start3A_1116 : memref<1x32x128xf32, #tpu.memory_space<any>> -> memref<32x128xf32, #tpu.memory_space<any>>
    tpu.enqueue_dma source(%dma_start3A_1117 : memref<32x128xf32, #tpu.memory_space<any>>) target(%dma_start3A_1113 : memref<32x128xf32, #tpu.memory_space<any>>) target_semaphore(%arg3 : memref<!tpu.dma_semaphore, #tpu.memory_space<semaphore_mem>>)
    %dma_start3A_1118 = arith.constant 96 : i32
    %dma_start3A_1119 = arith.constant 0 : i32
    %dma_start3A_1120 = arith.constant 0 : i32
    %dma_start3A_1121 = tpu.memref_slice %arg2[%dma_start3A_1118, %dma_start3A_1119, %dma_start3A_1120] : memref<128x32x128xf32, #tpu.memory_space<any>> -> memref<1x32x128xf32, #tpu.memory_space<any>>
    %dma_start3A_1122 = tpu.memref_squeeze %dma_start3A_1121 : memref<1x32x128xf32, #tpu.memory_space<any>> -> memref<32x128xf32, #tpu.memory_space<any>>
    %dma_start3A_1123 = arith.constant 0 : i32
    %dma_start3A_1124 = arith.constant 0 : i32
    %dma_start3A_1125 = tpu.memref_slice %arg1[%get3A_192, %dma_start3A_1123, %dma_start3A_1124] : memref<20000x32x128xf32, #tpu.memory_space<any>> -> memref<1x32x128xf32, #tpu.memory_space<any>>
    %dma_start3A_1126 = tpu.memref_squeeze %dma_start3A_1125 : memref<1x32x128xf32, #tpu.memory_space<any>> -> memref<32x128xf32, #tpu.memory_space<any>>
    tpu.enqueue_dma source(%dma_start3A_1126 : memref<32x128xf32, #tpu.memory_space<any>>) target(%dma_start3A_1122 : memref<32x128xf32, #tpu.memory_space<any>>) target_semaphore(%arg3 : memref<!tpu.dma_semaphore, #tpu.memory_space<semaphore_mem>>)
    %dma_start3A_1127 = arith.constant 97 : i32
    %dma_start3A_1128 = arith.constant 0 : i32
    %dma_start3A_1129 = arith.constant 0 : i32
    %dma_start3A_1130 = tpu.memref_slice %arg2[%dma_start3A_1127, %dma_start3A_1128, %dma_start3A_1129] : memref<128x32x128xf32, #tpu.memory_space<any>> -> memref<1x32x128xf32, #tpu.memory_space<any>>
    %dma_start3A_1131 = tpu.memref_squeeze %dma_start3A_1130 : memref<1x32x128xf32, #tpu.memory_space<any>> -> memref<32x128xf32, #tpu.memory_space<any>>
    %dma_start3A_1132 = arith.constant 0 : i32
    %dma_start3A_1133 = arith.constant 0 : i32
    %dma_start3A_1134 = tpu.memref_slice %arg1[%get3A_194, %dma_start3A_1132, %dma_start3A_1133] : memref<20000x32x128xf32, #tpu.memory_space<any>> -> memref<1x32x128xf32, #tpu.memory_space<any>>
    %dma_start3A_1135 = tpu.memref_squeeze %dma_start3A_1134 : memref<1x32x128xf32, #tpu.memory_space<any>> -> memref<32x128xf32, #tpu.memory_space<any>>
    tpu.enqueue_dma source(%dma_start3A_1135 : memref<32x128xf32, #tpu.memory_space<any>>) target(%dma_start3A_1131 : memref<32x128xf32, #tpu.memory_space<any>>) target_semaphore(%arg3 : memref<!tpu.dma_semaphore, #tpu.memory_space<semaphore_mem>>)
    %dma_start3A_1136 = arith.constant 98 : i32
    %dma_start3A_1137 = arith.constant 0 : i32
    %dma_start3A_1138 = arith.constant 0 : i32
    %dma_start3A_1139 = tpu.memref_slice %arg2[%dma_start3A_1136, %dma_start3A_1137, %dma_start3A_1138] : memref<128x32x128xf32, #tpu.memory_space<any>> -> memref<1x32x128xf32, #tpu.memory_space<any>>
    %dma_start3A_1140 = tpu.memref_squeeze %dma_start3A_1139 : memref<1x32x128xf32, #tpu.memory_space<any>> -> memref<32x128xf32, #tpu.memory_space<any>>
    %dma_start3A_1141 = arith.constant 0 : i32
    %dma_start3A_1142 = arith.constant 0 : i32
    %dma_start3A_1143 = tpu.memref_slice %arg1[%get3A_196, %dma_start3A_1141, %dma_start3A_1142] : memref<20000x32x128xf32, #tpu.memory_space<any>> -> memref<1x32x128xf32, #tpu.memory_space<any>>
    %dma_start3A_1144 = tpu.memref_squeeze %dma_start3A_1143 : memref<1x32x128xf32, #tpu.memory_space<any>> -> memref<32x128xf32, #tpu.memory_space<any>>
    tpu.enqueue_dma source(%dma_start3A_1144 : memref<32x128xf32, #tpu.memory_space<any>>) target(%dma_start3A_1140 : memref<32x128xf32, #tpu.memory_space<any>>) target_semaphore(%arg3 : memref<!tpu.dma_semaphore, #tpu.memory_space<semaphore_mem>>)
    %dma_start3A_1145 = arith.constant 99 : i32
    %dma_start3A_1146 = arith.constant 0 : i32
    %dma_start3A_1147 = arith.constant 0 : i32
    %dma_start3A_1148 = tpu.memref_slice %arg2[%dma_start3A_1145, %dma_start3A_1146, %dma_start3A_1147] : memref<128x32x128xf32, #tpu.memory_space<any>> -> memref<1x32x128xf32, #tpu.memory_space<any>>
    %dma_start3A_1149 = tpu.memref_squeeze %dma_start3A_1148 : memref<1x32x128xf32, #tpu.memory_space<any>> -> memref<32x128xf32, #tpu.memory_space<any>>
    %dma_start3A_1150 = arith.constant 0 : i32
    %dma_start3A_1151 = arith.constant 0 : i32
    %dma_start3A_1152 = tpu.memref_slice %arg1[%get3A_198, %dma_start3A_1150, %dma_start3A_1151] : memref<20000x32x128xf32, #tpu.memory_space<any>> -> memref<1x32x128xf32, #tpu.memory_space<any>>
    %dma_start3A_1153 = tpu.memref_squeeze %dma_start3A_1152 : memref<1x32x128xf32, #tpu.memory_space<any>> -> memref<32x128xf32, #tpu.memory_space<any>>
    tpu.enqueue_dma source(%dma_start3A_1153 : memref<32x128xf32, #tpu.memory_space<any>>) target(%dma_start3A_1149 : memref<32x128xf32, #tpu.memory_space<any>>) target_semaphore(%arg3 : memref<!tpu.dma_semaphore, #tpu.memory_space<semaphore_mem>>)
    %dma_start3A_1154 = arith.constant 100 : i32
    %dma_start3A_1155 = arith.constant 0 : i32
    %dma_start3A_1156 = arith.constant 0 : i32
    %dma_start3A_1157 = tpu.memref_slice %arg2[%dma_start3A_1154, %dma_start3A_1155, %dma_start3A_1156] : memref<128x32x128xf32, #tpu.memory_space<any>> -> memref<1x32x128xf32, #tpu.memory_space<any>>
    %dma_start3A_1158 = tpu.memref_squeeze %dma_start3A_1157 : memref<1x32x128xf32, #tpu.memory_space<any>> -> memref<32x128xf32, #tpu.memory_space<any>>
    %dma_start3A_1159 = arith.constant 0 : i32
    %dma_start3A_1160 = arith.constant 0 : i32
    %dma_start3A_1161 = tpu.memref_slice %arg1[%get3A_200, %dma_start3A_1159, %dma_start3A_1160] : memref<20000x32x128xf32, #tpu.memory_space<any>> -> memref<1x32x128xf32, #tpu.memory_space<any>>
    %dma_start3A_1162 = tpu.memref_squeeze %dma_start3A_1161 : memref<1x32x128xf32, #tpu.memory_space<any>> -> memref<32x128xf32, #tpu.memory_space<any>>
    tpu.enqueue_dma source(%dma_start3A_1162 : memref<32x128xf32, #tpu.memory_space<any>>) target(%dma_start3A_1158 : memref<32x128xf32, #tpu.memory_space<any>>) target_semaphore(%arg3 : memref<!tpu.dma_semaphore, #tpu.memory_space<semaphore_mem>>)
    %dma_start3A_1163 = arith.constant 101 : i32
    %dma_start3A_1164 = arith.constant 0 : i32
    %dma_start3A_1165 = arith.constant 0 : i32
    %dma_start3A_1166 = tpu.memref_slice %arg2[%dma_start3A_1163, %dma_start3A_1164, %dma_start3A_1165] : memref<128x32x128xf32, #tpu.memory_space<any>> -> memref<1x32x128xf32, #tpu.memory_space<any>>
    %dma_start3A_1167 = tpu.memref_squeeze %dma_start3A_1166 : memref<1x32x128xf32, #tpu.memory_space<any>> -> memref<32x128xf32, #tpu.memory_space<any>>
    %dma_start3A_1168 = arith.constant 0 : i32
    %dma_start3A_1169 = arith.constant 0 : i32
    %dma_start3A_1170 = tpu.memref_slice %arg1[%get3A_202, %dma_start3A_1168, %dma_start3A_1169] : memref<20000x32x128xf32, #tpu.memory_space<any>> -> memref<1x32x128xf32, #tpu.memory_space<any>>
    %dma_start3A_1171 = tpu.memref_squeeze %dma_start3A_1170 : memref<1x32x128xf32, #tpu.memory_space<any>> -> memref<32x128xf32, #tpu.memory_space<any>>
    tpu.enqueue_dma source(%dma_start3A_1171 : memref<32x128xf32, #tpu.memory_space<any>>) target(%dma_start3A_1167 : memref<32x128xf32, #tpu.memory_space<any>>) target_semaphore(%arg3 : memref<!tpu.dma_semaphore, #tpu.memory_space<semaphore_mem>>)
    %dma_start3A_1172 = arith.constant 102 : i32
    %dma_start3A_1173 = arith.constant 0 : i32
    %dma_start3A_1174 = arith.constant 0 : i32
    %dma_start3A_1175 = tpu.memref_slice %arg2[%dma_start3A_1172, %dma_start3A_1173, %dma_start3A_1174] : memref<128x32x128xf32, #tpu.memory_space<any>> -> memref<1x32x128xf32, #tpu.memory_space<any>>
    %dma_start3A_1176 = tpu.memref_squeeze %dma_start3A_1175 : memref<1x32x128xf32, #tpu.memory_space<any>> -> memref<32x128xf32, #tpu.memory_space<any>>
    %dma_start3A_1177 = arith.constant 0 : i32
    %dma_start3A_1178 = arith.constant 0 : i32
    %dma_start3A_1179 = tpu.memref_slice %arg1[%get3A_204, %dma_start3A_1177, %dma_start3A_1178] : memref<20000x32x128xf32, #tpu.memory_space<any>> -> memref<1x32x128xf32, #tpu.memory_space<any>>
    %dma_start3A_1180 = tpu.memref_squeeze %dma_start3A_1179 : memref<1x32x128xf32, #tpu.memory_space<any>> -> memref<32x128xf32, #tpu.memory_space<any>>
    tpu.enqueue_dma source(%dma_start3A_1180 : memref<32x128xf32, #tpu.memory_space<any>>) target(%dma_start3A_1176 : memref<32x128xf32, #tpu.memory_space<any>>) target_semaphore(%arg3 : memref<!tpu.dma_semaphore, #tpu.memory_space<semaphore_mem>>)
    %dma_start3A_1181 = arith.constant 103 : i32
    %dma_start3A_1182 = arith.constant 0 : i32
    %dma_start3A_1183 = arith.constant 0 : i32
    %dma_start3A_1184 = tpu.memref_slice %arg2[%dma_start3A_1181, %dma_start3A_1182, %dma_start3A_1183] : memref<128x32x128xf32, #tpu.memory_space<any>> -> memref<1x32x128xf32, #tpu.memory_space<any>>
    %dma_start3A_1185 = tpu.memref_squeeze %dma_start3A_1184 : memref<1x32x128xf32, #tpu.memory_space<any>> -> memref<32x128xf32, #tpu.memory_space<any>>
    %dma_start3A_1186 = arith.constant 0 : i32
    %dma_start3A_1187 = arith.constant 0 : i32
    %dma_start3A_1188 = tpu.memref_slice %arg1[%get3A_206, %dma_start3A_1186, %dma_start3A_1187] : memref<20000x32x128xf32, #tpu.memory_space<any>> -> memref<1x32x128xf32, #tpu.memory_space<any>>
    %dma_start3A_1189 = tpu.memref_squeeze %dma_start3A_1188 : memref<1x32x128xf32, #tpu.memory_space<any>> -> memref<32x128xf32, #tpu.memory_space<any>>
    tpu.enqueue_dma source(%dma_start3A_1189 : memref<32x128xf32, #tpu.memory_space<any>>) target(%dma_start3A_1185 : memref<32x128xf32, #tpu.memory_space<any>>) target_semaphore(%arg3 : memref<!tpu.dma_semaphore, #tpu.memory_space<semaphore_mem>>)
    %dma_start3A_1190 = arith.constant 104 : i32
    %dma_start3A_1191 = arith.constant 0 : i32
    %dma_start3A_1192 = arith.constant 0 : i32
    %dma_start3A_1193 = tpu.memref_slice %arg2[%dma_start3A_1190, %dma_start3A_1191, %dma_start3A_1192] : memref<128x32x128xf32, #tpu.memory_space<any>> -> memref<1x32x128xf32, #tpu.memory_space<any>>
    %dma_start3A_1194 = tpu.memref_squeeze %dma_start3A_1193 : memref<1x32x128xf32, #tpu.memory_space<any>> -> memref<32x128xf32, #tpu.memory_space<any>>
    %dma_start3A_1195 = arith.constant 0 : i32
    %dma_start3A_1196 = arith.constant 0 : i32
    %dma_start3A_1197 = tpu.memref_slice %arg1[%get3A_208, %dma_start3A_1195, %dma_start3A_1196] : memref<20000x32x128xf32, #tpu.memory_space<any>> -> memref<1x32x128xf32, #tpu.memory_space<any>>
    %dma_start3A_1198 = tpu.memref_squeeze %dma_start3A_1197 : memref<1x32x128xf32, #tpu.memory_space<any>> -> memref<32x128xf32, #tpu.memory_space<any>>
    tpu.enqueue_dma source(%dma_start3A_1198 : memref<32x128xf32, #tpu.memory_space<any>>) target(%dma_start3A_1194 : memref<32x128xf32, #tpu.memory_space<any>>) target_semaphore(%arg3 : memref<!tpu.dma_semaphore, #tpu.memory_space<semaphore_mem>>)
    %dma_start3A_1199 = arith.constant 105 : i32
    %dma_start3A_1200 = arith.constant 0 : i32
    %dma_start3A_1201 = arith.constant 0 : i32
    %dma_start3A_1202 = tpu.memref_slice %arg2[%dma_start3A_1199, %dma_start3A_1200, %dma_start3A_1201] : memref<128x32x128xf32, #tpu.memory_space<any>> -> memref<1x32x128xf32, #tpu.memory_space<any>>
    %dma_start3A_1203 = tpu.memref_squeeze %dma_start3A_1202 : memref<1x32x128xf32, #tpu.memory_space<any>> -> memref<32x128xf32, #tpu.memory_space<any>>
    %dma_start3A_1204 = arith.constant 0 : i32
    %dma_start3A_1205 = arith.constant 0 : i32
    %dma_start3A_1206 = tpu.memref_slice %arg1[%get3A_210, %dma_start3A_1204, %dma_start3A_1205] : memref<20000x32x128xf32, #tpu.memory_space<any>> -> memref<1x32x128xf32, #tpu.memory_space<any>>
    %dma_start3A_1207 = tpu.memref_squeeze %dma_start3A_1206 : memref<1x32x128xf32, #tpu.memory_space<any>> -> memref<32x128xf32, #tpu.memory_space<any>>
    tpu.enqueue_dma source(%dma_start3A_1207 : memref<32x128xf32, #tpu.memory_space<any>>) target(%dma_start3A_1203 : memref<32x128xf32, #tpu.memory_space<any>>) target_semaphore(%arg3 : memref<!tpu.dma_semaphore, #tpu.memory_space<semaphore_mem>>)
    %dma_start3A_1208 = arith.constant 106 : i32
    %dma_start3A_1209 = arith.constant 0 : i32
    %dma_start3A_1210 = arith.constant 0 : i32
    %dma_start3A_1211 = tpu.memref_slice %arg2[%dma_start3A_1208, %dma_start3A_1209, %dma_start3A_1210] : memref<128x32x128xf32, #tpu.memory_space<any>> -> memref<1x32x128xf32, #tpu.memory_space<any>>
    %dma_start3A_1212 = tpu.memref_squeeze %dma_start3A_1211 : memref<1x32x128xf32, #tpu.memory_space<any>> -> memref<32x128xf32, #tpu.memory_space<any>>
    %dma_start3A_1213 = arith.constant 0 : i32
    %dma_start3A_1214 = arith.constant 0 : i32
    %dma_start3A_1215 = tpu.memref_slice %arg1[%get3A_212, %dma_start3A_1213, %dma_start3A_1214] : memref<20000x32x128xf32, #tpu.memory_space<any>> -> memref<1x32x128xf32, #tpu.memory_space<any>>
    %dma_start3A_1216 = tpu.memref_squeeze %dma_start3A_1215 : memref<1x32x128xf32, #tpu.memory_space<any>> -> memref<32x128xf32, #tpu.memory_space<any>>
    tpu.enqueue_dma source(%dma_start3A_1216 : memref<32x128xf32, #tpu.memory_space<any>>) target(%dma_start3A_1212 : memref<32x128xf32, #tpu.memory_space<any>>) target_semaphore(%arg3 : memref<!tpu.dma_semaphore, #tpu.memory_space<semaphore_mem>>)
    %dma_start3A_1217 = arith.constant 107 : i32
    %dma_start3A_1218 = arith.constant 0 : i32
    %dma_start3A_1219 = arith.constant 0 : i32
    %dma_start3A_1220 = tpu.memref_slice %arg2[%dma_start3A_1217, %dma_start3A_1218, %dma_start3A_1219] : memref<128x32x128xf32, #tpu.memory_space<any>> -> memref<1x32x128xf32, #tpu.memory_space<any>>
    %dma_start3A_1221 = tpu.memref_squeeze %dma_start3A_1220 : memref<1x32x128xf32, #tpu.memory_space<any>> -> memref<32x128xf32, #tpu.memory_space<any>>
    %dma_start3A_1222 = arith.constant 0 : i32
    %dma_start3A_1223 = arith.constant 0 : i32
    %dma_start3A_1224 = tpu.memref_slice %arg1[%get3A_214, %dma_start3A_1222, %dma_start3A_1223] : memref<20000x32x128xf32, #tpu.memory_space<any>> -> memref<1x32x128xf32, #tpu.memory_space<any>>
    %dma_start3A_1225 = tpu.memref_squeeze %dma_start3A_1224 : memref<1x32x128xf32, #tpu.memory_space<any>> -> memref<32x128xf32, #tpu.memory_space<any>>
    tpu.enqueue_dma source(%dma_start3A_1225 : memref<32x128xf32, #tpu.memory_space<any>>) target(%dma_start3A_1221 : memref<32x128xf32, #tpu.memory_space<any>>) target_semaphore(%arg3 : memref<!tpu.dma_semaphore, #tpu.memory_space<semaphore_mem>>)
    %dma_start3A_1226 = arith.constant 108 : i32
    %dma_start3A_1227 = arith.constant 0 : i32
    %dma_start3A_1228 = arith.constant 0 : i32
    %dma_start3A_1229 = tpu.memref_slice %arg2[%dma_start3A_1226, %dma_start3A_1227, %dma_start3A_1228] : memref<128x32x128xf32, #tpu.memory_space<any>> -> memref<1x32x128xf32, #tpu.memory_space<any>>
    %dma_start3A_1230 = tpu.memref_squeeze %dma_start3A_1229 : memref<1x32x128xf32, #tpu.memory_space<any>> -> memref<32x128xf32, #tpu.memory_space<any>>
    %dma_start3A_1231 = arith.constant 0 : i32
    %dma_start3A_1232 = arith.constant 0 : i32
    %dma_start3A_1233 = tpu.memref_slice %arg1[%get3A_216, %dma_start3A_1231, %dma_start3A_1232] : memref<20000x32x128xf32, #tpu.memory_space<any>> -> memref<1x32x128xf32, #tpu.memory_space<any>>
    %dma_start3A_1234 = tpu.memref_squeeze %dma_start3A_1233 : memref<1x32x128xf32, #tpu.memory_space<any>> -> memref<32x128xf32, #tpu.memory_space<any>>
    tpu.enqueue_dma source(%dma_start3A_1234 : memref<32x128xf32, #tpu.memory_space<any>>) target(%dma_start3A_1230 : memref<32x128xf32, #tpu.memory_space<any>>) target_semaphore(%arg3 : memref<!tpu.dma_semaphore, #tpu.memory_space<semaphore_mem>>)
    %dma_start3A_1235 = arith.constant 109 : i32
    %dma_start3A_1236 = arith.constant 0 : i32
    %dma_start3A_1237 = arith.constant 0 : i32
    %dma_start3A_1238 = tpu.memref_slice %arg2[%dma_start3A_1235, %dma_start3A_1236, %dma_start3A_1237] : memref<128x32x128xf32, #tpu.memory_space<any>> -> memref<1x32x128xf32, #tpu.memory_space<any>>
    %dma_start3A_1239 = tpu.memref_squeeze %dma_start3A_1238 : memref<1x32x128xf32, #tpu.memory_space<any>> -> memref<32x128xf32, #tpu.memory_space<any>>
    %dma_start3A_1240 = arith.constant 0 : i32
    %dma_start3A_1241 = arith.constant 0 : i32
    %dma_start3A_1242 = tpu.memref_slice %arg1[%get3A_218, %dma_start3A_1240, %dma_start3A_1241] : memref<20000x32x128xf32, #tpu.memory_space<any>> -> memref<1x32x128xf32, #tpu.memory_space<any>>
    %dma_start3A_1243 = tpu.memref_squeeze %dma_start3A_1242 : memref<1x32x128xf32, #tpu.memory_space<any>> -> memref<32x128xf32, #tpu.memory_space<any>>
    tpu.enqueue_dma source(%dma_start3A_1243 : memref<32x128xf32, #tpu.memory_space<any>>) target(%dma_start3A_1239 : memref<32x128xf32, #tpu.memory_space<any>>) target_semaphore(%arg3 : memref<!tpu.dma_semaphore, #tpu.memory_space<semaphore_mem>>)
    %dma_start3A_1244 = arith.constant 110 : i32
    %dma_start3A_1245 = arith.constant 0 : i32
    %dma_start3A_1246 = arith.constant 0 : i32
    %dma_start3A_1247 = tpu.memref_slice %arg2[%dma_start3A_1244, %dma_start3A_1245, %dma_start3A_1246] : memref<128x32x128xf32, #tpu.memory_space<any>> -> memref<1x32x128xf32, #tpu.memory_space<any>>
    %dma_start3A_1248 = tpu.memref_squeeze %dma_start3A_1247 : memref<1x32x128xf32, #tpu.memory_space<any>> -> memref<32x128xf32, #tpu.memory_space<any>>
    %dma_start3A_1249 = arith.constant 0 : i32
    %dma_start3A_1250 = arith.constant 0 : i32
    %dma_start3A_1251 = tpu.memref_slice %arg1[%get3A_220, %dma_start3A_1249, %dma_start3A_1250] : memref<20000x32x128xf32, #tpu.memory_space<any>> -> memref<1x32x128xf32, #tpu.memory_space<any>>
    %dma_start3A_1252 = tpu.memref_squeeze %dma_start3A_1251 : memref<1x32x128xf32, #tpu.memory_space<any>> -> memref<32x128xf32, #tpu.memory_space<any>>
    tpu.enqueue_dma source(%dma_start3A_1252 : memref<32x128xf32, #tpu.memory_space<any>>) target(%dma_start3A_1248 : memref<32x128xf32, #tpu.memory_space<any>>) target_semaphore(%arg3 : memref<!tpu.dma_semaphore, #tpu.memory_space<semaphore_mem>>)
    %dma_start3A_1253 = arith.constant 111 : i32
    %dma_start3A_1254 = arith.constant 0 : i32
    %dma_start3A_1255 = arith.constant 0 : i32
    %dma_start3A_1256 = tpu.memref_slice %arg2[%dma_start3A_1253, %dma_start3A_1254, %dma_start3A_1255] : memref<128x32x128xf32, #tpu.memory_space<any>> -> memref<1x32x128xf32, #tpu.memory_space<any>>
    %dma_start3A_1257 = tpu.memref_squeeze %dma_start3A_1256 : memref<1x32x128xf32, #tpu.memory_space<any>> -> memref<32x128xf32, #tpu.memory_space<any>>
    %dma_start3A_1258 = arith.constant 0 : i32
    %dma_start3A_1259 = arith.constant 0 : i32
    %dma_start3A_1260 = tpu.memref_slice %arg1[%get3A_222, %dma_start3A_1258, %dma_start3A_1259] : memref<20000x32x128xf32, #tpu.memory_space<any>> -> memref<1x32x128xf32, #tpu.memory_space<any>>
    %dma_start3A_1261 = tpu.memref_squeeze %dma_start3A_1260 : memref<1x32x128xf32, #tpu.memory_space<any>> -> memref<32x128xf32, #tpu.memory_space<any>>
    tpu.enqueue_dma source(%dma_start3A_1261 : memref<32x128xf32, #tpu.memory_space<any>>) target(%dma_start3A_1257 : memref<32x128xf32, #tpu.memory_space<any>>) target_semaphore(%arg3 : memref<!tpu.dma_semaphore, #tpu.memory_space<semaphore_mem>>)
    %dma_start3A_1262 = arith.constant 112 : i32
    %dma_start3A_1263 = arith.constant 0 : i32
    %dma_start3A_1264 = arith.constant 0 : i32
    %dma_start3A_1265 = tpu.memref_slice %arg2[%dma_start3A_1262, %dma_start3A_1263, %dma_start3A_1264] : memref<128x32x128xf32, #tpu.memory_space<any>> -> memref<1x32x128xf32, #tpu.memory_space<any>>
    %dma_start3A_1266 = tpu.memref_squeeze %dma_start3A_1265 : memref<1x32x128xf32, #tpu.memory_space<any>> -> memref<32x128xf32, #tpu.memory_space<any>>
    %dma_start3A_1267 = arith.constant 0 : i32
    %dma_start3A_1268 = arith.constant 0 : i32
    %dma_start3A_1269 = tpu.memref_slice %arg1[%get3A_224, %dma_start3A_1267, %dma_start3A_1268] : memref<20000x32x128xf32, #tpu.memory_space<any>> -> memref<1x32x128xf32, #tpu.memory_space<any>>
    %dma_start3A_1270 = tpu.memref_squeeze %dma_start3A_1269 : memref<1x32x128xf32, #tpu.memory_space<any>> -> memref<32x128xf32, #tpu.memory_space<any>>
    tpu.enqueue_dma source(%dma_start3A_1270 : memref<32x128xf32, #tpu.memory_space<any>>) target(%dma_start3A_1266 : memref<32x128xf32, #tpu.memory_space<any>>) target_semaphore(%arg3 : memref<!tpu.dma_semaphore, #tpu.memory_space<semaphore_mem>>)
    %dma_start3A_1271 = arith.constant 113 : i32
    %dma_start3A_1272 = arith.constant 0 : i32
    %dma_start3A_1273 = arith.constant 0 : i32
    %dma_start3A_1274 = tpu.memref_slice %arg2[%dma_start3A_1271, %dma_start3A_1272, %dma_start3A_1273] : memref<128x32x128xf32, #tpu.memory_space<any>> -> memref<1x32x128xf32, #tpu.memory_space<any>>
    %dma_start3A_1275 = tpu.memref_squeeze %dma_start3A_1274 : memref<1x32x128xf32, #tpu.memory_space<any>> -> memref<32x128xf32, #tpu.memory_space<any>>
    %dma_start3A_1276 = arith.constant 0 : i32
    %dma_start3A_1277 = arith.constant 0 : i32
    %dma_start3A_1278 = tpu.memref_slice %arg1[%get3A_226, %dma_start3A_1276, %dma_start3A_1277] : memref<20000x32x128xf32, #tpu.memory_space<any>> -> memref<1x32x128xf32, #tpu.memory_space<any>>
    %dma_start3A_1279 = tpu.memref_squeeze %dma_start3A_1278 : memref<1x32x128xf32, #tpu.memory_space<any>> -> memref<32x128xf32, #tpu.memory_space<any>>
    tpu.enqueue_dma source(%dma_start3A_1279 : memref<32x128xf32, #tpu.memory_space<any>>) target(%dma_start3A_1275 : memref<32x128xf32, #tpu.memory_space<any>>) target_semaphore(%arg3 : memref<!tpu.dma_semaphore, #tpu.memory_space<semaphore_mem>>)
    %dma_start3A_1280 = arith.constant 114 : i32
    %dma_start3A_1281 = arith.constant 0 : i32
    %dma_start3A_1282 = arith.constant 0 : i32
    %dma_start3A_1283 = tpu.memref_slice %arg2[%dma_start3A_1280, %dma_start3A_1281, %dma_start3A_1282] : memref<128x32x128xf32, #tpu.memory_space<any>> -> memref<1x32x128xf32, #tpu.memory_space<any>>
    %dma_start3A_1284 = tpu.memref_squeeze %dma_start3A_1283 : memref<1x32x128xf32, #tpu.memory_space<any>> -> memref<32x128xf32, #tpu.memory_space<any>>
    %dma_start3A_1285 = arith.constant 0 : i32
    %dma_start3A_1286 = arith.constant 0 : i32
    %dma_start3A_1287 = tpu.memref_slice %arg1[%get3A_228, %dma_start3A_1285, %dma_start3A_1286] : memref<20000x32x128xf32, #tpu.memory_space<any>> -> memref<1x32x128xf32, #tpu.memory_space<any>>
    %dma_start3A_1288 = tpu.memref_squeeze %dma_start3A_1287 : memref<1x32x128xf32, #tpu.memory_space<any>> -> memref<32x128xf32, #tpu.memory_space<any>>
    tpu.enqueue_dma source(%dma_start3A_1288 : memref<32x128xf32, #tpu.memory_space<any>>) target(%dma_start3A_1284 : memref<32x128xf32, #tpu.memory_space<any>>) target_semaphore(%arg3 : memref<!tpu.dma_semaphore, #tpu.memory_space<semaphore_mem>>)
    %dma_start3A_1289 = arith.constant 115 : i32
    %dma_start3A_1290 = arith.constant 0 : i32
    %dma_start3A_1291 = arith.constant 0 : i32
    %dma_start3A_1292 = tpu.memref_slice %arg2[%dma_start3A_1289, %dma_start3A_1290, %dma_start3A_1291] : memref<128x32x128xf32, #tpu.memory_space<any>> -> memref<1x32x128xf32, #tpu.memory_space<any>>
    %dma_start3A_1293 = tpu.memref_squeeze %dma_start3A_1292 : memref<1x32x128xf32, #tpu.memory_space<any>> -> memref<32x128xf32, #tpu.memory_space<any>>
    %dma_start3A_1294 = arith.constant 0 : i32
    %dma_start3A_1295 = arith.constant 0 : i32
    %dma_start3A_1296 = tpu.memref_slice %arg1[%get3A_230, %dma_start3A_1294, %dma_start3A_1295] : memref<20000x32x128xf32, #tpu.memory_space<any>> -> memref<1x32x128xf32, #tpu.memory_space<any>>
    %dma_start3A_1297 = tpu.memref_squeeze %dma_start3A_1296 : memref<1x32x128xf32, #tpu.memory_space<any>> -> memref<32x128xf32, #tpu.memory_space<any>>
    tpu.enqueue_dma source(%dma_start3A_1297 : memref<32x128xf32, #tpu.memory_space<any>>) target(%dma_start3A_1293 : memref<32x128xf32, #tpu.memory_space<any>>) target_semaphore(%arg3 : memref<!tpu.dma_semaphore, #tpu.memory_space<semaphore_mem>>)
    %dma_start3A_1298 = arith.constant 116 : i32
    %dma_start3A_1299 = arith.constant 0 : i32
    %dma_start3A_1300 = arith.constant 0 : i32
    %dma_start3A_1301 = tpu.memref_slice %arg2[%dma_start3A_1298, %dma_start3A_1299, %dma_start3A_1300] : memref<128x32x128xf32, #tpu.memory_space<any>> -> memref<1x32x128xf32, #tpu.memory_space<any>>
    %dma_start3A_1302 = tpu.memref_squeeze %dma_start3A_1301 : memref<1x32x128xf32, #tpu.memory_space<any>> -> memref<32x128xf32, #tpu.memory_space<any>>
    %dma_start3A_1303 = arith.constant 0 : i32
    %dma_start3A_1304 = arith.constant 0 : i32
    %dma_start3A_1305 = tpu.memref_slice %arg1[%get3A_232, %dma_start3A_1303, %dma_start3A_1304] : memref<20000x32x128xf32, #tpu.memory_space<any>> -> memref<1x32x128xf32, #tpu.memory_space<any>>
    %dma_start3A_1306 = tpu.memref_squeeze %dma_start3A_1305 : memref<1x32x128xf32, #tpu.memory_space<any>> -> memref<32x128xf32, #tpu.memory_space<any>>
    tpu.enqueue_dma source(%dma_start3A_1306 : memref<32x128xf32, #tpu.memory_space<any>>) target(%dma_start3A_1302 : memref<32x128xf32, #tpu.memory_space<any>>) target_semaphore(%arg3 : memref<!tpu.dma_semaphore, #tpu.memory_space<semaphore_mem>>)
    %dma_start3A_1307 = arith.constant 117 : i32
    %dma_start3A_1308 = arith.constant 0 : i32
    %dma_start3A_1309 = arith.constant 0 : i32
    %dma_start3A_1310 = tpu.memref_slice %arg2[%dma_start3A_1307, %dma_start3A_1308, %dma_start3A_1309] : memref<128x32x128xf32, #tpu.memory_space<any>> -> memref<1x32x128xf32, #tpu.memory_space<any>>
    %dma_start3A_1311 = tpu.memref_squeeze %dma_start3A_1310 : memref<1x32x128xf32, #tpu.memory_space<any>> -> memref<32x128xf32, #tpu.memory_space<any>>
    %dma_start3A_1312 = arith.constant 0 : i32
    %dma_start3A_1313 = arith.constant 0 : i32
    %dma_start3A_1314 = tpu.memref_slice %arg1[%get3A_234, %dma_start3A_1312, %dma_start3A_1313] : memref<20000x32x128xf32, #tpu.memory_space<any>> -> memref<1x32x128xf32, #tpu.memory_space<any>>
    %dma_start3A_1315 = tpu.memref_squeeze %dma_start3A_1314 : memref<1x32x128xf32, #tpu.memory_space<any>> -> memref<32x128xf32, #tpu.memory_space<any>>
    tpu.enqueue_dma source(%dma_start3A_1315 : memref<32x128xf32, #tpu.memory_space<any>>) target(%dma_start3A_1311 : memref<32x128xf32, #tpu.memory_space<any>>) target_semaphore(%arg3 : memref<!tpu.dma_semaphore, #tpu.memory_space<semaphore_mem>>)
    %dma_start3A_1316 = arith.constant 118 : i32
    %dma_start3A_1317 = arith.constant 0 : i32
    %dma_start3A_1318 = arith.constant 0 : i32
    %dma_start3A_1319 = tpu.memref_slice %arg2[%dma_start3A_1316, %dma_start3A_1317, %dma_start3A_1318] : memref<128x32x128xf32, #tpu.memory_space<any>> -> memref<1x32x128xf32, #tpu.memory_space<any>>
    %dma_start3A_1320 = tpu.memref_squeeze %dma_start3A_1319 : memref<1x32x128xf32, #tpu.memory_space<any>> -> memref<32x128xf32, #tpu.memory_space<any>>
    %dma_start3A_1321 = arith.constant 0 : i32
    %dma_start3A_1322 = arith.constant 0 : i32
    %dma_start3A_1323 = tpu.memref_slice %arg1[%get3A_236, %dma_start3A_1321, %dma_start3A_1322] : memref<20000x32x128xf32, #tpu.memory_space<any>> -> memref<1x32x128xf32, #tpu.memory_space<any>>
    %dma_start3A_1324 = tpu.memref_squeeze %dma_start3A_1323 : memref<1x32x128xf32, #tpu.memory_space<any>> -> memref<32x128xf32, #tpu.memory_space<any>>
    tpu.enqueue_dma source(%dma_start3A_1324 : memref<32x128xf32, #tpu.memory_space<any>>) target(%dma_start3A_1320 : memref<32x128xf32, #tpu.memory_space<any>>) target_semaphore(%arg3 : memref<!tpu.dma_semaphore, #tpu.memory_space<semaphore_mem>>)
    %dma_start3A_1325 = arith.constant 119 : i32
    %dma_start3A_1326 = arith.constant 0 : i32
    %dma_start3A_1327 = arith.constant 0 : i32
    %dma_start3A_1328 = tpu.memref_slice %arg2[%dma_start3A_1325, %dma_start3A_1326, %dma_start3A_1327] : memref<128x32x128xf32, #tpu.memory_space<any>> -> memref<1x32x128xf32, #tpu.memory_space<any>>
    %dma_start3A_1329 = tpu.memref_squeeze %dma_start3A_1328 : memref<1x32x128xf32, #tpu.memory_space<any>> -> memref<32x128xf32, #tpu.memory_space<any>>
    %dma_start3A_1330 = arith.constant 0 : i32
    %dma_start3A_1331 = arith.constant 0 : i32
    %dma_start3A_1332 = tpu.memref_slice %arg1[%get3A_238, %dma_start3A_1330, %dma_start3A_1331] : memref<20000x32x128xf32, #tpu.memory_space<any>> -> memref<1x32x128xf32, #tpu.memory_space<any>>
    %dma_start3A_1333 = tpu.memref_squeeze %dma_start3A_1332 : memref<1x32x128xf32, #tpu.memory_space<any>> -> memref<32x128xf32, #tpu.memory_space<any>>
    tpu.enqueue_dma source(%dma_start3A_1333 : memref<32x128xf32, #tpu.memory_space<any>>) target(%dma_start3A_1329 : memref<32x128xf32, #tpu.memory_space<any>>) target_semaphore(%arg3 : memref<!tpu.dma_semaphore, #tpu.memory_space<semaphore_mem>>)
    %dma_start3A_1334 = arith.constant 120 : i32
    %dma_start3A_1335 = arith.constant 0 : i32
    %dma_start3A_1336 = arith.constant 0 : i32
    %dma_start3A_1337 = tpu.memref_slice %arg2[%dma_start3A_1334, %dma_start3A_1335, %dma_start3A_1336] : memref<128x32x128xf32, #tpu.memory_space<any>> -> memref<1x32x128xf32, #tpu.memory_space<any>>
    %dma_start3A_1338 = tpu.memref_squeeze %dma_start3A_1337 : memref<1x32x128xf32, #tpu.memory_space<any>> -> memref<32x128xf32, #tpu.memory_space<any>>
    %dma_start3A_1339 = arith.constant 0 : i32
    %dma_start3A_1340 = arith.constant 0 : i32
    %dma_start3A_1341 = tpu.memref_slice %arg1[%get3A_240, %dma_start3A_1339, %dma_start3A_1340] : memref<20000x32x128xf32, #tpu.memory_space<any>> -> memref<1x32x128xf32, #tpu.memory_space<any>>
    %dma_start3A_1342 = tpu.memref_squeeze %dma_start3A_1341 : memref<1x32x128xf32, #tpu.memory_space<any>> -> memref<32x128xf32, #tpu.memory_space<any>>
    tpu.enqueue_dma source(%dma_start3A_1342 : memref<32x128xf32, #tpu.memory_space<any>>) target(%dma_start3A_1338 : memref<32x128xf32, #tpu.memory_space<any>>) target_semaphore(%arg3 : memref<!tpu.dma_semaphore, #tpu.memory_space<semaphore_mem>>)
    %dma_start3A_1343 = arith.constant 121 : i32
    %dma_start3A_1344 = arith.constant 0 : i32
    %dma_start3A_1345 = arith.constant 0 : i32
    %dma_start3A_1346 = tpu.memref_slice %arg2[%dma_start3A_1343, %dma_start3A_1344, %dma_start3A_1345] : memref<128x32x128xf32, #tpu.memory_space<any>> -> memref<1x32x128xf32, #tpu.memory_space<any>>
    %dma_start3A_1347 = tpu.memref_squeeze %dma_start3A_1346 : memref<1x32x128xf32, #tpu.memory_space<any>> -> memref<32x128xf32, #tpu.memory_space<any>>
    %dma_start3A_1348 = arith.constant 0 : i32
    %dma_start3A_1349 = arith.constant 0 : i32
    %dma_start3A_1350 = tpu.memref_slice %arg1[%get3A_242, %dma_start3A_1348, %dma_start3A_1349] : memref<20000x32x128xf32, #tpu.memory_space<any>> -> memref<1x32x128xf32, #tpu.memory_space<any>>
    %dma_start3A_1351 = tpu.memref_squeeze %dma_start3A_1350 : memref<1x32x128xf32, #tpu.memory_space<any>> -> memref<32x128xf32, #tpu.memory_space<any>>
    tpu.enqueue_dma source(%dma_start3A_1351 : memref<32x128xf32, #tpu.memory_space<any>>) target(%dma_start3A_1347 : memref<32x128xf32, #tpu.memory_space<any>>) target_semaphore(%arg3 : memref<!tpu.dma_semaphore, #tpu.memory_space<semaphore_mem>>)
    %dma_start3A_1352 = arith.constant 122 : i32
    %dma_start3A_1353 = arith.constant 0 : i32
    %dma_start3A_1354 = arith.constant 0 : i32
    %dma_start3A_1355 = tpu.memref_slice %arg2[%dma_start3A_1352, %dma_start3A_1353, %dma_start3A_1354] : memref<128x32x128xf32, #tpu.memory_space<any>> -> memref<1x32x128xf32, #tpu.memory_space<any>>
    %dma_start3A_1356 = tpu.memref_squeeze %dma_start3A_1355 : memref<1x32x128xf32, #tpu.memory_space<any>> -> memref<32x128xf32, #tpu.memory_space<any>>
    %dma_start3A_1357 = arith.constant 0 : i32
    %dma_start3A_1358 = arith.constant 0 : i32
    %dma_start3A_1359 = tpu.memref_slice %arg1[%get3A_244, %dma_start3A_1357, %dma_start3A_1358] : memref<20000x32x128xf32, #tpu.memory_space<any>> -> memref<1x32x128xf32, #tpu.memory_space<any>>
    %dma_start3A_1360 = tpu.memref_squeeze %dma_start3A_1359 : memref<1x32x128xf32, #tpu.memory_space<any>> -> memref<32x128xf32, #tpu.memory_space<any>>
    tpu.enqueue_dma source(%dma_start3A_1360 : memref<32x128xf32, #tpu.memory_space<any>>) target(%dma_start3A_1356 : memref<32x128xf32, #tpu.memory_space<any>>) target_semaphore(%arg3 : memref<!tpu.dma_semaphore, #tpu.memory_space<semaphore_mem>>)
    %dma_start3A_1361 = arith.constant 123 : i32
    %dma_start3A_1362 = arith.constant 0 : i32
    %dma_start3A_1363 = arith.constant 0 : i32
    %dma_start3A_1364 = tpu.memref_slice %arg2[%dma_start3A_1361, %dma_start3A_1362, %dma_start3A_1363] : memref<128x32x128xf32, #tpu.memory_space<any>> -> memref<1x32x128xf32, #tpu.memory_space<any>>
    %dma_start3A_1365 = tpu.memref_squeeze %dma_start3A_1364 : memref<1x32x128xf32, #tpu.memory_space<any>> -> memref<32x128xf32, #tpu.memory_space<any>>
    %dma_start3A_1366 = arith.constant 0 : i32
    %dma_start3A_1367 = arith.constant 0 : i32
    %dma_start3A_1368 = tpu.memref_slice %arg1[%get3A_246, %dma_start3A_1366, %dma_start3A_1367] : memref<20000x32x128xf32, #tpu.memory_space<any>> -> memref<1x32x128xf32, #tpu.memory_space<any>>
    %dma_start3A_1369 = tpu.memref_squeeze %dma_start3A_1368 : memref<1x32x128xf32, #tpu.memory_space<any>> -> memref<32x128xf32, #tpu.memory_space<any>>
    tpu.enqueue_dma source(%dma_start3A_1369 : memref<32x128xf32, #tpu.memory_space<any>>) target(%dma_start3A_1365 : memref<32x128xf32, #tpu.memory_space<any>>) target_semaphore(%arg3 : memref<!tpu.dma_semaphore, #tpu.memory_space<semaphore_mem>>)
    %dma_start3A_1370 = arith.constant 124 : i32
    %dma_start3A_1371 = arith.constant 0 : i32
    %dma_start3A_1372 = arith.constant 0 : i32
    %dma_start3A_1373 = tpu.memref_slice %arg2[%dma_start3A_1370, %dma_start3A_1371, %dma_start3A_1372] : memref<128x32x128xf32, #tpu.memory_space<any>> -> memref<1x32x128xf32, #tpu.memory_space<any>>
    %dma_start3A_1374 = tpu.memref_squeeze %dma_start3A_1373 : memref<1x32x128xf32, #tpu.memory_space<any>> -> memref<32x128xf32, #tpu.memory_space<any>>
    %dma_start3A_1375 = arith.constant 0 : i32
    %dma_start3A_1376 = arith.constant 0 : i32
    %dma_start3A_1377 = tpu.memref_slice %arg1[%get3A_248, %dma_start3A_1375, %dma_start3A_1376] : memref<20000x32x128xf32, #tpu.memory_space<any>> -> memref<1x32x128xf32, #tpu.memory_space<any>>
    %dma_start3A_1378 = tpu.memref_squeeze %dma_start3A_1377 : memref<1x32x128xf32, #tpu.memory_space<any>> -> memref<32x128xf32, #tpu.memory_space<any>>
    tpu.enqueue_dma source(%dma_start3A_1378 : memref<32x128xf32, #tpu.memory_space<any>>) target(%dma_start3A_1374 : memref<32x128xf32, #tpu.memory_space<any>>) target_semaphore(%arg3 : memref<!tpu.dma_semaphore, #tpu.memory_space<semaphore_mem>>)
    %dma_start3A_1379 = arith.constant 125 : i32
    %dma_start3A_1380 = arith.constant 0 : i32
    %dma_start3A_1381 = arith.constant 0 : i32
    %dma_start3A_1382 = tpu.memref_slice %arg2[%dma_start3A_1379, %dma_start3A_1380, %dma_start3A_1381] : memref<128x32x128xf32, #tpu.memory_space<any>> -> memref<1x32x128xf32, #tpu.memory_space<any>>
    %dma_start3A_1383 = tpu.memref_squeeze %dma_start3A_1382 : memref<1x32x128xf32, #tpu.memory_space<any>> -> memref<32x128xf32, #tpu.memory_space<any>>
    %dma_start3A_1384 = arith.constant 0 : i32
    %dma_start3A_1385 = arith.constant 0 : i32
    %dma_start3A_1386 = tpu.memref_slice %arg1[%get3A_250, %dma_start3A_1384, %dma_start3A_1385] : memref<20000x32x128xf32, #tpu.memory_space<any>> -> memref<1x32x128xf32, #tpu.memory_space<any>>
    %dma_start3A_1387 = tpu.memref_squeeze %dma_start3A_1386 : memref<1x32x128xf32, #tpu.memory_space<any>> -> memref<32x128xf32, #tpu.memory_space<any>>
    tpu.enqueue_dma source(%dma_start3A_1387 : memref<32x128xf32, #tpu.memory_space<any>>) target(%dma_start3A_1383 : memref<32x128xf32, #tpu.memory_space<any>>) target_semaphore(%arg3 : memref<!tpu.dma_semaphore, #tpu.memory_space<semaphore_mem>>)
    %dma_start3A_1388 = arith.constant 126 : i32
    %dma_start3A_1389 = arith.constant 0 : i32
    %dma_start3A_1390 = arith.constant 0 : i32
    %dma_start3A_1391 = tpu.memref_slice %arg2[%dma_start3A_1388, %dma_start3A_1389, %dma_start3A_1390] : memref<128x32x128xf32, #tpu.memory_space<any>> -> memref<1x32x128xf32, #tpu.memory_space<any>>
    %dma_start3A_1392 = tpu.memref_squeeze %dma_start3A_1391 : memref<1x32x128xf32, #tpu.memory_space<any>> -> memref<32x128xf32, #tpu.memory_space<any>>
    %dma_start3A_1393 = arith.constant 0 : i32
    %dma_start3A_1394 = arith.constant 0 : i32
    %dma_start3A_1395 = tpu.memref_slice %arg1[%get3A_252, %dma_start3A_1393, %dma_start3A_1394] : memref<20000x32x128xf32, #tpu.memory_space<any>> -> memref<1x32x128xf32, #tpu.memory_space<any>>
    %dma_start3A_1396 = tpu.memref_squeeze %dma_start3A_1395 : memref<1x32x128xf32, #tpu.memory_space<any>> -> memref<32x128xf32, #tpu.memory_space<any>>
    tpu.enqueue_dma source(%dma_start3A_1396 : memref<32x128xf32, #tpu.memory_space<any>>) target(%dma_start3A_1392 : memref<32x128xf32, #tpu.memory_space<any>>) target_semaphore(%arg3 : memref<!tpu.dma_semaphore, #tpu.memory_space<semaphore_mem>>)
    %dma_start3A_1397 = arith.constant 127 : i32
    %dma_start3A_1398 = arith.constant 0 : i32
    %dma_start3A_1399 = arith.constant 0 : i32
    %dma_start3A_1400 = tpu.memref_slice %arg2[%dma_start3A_1397, %dma_start3A_1398, %dma_start3A_1399] : memref<128x32x128xf32, #tpu.memory_space<any>> -> memref<1x32x128xf32, #tpu.memory_space<any>>
    %dma_start3A_1401 = tpu.memref_squeeze %dma_start3A_1400 : memref<1x32x128xf32, #tpu.memory_space<any>> -> memref<32x128xf32, #tpu.memory_space<any>>
    %dma_start3A_1402 = arith.constant 0 : i32
    %dma_start3A_1403 = arith.constant 0 : i32
    %dma_start3A_1404 = tpu.memref_slice %arg1[%get3A_254, %dma_start3A_1402, %dma_start3A_1403] : memref<20000x32x128xf32, #tpu.memory_space<any>> -> memref<1x32x128xf32, #tpu.memory_space<any>>
    %dma_start3A_1405 = tpu.memref_squeeze %dma_start3A_1404 : memref<1x32x128xf32, #tpu.memory_space<any>> -> memref<32x128xf32, #tpu.memory_space<any>>
    tpu.enqueue_dma source(%dma_start3A_1405 : memref<32x128xf32, #tpu.memory_space<any>>) target(%dma_start3A_1401 : memref<32x128xf32, #tpu.memory_space<any>>) target_semaphore(%arg3 : memref<!tpu.dma_semaphore, #tpu.memory_space<semaphore_mem>>)
    %dma_wait3A = arith.constant 0 : i32
    %dma_wait3A_1406 = arith.constant 0 : i32
    %dma_wait3A_1407 = arith.constant 0 : i32
    %dma_wait3A_1408 = tpu.memref_slice %arg2[%dma_wait3A, %dma_wait3A_1406, %dma_wait3A_1407] : memref<128x32x128xf32, #tpu.memory_space<any>> -> memref<1x32x128xf32, #tpu.memory_space<any>>
    %dma_wait3A_1409 = tpu.memref_squeeze %dma_wait3A_1408 : memref<1x32x128xf32, #tpu.memory_space<any>> -> memref<32x128xf32, #tpu.memory_space<any>>
    %dma_wait3A_1410 = arith.constant 0 : i32
    %dma_wait3A_1411 = arith.constant 0 : i32
    %dma_wait3A_1412 = tpu.memref_slice %arg1[%get3A_0, %dma_wait3A_1410, %dma_wait3A_1411] : memref<20000x32x128xf32, #tpu.memory_space<any>> -> memref<1x32x128xf32, #tpu.memory_space<any>>
    %dma_wait3A_1413 = tpu.memref_squeeze %dma_wait3A_1412 : memref<1x32x128xf32, #tpu.memory_space<any>> -> memref<32x128xf32, #tpu.memory_space<any>>
    tpu.wait_dma2 semaphore(%arg3 : memref<!tpu.dma_semaphore, #tpu.memory_space<semaphore_mem>>) src(%dma_wait3A_1413 : memref<32x128xf32, #tpu.memory_space<any>>) dst(%dma_wait3A_1409 : memref<32x128xf32, #tpu.memory_space<any>>)
    %dma_wait3A_1414 = arith.constant 1 : i32
    %dma_wait3A_1415 = arith.constant 0 : i32
    %dma_wait3A_1416 = arith.constant 0 : i32
    %dma_wait3A_1417 = tpu.memref_slice %arg2[%dma_wait3A_1414, %dma_wait3A_1415, %dma_wait3A_1416] : memref<128x32x128xf32, #tpu.memory_space<any>> -> memref<1x32x128xf32, #tpu.memory_space<any>>
    %dma_wait3A_1418 = tpu.memref_squeeze %dma_wait3A_1417 : memref<1x32x128xf32, #tpu.memory_space<any>> -> memref<32x128xf32, #tpu.memory_space<any>>
    %dma_wait3A_1419 = arith.constant 0 : i32
    %dma_wait3A_1420 = arith.constant 0 : i32
    %dma_wait3A_1421 = tpu.memref_slice %arg1[%get3A_2, %dma_wait3A_1419, %dma_wait3A_1420] : memref<20000x32x128xf32, #tpu.memory_space<any>> -> memref<1x32x128xf32, #tpu.memory_space<any>>
    %dma_wait3A_1422 = tpu.memref_squeeze %dma_wait3A_1421 : memref<1x32x128xf32, #tpu.memory_space<any>> -> memref<32x128xf32, #tpu.memory_space<any>>
    tpu.wait_dma2 semaphore(%arg3 : memref<!tpu.dma_semaphore, #tpu.memory_space<semaphore_mem>>) src(%dma_wait3A_1422 : memref<32x128xf32, #tpu.memory_space<any>>) dst(%dma_wait3A_1418 : memref<32x128xf32, #tpu.memory_space<any>>)
    %dma_wait3A_1423 = arith.constant 2 : i32
    %dma_wait3A_1424 = arith.constant 0 : i32
    %dma_wait3A_1425 = arith.constant 0 : i32
    %dma_wait3A_1426 = tpu.memref_slice %arg2[%dma_wait3A_1423, %dma_wait3A_1424, %dma_wait3A_1425] : memref<128x32x128xf32, #tpu.memory_space<any>> -> memref<1x32x128xf32, #tpu.memory_space<any>>
    %dma_wait3A_1427 = tpu.memref_squeeze %dma_wait3A_1426 : memref<1x32x128xf32, #tpu.memory_space<any>> -> memref<32x128xf32, #tpu.memory_space<any>>
    %dma_wait3A_1428 = arith.constant 0 : i32
    %dma_wait3A_1429 = arith.constant 0 : i32
    %dma_wait3A_1430 = tpu.memref_slice %arg1[%get3A_4, %dma_wait3A_1428, %dma_wait3A_1429] : memref<20000x32x128xf32, #tpu.memory_space<any>> -> memref<1x32x128xf32, #tpu.memory_space<any>>
    %dma_wait3A_1431 = tpu.memref_squeeze %dma_wait3A_1430 : memref<1x32x128xf32, #tpu.memory_space<any>> -> memref<32x128xf32, #tpu.memory_space<any>>
    tpu.wait_dma2 semaphore(%arg3 : memref<!tpu.dma_semaphore, #tpu.memory_space<semaphore_mem>>) src(%dma_wait3A_1431 : memref<32x128xf32, #tpu.memory_space<any>>) dst(%dma_wait3A_1427 : memref<32x128xf32, #tpu.memory_space<any>>)
    %dma_wait3A_1432 = arith.constant 3 : i32
    %dma_wait3A_1433 = arith.constant 0 : i32
    %dma_wait3A_1434 = arith.constant 0 : i32
    %dma_wait3A_1435 = tpu.memref_slice %arg2[%dma_wait3A_1432, %dma_wait3A_1433, %dma_wait3A_1434] : memref<128x32x128xf32, #tpu.memory_space<any>> -> memref<1x32x128xf32, #tpu.memory_space<any>>
    %dma_wait3A_1436 = tpu.memref_squeeze %dma_wait3A_1435 : memref<1x32x128xf32, #tpu.memory_space<any>> -> memref<32x128xf32, #tpu.memory_space<any>>
    %dma_wait3A_1437 = arith.constant 0 : i32
    %dma_wait3A_1438 = arith.constant 0 : i32
    %dma_wait3A_1439 = tpu.memref_slice %arg1[%get3A_6, %dma_wait3A_1437, %dma_wait3A_1438] : memref<20000x32x128xf32, #tpu.memory_space<any>> -> memref<1x32x128xf32, #tpu.memory_space<any>>
    %dma_wait3A_1440 = tpu.memref_squeeze %dma_wait3A_1439 : memref<1x32x128xf32, #tpu.memory_space<any>> -> memref<32x128xf32, #tpu.memory_space<any>>
    tpu.wait_dma2 semaphore(%arg3 : memref<!tpu.dma_semaphore, #tpu.memory_space<semaphore_mem>>) src(%dma_wait3A_1440 : memref<32x128xf32, #tpu.memory_space<any>>) dst(%dma_wait3A_1436 : memref<32x128xf32, #tpu.memory_space<any>>)
    %dma_wait3A_1441 = arith.constant 4 : i32
    %dma_wait3A_1442 = arith.constant 0 : i32
    %dma_wait3A_1443 = arith.constant 0 : i32
    %dma_wait3A_1444 = tpu.memref_slice %arg2[%dma_wait3A_1441, %dma_wait3A_1442, %dma_wait3A_1443] : memref<128x32x128xf32, #tpu.memory_space<any>> -> memref<1x32x128xf32, #tpu.memory_space<any>>
    %dma_wait3A_1445 = tpu.memref_squeeze %dma_wait3A_1444 : memref<1x32x128xf32, #tpu.memory_space<any>> -> memref<32x128xf32, #tpu.memory_space<any>>
    %dma_wait3A_1446 = arith.constant 0 : i32
    %dma_wait3A_1447 = arith.constant 0 : i32
    %dma_wait3A_1448 = tpu.memref_slice %arg1[%get3A_8, %dma_wait3A_1446, %dma_wait3A_1447] : memref<20000x32x128xf32, #tpu.memory_space<any>> -> memref<1x32x128xf32, #tpu.memory_space<any>>
    %dma_wait3A_1449 = tpu.memref_squeeze %dma_wait3A_1448 : memref<1x32x128xf32, #tpu.memory_space<any>> -> memref<32x128xf32, #tpu.memory_space<any>>
    tpu.wait_dma2 semaphore(%arg3 : memref<!tpu.dma_semaphore, #tpu.memory_space<semaphore_mem>>) src(%dma_wait3A_1449 : memref<32x128xf32, #tpu.memory_space<any>>) dst(%dma_wait3A_1445 : memref<32x128xf32, #tpu.memory_space<any>>)
    %dma_wait3A_1450 = arith.constant 5 : i32
    %dma_wait3A_1451 = arith.constant 0 : i32
    %dma_wait3A_1452 = arith.constant 0 : i32
    %dma_wait3A_1453 = tpu.memref_slice %arg2[%dma_wait3A_1450, %dma_wait3A_1451, %dma_wait3A_1452] : memref<128x32x128xf32, #tpu.memory_space<any>> -> memref<1x32x128xf32, #tpu.memory_space<any>>
    %dma_wait3A_1454 = tpu.memref_squeeze %dma_wait3A_1453 : memref<1x32x128xf32, #tpu.memory_space<any>> -> memref<32x128xf32, #tpu.memory_space<any>>
    %dma_wait3A_1455 = arith.constant 0 : i32
    %dma_wait3A_1456 = arith.constant 0 : i32
    %dma_wait3A_1457 = tpu.memref_slice %arg1[%get3A_10, %dma_wait3A_1455, %dma_wait3A_1456] : memref<20000x32x128xf32, #tpu.memory_space<any>> -> memref<1x32x128xf32, #tpu.memory_space<any>>
    %dma_wait3A_1458 = tpu.memref_squeeze %dma_wait3A_1457 : memref<1x32x128xf32, #tpu.memory_space<any>> -> memref<32x128xf32, #tpu.memory_space<any>>
    tpu.wait_dma2 semaphore(%arg3 : memref<!tpu.dma_semaphore, #tpu.memory_space<semaphore_mem>>) src(%dma_wait3A_1458 : memref<32x128xf32, #tpu.memory_space<any>>) dst(%dma_wait3A_1454 : memref<32x128xf32, #tpu.memory_space<any>>)
    %dma_wait3A_1459 = arith.constant 6 : i32
    %dma_wait3A_1460 = arith.constant 0 : i32
    %dma_wait3A_1461 = arith.constant 0 : i32
    %dma_wait3A_1462 = tpu.memref_slice %arg2[%dma_wait3A_1459, %dma_wait3A_1460, %dma_wait3A_1461] : memref<128x32x128xf32, #tpu.memory_space<any>> -> memref<1x32x128xf32, #tpu.memory_space<any>>
    %dma_wait3A_1463 = tpu.memref_squeeze %dma_wait3A_1462 : memref<1x32x128xf32, #tpu.memory_space<any>> -> memref<32x128xf32, #tpu.memory_space<any>>
    %dma_wait3A_1464 = arith.constant 0 : i32
    %dma_wait3A_1465 = arith.constant 0 : i32
    %dma_wait3A_1466 = tpu.memref_slice %arg1[%get3A_12, %dma_wait3A_1464, %dma_wait3A_1465] : memref<20000x32x128xf32, #tpu.memory_space<any>> -> memref<1x32x128xf32, #tpu.memory_space<any>>
    %dma_wait3A_1467 = tpu.memref_squeeze %dma_wait3A_1466 : memref<1x32x128xf32, #tpu.memory_space<any>> -> memref<32x128xf32, #tpu.memory_space<any>>
    tpu.wait_dma2 semaphore(%arg3 : memref<!tpu.dma_semaphore, #tpu.memory_space<semaphore_mem>>) src(%dma_wait3A_1467 : memref<32x128xf32, #tpu.memory_space<any>>) dst(%dma_wait3A_1463 : memref<32x128xf32, #tpu.memory_space<any>>)
    %dma_wait3A_1468 = arith.constant 7 : i32
    %dma_wait3A_1469 = arith.constant 0 : i32
    %dma_wait3A_1470 = arith.constant 0 : i32
    %dma_wait3A_1471 = tpu.memref_slice %arg2[%dma_wait3A_1468, %dma_wait3A_1469, %dma_wait3A_1470] : memref<128x32x128xf32, #tpu.memory_space<any>> -> memref<1x32x128xf32, #tpu.memory_space<any>>
    %dma_wait3A_1472 = tpu.memref_squeeze %dma_wait3A_1471 : memref<1x32x128xf32, #tpu.memory_space<any>> -> memref<32x128xf32, #tpu.memory_space<any>>
    %dma_wait3A_1473 = arith.constant 0 : i32
    %dma_wait3A_1474 = arith.constant 0 : i32
    %dma_wait3A_1475 = tpu.memref_slice %arg1[%get3A_14, %dma_wait3A_1473, %dma_wait3A_1474] : memref<20000x32x128xf32, #tpu.memory_space<any>> -> memref<1x32x128xf32, #tpu.memory_space<any>>
    %dma_wait3A_1476 = tpu.memref_squeeze %dma_wait3A_1475 : memref<1x32x128xf32, #tpu.memory_space<any>> -> memref<32x128xf32, #tpu.memory_space<any>>
    tpu.wait_dma2 semaphore(%arg3 : memref<!tpu.dma_semaphore, #tpu.memory_space<semaphore_mem>>) src(%dma_wait3A_1476 : memref<32x128xf32, #tpu.memory_space<any>>) dst(%dma_wait3A_1472 : memref<32x128xf32, #tpu.memory_space<any>>)
    %dma_wait3A_1477 = arith.constant 8 : i32
    %dma_wait3A_1478 = arith.constant 0 : i32
    %dma_wait3A_1479 = arith.constant 0 : i32
    %dma_wait3A_1480 = tpu.memref_slice %arg2[%dma_wait3A_1477, %dma_wait3A_1478, %dma_wait3A_1479] : memref<128x32x128xf32, #tpu.memory_space<any>> -> memref<1x32x128xf32, #tpu.memory_space<any>>
    %dma_wait3A_1481 = tpu.memref_squeeze %dma_wait3A_1480 : memref<1x32x128xf32, #tpu.memory_space<any>> -> memref<32x128xf32, #tpu.memory_space<any>>
    %dma_wait3A_1482 = arith.constant 0 : i32
    %dma_wait3A_1483 = arith.constant 0 : i32
    %dma_wait3A_1484 = tpu.memref_slice %arg1[%get3A_16, %dma_wait3A_1482, %dma_wait3A_1483] : memref<20000x32x128xf32, #tpu.memory_space<any>> -> memref<1x32x128xf32, #tpu.memory_space<any>>
    %dma_wait3A_1485 = tpu.memref_squeeze %dma_wait3A_1484 : memref<1x32x128xf32, #tpu.memory_space<any>> -> memref<32x128xf32, #tpu.memory_space<any>>
    tpu.wait_dma2 semaphore(%arg3 : memref<!tpu.dma_semaphore, #tpu.memory_space<semaphore_mem>>) src(%dma_wait3A_1485 : memref<32x128xf32, #tpu.memory_space<any>>) dst(%dma_wait3A_1481 : memref<32x128xf32, #tpu.memory_space<any>>)
    %dma_wait3A_1486 = arith.constant 9 : i32
    %dma_wait3A_1487 = arith.constant 0 : i32
    %dma_wait3A_1488 = arith.constant 0 : i32
    %dma_wait3A_1489 = tpu.memref_slice %arg2[%dma_wait3A_1486, %dma_wait3A_1487, %dma_wait3A_1488] : memref<128x32x128xf32, #tpu.memory_space<any>> -> memref<1x32x128xf32, #tpu.memory_space<any>>
    %dma_wait3A_1490 = tpu.memref_squeeze %dma_wait3A_1489 : memref<1x32x128xf32, #tpu.memory_space<any>> -> memref<32x128xf32, #tpu.memory_space<any>>
    %dma_wait3A_1491 = arith.constant 0 : i32
    %dma_wait3A_1492 = arith.constant 0 : i32
    %dma_wait3A_1493 = tpu.memref_slice %arg1[%get3A_18, %dma_wait3A_1491, %dma_wait3A_1492] : memref<20000x32x128xf32, #tpu.memory_space<any>> -> memref<1x32x128xf32, #tpu.memory_space<any>>
    %dma_wait3A_1494 = tpu.memref_squeeze %dma_wait3A_1493 : memref<1x32x128xf32, #tpu.memory_space<any>> -> memref<32x128xf32, #tpu.memory_space<any>>
    tpu.wait_dma2 semaphore(%arg3 : memref<!tpu.dma_semaphore, #tpu.memory_space<semaphore_mem>>) src(%dma_wait3A_1494 : memref<32x128xf32, #tpu.memory_space<any>>) dst(%dma_wait3A_1490 : memref<32x128xf32, #tpu.memory_space<any>>)
    %dma_wait3A_1495 = arith.constant 10 : i32
    %dma_wait3A_1496 = arith.constant 0 : i32
    %dma_wait3A_1497 = arith.constant 0 : i32
    %dma_wait3A_1498 = tpu.memref_slice %arg2[%dma_wait3A_1495, %dma_wait3A_1496, %dma_wait3A_1497] : memref<128x32x128xf32, #tpu.memory_space<any>> -> memref<1x32x128xf32, #tpu.memory_space<any>>
    %dma_wait3A_1499 = tpu.memref_squeeze %dma_wait3A_1498 : memref<1x32x128xf32, #tpu.memory_space<any>> -> memref<32x128xf32, #tpu.memory_space<any>>
    %dma_wait3A_1500 = arith.constant 0 : i32
    %dma_wait3A_1501 = arith.constant 0 : i32
    %dma_wait3A_1502 = tpu.memref_slice %arg1[%get3A_20, %dma_wait3A_1500, %dma_wait3A_1501] : memref<20000x32x128xf32, #tpu.memory_space<any>> -> memref<1x32x128xf32, #tpu.memory_space<any>>
    %dma_wait3A_1503 = tpu.memref_squeeze %dma_wait3A_1502 : memref<1x32x128xf32, #tpu.memory_space<any>> -> memref<32x128xf32, #tpu.memory_space<any>>
    tpu.wait_dma2 semaphore(%arg3 : memref<!tpu.dma_semaphore, #tpu.memory_space<semaphore_mem>>) src(%dma_wait3A_1503 : memref<32x128xf32, #tpu.memory_space<any>>) dst(%dma_wait3A_1499 : memref<32x128xf32, #tpu.memory_space<any>>)
    %dma_wait3A_1504 = arith.constant 11 : i32
    %dma_wait3A_1505 = arith.constant 0 : i32
    %dma_wait3A_1506 = arith.constant 0 : i32
    %dma_wait3A_1507 = tpu.memref_slice %arg2[%dma_wait3A_1504, %dma_wait3A_1505, %dma_wait3A_1506] : memref<128x32x128xf32, #tpu.memory_space<any>> -> memref<1x32x128xf32, #tpu.memory_space<any>>
    %dma_wait3A_1508 = tpu.memref_squeeze %dma_wait3A_1507 : memref<1x32x128xf32, #tpu.memory_space<any>> -> memref<32x128xf32, #tpu.memory_space<any>>
    %dma_wait3A_1509 = arith.constant 0 : i32
    %dma_wait3A_1510 = arith.constant 0 : i32
    %dma_wait3A_1511 = tpu.memref_slice %arg1[%get3A_22, %dma_wait3A_1509, %dma_wait3A_1510] : memref<20000x32x128xf32, #tpu.memory_space<any>> -> memref<1x32x128xf32, #tpu.memory_space<any>>
    %dma_wait3A_1512 = tpu.memref_squeeze %dma_wait3A_1511 : memref<1x32x128xf32, #tpu.memory_space<any>> -> memref<32x128xf32, #tpu.memory_space<any>>
    tpu.wait_dma2 semaphore(%arg3 : memref<!tpu.dma_semaphore, #tpu.memory_space<semaphore_mem>>) src(%dma_wait3A_1512 : memref<32x128xf32, #tpu.memory_space<any>>) dst(%dma_wait3A_1508 : memref<32x128xf32, #tpu.memory_space<any>>)
    %dma_wait3A_1513 = arith.constant 12 : i32
    %dma_wait3A_1514 = arith.constant 0 : i32
    %dma_wait3A_1515 = arith.constant 0 : i32
    %dma_wait3A_1516 = tpu.memref_slice %arg2[%dma_wait3A_1513, %dma_wait3A_1514, %dma_wait3A_1515] : memref<128x32x128xf32, #tpu.memory_space<any>> -> memref<1x32x128xf32, #tpu.memory_space<any>>
    %dma_wait3A_1517 = tpu.memref_squeeze %dma_wait3A_1516 : memref<1x32x128xf32, #tpu.memory_space<any>> -> memref<32x128xf32, #tpu.memory_space<any>>
    %dma_wait3A_1518 = arith.constant 0 : i32
    %dma_wait3A_1519 = arith.constant 0 : i32
    %dma_wait3A_1520 = tpu.memref_slice %arg1[%get3A_24, %dma_wait3A_1518, %dma_wait3A_1519] : memref<20000x32x128xf32, #tpu.memory_space<any>> -> memref<1x32x128xf32, #tpu.memory_space<any>>
    %dma_wait3A_1521 = tpu.memref_squeeze %dma_wait3A_1520 : memref<1x32x128xf32, #tpu.memory_space<any>> -> memref<32x128xf32, #tpu.memory_space<any>>
    tpu.wait_dma2 semaphore(%arg3 : memref<!tpu.dma_semaphore, #tpu.memory_space<semaphore_mem>>) src(%dma_wait3A_1521 : memref<32x128xf32, #tpu.memory_space<any>>) dst(%dma_wait3A_1517 : memref<32x128xf32, #tpu.memory_space<any>>)
    %dma_wait3A_1522 = arith.constant 13 : i32
    %dma_wait3A_1523 = arith.constant 0 : i32
    %dma_wait3A_1524 = arith.constant 0 : i32
    %dma_wait3A_1525 = tpu.memref_slice %arg2[%dma_wait3A_1522, %dma_wait3A_1523, %dma_wait3A_1524] : memref<128x32x128xf32, #tpu.memory_space<any>> -> memref<1x32x128xf32, #tpu.memory_space<any>>
    %dma_wait3A_1526 = tpu.memref_squeeze %dma_wait3A_1525 : memref<1x32x128xf32, #tpu.memory_space<any>> -> memref<32x128xf32, #tpu.memory_space<any>>
    %dma_wait3A_1527 = arith.constant 0 : i32
    %dma_wait3A_1528 = arith.constant 0 : i32
    %dma_wait3A_1529 = tpu.memref_slice %arg1[%get3A_26, %dma_wait3A_1527, %dma_wait3A_1528] : memref<20000x32x128xf32, #tpu.memory_space<any>> -> memref<1x32x128xf32, #tpu.memory_space<any>>
    %dma_wait3A_1530 = tpu.memref_squeeze %dma_wait3A_1529 : memref<1x32x128xf32, #tpu.memory_space<any>> -> memref<32x128xf32, #tpu.memory_space<any>>
    tpu.wait_dma2 semaphore(%arg3 : memref<!tpu.dma_semaphore, #tpu.memory_space<semaphore_mem>>) src(%dma_wait3A_1530 : memref<32x128xf32, #tpu.memory_space<any>>) dst(%dma_wait3A_1526 : memref<32x128xf32, #tpu.memory_space<any>>)
    %dma_wait3A_1531 = arith.constant 14 : i32
    %dma_wait3A_1532 = arith.constant 0 : i32
    %dma_wait3A_1533 = arith.constant 0 : i32
    %dma_wait3A_1534 = tpu.memref_slice %arg2[%dma_wait3A_1531, %dma_wait3A_1532, %dma_wait3A_1533] : memref<128x32x128xf32, #tpu.memory_space<any>> -> memref<1x32x128xf32, #tpu.memory_space<any>>
    %dma_wait3A_1535 = tpu.memref_squeeze %dma_wait3A_1534 : memref<1x32x128xf32, #tpu.memory_space<any>> -> memref<32x128xf32, #tpu.memory_space<any>>
    %dma_wait3A_1536 = arith.constant 0 : i32
    %dma_wait3A_1537 = arith.constant 0 : i32
    %dma_wait3A_1538 = tpu.memref_slice %arg1[%get3A_28, %dma_wait3A_1536, %dma_wait3A_1537] : memref<20000x32x128xf32, #tpu.memory_space<any>> -> memref<1x32x128xf32, #tpu.memory_space<any>>
    %dma_wait3A_1539 = tpu.memref_squeeze %dma_wait3A_1538 : memref<1x32x128xf32, #tpu.memory_space<any>> -> memref<32x128xf32, #tpu.memory_space<any>>
    tpu.wait_dma2 semaphore(%arg3 : memref<!tpu.dma_semaphore, #tpu.memory_space<semaphore_mem>>) src(%dma_wait3A_1539 : memref<32x128xf32, #tpu.memory_space<any>>) dst(%dma_wait3A_1535 : memref<32x128xf32, #tpu.memory_space<any>>)
    %dma_wait3A_1540 = arith.constant 15 : i32
    %dma_wait3A_1541 = arith.constant 0 : i32
    %dma_wait3A_1542 = arith.constant 0 : i32
    %dma_wait3A_1543 = tpu.memref_slice %arg2[%dma_wait3A_1540, %dma_wait3A_1541, %dma_wait3A_1542] : memref<128x32x128xf32, #tpu.memory_space<any>> -> memref<1x32x128xf32, #tpu.memory_space<any>>
    %dma_wait3A_1544 = tpu.memref_squeeze %dma_wait3A_1543 : memref<1x32x128xf32, #tpu.memory_space<any>> -> memref<32x128xf32, #tpu.memory_space<any>>
    %dma_wait3A_1545 = arith.constant 0 : i32
    %dma_wait3A_1546 = arith.constant 0 : i32
    %dma_wait3A_1547 = tpu.memref_slice %arg1[%get3A_30, %dma_wait3A_1545, %dma_wait3A_1546] : memref<20000x32x128xf32, #tpu.memory_space<any>> -> memref<1x32x128xf32, #tpu.memory_space<any>>
    %dma_wait3A_1548 = tpu.memref_squeeze %dma_wait3A_1547 : memref<1x32x128xf32, #tpu.memory_space<any>> -> memref<32x128xf32, #tpu.memory_space<any>>
    tpu.wait_dma2 semaphore(%arg3 : memref<!tpu.dma_semaphore, #tpu.memory_space<semaphore_mem>>) src(%dma_wait3A_1548 : memref<32x128xf32, #tpu.memory_space<any>>) dst(%dma_wait3A_1544 : memref<32x128xf32, #tpu.memory_space<any>>)
    %dma_wait3A_1549 = arith.constant 16 : i32
    %dma_wait3A_1550 = arith.constant 0 : i32
    %dma_wait3A_1551 = arith.constant 0 : i32
    %dma_wait3A_1552 = tpu.memref_slice %arg2[%dma_wait3A_1549, %dma_wait3A_1550, %dma_wait3A_1551] : memref<128x32x128xf32, #tpu.memory_space<any>> -> memref<1x32x128xf32, #tpu.memory_space<any>>
    %dma_wait3A_1553 = tpu.memref_squeeze %dma_wait3A_1552 : memref<1x32x128xf32, #tpu.memory_space<any>> -> memref<32x128xf32, #tpu.memory_space<any>>
    %dma_wait3A_1554 = arith.constant 0 : i32
    %dma_wait3A_1555 = arith.constant 0 : i32
    %dma_wait3A_1556 = tpu.memref_slice %arg1[%get3A_32, %dma_wait3A_1554, %dma_wait3A_1555] : memref<20000x32x128xf32, #tpu.memory_space<any>> -> memref<1x32x128xf32, #tpu.memory_space<any>>
    %dma_wait3A_1557 = tpu.memref_squeeze %dma_wait3A_1556 : memref<1x32x128xf32, #tpu.memory_space<any>> -> memref<32x128xf32, #tpu.memory_space<any>>
    tpu.wait_dma2 semaphore(%arg3 : memref<!tpu.dma_semaphore, #tpu.memory_space<semaphore_mem>>) src(%dma_wait3A_1557 : memref<32x128xf32, #tpu.memory_space<any>>) dst(%dma_wait3A_1553 : memref<32x128xf32, #tpu.memory_space<any>>)
    %dma_wait3A_1558 = arith.constant 17 : i32
    %dma_wait3A_1559 = arith.constant 0 : i32
    %dma_wait3A_1560 = arith.constant 0 : i32
    %dma_wait3A_1561 = tpu.memref_slice %arg2[%dma_wait3A_1558, %dma_wait3A_1559, %dma_wait3A_1560] : memref<128x32x128xf32, #tpu.memory_space<any>> -> memref<1x32x128xf32, #tpu.memory_space<any>>
    %dma_wait3A_1562 = tpu.memref_squeeze %dma_wait3A_1561 : memref<1x32x128xf32, #tpu.memory_space<any>> -> memref<32x128xf32, #tpu.memory_space<any>>
    %dma_wait3A_1563 = arith.constant 0 : i32
    %dma_wait3A_1564 = arith.constant 0 : i32
    %dma_wait3A_1565 = tpu.memref_slice %arg1[%get3A_34, %dma_wait3A_1563, %dma_wait3A_1564] : memref<20000x32x128xf32, #tpu.memory_space<any>> -> memref<1x32x128xf32, #tpu.memory_space<any>>
    %dma_wait3A_1566 = tpu.memref_squeeze %dma_wait3A_1565 : memref<1x32x128xf32, #tpu.memory_space<any>> -> memref<32x128xf32, #tpu.memory_space<any>>
    tpu.wait_dma2 semaphore(%arg3 : memref<!tpu.dma_semaphore, #tpu.memory_space<semaphore_mem>>) src(%dma_wait3A_1566 : memref<32x128xf32, #tpu.memory_space<any>>) dst(%dma_wait3A_1562 : memref<32x128xf32, #tpu.memory_space<any>>)
    %dma_wait3A_1567 = arith.constant 18 : i32
    %dma_wait3A_1568 = arith.constant 0 : i32
    %dma_wait3A_1569 = arith.constant 0 : i32
    %dma_wait3A_1570 = tpu.memref_slice %arg2[%dma_wait3A_1567, %dma_wait3A_1568, %dma_wait3A_1569] : memref<128x32x128xf32, #tpu.memory_space<any>> -> memref<1x32x128xf32, #tpu.memory_space<any>>
    %dma_wait3A_1571 = tpu.memref_squeeze %dma_wait3A_1570 : memref<1x32x128xf32, #tpu.memory_space<any>> -> memref<32x128xf32, #tpu.memory_space<any>>
    %dma_wait3A_1572 = arith.constant 0 : i32
    %dma_wait3A_1573 = arith.constant 0 : i32
    %dma_wait3A_1574 = tpu.memref_slice %arg1[%get3A_36, %dma_wait3A_1572, %dma_wait3A_1573] : memref<20000x32x128xf32, #tpu.memory_space<any>> -> memref<1x32x128xf32, #tpu.memory_space<any>>
    %dma_wait3A_1575 = tpu.memref_squeeze %dma_wait3A_1574 : memref<1x32x128xf32, #tpu.memory_space<any>> -> memref<32x128xf32, #tpu.memory_space<any>>
    tpu.wait_dma2 semaphore(%arg3 : memref<!tpu.dma_semaphore, #tpu.memory_space<semaphore_mem>>) src(%dma_wait3A_1575 : memref<32x128xf32, #tpu.memory_space<any>>) dst(%dma_wait3A_1571 : memref<32x128xf32, #tpu.memory_space<any>>)
    %dma_wait3A_1576 = arith.constant 19 : i32
    %dma_wait3A_1577 = arith.constant 0 : i32
    %dma_wait3A_1578 = arith.constant 0 : i32
    %dma_wait3A_1579 = tpu.memref_slice %arg2[%dma_wait3A_1576, %dma_wait3A_1577, %dma_wait3A_1578] : memref<128x32x128xf32, #tpu.memory_space<any>> -> memref<1x32x128xf32, #tpu.memory_space<any>>
    %dma_wait3A_1580 = tpu.memref_squeeze %dma_wait3A_1579 : memref<1x32x128xf32, #tpu.memory_space<any>> -> memref<32x128xf32, #tpu.memory_space<any>>
    %dma_wait3A_1581 = arith.constant 0 : i32
    %dma_wait3A_1582 = arith.constant 0 : i32
    %dma_wait3A_1583 = tpu.memref_slice %arg1[%get3A_38, %dma_wait3A_1581, %dma_wait3A_1582] : memref<20000x32x128xf32, #tpu.memory_space<any>> -> memref<1x32x128xf32, #tpu.memory_space<any>>
    %dma_wait3A_1584 = tpu.memref_squeeze %dma_wait3A_1583 : memref<1x32x128xf32, #tpu.memory_space<any>> -> memref<32x128xf32, #tpu.memory_space<any>>
    tpu.wait_dma2 semaphore(%arg3 : memref<!tpu.dma_semaphore, #tpu.memory_space<semaphore_mem>>) src(%dma_wait3A_1584 : memref<32x128xf32, #tpu.memory_space<any>>) dst(%dma_wait3A_1580 : memref<32x128xf32, #tpu.memory_space<any>>)
    %dma_wait3A_1585 = arith.constant 20 : i32
    %dma_wait3A_1586 = arith.constant 0 : i32
    %dma_wait3A_1587 = arith.constant 0 : i32
    %dma_wait3A_1588 = tpu.memref_slice %arg2[%dma_wait3A_1585, %dma_wait3A_1586, %dma_wait3A_1587] : memref<128x32x128xf32, #tpu.memory_space<any>> -> memref<1x32x128xf32, #tpu.memory_space<any>>
    %dma_wait3A_1589 = tpu.memref_squeeze %dma_wait3A_1588 : memref<1x32x128xf32, #tpu.memory_space<any>> -> memref<32x128xf32, #tpu.memory_space<any>>
    %dma_wait3A_1590 = arith.constant 0 : i32
    %dma_wait3A_1591 = arith.constant 0 : i32
    %dma_wait3A_1592 = tpu.memref_slice %arg1[%get3A_40, %dma_wait3A_1590, %dma_wait3A_1591] : memref<20000x32x128xf32, #tpu.memory_space<any>> -> memref<1x32x128xf32, #tpu.memory_space<any>>
    %dma_wait3A_1593 = tpu.memref_squeeze %dma_wait3A_1592 : memref<1x32x128xf32, #tpu.memory_space<any>> -> memref<32x128xf32, #tpu.memory_space<any>>
    tpu.wait_dma2 semaphore(%arg3 : memref<!tpu.dma_semaphore, #tpu.memory_space<semaphore_mem>>) src(%dma_wait3A_1593 : memref<32x128xf32, #tpu.memory_space<any>>) dst(%dma_wait3A_1589 : memref<32x128xf32, #tpu.memory_space<any>>)
    %dma_wait3A_1594 = arith.constant 21 : i32
    %dma_wait3A_1595 = arith.constant 0 : i32
    %dma_wait3A_1596 = arith.constant 0 : i32
    %dma_wait3A_1597 = tpu.memref_slice %arg2[%dma_wait3A_1594, %dma_wait3A_1595, %dma_wait3A_1596] : memref<128x32x128xf32, #tpu.memory_space<any>> -> memref<1x32x128xf32, #tpu.memory_space<any>>
    %dma_wait3A_1598 = tpu.memref_squeeze %dma_wait3A_1597 : memref<1x32x128xf32, #tpu.memory_space<any>> -> memref<32x128xf32, #tpu.memory_space<any>>
    %dma_wait3A_1599 = arith.constant 0 : i32
    %dma_wait3A_1600 = arith.constant 0 : i32
    %dma_wait3A_1601 = tpu.memref_slice %arg1[%get3A_42, %dma_wait3A_1599, %dma_wait3A_1600] : memref<20000x32x128xf32, #tpu.memory_space<any>> -> memref<1x32x128xf32, #tpu.memory_space<any>>
    %dma_wait3A_1602 = tpu.memref_squeeze %dma_wait3A_1601 : memref<1x32x128xf32, #tpu.memory_space<any>> -> memref<32x128xf32, #tpu.memory_space<any>>
    tpu.wait_dma2 semaphore(%arg3 : memref<!tpu.dma_semaphore, #tpu.memory_space<semaphore_mem>>) src(%dma_wait3A_1602 : memref<32x128xf32, #tpu.memory_space<any>>) dst(%dma_wait3A_1598 : memref<32x128xf32, #tpu.memory_space<any>>)
    %dma_wait3A_1603 = arith.constant 22 : i32
    %dma_wait3A_1604 = arith.constant 0 : i32
    %dma_wait3A_1605 = arith.constant 0 : i32
    %dma_wait3A_1606 = tpu.memref_slice %arg2[%dma_wait3A_1603, %dma_wait3A_1604, %dma_wait3A_1605] : memref<128x32x128xf32, #tpu.memory_space<any>> -> memref<1x32x128xf32, #tpu.memory_space<any>>
    %dma_wait3A_1607 = tpu.memref_squeeze %dma_wait3A_1606 : memref<1x32x128xf32, #tpu.memory_space<any>> -> memref<32x128xf32, #tpu.memory_space<any>>
    %dma_wait3A_1608 = arith.constant 0 : i32
    %dma_wait3A_1609 = arith.constant 0 : i32
    %dma_wait3A_1610 = tpu.memref_slice %arg1[%get3A_44, %dma_wait3A_1608, %dma_wait3A_1609] : memref<20000x32x128xf32, #tpu.memory_space<any>> -> memref<1x32x128xf32, #tpu.memory_space<any>>
    %dma_wait3A_1611 = tpu.memref_squeeze %dma_wait3A_1610 : memref<1x32x128xf32, #tpu.memory_space<any>> -> memref<32x128xf32, #tpu.memory_space<any>>
    tpu.wait_dma2 semaphore(%arg3 : memref<!tpu.dma_semaphore, #tpu.memory_space<semaphore_mem>>) src(%dma_wait3A_1611 : memref<32x128xf32, #tpu.memory_space<any>>) dst(%dma_wait3A_1607 : memref<32x128xf32, #tpu.memory_space<any>>)
    %dma_wait3A_1612 = arith.constant 23 : i32
    %dma_wait3A_1613 = arith.constant 0 : i32
    %dma_wait3A_1614 = arith.constant 0 : i32
    %dma_wait3A_1615 = tpu.memref_slice %arg2[%dma_wait3A_1612, %dma_wait3A_1613, %dma_wait3A_1614] : memref<128x32x128xf32, #tpu.memory_space<any>> -> memref<1x32x128xf32, #tpu.memory_space<any>>
    %dma_wait3A_1616 = tpu.memref_squeeze %dma_wait3A_1615 : memref<1x32x128xf32, #tpu.memory_space<any>> -> memref<32x128xf32, #tpu.memory_space<any>>
    %dma_wait3A_1617 = arith.constant 0 : i32
    %dma_wait3A_1618 = arith.constant 0 : i32
    %dma_wait3A_1619 = tpu.memref_slice %arg1[%get3A_46, %dma_wait3A_1617, %dma_wait3A_1618] : memref<20000x32x128xf32, #tpu.memory_space<any>> -> memref<1x32x128xf32, #tpu.memory_space<any>>
    %dma_wait3A_1620 = tpu.memref_squeeze %dma_wait3A_1619 : memref<1x32x128xf32, #tpu.memory_space<any>> -> memref<32x128xf32, #tpu.memory_space<any>>
    tpu.wait_dma2 semaphore(%arg3 : memref<!tpu.dma_semaphore, #tpu.memory_space<semaphore_mem>>) src(%dma_wait3A_1620 : memref<32x128xf32, #tpu.memory_space<any>>) dst(%dma_wait3A_1616 : memref<32x128xf32, #tpu.memory_space<any>>)
    %dma_wait3A_1621 = arith.constant 24 : i32
    %dma_wait3A_1622 = arith.constant 0 : i32
    %dma_wait3A_1623 = arith.constant 0 : i32
    %dma_wait3A_1624 = tpu.memref_slice %arg2[%dma_wait3A_1621, %dma_wait3A_1622, %dma_wait3A_1623] : memref<128x32x128xf32, #tpu.memory_space<any>> -> memref<1x32x128xf32, #tpu.memory_space<any>>
    %dma_wait3A_1625 = tpu.memref_squeeze %dma_wait3A_1624 : memref<1x32x128xf32, #tpu.memory_space<any>> -> memref<32x128xf32, #tpu.memory_space<any>>
    %dma_wait3A_1626 = arith.constant 0 : i32
    %dma_wait3A_1627 = arith.constant 0 : i32
    %dma_wait3A_1628 = tpu.memref_slice %arg1[%get3A_48, %dma_wait3A_1626, %dma_wait3A_1627] : memref<20000x32x128xf32, #tpu.memory_space<any>> -> memref<1x32x128xf32, #tpu.memory_space<any>>
    %dma_wait3A_1629 = tpu.memref_squeeze %dma_wait3A_1628 : memref<1x32x128xf32, #tpu.memory_space<any>> -> memref<32x128xf32, #tpu.memory_space<any>>
    tpu.wait_dma2 semaphore(%arg3 : memref<!tpu.dma_semaphore, #tpu.memory_space<semaphore_mem>>) src(%dma_wait3A_1629 : memref<32x128xf32, #tpu.memory_space<any>>) dst(%dma_wait3A_1625 : memref<32x128xf32, #tpu.memory_space<any>>)
    %dma_wait3A_1630 = arith.constant 25 : i32
    %dma_wait3A_1631 = arith.constant 0 : i32
    %dma_wait3A_1632 = arith.constant 0 : i32
    %dma_wait3A_1633 = tpu.memref_slice %arg2[%dma_wait3A_1630, %dma_wait3A_1631, %dma_wait3A_1632] : memref<128x32x128xf32, #tpu.memory_space<any>> -> memref<1x32x128xf32, #tpu.memory_space<any>>
    %dma_wait3A_1634 = tpu.memref_squeeze %dma_wait3A_1633 : memref<1x32x128xf32, #tpu.memory_space<any>> -> memref<32x128xf32, #tpu.memory_space<any>>
    %dma_wait3A_1635 = arith.constant 0 : i32
    %dma_wait3A_1636 = arith.constant 0 : i32
    %dma_wait3A_1637 = tpu.memref_slice %arg1[%get3A_50, %dma_wait3A_1635, %dma_wait3A_1636] : memref<20000x32x128xf32, #tpu.memory_space<any>> -> memref<1x32x128xf32, #tpu.memory_space<any>>
    %dma_wait3A_1638 = tpu.memref_squeeze %dma_wait3A_1637 : memref<1x32x128xf32, #tpu.memory_space<any>> -> memref<32x128xf32, #tpu.memory_space<any>>
    tpu.wait_dma2 semaphore(%arg3 : memref<!tpu.dma_semaphore, #tpu.memory_space<semaphore_mem>>) src(%dma_wait3A_1638 : memref<32x128xf32, #tpu.memory_space<any>>) dst(%dma_wait3A_1634 : memref<32x128xf32, #tpu.memory_space<any>>)
    %dma_wait3A_1639 = arith.constant 26 : i32
    %dma_wait3A_1640 = arith.constant 0 : i32
    %dma_wait3A_1641 = arith.constant 0 : i32
    %dma_wait3A_1642 = tpu.memref_slice %arg2[%dma_wait3A_1639, %dma_wait3A_1640, %dma_wait3A_1641] : memref<128x32x128xf32, #tpu.memory_space<any>> -> memref<1x32x128xf32, #tpu.memory_space<any>>
    %dma_wait3A_1643 = tpu.memref_squeeze %dma_wait3A_1642 : memref<1x32x128xf32, #tpu.memory_space<any>> -> memref<32x128xf32, #tpu.memory_space<any>>
    %dma_wait3A_1644 = arith.constant 0 : i32
    %dma_wait3A_1645 = arith.constant 0 : i32
    %dma_wait3A_1646 = tpu.memref_slice %arg1[%get3A_52, %dma_wait3A_1644, %dma_wait3A_1645] : memref<20000x32x128xf32, #tpu.memory_space<any>> -> memref<1x32x128xf32, #tpu.memory_space<any>>
    %dma_wait3A_1647 = tpu.memref_squeeze %dma_wait3A_1646 : memref<1x32x128xf32, #tpu.memory_space<any>> -> memref<32x128xf32, #tpu.memory_space<any>>
    tpu.wait_dma2 semaphore(%arg3 : memref<!tpu.dma_semaphore, #tpu.memory_space<semaphore_mem>>) src(%dma_wait3A_1647 : memref<32x128xf32, #tpu.memory_space<any>>) dst(%dma_wait3A_1643 : memref<32x128xf32, #tpu.memory_space<any>>)
    %dma_wait3A_1648 = arith.constant 27 : i32
    %dma_wait3A_1649 = arith.constant 0 : i32
    %dma_wait3A_1650 = arith.constant 0 : i32
    %dma_wait3A_1651 = tpu.memref_slice %arg2[%dma_wait3A_1648, %dma_wait3A_1649, %dma_wait3A_1650] : memref<128x32x128xf32, #tpu.memory_space<any>> -> memref<1x32x128xf32, #tpu.memory_space<any>>
    %dma_wait3A_1652 = tpu.memref_squeeze %dma_wait3A_1651 : memref<1x32x128xf32, #tpu.memory_space<any>> -> memref<32x128xf32, #tpu.memory_space<any>>
    %dma_wait3A_1653 = arith.constant 0 : i32
    %dma_wait3A_1654 = arith.constant 0 : i32
    %dma_wait3A_1655 = tpu.memref_slice %arg1[%get3A_54, %dma_wait3A_1653, %dma_wait3A_1654] : memref<20000x32x128xf32, #tpu.memory_space<any>> -> memref<1x32x128xf32, #tpu.memory_space<any>>
    %dma_wait3A_1656 = tpu.memref_squeeze %dma_wait3A_1655 : memref<1x32x128xf32, #tpu.memory_space<any>> -> memref<32x128xf32, #tpu.memory_space<any>>
    tpu.wait_dma2 semaphore(%arg3 : memref<!tpu.dma_semaphore, #tpu.memory_space<semaphore_mem>>) src(%dma_wait3A_1656 : memref<32x128xf32, #tpu.memory_space<any>>) dst(%dma_wait3A_1652 : memref<32x128xf32, #tpu.memory_space<any>>)
    %dma_wait3A_1657 = arith.constant 28 : i32
    %dma_wait3A_1658 = arith.constant 0 : i32
    %dma_wait3A_1659 = arith.constant 0 : i32
    %dma_wait3A_1660 = tpu.memref_slice %arg2[%dma_wait3A_1657, %dma_wait3A_1658, %dma_wait3A_1659] : memref<128x32x128xf32, #tpu.memory_space<any>> -> memref<1x32x128xf32, #tpu.memory_space<any>>
    %dma_wait3A_1661 = tpu.memref_squeeze %dma_wait3A_1660 : memref<1x32x128xf32, #tpu.memory_space<any>> -> memref<32x128xf32, #tpu.memory_space<any>>
    %dma_wait3A_1662 = arith.constant 0 : i32
    %dma_wait3A_1663 = arith.constant 0 : i32
    %dma_wait3A_1664 = tpu.memref_slice %arg1[%get3A_56, %dma_wait3A_1662, %dma_wait3A_1663] : memref<20000x32x128xf32, #tpu.memory_space<any>> -> memref<1x32x128xf32, #tpu.memory_space<any>>
    %dma_wait3A_1665 = tpu.memref_squeeze %dma_wait3A_1664 : memref<1x32x128xf32, #tpu.memory_space<any>> -> memref<32x128xf32, #tpu.memory_space<any>>
    tpu.wait_dma2 semaphore(%arg3 : memref<!tpu.dma_semaphore, #tpu.memory_space<semaphore_mem>>) src(%dma_wait3A_1665 : memref<32x128xf32, #tpu.memory_space<any>>) dst(%dma_wait3A_1661 : memref<32x128xf32, #tpu.memory_space<any>>)
    %dma_wait3A_1666 = arith.constant 29 : i32
    %dma_wait3A_1667 = arith.constant 0 : i32
    %dma_wait3A_1668 = arith.constant 0 : i32
    %dma_wait3A_1669 = tpu.memref_slice %arg2[%dma_wait3A_1666, %dma_wait3A_1667, %dma_wait3A_1668] : memref<128x32x128xf32, #tpu.memory_space<any>> -> memref<1x32x128xf32, #tpu.memory_space<any>>
    %dma_wait3A_1670 = tpu.memref_squeeze %dma_wait3A_1669 : memref<1x32x128xf32, #tpu.memory_space<any>> -> memref<32x128xf32, #tpu.memory_space<any>>
    %dma_wait3A_1671 = arith.constant 0 : i32
    %dma_wait3A_1672 = arith.constant 0 : i32
    %dma_wait3A_1673 = tpu.memref_slice %arg1[%get3A_58, %dma_wait3A_1671, %dma_wait3A_1672] : memref<20000x32x128xf32, #tpu.memory_space<any>> -> memref<1x32x128xf32, #tpu.memory_space<any>>
    %dma_wait3A_1674 = tpu.memref_squeeze %dma_wait3A_1673 : memref<1x32x128xf32, #tpu.memory_space<any>> -> memref<32x128xf32, #tpu.memory_space<any>>
    tpu.wait_dma2 semaphore(%arg3 : memref<!tpu.dma_semaphore, #tpu.memory_space<semaphore_mem>>) src(%dma_wait3A_1674 : memref<32x128xf32, #tpu.memory_space<any>>) dst(%dma_wait3A_1670 : memref<32x128xf32, #tpu.memory_space<any>>)
    %dma_wait3A_1675 = arith.constant 30 : i32
    %dma_wait3A_1676 = arith.constant 0 : i32
    %dma_wait3A_1677 = arith.constant 0 : i32
    %dma_wait3A_1678 = tpu.memref_slice %arg2[%dma_wait3A_1675, %dma_wait3A_1676, %dma_wait3A_1677] : memref<128x32x128xf32, #tpu.memory_space<any>> -> memref<1x32x128xf32, #tpu.memory_space<any>>
    %dma_wait3A_1679 = tpu.memref_squeeze %dma_wait3A_1678 : memref<1x32x128xf32, #tpu.memory_space<any>> -> memref<32x128xf32, #tpu.memory_space<any>>
    %dma_wait3A_1680 = arith.constant 0 : i32
    %dma_wait3A_1681 = arith.constant 0 : i32
    %dma_wait3A_1682 = tpu.memref_slice %arg1[%get3A_60, %dma_wait3A_1680, %dma_wait3A_1681] : memref<20000x32x128xf32, #tpu.memory_space<any>> -> memref<1x32x128xf32, #tpu.memory_space<any>>
    %dma_wait3A_1683 = tpu.memref_squeeze %dma_wait3A_1682 : memref<1x32x128xf32, #tpu.memory_space<any>> -> memref<32x128xf32, #tpu.memory_space<any>>
    tpu.wait_dma2 semaphore(%arg3 : memref<!tpu.dma_semaphore, #tpu.memory_space<semaphore_mem>>) src(%dma_wait3A_1683 : memref<32x128xf32, #tpu.memory_space<any>>) dst(%dma_wait3A_1679 : memref<32x128xf32, #tpu.memory_space<any>>)
    %dma_wait3A_1684 = arith.constant 31 : i32
    %dma_wait3A_1685 = arith.constant 0 : i32
    %dma_wait3A_1686 = arith.constant 0 : i32
    %dma_wait3A_1687 = tpu.memref_slice %arg2[%dma_wait3A_1684, %dma_wait3A_1685, %dma_wait3A_1686] : memref<128x32x128xf32, #tpu.memory_space<any>> -> memref<1x32x128xf32, #tpu.memory_space<any>>
    %dma_wait3A_1688 = tpu.memref_squeeze %dma_wait3A_1687 : memref<1x32x128xf32, #tpu.memory_space<any>> -> memref<32x128xf32, #tpu.memory_space<any>>
    %dma_wait3A_1689 = arith.constant 0 : i32
    %dma_wait3A_1690 = arith.constant 0 : i32
    %dma_wait3A_1691 = tpu.memref_slice %arg1[%get3A_62, %dma_wait3A_1689, %dma_wait3A_1690] : memref<20000x32x128xf32, #tpu.memory_space<any>> -> memref<1x32x128xf32, #tpu.memory_space<any>>
    %dma_wait3A_1692 = tpu.memref_squeeze %dma_wait3A_1691 : memref<1x32x128xf32, #tpu.memory_space<any>> -> memref<32x128xf32, #tpu.memory_space<any>>
    tpu.wait_dma2 semaphore(%arg3 : memref<!tpu.dma_semaphore, #tpu.memory_space<semaphore_mem>>) src(%dma_wait3A_1692 : memref<32x128xf32, #tpu.memory_space<any>>) dst(%dma_wait3A_1688 : memref<32x128xf32, #tpu.memory_space<any>>)
    %dma_wait3A_1693 = arith.constant 32 : i32
    %dma_wait3A_1694 = arith.constant 0 : i32
    %dma_wait3A_1695 = arith.constant 0 : i32
    %dma_wait3A_1696 = tpu.memref_slice %arg2[%dma_wait3A_1693, %dma_wait3A_1694, %dma_wait3A_1695] : memref<128x32x128xf32, #tpu.memory_space<any>> -> memref<1x32x128xf32, #tpu.memory_space<any>>
    %dma_wait3A_1697 = tpu.memref_squeeze %dma_wait3A_1696 : memref<1x32x128xf32, #tpu.memory_space<any>> -> memref<32x128xf32, #tpu.memory_space<any>>
    %dma_wait3A_1698 = arith.constant 0 : i32
    %dma_wait3A_1699 = arith.constant 0 : i32
    %dma_wait3A_1700 = tpu.memref_slice %arg1[%get3A_64, %dma_wait3A_1698, %dma_wait3A_1699] : memref<20000x32x128xf32, #tpu.memory_space<any>> -> memref<1x32x128xf32, #tpu.memory_space<any>>
    %dma_wait3A_1701 = tpu.memref_squeeze %dma_wait3A_1700 : memref<1x32x128xf32, #tpu.memory_space<any>> -> memref<32x128xf32, #tpu.memory_space<any>>
    tpu.wait_dma2 semaphore(%arg3 : memref<!tpu.dma_semaphore, #tpu.memory_space<semaphore_mem>>) src(%dma_wait3A_1701 : memref<32x128xf32, #tpu.memory_space<any>>) dst(%dma_wait3A_1697 : memref<32x128xf32, #tpu.memory_space<any>>)
    %dma_wait3A_1702 = arith.constant 33 : i32
    %dma_wait3A_1703 = arith.constant 0 : i32
    %dma_wait3A_1704 = arith.constant 0 : i32
    %dma_wait3A_1705 = tpu.memref_slice %arg2[%dma_wait3A_1702, %dma_wait3A_1703, %dma_wait3A_1704] : memref<128x32x128xf32, #tpu.memory_space<any>> -> memref<1x32x128xf32, #tpu.memory_space<any>>
    %dma_wait3A_1706 = tpu.memref_squeeze %dma_wait3A_1705 : memref<1x32x128xf32, #tpu.memory_space<any>> -> memref<32x128xf32, #tpu.memory_space<any>>
    %dma_wait3A_1707 = arith.constant 0 : i32
    %dma_wait3A_1708 = arith.constant 0 : i32
    %dma_wait3A_1709 = tpu.memref_slice %arg1[%get3A_66, %dma_wait3A_1707, %dma_wait3A_1708] : memref<20000x32x128xf32, #tpu.memory_space<any>> -> memref<1x32x128xf32, #tpu.memory_space<any>>
    %dma_wait3A_1710 = tpu.memref_squeeze %dma_wait3A_1709 : memref<1x32x128xf32, #tpu.memory_space<any>> -> memref<32x128xf32, #tpu.memory_space<any>>
    tpu.wait_dma2 semaphore(%arg3 : memref<!tpu.dma_semaphore, #tpu.memory_space<semaphore_mem>>) src(%dma_wait3A_1710 : memref<32x128xf32, #tpu.memory_space<any>>) dst(%dma_wait3A_1706 : memref<32x128xf32, #tpu.memory_space<any>>)
    %dma_wait3A_1711 = arith.constant 34 : i32
    %dma_wait3A_1712 = arith.constant 0 : i32
    %dma_wait3A_1713 = arith.constant 0 : i32
    %dma_wait3A_1714 = tpu.memref_slice %arg2[%dma_wait3A_1711, %dma_wait3A_1712, %dma_wait3A_1713] : memref<128x32x128xf32, #tpu.memory_space<any>> -> memref<1x32x128xf32, #tpu.memory_space<any>>
    %dma_wait3A_1715 = tpu.memref_squeeze %dma_wait3A_1714 : memref<1x32x128xf32, #tpu.memory_space<any>> -> memref<32x128xf32, #tpu.memory_space<any>>
    %dma_wait3A_1716 = arith.constant 0 : i32
    %dma_wait3A_1717 = arith.constant 0 : i32
    %dma_wait3A_1718 = tpu.memref_slice %arg1[%get3A_68, %dma_wait3A_1716, %dma_wait3A_1717] : memref<20000x32x128xf32, #tpu.memory_space<any>> -> memref<1x32x128xf32, #tpu.memory_space<any>>
    %dma_wait3A_1719 = tpu.memref_squeeze %dma_wait3A_1718 : memref<1x32x128xf32, #tpu.memory_space<any>> -> memref<32x128xf32, #tpu.memory_space<any>>
    tpu.wait_dma2 semaphore(%arg3 : memref<!tpu.dma_semaphore, #tpu.memory_space<semaphore_mem>>) src(%dma_wait3A_1719 : memref<32x128xf32, #tpu.memory_space<any>>) dst(%dma_wait3A_1715 : memref<32x128xf32, #tpu.memory_space<any>>)
    %dma_wait3A_1720 = arith.constant 35 : i32
    %dma_wait3A_1721 = arith.constant 0 : i32
    %dma_wait3A_1722 = arith.constant 0 : i32
    %dma_wait3A_1723 = tpu.memref_slice %arg2[%dma_wait3A_1720, %dma_wait3A_1721, %dma_wait3A_1722] : memref<128x32x128xf32, #tpu.memory_space<any>> -> memref<1x32x128xf32, #tpu.memory_space<any>>
    %dma_wait3A_1724 = tpu.memref_squeeze %dma_wait3A_1723 : memref<1x32x128xf32, #tpu.memory_space<any>> -> memref<32x128xf32, #tpu.memory_space<any>>
    %dma_wait3A_1725 = arith.constant 0 : i32
    %dma_wait3A_1726 = arith.constant 0 : i32
    %dma_wait3A_1727 = tpu.memref_slice %arg1[%get3A_70, %dma_wait3A_1725, %dma_wait3A_1726] : memref<20000x32x128xf32, #tpu.memory_space<any>> -> memref<1x32x128xf32, #tpu.memory_space<any>>
    %dma_wait3A_1728 = tpu.memref_squeeze %dma_wait3A_1727 : memref<1x32x128xf32, #tpu.memory_space<any>> -> memref<32x128xf32, #tpu.memory_space<any>>
    tpu.wait_dma2 semaphore(%arg3 : memref<!tpu.dma_semaphore, #tpu.memory_space<semaphore_mem>>) src(%dma_wait3A_1728 : memref<32x128xf32, #tpu.memory_space<any>>) dst(%dma_wait3A_1724 : memref<32x128xf32, #tpu.memory_space<any>>)
    %dma_wait3A_1729 = arith.constant 36 : i32
    %dma_wait3A_1730 = arith.constant 0 : i32
    %dma_wait3A_1731 = arith.constant 0 : i32
    %dma_wait3A_1732 = tpu.memref_slice %arg2[%dma_wait3A_1729, %dma_wait3A_1730, %dma_wait3A_1731] : memref<128x32x128xf32, #tpu.memory_space<any>> -> memref<1x32x128xf32, #tpu.memory_space<any>>
    %dma_wait3A_1733 = tpu.memref_squeeze %dma_wait3A_1732 : memref<1x32x128xf32, #tpu.memory_space<any>> -> memref<32x128xf32, #tpu.memory_space<any>>
    %dma_wait3A_1734 = arith.constant 0 : i32
    %dma_wait3A_1735 = arith.constant 0 : i32
    %dma_wait3A_1736 = tpu.memref_slice %arg1[%get3A_72, %dma_wait3A_1734, %dma_wait3A_1735] : memref<20000x32x128xf32, #tpu.memory_space<any>> -> memref<1x32x128xf32, #tpu.memory_space<any>>
    %dma_wait3A_1737 = tpu.memref_squeeze %dma_wait3A_1736 : memref<1x32x128xf32, #tpu.memory_space<any>> -> memref<32x128xf32, #tpu.memory_space<any>>
    tpu.wait_dma2 semaphore(%arg3 : memref<!tpu.dma_semaphore, #tpu.memory_space<semaphore_mem>>) src(%dma_wait3A_1737 : memref<32x128xf32, #tpu.memory_space<any>>) dst(%dma_wait3A_1733 : memref<32x128xf32, #tpu.memory_space<any>>)
    %dma_wait3A_1738 = arith.constant 37 : i32
    %dma_wait3A_1739 = arith.constant 0 : i32
    %dma_wait3A_1740 = arith.constant 0 : i32
    %dma_wait3A_1741 = tpu.memref_slice %arg2[%dma_wait3A_1738, %dma_wait3A_1739, %dma_wait3A_1740] : memref<128x32x128xf32, #tpu.memory_space<any>> -> memref<1x32x128xf32, #tpu.memory_space<any>>
    %dma_wait3A_1742 = tpu.memref_squeeze %dma_wait3A_1741 : memref<1x32x128xf32, #tpu.memory_space<any>> -> memref<32x128xf32, #tpu.memory_space<any>>
    %dma_wait3A_1743 = arith.constant 0 : i32
    %dma_wait3A_1744 = arith.constant 0 : i32
    %dma_wait3A_1745 = tpu.memref_slice %arg1[%get3A_74, %dma_wait3A_1743, %dma_wait3A_1744] : memref<20000x32x128xf32, #tpu.memory_space<any>> -> memref<1x32x128xf32, #tpu.memory_space<any>>
    %dma_wait3A_1746 = tpu.memref_squeeze %dma_wait3A_1745 : memref<1x32x128xf32, #tpu.memory_space<any>> -> memref<32x128xf32, #tpu.memory_space<any>>
    tpu.wait_dma2 semaphore(%arg3 : memref<!tpu.dma_semaphore, #tpu.memory_space<semaphore_mem>>) src(%dma_wait3A_1746 : memref<32x128xf32, #tpu.memory_space<any>>) dst(%dma_wait3A_1742 : memref<32x128xf32, #tpu.memory_space<any>>)
    %dma_wait3A_1747 = arith.constant 38 : i32
    %dma_wait3A_1748 = arith.constant 0 : i32
    %dma_wait3A_1749 = arith.constant 0 : i32
    %dma_wait3A_1750 = tpu.memref_slice %arg2[%dma_wait3A_1747, %dma_wait3A_1748, %dma_wait3A_1749] : memref<128x32x128xf32, #tpu.memory_space<any>> -> memref<1x32x128xf32, #tpu.memory_space<any>>
    %dma_wait3A_1751 = tpu.memref_squeeze %dma_wait3A_1750 : memref<1x32x128xf32, #tpu.memory_space<any>> -> memref<32x128xf32, #tpu.memory_space<any>>
    %dma_wait3A_1752 = arith.constant 0 : i32
    %dma_wait3A_1753 = arith.constant 0 : i32
    %dma_wait3A_1754 = tpu.memref_slice %arg1[%get3A_76, %dma_wait3A_1752, %dma_wait3A_1753] : memref<20000x32x128xf32, #tpu.memory_space<any>> -> memref<1x32x128xf32, #tpu.memory_space<any>>
    %dma_wait3A_1755 = tpu.memref_squeeze %dma_wait3A_1754 : memref<1x32x128xf32, #tpu.memory_space<any>> -> memref<32x128xf32, #tpu.memory_space<any>>
    tpu.wait_dma2 semaphore(%arg3 : memref<!tpu.dma_semaphore, #tpu.memory_space<semaphore_mem>>) src(%dma_wait3A_1755 : memref<32x128xf32, #tpu.memory_space<any>>) dst(%dma_wait3A_1751 : memref<32x128xf32, #tpu.memory_space<any>>)
    %dma_wait3A_1756 = arith.constant 39 : i32
    %dma_wait3A_1757 = arith.constant 0 : i32
    %dma_wait3A_1758 = arith.constant 0 : i32
    %dma_wait3A_1759 = tpu.memref_slice %arg2[%dma_wait3A_1756, %dma_wait3A_1757, %dma_wait3A_1758] : memref<128x32x128xf32, #tpu.memory_space<any>> -> memref<1x32x128xf32, #tpu.memory_space<any>>
    %dma_wait3A_1760 = tpu.memref_squeeze %dma_wait3A_1759 : memref<1x32x128xf32, #tpu.memory_space<any>> -> memref<32x128xf32, #tpu.memory_space<any>>
    %dma_wait3A_1761 = arith.constant 0 : i32
    %dma_wait3A_1762 = arith.constant 0 : i32
    %dma_wait3A_1763 = tpu.memref_slice %arg1[%get3A_78, %dma_wait3A_1761, %dma_wait3A_1762] : memref<20000x32x128xf32, #tpu.memory_space<any>> -> memref<1x32x128xf32, #tpu.memory_space<any>>
    %dma_wait3A_1764 = tpu.memref_squeeze %dma_wait3A_1763 : memref<1x32x128xf32, #tpu.memory_space<any>> -> memref<32x128xf32, #tpu.memory_space<any>>
    tpu.wait_dma2 semaphore(%arg3 : memref<!tpu.dma_semaphore, #tpu.memory_space<semaphore_mem>>) src(%dma_wait3A_1764 : memref<32x128xf32, #tpu.memory_space<any>>) dst(%dma_wait3A_1760 : memref<32x128xf32, #tpu.memory_space<any>>)
    %dma_wait3A_1765 = arith.constant 40 : i32
    %dma_wait3A_1766 = arith.constant 0 : i32
    %dma_wait3A_1767 = arith.constant 0 : i32
    %dma_wait3A_1768 = tpu.memref_slice %arg2[%dma_wait3A_1765, %dma_wait3A_1766, %dma_wait3A_1767] : memref<128x32x128xf32, #tpu.memory_space<any>> -> memref<1x32x128xf32, #tpu.memory_space<any>>
    %dma_wait3A_1769 = tpu.memref_squeeze %dma_wait3A_1768 : memref<1x32x128xf32, #tpu.memory_space<any>> -> memref<32x128xf32, #tpu.memory_space<any>>
    %dma_wait3A_1770 = arith.constant 0 : i32
    %dma_wait3A_1771 = arith.constant 0 : i32
    %dma_wait3A_1772 = tpu.memref_slice %arg1[%get3A_80, %dma_wait3A_1770, %dma_wait3A_1771] : memref<20000x32x128xf32, #tpu.memory_space<any>> -> memref<1x32x128xf32, #tpu.memory_space<any>>
    %dma_wait3A_1773 = tpu.memref_squeeze %dma_wait3A_1772 : memref<1x32x128xf32, #tpu.memory_space<any>> -> memref<32x128xf32, #tpu.memory_space<any>>
    tpu.wait_dma2 semaphore(%arg3 : memref<!tpu.dma_semaphore, #tpu.memory_space<semaphore_mem>>) src(%dma_wait3A_1773 : memref<32x128xf32, #tpu.memory_space<any>>) dst(%dma_wait3A_1769 : memref<32x128xf32, #tpu.memory_space<any>>)
    %dma_wait3A_1774 = arith.constant 41 : i32
    %dma_wait3A_1775 = arith.constant 0 : i32
    %dma_wait3A_1776 = arith.constant 0 : i32
    %dma_wait3A_1777 = tpu.memref_slice %arg2[%dma_wait3A_1774, %dma_wait3A_1775, %dma_wait3A_1776] : memref<128x32x128xf32, #tpu.memory_space<any>> -> memref<1x32x128xf32, #tpu.memory_space<any>>
    %dma_wait3A_1778 = tpu.memref_squeeze %dma_wait3A_1777 : memref<1x32x128xf32, #tpu.memory_space<any>> -> memref<32x128xf32, #tpu.memory_space<any>>
    %dma_wait3A_1779 = arith.constant 0 : i32
    %dma_wait3A_1780 = arith.constant 0 : i32
    %dma_wait3A_1781 = tpu.memref_slice %arg1[%get3A_82, %dma_wait3A_1779, %dma_wait3A_1780] : memref<20000x32x128xf32, #tpu.memory_space<any>> -> memref<1x32x128xf32, #tpu.memory_space<any>>
    %dma_wait3A_1782 = tpu.memref_squeeze %dma_wait3A_1781 : memref<1x32x128xf32, #tpu.memory_space<any>> -> memref<32x128xf32, #tpu.memory_space<any>>
    tpu.wait_dma2 semaphore(%arg3 : memref<!tpu.dma_semaphore, #tpu.memory_space<semaphore_mem>>) src(%dma_wait3A_1782 : memref<32x128xf32, #tpu.memory_space<any>>) dst(%dma_wait3A_1778 : memref<32x128xf32, #tpu.memory_space<any>>)
    %dma_wait3A_1783 = arith.constant 42 : i32
    %dma_wait3A_1784 = arith.constant 0 : i32
    %dma_wait3A_1785 = arith.constant 0 : i32
    %dma_wait3A_1786 = tpu.memref_slice %arg2[%dma_wait3A_1783, %dma_wait3A_1784, %dma_wait3A_1785] : memref<128x32x128xf32, #tpu.memory_space<any>> -> memref<1x32x128xf32, #tpu.memory_space<any>>
    %dma_wait3A_1787 = tpu.memref_squeeze %dma_wait3A_1786 : memref<1x32x128xf32, #tpu.memory_space<any>> -> memref<32x128xf32, #tpu.memory_space<any>>
    %dma_wait3A_1788 = arith.constant 0 : i32
    %dma_wait3A_1789 = arith.constant 0 : i32
    %dma_wait3A_1790 = tpu.memref_slice %arg1[%get3A_84, %dma_wait3A_1788, %dma_wait3A_1789] : memref<20000x32x128xf32, #tpu.memory_space<any>> -> memref<1x32x128xf32, #tpu.memory_space<any>>
    %dma_wait3A_1791 = tpu.memref_squeeze %dma_wait3A_1790 : memref<1x32x128xf32, #tpu.memory_space<any>> -> memref<32x128xf32, #tpu.memory_space<any>>
    tpu.wait_dma2 semaphore(%arg3 : memref<!tpu.dma_semaphore, #tpu.memory_space<semaphore_mem>>) src(%dma_wait3A_1791 : memref<32x128xf32, #tpu.memory_space<any>>) dst(%dma_wait3A_1787 : memref<32x128xf32, #tpu.memory_space<any>>)
    %dma_wait3A_1792 = arith.constant 43 : i32
    %dma_wait3A_1793 = arith.constant 0 : i32
    %dma_wait3A_1794 = arith.constant 0 : i32
    %dma_wait3A_1795 = tpu.memref_slice %arg2[%dma_wait3A_1792, %dma_wait3A_1793, %dma_wait3A_1794] : memref<128x32x128xf32, #tpu.memory_space<any>> -> memref<1x32x128xf32, #tpu.memory_space<any>>
    %dma_wait3A_1796 = tpu.memref_squeeze %dma_wait3A_1795 : memref<1x32x128xf32, #tpu.memory_space<any>> -> memref<32x128xf32, #tpu.memory_space<any>>
    %dma_wait3A_1797 = arith.constant 0 : i32
    %dma_wait3A_1798 = arith.constant 0 : i32
    %dma_wait3A_1799 = tpu.memref_slice %arg1[%get3A_86, %dma_wait3A_1797, %dma_wait3A_1798] : memref<20000x32x128xf32, #tpu.memory_space<any>> -> memref<1x32x128xf32, #tpu.memory_space<any>>
    %dma_wait3A_1800 = tpu.memref_squeeze %dma_wait3A_1799 : memref<1x32x128xf32, #tpu.memory_space<any>> -> memref<32x128xf32, #tpu.memory_space<any>>
    tpu.wait_dma2 semaphore(%arg3 : memref<!tpu.dma_semaphore, #tpu.memory_space<semaphore_mem>>) src(%dma_wait3A_1800 : memref<32x128xf32, #tpu.memory_space<any>>) dst(%dma_wait3A_1796 : memref<32x128xf32, #tpu.memory_space<any>>)
    %dma_wait3A_1801 = arith.constant 44 : i32
    %dma_wait3A_1802 = arith.constant 0 : i32
    %dma_wait3A_1803 = arith.constant 0 : i32
    %dma_wait3A_1804 = tpu.memref_slice %arg2[%dma_wait3A_1801, %dma_wait3A_1802, %dma_wait3A_1803] : memref<128x32x128xf32, #tpu.memory_space<any>> -> memref<1x32x128xf32, #tpu.memory_space<any>>
    %dma_wait3A_1805 = tpu.memref_squeeze %dma_wait3A_1804 : memref<1x32x128xf32, #tpu.memory_space<any>> -> memref<32x128xf32, #tpu.memory_space<any>>
    %dma_wait3A_1806 = arith.constant 0 : i32
    %dma_wait3A_1807 = arith.constant 0 : i32
    %dma_wait3A_1808 = tpu.memref_slice %arg1[%get3A_88, %dma_wait3A_1806, %dma_wait3A_1807] : memref<20000x32x128xf32, #tpu.memory_space<any>> -> memref<1x32x128xf32, #tpu.memory_space<any>>
    %dma_wait3A_1809 = tpu.memref_squeeze %dma_wait3A_1808 : memref<1x32x128xf32, #tpu.memory_space<any>> -> memref<32x128xf32, #tpu.memory_space<any>>
    tpu.wait_dma2 semaphore(%arg3 : memref<!tpu.dma_semaphore, #tpu.memory_space<semaphore_mem>>) src(%dma_wait3A_1809 : memref<32x128xf32, #tpu.memory_space<any>>) dst(%dma_wait3A_1805 : memref<32x128xf32, #tpu.memory_space<any>>)
    %dma_wait3A_1810 = arith.constant 45 : i32
    %dma_wait3A_1811 = arith.constant 0 : i32
    %dma_wait3A_1812 = arith.constant 0 : i32
    %dma_wait3A_1813 = tpu.memref_slice %arg2[%dma_wait3A_1810, %dma_wait3A_1811, %dma_wait3A_1812] : memref<128x32x128xf32, #tpu.memory_space<any>> -> memref<1x32x128xf32, #tpu.memory_space<any>>
    %dma_wait3A_1814 = tpu.memref_squeeze %dma_wait3A_1813 : memref<1x32x128xf32, #tpu.memory_space<any>> -> memref<32x128xf32, #tpu.memory_space<any>>
    %dma_wait3A_1815 = arith.constant 0 : i32
    %dma_wait3A_1816 = arith.constant 0 : i32
    %dma_wait3A_1817 = tpu.memref_slice %arg1[%get3A_90, %dma_wait3A_1815, %dma_wait3A_1816] : memref<20000x32x128xf32, #tpu.memory_space<any>> -> memref<1x32x128xf32, #tpu.memory_space<any>>
    %dma_wait3A_1818 = tpu.memref_squeeze %dma_wait3A_1817 : memref<1x32x128xf32, #tpu.memory_space<any>> -> memref<32x128xf32, #tpu.memory_space<any>>
    tpu.wait_dma2 semaphore(%arg3 : memref<!tpu.dma_semaphore, #tpu.memory_space<semaphore_mem>>) src(%dma_wait3A_1818 : memref<32x128xf32, #tpu.memory_space<any>>) dst(%dma_wait3A_1814 : memref<32x128xf32, #tpu.memory_space<any>>)
    %dma_wait3A_1819 = arith.constant 46 : i32
    %dma_wait3A_1820 = arith.constant 0 : i32
    %dma_wait3A_1821 = arith.constant 0 : i32
    %dma_wait3A_1822 = tpu.memref_slice %arg2[%dma_wait3A_1819, %dma_wait3A_1820, %dma_wait3A_1821] : memref<128x32x128xf32, #tpu.memory_space<any>> -> memref<1x32x128xf32, #tpu.memory_space<any>>
    %dma_wait3A_1823 = tpu.memref_squeeze %dma_wait3A_1822 : memref<1x32x128xf32, #tpu.memory_space<any>> -> memref<32x128xf32, #tpu.memory_space<any>>
    %dma_wait3A_1824 = arith.constant 0 : i32
    %dma_wait3A_1825 = arith.constant 0 : i32
    %dma_wait3A_1826 = tpu.memref_slice %arg1[%get3A_92, %dma_wait3A_1824, %dma_wait3A_1825] : memref<20000x32x128xf32, #tpu.memory_space<any>> -> memref<1x32x128xf32, #tpu.memory_space<any>>
    %dma_wait3A_1827 = tpu.memref_squeeze %dma_wait3A_1826 : memref<1x32x128xf32, #tpu.memory_space<any>> -> memref<32x128xf32, #tpu.memory_space<any>>
    tpu.wait_dma2 semaphore(%arg3 : memref<!tpu.dma_semaphore, #tpu.memory_space<semaphore_mem>>) src(%dma_wait3A_1827 : memref<32x128xf32, #tpu.memory_space<any>>) dst(%dma_wait3A_1823 : memref<32x128xf32, #tpu.memory_space<any>>)
    %dma_wait3A_1828 = arith.constant 47 : i32
    %dma_wait3A_1829 = arith.constant 0 : i32
    %dma_wait3A_1830 = arith.constant 0 : i32
    %dma_wait3A_1831 = tpu.memref_slice %arg2[%dma_wait3A_1828, %dma_wait3A_1829, %dma_wait3A_1830] : memref<128x32x128xf32, #tpu.memory_space<any>> -> memref<1x32x128xf32, #tpu.memory_space<any>>
    %dma_wait3A_1832 = tpu.memref_squeeze %dma_wait3A_1831 : memref<1x32x128xf32, #tpu.memory_space<any>> -> memref<32x128xf32, #tpu.memory_space<any>>
    %dma_wait3A_1833 = arith.constant 0 : i32
    %dma_wait3A_1834 = arith.constant 0 : i32
    %dma_wait3A_1835 = tpu.memref_slice %arg1[%get3A_94, %dma_wait3A_1833, %dma_wait3A_1834] : memref<20000x32x128xf32, #tpu.memory_space<any>> -> memref<1x32x128xf32, #tpu.memory_space<any>>
    %dma_wait3A_1836 = tpu.memref_squeeze %dma_wait3A_1835 : memref<1x32x128xf32, #tpu.memory_space<any>> -> memref<32x128xf32, #tpu.memory_space<any>>
    tpu.wait_dma2 semaphore(%arg3 : memref<!tpu.dma_semaphore, #tpu.memory_space<semaphore_mem>>) src(%dma_wait3A_1836 : memref<32x128xf32, #tpu.memory_space<any>>) dst(%dma_wait3A_1832 : memref<32x128xf32, #tpu.memory_space<any>>)
    %dma_wait3A_1837 = arith.constant 48 : i32
    %dma_wait3A_1838 = arith.constant 0 : i32
    %dma_wait3A_1839 = arith.constant 0 : i32
    %dma_wait3A_1840 = tpu.memref_slice %arg2[%dma_wait3A_1837, %dma_wait3A_1838, %dma_wait3A_1839] : memref<128x32x128xf32, #tpu.memory_space<any>> -> memref<1x32x128xf32, #tpu.memory_space<any>>
    %dma_wait3A_1841 = tpu.memref_squeeze %dma_wait3A_1840 : memref<1x32x128xf32, #tpu.memory_space<any>> -> memref<32x128xf32, #tpu.memory_space<any>>
    %dma_wait3A_1842 = arith.constant 0 : i32
    %dma_wait3A_1843 = arith.constant 0 : i32
    %dma_wait3A_1844 = tpu.memref_slice %arg1[%get3A_96, %dma_wait3A_1842, %dma_wait3A_1843] : memref<20000x32x128xf32, #tpu.memory_space<any>> -> memref<1x32x128xf32, #tpu.memory_space<any>>
    %dma_wait3A_1845 = tpu.memref_squeeze %dma_wait3A_1844 : memref<1x32x128xf32, #tpu.memory_space<any>> -> memref<32x128xf32, #tpu.memory_space<any>>
    tpu.wait_dma2 semaphore(%arg3 : memref<!tpu.dma_semaphore, #tpu.memory_space<semaphore_mem>>) src(%dma_wait3A_1845 : memref<32x128xf32, #tpu.memory_space<any>>) dst(%dma_wait3A_1841 : memref<32x128xf32, #tpu.memory_space<any>>)
    %dma_wait3A_1846 = arith.constant 49 : i32
    %dma_wait3A_1847 = arith.constant 0 : i32
    %dma_wait3A_1848 = arith.constant 0 : i32
    %dma_wait3A_1849 = tpu.memref_slice %arg2[%dma_wait3A_1846, %dma_wait3A_1847, %dma_wait3A_1848] : memref<128x32x128xf32, #tpu.memory_space<any>> -> memref<1x32x128xf32, #tpu.memory_space<any>>
    %dma_wait3A_1850 = tpu.memref_squeeze %dma_wait3A_1849 : memref<1x32x128xf32, #tpu.memory_space<any>> -> memref<32x128xf32, #tpu.memory_space<any>>
    %dma_wait3A_1851 = arith.constant 0 : i32
    %dma_wait3A_1852 = arith.constant 0 : i32
    %dma_wait3A_1853 = tpu.memref_slice %arg1[%get3A_98, %dma_wait3A_1851, %dma_wait3A_1852] : memref<20000x32x128xf32, #tpu.memory_space<any>> -> memref<1x32x128xf32, #tpu.memory_space<any>>
    %dma_wait3A_1854 = tpu.memref_squeeze %dma_wait3A_1853 : memref<1x32x128xf32, #tpu.memory_space<any>> -> memref<32x128xf32, #tpu.memory_space<any>>
    tpu.wait_dma2 semaphore(%arg3 : memref<!tpu.dma_semaphore, #tpu.memory_space<semaphore_mem>>) src(%dma_wait3A_1854 : memref<32x128xf32, #tpu.memory_space<any>>) dst(%dma_wait3A_1850 : memref<32x128xf32, #tpu.memory_space<any>>)
    %dma_wait3A_1855 = arith.constant 50 : i32
    %dma_wait3A_1856 = arith.constant 0 : i32
    %dma_wait3A_1857 = arith.constant 0 : i32
    %dma_wait3A_1858 = tpu.memref_slice %arg2[%dma_wait3A_1855, %dma_wait3A_1856, %dma_wait3A_1857] : memref<128x32x128xf32, #tpu.memory_space<any>> -> memref<1x32x128xf32, #tpu.memory_space<any>>
    %dma_wait3A_1859 = tpu.memref_squeeze %dma_wait3A_1858 : memref<1x32x128xf32, #tpu.memory_space<any>> -> memref<32x128xf32, #tpu.memory_space<any>>
    %dma_wait3A_1860 = arith.constant 0 : i32
    %dma_wait3A_1861 = arith.constant 0 : i32
    %dma_wait3A_1862 = tpu.memref_slice %arg1[%get3A_100, %dma_wait3A_1860, %dma_wait3A_1861] : memref<20000x32x128xf32, #tpu.memory_space<any>> -> memref<1x32x128xf32, #tpu.memory_space<any>>
    %dma_wait3A_1863 = tpu.memref_squeeze %dma_wait3A_1862 : memref<1x32x128xf32, #tpu.memory_space<any>> -> memref<32x128xf32, #tpu.memory_space<any>>
    tpu.wait_dma2 semaphore(%arg3 : memref<!tpu.dma_semaphore, #tpu.memory_space<semaphore_mem>>) src(%dma_wait3A_1863 : memref<32x128xf32, #tpu.memory_space<any>>) dst(%dma_wait3A_1859 : memref<32x128xf32, #tpu.memory_space<any>>)
    %dma_wait3A_1864 = arith.constant 51 : i32
    %dma_wait3A_1865 = arith.constant 0 : i32
    %dma_wait3A_1866 = arith.constant 0 : i32
    %dma_wait3A_1867 = tpu.memref_slice %arg2[%dma_wait3A_1864, %dma_wait3A_1865, %dma_wait3A_1866] : memref<128x32x128xf32, #tpu.memory_space<any>> -> memref<1x32x128xf32, #tpu.memory_space<any>>
    %dma_wait3A_1868 = tpu.memref_squeeze %dma_wait3A_1867 : memref<1x32x128xf32, #tpu.memory_space<any>> -> memref<32x128xf32, #tpu.memory_space<any>>
    %dma_wait3A_1869 = arith.constant 0 : i32
    %dma_wait3A_1870 = arith.constant 0 : i32
    %dma_wait3A_1871 = tpu.memref_slice %arg1[%get3A_102, %dma_wait3A_1869, %dma_wait3A_1870] : memref<20000x32x128xf32, #tpu.memory_space<any>> -> memref<1x32x128xf32, #tpu.memory_space<any>>
    %dma_wait3A_1872 = tpu.memref_squeeze %dma_wait3A_1871 : memref<1x32x128xf32, #tpu.memory_space<any>> -> memref<32x128xf32, #tpu.memory_space<any>>
    tpu.wait_dma2 semaphore(%arg3 : memref<!tpu.dma_semaphore, #tpu.memory_space<semaphore_mem>>) src(%dma_wait3A_1872 : memref<32x128xf32, #tpu.memory_space<any>>) dst(%dma_wait3A_1868 : memref<32x128xf32, #tpu.memory_space<any>>)
    %dma_wait3A_1873 = arith.constant 52 : i32
    %dma_wait3A_1874 = arith.constant 0 : i32
    %dma_wait3A_1875 = arith.constant 0 : i32
    %dma_wait3A_1876 = tpu.memref_slice %arg2[%dma_wait3A_1873, %dma_wait3A_1874, %dma_wait3A_1875] : memref<128x32x128xf32, #tpu.memory_space<any>> -> memref<1x32x128xf32, #tpu.memory_space<any>>
    %dma_wait3A_1877 = tpu.memref_squeeze %dma_wait3A_1876 : memref<1x32x128xf32, #tpu.memory_space<any>> -> memref<32x128xf32, #tpu.memory_space<any>>
    %dma_wait3A_1878 = arith.constant 0 : i32
    %dma_wait3A_1879 = arith.constant 0 : i32
    %dma_wait3A_1880 = tpu.memref_slice %arg1[%get3A_104, %dma_wait3A_1878, %dma_wait3A_1879] : memref<20000x32x128xf32, #tpu.memory_space<any>> -> memref<1x32x128xf32, #tpu.memory_space<any>>
    %dma_wait3A_1881 = tpu.memref_squeeze %dma_wait3A_1880 : memref<1x32x128xf32, #tpu.memory_space<any>> -> memref<32x128xf32, #tpu.memory_space<any>>
    tpu.wait_dma2 semaphore(%arg3 : memref<!tpu.dma_semaphore, #tpu.memory_space<semaphore_mem>>) src(%dma_wait3A_1881 : memref<32x128xf32, #tpu.memory_space<any>>) dst(%dma_wait3A_1877 : memref<32x128xf32, #tpu.memory_space<any>>)
    %dma_wait3A_1882 = arith.constant 53 : i32
    %dma_wait3A_1883 = arith.constant 0 : i32
    %dma_wait3A_1884 = arith.constant 0 : i32
    %dma_wait3A_1885 = tpu.memref_slice %arg2[%dma_wait3A_1882, %dma_wait3A_1883, %dma_wait3A_1884] : memref<128x32x128xf32, #tpu.memory_space<any>> -> memref<1x32x128xf32, #tpu.memory_space<any>>
    %dma_wait3A_1886 = tpu.memref_squeeze %dma_wait3A_1885 : memref<1x32x128xf32, #tpu.memory_space<any>> -> memref<32x128xf32, #tpu.memory_space<any>>
    %dma_wait3A_1887 = arith.constant 0 : i32
    %dma_wait3A_1888 = arith.constant 0 : i32
    %dma_wait3A_1889 = tpu.memref_slice %arg1[%get3A_106, %dma_wait3A_1887, %dma_wait3A_1888] : memref<20000x32x128xf32, #tpu.memory_space<any>> -> memref<1x32x128xf32, #tpu.memory_space<any>>
    %dma_wait3A_1890 = tpu.memref_squeeze %dma_wait3A_1889 : memref<1x32x128xf32, #tpu.memory_space<any>> -> memref<32x128xf32, #tpu.memory_space<any>>
    tpu.wait_dma2 semaphore(%arg3 : memref<!tpu.dma_semaphore, #tpu.memory_space<semaphore_mem>>) src(%dma_wait3A_1890 : memref<32x128xf32, #tpu.memory_space<any>>) dst(%dma_wait3A_1886 : memref<32x128xf32, #tpu.memory_space<any>>)
    %dma_wait3A_1891 = arith.constant 54 : i32
    %dma_wait3A_1892 = arith.constant 0 : i32
    %dma_wait3A_1893 = arith.constant 0 : i32
    %dma_wait3A_1894 = tpu.memref_slice %arg2[%dma_wait3A_1891, %dma_wait3A_1892, %dma_wait3A_1893] : memref<128x32x128xf32, #tpu.memory_space<any>> -> memref<1x32x128xf32, #tpu.memory_space<any>>
    %dma_wait3A_1895 = tpu.memref_squeeze %dma_wait3A_1894 : memref<1x32x128xf32, #tpu.memory_space<any>> -> memref<32x128xf32, #tpu.memory_space<any>>
    %dma_wait3A_1896 = arith.constant 0 : i32
    %dma_wait3A_1897 = arith.constant 0 : i32
    %dma_wait3A_1898 = tpu.memref_slice %arg1[%get3A_108, %dma_wait3A_1896, %dma_wait3A_1897] : memref<20000x32x128xf32, #tpu.memory_space<any>> -> memref<1x32x128xf32, #tpu.memory_space<any>>
    %dma_wait3A_1899 = tpu.memref_squeeze %dma_wait3A_1898 : memref<1x32x128xf32, #tpu.memory_space<any>> -> memref<32x128xf32, #tpu.memory_space<any>>
    tpu.wait_dma2 semaphore(%arg3 : memref<!tpu.dma_semaphore, #tpu.memory_space<semaphore_mem>>) src(%dma_wait3A_1899 : memref<32x128xf32, #tpu.memory_space<any>>) dst(%dma_wait3A_1895 : memref<32x128xf32, #tpu.memory_space<any>>)
    %dma_wait3A_1900 = arith.constant 55 : i32
    %dma_wait3A_1901 = arith.constant 0 : i32
    %dma_wait3A_1902 = arith.constant 0 : i32
    %dma_wait3A_1903 = tpu.memref_slice %arg2[%dma_wait3A_1900, %dma_wait3A_1901, %dma_wait3A_1902] : memref<128x32x128xf32, #tpu.memory_space<any>> -> memref<1x32x128xf32, #tpu.memory_space<any>>
    %dma_wait3A_1904 = tpu.memref_squeeze %dma_wait3A_1903 : memref<1x32x128xf32, #tpu.memory_space<any>> -> memref<32x128xf32, #tpu.memory_space<any>>
    %dma_wait3A_1905 = arith.constant 0 : i32
    %dma_wait3A_1906 = arith.constant 0 : i32
    %dma_wait3A_1907 = tpu.memref_slice %arg1[%get3A_110, %dma_wait3A_1905, %dma_wait3A_1906] : memref<20000x32x128xf32, #tpu.memory_space<any>> -> memref<1x32x128xf32, #tpu.memory_space<any>>
    %dma_wait3A_1908 = tpu.memref_squeeze %dma_wait3A_1907 : memref<1x32x128xf32, #tpu.memory_space<any>> -> memref<32x128xf32, #tpu.memory_space<any>>
    tpu.wait_dma2 semaphore(%arg3 : memref<!tpu.dma_semaphore, #tpu.memory_space<semaphore_mem>>) src(%dma_wait3A_1908 : memref<32x128xf32, #tpu.memory_space<any>>) dst(%dma_wait3A_1904 : memref<32x128xf32, #tpu.memory_space<any>>)
    %dma_wait3A_1909 = arith.constant 56 : i32
    %dma_wait3A_1910 = arith.constant 0 : i32
    %dma_wait3A_1911 = arith.constant 0 : i32
    %dma_wait3A_1912 = tpu.memref_slice %arg2[%dma_wait3A_1909, %dma_wait3A_1910, %dma_wait3A_1911] : memref<128x32x128xf32, #tpu.memory_space<any>> -> memref<1x32x128xf32, #tpu.memory_space<any>>
    %dma_wait3A_1913 = tpu.memref_squeeze %dma_wait3A_1912 : memref<1x32x128xf32, #tpu.memory_space<any>> -> memref<32x128xf32, #tpu.memory_space<any>>
    %dma_wait3A_1914 = arith.constant 0 : i32
    %dma_wait3A_1915 = arith.constant 0 : i32
    %dma_wait3A_1916 = tpu.memref_slice %arg1[%get3A_112, %dma_wait3A_1914, %dma_wait3A_1915] : memref<20000x32x128xf32, #tpu.memory_space<any>> -> memref<1x32x128xf32, #tpu.memory_space<any>>
    %dma_wait3A_1917 = tpu.memref_squeeze %dma_wait3A_1916 : memref<1x32x128xf32, #tpu.memory_space<any>> -> memref<32x128xf32, #tpu.memory_space<any>>
    tpu.wait_dma2 semaphore(%arg3 : memref<!tpu.dma_semaphore, #tpu.memory_space<semaphore_mem>>) src(%dma_wait3A_1917 : memref<32x128xf32, #tpu.memory_space<any>>) dst(%dma_wait3A_1913 : memref<32x128xf32, #tpu.memory_space<any>>)
    %dma_wait3A_1918 = arith.constant 57 : i32
    %dma_wait3A_1919 = arith.constant 0 : i32
    %dma_wait3A_1920 = arith.constant 0 : i32
    %dma_wait3A_1921 = tpu.memref_slice %arg2[%dma_wait3A_1918, %dma_wait3A_1919, %dma_wait3A_1920] : memref<128x32x128xf32, #tpu.memory_space<any>> -> memref<1x32x128xf32, #tpu.memory_space<any>>
    %dma_wait3A_1922 = tpu.memref_squeeze %dma_wait3A_1921 : memref<1x32x128xf32, #tpu.memory_space<any>> -> memref<32x128xf32, #tpu.memory_space<any>>
    %dma_wait3A_1923 = arith.constant 0 : i32
    %dma_wait3A_1924 = arith.constant 0 : i32
    %dma_wait3A_1925 = tpu.memref_slice %arg1[%get3A_114, %dma_wait3A_1923, %dma_wait3A_1924] : memref<20000x32x128xf32, #tpu.memory_space<any>> -> memref<1x32x128xf32, #tpu.memory_space<any>>
    %dma_wait3A_1926 = tpu.memref_squeeze %dma_wait3A_1925 : memref<1x32x128xf32, #tpu.memory_space<any>> -> memref<32x128xf32, #tpu.memory_space<any>>
    tpu.wait_dma2 semaphore(%arg3 : memref<!tpu.dma_semaphore, #tpu.memory_space<semaphore_mem>>) src(%dma_wait3A_1926 : memref<32x128xf32, #tpu.memory_space<any>>) dst(%dma_wait3A_1922 : memref<32x128xf32, #tpu.memory_space<any>>)
    %dma_wait3A_1927 = arith.constant 58 : i32
    %dma_wait3A_1928 = arith.constant 0 : i32
    %dma_wait3A_1929 = arith.constant 0 : i32
    %dma_wait3A_1930 = tpu.memref_slice %arg2[%dma_wait3A_1927, %dma_wait3A_1928, %dma_wait3A_1929] : memref<128x32x128xf32, #tpu.memory_space<any>> -> memref<1x32x128xf32, #tpu.memory_space<any>>
    %dma_wait3A_1931 = tpu.memref_squeeze %dma_wait3A_1930 : memref<1x32x128xf32, #tpu.memory_space<any>> -> memref<32x128xf32, #tpu.memory_space<any>>
    %dma_wait3A_1932 = arith.constant 0 : i32
    %dma_wait3A_1933 = arith.constant 0 : i32
    %dma_wait3A_1934 = tpu.memref_slice %arg1[%get3A_116, %dma_wait3A_1932, %dma_wait3A_1933] : memref<20000x32x128xf32, #tpu.memory_space<any>> -> memref<1x32x128xf32, #tpu.memory_space<any>>
    %dma_wait3A_1935 = tpu.memref_squeeze %dma_wait3A_1934 : memref<1x32x128xf32, #tpu.memory_space<any>> -> memref<32x128xf32, #tpu.memory_space<any>>
    tpu.wait_dma2 semaphore(%arg3 : memref<!tpu.dma_semaphore, #tpu.memory_space<semaphore_mem>>) src(%dma_wait3A_1935 : memref<32x128xf32, #tpu.memory_space<any>>) dst(%dma_wait3A_1931 : memref<32x128xf32, #tpu.memory_space<any>>)
    %dma_wait3A_1936 = arith.constant 59 : i32
    %dma_wait3A_1937 = arith.constant 0 : i32
    %dma_wait3A_1938 = arith.constant 0 : i32
    %dma_wait3A_1939 = tpu.memref_slice %arg2[%dma_wait3A_1936, %dma_wait3A_1937, %dma_wait3A_1938] : memref<128x32x128xf32, #tpu.memory_space<any>> -> memref<1x32x128xf32, #tpu.memory_space<any>>
    %dma_wait3A_1940 = tpu.memref_squeeze %dma_wait3A_1939 : memref<1x32x128xf32, #tpu.memory_space<any>> -> memref<32x128xf32, #tpu.memory_space<any>>
    %dma_wait3A_1941 = arith.constant 0 : i32
    %dma_wait3A_1942 = arith.constant 0 : i32
    %dma_wait3A_1943 = tpu.memref_slice %arg1[%get3A_118, %dma_wait3A_1941, %dma_wait3A_1942] : memref<20000x32x128xf32, #tpu.memory_space<any>> -> memref<1x32x128xf32, #tpu.memory_space<any>>
    %dma_wait3A_1944 = tpu.memref_squeeze %dma_wait3A_1943 : memref<1x32x128xf32, #tpu.memory_space<any>> -> memref<32x128xf32, #tpu.memory_space<any>>
    tpu.wait_dma2 semaphore(%arg3 : memref<!tpu.dma_semaphore, #tpu.memory_space<semaphore_mem>>) src(%dma_wait3A_1944 : memref<32x128xf32, #tpu.memory_space<any>>) dst(%dma_wait3A_1940 : memref<32x128xf32, #tpu.memory_space<any>>)
    %dma_wait3A_1945 = arith.constant 60 : i32
    %dma_wait3A_1946 = arith.constant 0 : i32
    %dma_wait3A_1947 = arith.constant 0 : i32
    %dma_wait3A_1948 = tpu.memref_slice %arg2[%dma_wait3A_1945, %dma_wait3A_1946, %dma_wait3A_1947] : memref<128x32x128xf32, #tpu.memory_space<any>> -> memref<1x32x128xf32, #tpu.memory_space<any>>
    %dma_wait3A_1949 = tpu.memref_squeeze %dma_wait3A_1948 : memref<1x32x128xf32, #tpu.memory_space<any>> -> memref<32x128xf32, #tpu.memory_space<any>>
    %dma_wait3A_1950 = arith.constant 0 : i32
    %dma_wait3A_1951 = arith.constant 0 : i32
    %dma_wait3A_1952 = tpu.memref_slice %arg1[%get3A_120, %dma_wait3A_1950, %dma_wait3A_1951] : memref<20000x32x128xf32, #tpu.memory_space<any>> -> memref<1x32x128xf32, #tpu.memory_space<any>>
    %dma_wait3A_1953 = tpu.memref_squeeze %dma_wait3A_1952 : memref<1x32x128xf32, #tpu.memory_space<any>> -> memref<32x128xf32, #tpu.memory_space<any>>
    tpu.wait_dma2 semaphore(%arg3 : memref<!tpu.dma_semaphore, #tpu.memory_space<semaphore_mem>>) src(%dma_wait3A_1953 : memref<32x128xf32, #tpu.memory_space<any>>) dst(%dma_wait3A_1949 : memref<32x128xf32, #tpu.memory_space<any>>)
    %dma_wait3A_1954 = arith.constant 61 : i32
    %dma_wait3A_1955 = arith.constant 0 : i32
    %dma_wait3A_1956 = arith.constant 0 : i32
    %dma_wait3A_1957 = tpu.memref_slice %arg2[%dma_wait3A_1954, %dma_wait3A_1955, %dma_wait3A_1956] : memref<128x32x128xf32, #tpu.memory_space<any>> -> memref<1x32x128xf32, #tpu.memory_space<any>>
    %dma_wait3A_1958 = tpu.memref_squeeze %dma_wait3A_1957 : memref<1x32x128xf32, #tpu.memory_space<any>> -> memref<32x128xf32, #tpu.memory_space<any>>
    %dma_wait3A_1959 = arith.constant 0 : i32
    %dma_wait3A_1960 = arith.constant 0 : i32
    %dma_wait3A_1961 = tpu.memref_slice %arg1[%get3A_122, %dma_wait3A_1959, %dma_wait3A_1960] : memref<20000x32x128xf32, #tpu.memory_space<any>> -> memref<1x32x128xf32, #tpu.memory_space<any>>
    %dma_wait3A_1962 = tpu.memref_squeeze %dma_wait3A_1961 : memref<1x32x128xf32, #tpu.memory_space<any>> -> memref<32x128xf32, #tpu.memory_space<any>>
    tpu.wait_dma2 semaphore(%arg3 : memref<!tpu.dma_semaphore, #tpu.memory_space<semaphore_mem>>) src(%dma_wait3A_1962 : memref<32x128xf32, #tpu.memory_space<any>>) dst(%dma_wait3A_1958 : memref<32x128xf32, #tpu.memory_space<any>>)
    %dma_wait3A_1963 = arith.constant 62 : i32
    %dma_wait3A_1964 = arith.constant 0 : i32
    %dma_wait3A_1965 = arith.constant 0 : i32
    %dma_wait3A_1966 = tpu.memref_slice %arg2[%dma_wait3A_1963, %dma_wait3A_1964, %dma_wait3A_1965] : memref<128x32x128xf32, #tpu.memory_space<any>> -> memref<1x32x128xf32, #tpu.memory_space<any>>
    %dma_wait3A_1967 = tpu.memref_squeeze %dma_wait3A_1966 : memref<1x32x128xf32, #tpu.memory_space<any>> -> memref<32x128xf32, #tpu.memory_space<any>>
    %dma_wait3A_1968 = arith.constant 0 : i32
    %dma_wait3A_1969 = arith.constant 0 : i32
    %dma_wait3A_1970 = tpu.memref_slice %arg1[%get3A_124, %dma_wait3A_1968, %dma_wait3A_1969] : memref<20000x32x128xf32, #tpu.memory_space<any>> -> memref<1x32x128xf32, #tpu.memory_space<any>>
    %dma_wait3A_1971 = tpu.memref_squeeze %dma_wait3A_1970 : memref<1x32x128xf32, #tpu.memory_space<any>> -> memref<32x128xf32, #tpu.memory_space<any>>
    tpu.wait_dma2 semaphore(%arg3 : memref<!tpu.dma_semaphore, #tpu.memory_space<semaphore_mem>>) src(%dma_wait3A_1971 : memref<32x128xf32, #tpu.memory_space<any>>) dst(%dma_wait3A_1967 : memref<32x128xf32, #tpu.memory_space<any>>)
    %dma_wait3A_1972 = arith.constant 63 : i32
    %dma_wait3A_1973 = arith.constant 0 : i32
    %dma_wait3A_1974 = arith.constant 0 : i32
    %dma_wait3A_1975 = tpu.memref_slice %arg2[%dma_wait3A_1972, %dma_wait3A_1973, %dma_wait3A_1974] : memref<128x32x128xf32, #tpu.memory_space<any>> -> memref<1x32x128xf32, #tpu.memory_space<any>>
    %dma_wait3A_1976 = tpu.memref_squeeze %dma_wait3A_1975 : memref<1x32x128xf32, #tpu.memory_space<any>> -> memref<32x128xf32, #tpu.memory_space<any>>
    %dma_wait3A_1977 = arith.constant 0 : i32
    %dma_wait3A_1978 = arith.constant 0 : i32
    %dma_wait3A_1979 = tpu.memref_slice %arg1[%get3A_126, %dma_wait3A_1977, %dma_wait3A_1978] : memref<20000x32x128xf32, #tpu.memory_space<any>> -> memref<1x32x128xf32, #tpu.memory_space<any>>
    %dma_wait3A_1980 = tpu.memref_squeeze %dma_wait3A_1979 : memref<1x32x128xf32, #tpu.memory_space<any>> -> memref<32x128xf32, #tpu.memory_space<any>>
    tpu.wait_dma2 semaphore(%arg3 : memref<!tpu.dma_semaphore, #tpu.memory_space<semaphore_mem>>) src(%dma_wait3A_1980 : memref<32x128xf32, #tpu.memory_space<any>>) dst(%dma_wait3A_1976 : memref<32x128xf32, #tpu.memory_space<any>>)
    %dma_wait3A_1981 = arith.constant 64 : i32
    %dma_wait3A_1982 = arith.constant 0 : i32
    %dma_wait3A_1983 = arith.constant 0 : i32
    %dma_wait3A_1984 = tpu.memref_slice %arg2[%dma_wait3A_1981, %dma_wait3A_1982, %dma_wait3A_1983] : memref<128x32x128xf32, #tpu.memory_space<any>> -> memref<1x32x128xf32, #tpu.memory_space<any>>
    %dma_wait3A_1985 = tpu.memref_squeeze %dma_wait3A_1984 : memref<1x32x128xf32, #tpu.memory_space<any>> -> memref<32x128xf32, #tpu.memory_space<any>>
    %dma_wait3A_1986 = arith.constant 0 : i32
    %dma_wait3A_1987 = arith.constant 0 : i32
    %dma_wait3A_1988 = tpu.memref_slice %arg1[%get3A_128, %dma_wait3A_1986, %dma_wait3A_1987] : memref<20000x32x128xf32, #tpu.memory_space<any>> -> memref<1x32x128xf32, #tpu.memory_space<any>>
    %dma_wait3A_1989 = tpu.memref_squeeze %dma_wait3A_1988 : memref<1x32x128xf32, #tpu.memory_space<any>> -> memref<32x128xf32, #tpu.memory_space<any>>
    tpu.wait_dma2 semaphore(%arg3 : memref<!tpu.dma_semaphore, #tpu.memory_space<semaphore_mem>>) src(%dma_wait3A_1989 : memref<32x128xf32, #tpu.memory_space<any>>) dst(%dma_wait3A_1985 : memref<32x128xf32, #tpu.memory_space<any>>)
    %dma_wait3A_1990 = arith.constant 65 : i32
    %dma_wait3A_1991 = arith.constant 0 : i32
    %dma_wait3A_1992 = arith.constant 0 : i32
    %dma_wait3A_1993 = tpu.memref_slice %arg2[%dma_wait3A_1990, %dma_wait3A_1991, %dma_wait3A_1992] : memref<128x32x128xf32, #tpu.memory_space<any>> -> memref<1x32x128xf32, #tpu.memory_space<any>>
    %dma_wait3A_1994 = tpu.memref_squeeze %dma_wait3A_1993 : memref<1x32x128xf32, #tpu.memory_space<any>> -> memref<32x128xf32, #tpu.memory_space<any>>
    %dma_wait3A_1995 = arith.constant 0 : i32
    %dma_wait3A_1996 = arith.constant 0 : i32
    %dma_wait3A_1997 = tpu.memref_slice %arg1[%get3A_130, %dma_wait3A_1995, %dma_wait3A_1996] : memref<20000x32x128xf32, #tpu.memory_space<any>> -> memref<1x32x128xf32, #tpu.memory_space<any>>
    %dma_wait3A_1998 = tpu.memref_squeeze %dma_wait3A_1997 : memref<1x32x128xf32, #tpu.memory_space<any>> -> memref<32x128xf32, #tpu.memory_space<any>>
    tpu.wait_dma2 semaphore(%arg3 : memref<!tpu.dma_semaphore, #tpu.memory_space<semaphore_mem>>) src(%dma_wait3A_1998 : memref<32x128xf32, #tpu.memory_space<any>>) dst(%dma_wait3A_1994 : memref<32x128xf32, #tpu.memory_space<any>>)
    %dma_wait3A_1999 = arith.constant 66 : i32
    %dma_wait3A_2000 = arith.constant 0 : i32
    %dma_wait3A_2001 = arith.constant 0 : i32
    %dma_wait3A_2002 = tpu.memref_slice %arg2[%dma_wait3A_1999, %dma_wait3A_2000, %dma_wait3A_2001] : memref<128x32x128xf32, #tpu.memory_space<any>> -> memref<1x32x128xf32, #tpu.memory_space<any>>
    %dma_wait3A_2003 = tpu.memref_squeeze %dma_wait3A_2002 : memref<1x32x128xf32, #tpu.memory_space<any>> -> memref<32x128xf32, #tpu.memory_space<any>>
    %dma_wait3A_2004 = arith.constant 0 : i32
    %dma_wait3A_2005 = arith.constant 0 : i32
    %dma_wait3A_2006 = tpu.memref_slice %arg1[%get3A_132, %dma_wait3A_2004, %dma_wait3A_2005] : memref<20000x32x128xf32, #tpu.memory_space<any>> -> memref<1x32x128xf32, #tpu.memory_space<any>>
    %dma_wait3A_2007 = tpu.memref_squeeze %dma_wait3A_2006 : memref<1x32x128xf32, #tpu.memory_space<any>> -> memref<32x128xf32, #tpu.memory_space<any>>
    tpu.wait_dma2 semaphore(%arg3 : memref<!tpu.dma_semaphore, #tpu.memory_space<semaphore_mem>>) src(%dma_wait3A_2007 : memref<32x128xf32, #tpu.memory_space<any>>) dst(%dma_wait3A_2003 : memref<32x128xf32, #tpu.memory_space<any>>)
    %dma_wait3A_2008 = arith.constant 67 : i32
    %dma_wait3A_2009 = arith.constant 0 : i32
    %dma_wait3A_2010 = arith.constant 0 : i32
    %dma_wait3A_2011 = tpu.memref_slice %arg2[%dma_wait3A_2008, %dma_wait3A_2009, %dma_wait3A_2010] : memref<128x32x128xf32, #tpu.memory_space<any>> -> memref<1x32x128xf32, #tpu.memory_space<any>>
    %dma_wait3A_2012 = tpu.memref_squeeze %dma_wait3A_2011 : memref<1x32x128xf32, #tpu.memory_space<any>> -> memref<32x128xf32, #tpu.memory_space<any>>
    %dma_wait3A_2013 = arith.constant 0 : i32
    %dma_wait3A_2014 = arith.constant 0 : i32
    %dma_wait3A_2015 = tpu.memref_slice %arg1[%get3A_134, %dma_wait3A_2013, %dma_wait3A_2014] : memref<20000x32x128xf32, #tpu.memory_space<any>> -> memref<1x32x128xf32, #tpu.memory_space<any>>
    %dma_wait3A_2016 = tpu.memref_squeeze %dma_wait3A_2015 : memref<1x32x128xf32, #tpu.memory_space<any>> -> memref<32x128xf32, #tpu.memory_space<any>>
    tpu.wait_dma2 semaphore(%arg3 : memref<!tpu.dma_semaphore, #tpu.memory_space<semaphore_mem>>) src(%dma_wait3A_2016 : memref<32x128xf32, #tpu.memory_space<any>>) dst(%dma_wait3A_2012 : memref<32x128xf32, #tpu.memory_space<any>>)
    %dma_wait3A_2017 = arith.constant 68 : i32
    %dma_wait3A_2018 = arith.constant 0 : i32
    %dma_wait3A_2019 = arith.constant 0 : i32
    %dma_wait3A_2020 = tpu.memref_slice %arg2[%dma_wait3A_2017, %dma_wait3A_2018, %dma_wait3A_2019] : memref<128x32x128xf32, #tpu.memory_space<any>> -> memref<1x32x128xf32, #tpu.memory_space<any>>
    %dma_wait3A_2021 = tpu.memref_squeeze %dma_wait3A_2020 : memref<1x32x128xf32, #tpu.memory_space<any>> -> memref<32x128xf32, #tpu.memory_space<any>>
    %dma_wait3A_2022 = arith.constant 0 : i32
    %dma_wait3A_2023 = arith.constant 0 : i32
    %dma_wait3A_2024 = tpu.memref_slice %arg1[%get3A_136, %dma_wait3A_2022, %dma_wait3A_2023] : memref<20000x32x128xf32, #tpu.memory_space<any>> -> memref<1x32x128xf32, #tpu.memory_space<any>>
    %dma_wait3A_2025 = tpu.memref_squeeze %dma_wait3A_2024 : memref<1x32x128xf32, #tpu.memory_space<any>> -> memref<32x128xf32, #tpu.memory_space<any>>
    tpu.wait_dma2 semaphore(%arg3 : memref<!tpu.dma_semaphore, #tpu.memory_space<semaphore_mem>>) src(%dma_wait3A_2025 : memref<32x128xf32, #tpu.memory_space<any>>) dst(%dma_wait3A_2021 : memref<32x128xf32, #tpu.memory_space<any>>)
    %dma_wait3A_2026 = arith.constant 69 : i32
    %dma_wait3A_2027 = arith.constant 0 : i32
    %dma_wait3A_2028 = arith.constant 0 : i32
    %dma_wait3A_2029 = tpu.memref_slice %arg2[%dma_wait3A_2026, %dma_wait3A_2027, %dma_wait3A_2028] : memref<128x32x128xf32, #tpu.memory_space<any>> -> memref<1x32x128xf32, #tpu.memory_space<any>>
    %dma_wait3A_2030 = tpu.memref_squeeze %dma_wait3A_2029 : memref<1x32x128xf32, #tpu.memory_space<any>> -> memref<32x128xf32, #tpu.memory_space<any>>
    %dma_wait3A_2031 = arith.constant 0 : i32
    %dma_wait3A_2032 = arith.constant 0 : i32
    %dma_wait3A_2033 = tpu.memref_slice %arg1[%get3A_138, %dma_wait3A_2031, %dma_wait3A_2032] : memref<20000x32x128xf32, #tpu.memory_space<any>> -> memref<1x32x128xf32, #tpu.memory_space<any>>
    %dma_wait3A_2034 = tpu.memref_squeeze %dma_wait3A_2033 : memref<1x32x128xf32, #tpu.memory_space<any>> -> memref<32x128xf32, #tpu.memory_space<any>>
    tpu.wait_dma2 semaphore(%arg3 : memref<!tpu.dma_semaphore, #tpu.memory_space<semaphore_mem>>) src(%dma_wait3A_2034 : memref<32x128xf32, #tpu.memory_space<any>>) dst(%dma_wait3A_2030 : memref<32x128xf32, #tpu.memory_space<any>>)
    %dma_wait3A_2035 = arith.constant 70 : i32
    %dma_wait3A_2036 = arith.constant 0 : i32
    %dma_wait3A_2037 = arith.constant 0 : i32
    %dma_wait3A_2038 = tpu.memref_slice %arg2[%dma_wait3A_2035, %dma_wait3A_2036, %dma_wait3A_2037] : memref<128x32x128xf32, #tpu.memory_space<any>> -> memref<1x32x128xf32, #tpu.memory_space<any>>
    %dma_wait3A_2039 = tpu.memref_squeeze %dma_wait3A_2038 : memref<1x32x128xf32, #tpu.memory_space<any>> -> memref<32x128xf32, #tpu.memory_space<any>>
    %dma_wait3A_2040 = arith.constant 0 : i32
    %dma_wait3A_2041 = arith.constant 0 : i32
    %dma_wait3A_2042 = tpu.memref_slice %arg1[%get3A_140, %dma_wait3A_2040, %dma_wait3A_2041] : memref<20000x32x128xf32, #tpu.memory_space<any>> -> memref<1x32x128xf32, #tpu.memory_space<any>>
    %dma_wait3A_2043 = tpu.memref_squeeze %dma_wait3A_2042 : memref<1x32x128xf32, #tpu.memory_space<any>> -> memref<32x128xf32, #tpu.memory_space<any>>
    tpu.wait_dma2 semaphore(%arg3 : memref<!tpu.dma_semaphore, #tpu.memory_space<semaphore_mem>>) src(%dma_wait3A_2043 : memref<32x128xf32, #tpu.memory_space<any>>) dst(%dma_wait3A_2039 : memref<32x128xf32, #tpu.memory_space<any>>)
    %dma_wait3A_2044 = arith.constant 71 : i32
    %dma_wait3A_2045 = arith.constant 0 : i32
    %dma_wait3A_2046 = arith.constant 0 : i32
    %dma_wait3A_2047 = tpu.memref_slice %arg2[%dma_wait3A_2044, %dma_wait3A_2045, %dma_wait3A_2046] : memref<128x32x128xf32, #tpu.memory_space<any>> -> memref<1x32x128xf32, #tpu.memory_space<any>>
    %dma_wait3A_2048 = tpu.memref_squeeze %dma_wait3A_2047 : memref<1x32x128xf32, #tpu.memory_space<any>> -> memref<32x128xf32, #tpu.memory_space<any>>
    %dma_wait3A_2049 = arith.constant 0 : i32
    %dma_wait3A_2050 = arith.constant 0 : i32
    %dma_wait3A_2051 = tpu.memref_slice %arg1[%get3A_142, %dma_wait3A_2049, %dma_wait3A_2050] : memref<20000x32x128xf32, #tpu.memory_space<any>> -> memref<1x32x128xf32, #tpu.memory_space<any>>
    %dma_wait3A_2052 = tpu.memref_squeeze %dma_wait3A_2051 : memref<1x32x128xf32, #tpu.memory_space<any>> -> memref<32x128xf32, #tpu.memory_space<any>>
    tpu.wait_dma2 semaphore(%arg3 : memref<!tpu.dma_semaphore, #tpu.memory_space<semaphore_mem>>) src(%dma_wait3A_2052 : memref<32x128xf32, #tpu.memory_space<any>>) dst(%dma_wait3A_2048 : memref<32x128xf32, #tpu.memory_space<any>>)
    %dma_wait3A_2053 = arith.constant 72 : i32
    %dma_wait3A_2054 = arith.constant 0 : i32
    %dma_wait3A_2055 = arith.constant 0 : i32
    %dma_wait3A_2056 = tpu.memref_slice %arg2[%dma_wait3A_2053, %dma_wait3A_2054, %dma_wait3A_2055] : memref<128x32x128xf32, #tpu.memory_space<any>> -> memref<1x32x128xf32, #tpu.memory_space<any>>
    %dma_wait3A_2057 = tpu.memref_squeeze %dma_wait3A_2056 : memref<1x32x128xf32, #tpu.memory_space<any>> -> memref<32x128xf32, #tpu.memory_space<any>>
    %dma_wait3A_2058 = arith.constant 0 : i32
    %dma_wait3A_2059 = arith.constant 0 : i32
    %dma_wait3A_2060 = tpu.memref_slice %arg1[%get3A_144, %dma_wait3A_2058, %dma_wait3A_2059] : memref<20000x32x128xf32, #tpu.memory_space<any>> -> memref<1x32x128xf32, #tpu.memory_space<any>>
    %dma_wait3A_2061 = tpu.memref_squeeze %dma_wait3A_2060 : memref<1x32x128xf32, #tpu.memory_space<any>> -> memref<32x128xf32, #tpu.memory_space<any>>
    tpu.wait_dma2 semaphore(%arg3 : memref<!tpu.dma_semaphore, #tpu.memory_space<semaphore_mem>>) src(%dma_wait3A_2061 : memref<32x128xf32, #tpu.memory_space<any>>) dst(%dma_wait3A_2057 : memref<32x128xf32, #tpu.memory_space<any>>)
    %dma_wait3A_2062 = arith.constant 73 : i32
    %dma_wait3A_2063 = arith.constant 0 : i32
    %dma_wait3A_2064 = arith.constant 0 : i32
    %dma_wait3A_2065 = tpu.memref_slice %arg2[%dma_wait3A_2062, %dma_wait3A_2063, %dma_wait3A_2064] : memref<128x32x128xf32, #tpu.memory_space<any>> -> memref<1x32x128xf32, #tpu.memory_space<any>>
    %dma_wait3A_2066 = tpu.memref_squeeze %dma_wait3A_2065 : memref<1x32x128xf32, #tpu.memory_space<any>> -> memref<32x128xf32, #tpu.memory_space<any>>
    %dma_wait3A_2067 = arith.constant 0 : i32
    %dma_wait3A_2068 = arith.constant 0 : i32
    %dma_wait3A_2069 = tpu.memref_slice %arg1[%get3A_146, %dma_wait3A_2067, %dma_wait3A_2068] : memref<20000x32x128xf32, #tpu.memory_space<any>> -> memref<1x32x128xf32, #tpu.memory_space<any>>
    %dma_wait3A_2070 = tpu.memref_squeeze %dma_wait3A_2069 : memref<1x32x128xf32, #tpu.memory_space<any>> -> memref<32x128xf32, #tpu.memory_space<any>>
    tpu.wait_dma2 semaphore(%arg3 : memref<!tpu.dma_semaphore, #tpu.memory_space<semaphore_mem>>) src(%dma_wait3A_2070 : memref<32x128xf32, #tpu.memory_space<any>>) dst(%dma_wait3A_2066 : memref<32x128xf32, #tpu.memory_space<any>>)
    %dma_wait3A_2071 = arith.constant 74 : i32
    %dma_wait3A_2072 = arith.constant 0 : i32
    %dma_wait3A_2073 = arith.constant 0 : i32
    %dma_wait3A_2074 = tpu.memref_slice %arg2[%dma_wait3A_2071, %dma_wait3A_2072, %dma_wait3A_2073] : memref<128x32x128xf32, #tpu.memory_space<any>> -> memref<1x32x128xf32, #tpu.memory_space<any>>
    %dma_wait3A_2075 = tpu.memref_squeeze %dma_wait3A_2074 : memref<1x32x128xf32, #tpu.memory_space<any>> -> memref<32x128xf32, #tpu.memory_space<any>>
    %dma_wait3A_2076 = arith.constant 0 : i32
    %dma_wait3A_2077 = arith.constant 0 : i32
    %dma_wait3A_2078 = tpu.memref_slice %arg1[%get3A_148, %dma_wait3A_2076, %dma_wait3A_2077] : memref<20000x32x128xf32, #tpu.memory_space<any>> -> memref<1x32x128xf32, #tpu.memory_space<any>>
    %dma_wait3A_2079 = tpu.memref_squeeze %dma_wait3A_2078 : memref<1x32x128xf32, #tpu.memory_space<any>> -> memref<32x128xf32, #tpu.memory_space<any>>
    tpu.wait_dma2 semaphore(%arg3 : memref<!tpu.dma_semaphore, #tpu.memory_space<semaphore_mem>>) src(%dma_wait3A_2079 : memref<32x128xf32, #tpu.memory_space<any>>) dst(%dma_wait3A_2075 : memref<32x128xf32, #tpu.memory_space<any>>)
    %dma_wait3A_2080 = arith.constant 75 : i32
    %dma_wait3A_2081 = arith.constant 0 : i32
    %dma_wait3A_2082 = arith.constant 0 : i32
    %dma_wait3A_2083 = tpu.memref_slice %arg2[%dma_wait3A_2080, %dma_wait3A_2081, %dma_wait3A_2082] : memref<128x32x128xf32, #tpu.memory_space<any>> -> memref<1x32x128xf32, #tpu.memory_space<any>>
    %dma_wait3A_2084 = tpu.memref_squeeze %dma_wait3A_2083 : memref<1x32x128xf32, #tpu.memory_space<any>> -> memref<32x128xf32, #tpu.memory_space<any>>
    %dma_wait3A_2085 = arith.constant 0 : i32
    %dma_wait3A_2086 = arith.constant 0 : i32
    %dma_wait3A_2087 = tpu.memref_slice %arg1[%get3A_150, %dma_wait3A_2085, %dma_wait3A_2086] : memref<20000x32x128xf32, #tpu.memory_space<any>> -> memref<1x32x128xf32, #tpu.memory_space<any>>
    %dma_wait3A_2088 = tpu.memref_squeeze %dma_wait3A_2087 : memref<1x32x128xf32, #tpu.memory_space<any>> -> memref<32x128xf32, #tpu.memory_space<any>>
    tpu.wait_dma2 semaphore(%arg3 : memref<!tpu.dma_semaphore, #tpu.memory_space<semaphore_mem>>) src(%dma_wait3A_2088 : memref<32x128xf32, #tpu.memory_space<any>>) dst(%dma_wait3A_2084 : memref<32x128xf32, #tpu.memory_space<any>>)
    %dma_wait3A_2089 = arith.constant 76 : i32
    %dma_wait3A_2090 = arith.constant 0 : i32
    %dma_wait3A_2091 = arith.constant 0 : i32
    %dma_wait3A_2092 = tpu.memref_slice %arg2[%dma_wait3A_2089, %dma_wait3A_2090, %dma_wait3A_2091] : memref<128x32x128xf32, #tpu.memory_space<any>> -> memref<1x32x128xf32, #tpu.memory_space<any>>
    %dma_wait3A_2093 = tpu.memref_squeeze %dma_wait3A_2092 : memref<1x32x128xf32, #tpu.memory_space<any>> -> memref<32x128xf32, #tpu.memory_space<any>>
    %dma_wait3A_2094 = arith.constant 0 : i32
    %dma_wait3A_2095 = arith.constant 0 : i32
    %dma_wait3A_2096 = tpu.memref_slice %arg1[%get3A_152, %dma_wait3A_2094, %dma_wait3A_2095] : memref<20000x32x128xf32, #tpu.memory_space<any>> -> memref<1x32x128xf32, #tpu.memory_space<any>>
    %dma_wait3A_2097 = tpu.memref_squeeze %dma_wait3A_2096 : memref<1x32x128xf32, #tpu.memory_space<any>> -> memref<32x128xf32, #tpu.memory_space<any>>
    tpu.wait_dma2 semaphore(%arg3 : memref<!tpu.dma_semaphore, #tpu.memory_space<semaphore_mem>>) src(%dma_wait3A_2097 : memref<32x128xf32, #tpu.memory_space<any>>) dst(%dma_wait3A_2093 : memref<32x128xf32, #tpu.memory_space<any>>)
    %dma_wait3A_2098 = arith.constant 77 : i32
    %dma_wait3A_2099 = arith.constant 0 : i32
    %dma_wait3A_2100 = arith.constant 0 : i32
    %dma_wait3A_2101 = tpu.memref_slice %arg2[%dma_wait3A_2098, %dma_wait3A_2099, %dma_wait3A_2100] : memref<128x32x128xf32, #tpu.memory_space<any>> -> memref<1x32x128xf32, #tpu.memory_space<any>>
    %dma_wait3A_2102 = tpu.memref_squeeze %dma_wait3A_2101 : memref<1x32x128xf32, #tpu.memory_space<any>> -> memref<32x128xf32, #tpu.memory_space<any>>
    %dma_wait3A_2103 = arith.constant 0 : i32
    %dma_wait3A_2104 = arith.constant 0 : i32
    %dma_wait3A_2105 = tpu.memref_slice %arg1[%get3A_154, %dma_wait3A_2103, %dma_wait3A_2104] : memref<20000x32x128xf32, #tpu.memory_space<any>> -> memref<1x32x128xf32, #tpu.memory_space<any>>
    %dma_wait3A_2106 = tpu.memref_squeeze %dma_wait3A_2105 : memref<1x32x128xf32, #tpu.memory_space<any>> -> memref<32x128xf32, #tpu.memory_space<any>>
    tpu.wait_dma2 semaphore(%arg3 : memref<!tpu.dma_semaphore, #tpu.memory_space<semaphore_mem>>) src(%dma_wait3A_2106 : memref<32x128xf32, #tpu.memory_space<any>>) dst(%dma_wait3A_2102 : memref<32x128xf32, #tpu.memory_space<any>>)
    %dma_wait3A_2107 = arith.constant 78 : i32
    %dma_wait3A_2108 = arith.constant 0 : i32
    %dma_wait3A_2109 = arith.constant 0 : i32
    %dma_wait3A_2110 = tpu.memref_slice %arg2[%dma_wait3A_2107, %dma_wait3A_2108, %dma_wait3A_2109] : memref<128x32x128xf32, #tpu.memory_space<any>> -> memref<1x32x128xf32, #tpu.memory_space<any>>
    %dma_wait3A_2111 = tpu.memref_squeeze %dma_wait3A_2110 : memref<1x32x128xf32, #tpu.memory_space<any>> -> memref<32x128xf32, #tpu.memory_space<any>>
    %dma_wait3A_2112 = arith.constant 0 : i32
    %dma_wait3A_2113 = arith.constant 0 : i32
    %dma_wait3A_2114 = tpu.memref_slice %arg1[%get3A_156, %dma_wait3A_2112, %dma_wait3A_2113] : memref<20000x32x128xf32, #tpu.memory_space<any>> -> memref<1x32x128xf32, #tpu.memory_space<any>>
    %dma_wait3A_2115 = tpu.memref_squeeze %dma_wait3A_2114 : memref<1x32x128xf32, #tpu.memory_space<any>> -> memref<32x128xf32, #tpu.memory_space<any>>
    tpu.wait_dma2 semaphore(%arg3 : memref<!tpu.dma_semaphore, #tpu.memory_space<semaphore_mem>>) src(%dma_wait3A_2115 : memref<32x128xf32, #tpu.memory_space<any>>) dst(%dma_wait3A_2111 : memref<32x128xf32, #tpu.memory_space<any>>)
    %dma_wait3A_2116 = arith.constant 79 : i32
    %dma_wait3A_2117 = arith.constant 0 : i32
    %dma_wait3A_2118 = arith.constant 0 : i32
    %dma_wait3A_2119 = tpu.memref_slice %arg2[%dma_wait3A_2116, %dma_wait3A_2117, %dma_wait3A_2118] : memref<128x32x128xf32, #tpu.memory_space<any>> -> memref<1x32x128xf32, #tpu.memory_space<any>>
    %dma_wait3A_2120 = tpu.memref_squeeze %dma_wait3A_2119 : memref<1x32x128xf32, #tpu.memory_space<any>> -> memref<32x128xf32, #tpu.memory_space<any>>
    %dma_wait3A_2121 = arith.constant 0 : i32
    %dma_wait3A_2122 = arith.constant 0 : i32
    %dma_wait3A_2123 = tpu.memref_slice %arg1[%get3A_158, %dma_wait3A_2121, %dma_wait3A_2122] : memref<20000x32x128xf32, #tpu.memory_space<any>> -> memref<1x32x128xf32, #tpu.memory_space<any>>
    %dma_wait3A_2124 = tpu.memref_squeeze %dma_wait3A_2123 : memref<1x32x128xf32, #tpu.memory_space<any>> -> memref<32x128xf32, #tpu.memory_space<any>>
    tpu.wait_dma2 semaphore(%arg3 : memref<!tpu.dma_semaphore, #tpu.memory_space<semaphore_mem>>) src(%dma_wait3A_2124 : memref<32x128xf32, #tpu.memory_space<any>>) dst(%dma_wait3A_2120 : memref<32x128xf32, #tpu.memory_space<any>>)
    %dma_wait3A_2125 = arith.constant 80 : i32
    %dma_wait3A_2126 = arith.constant 0 : i32
    %dma_wait3A_2127 = arith.constant 0 : i32
    %dma_wait3A_2128 = tpu.memref_slice %arg2[%dma_wait3A_2125, %dma_wait3A_2126, %dma_wait3A_2127] : memref<128x32x128xf32, #tpu.memory_space<any>> -> memref<1x32x128xf32, #tpu.memory_space<any>>
    %dma_wait3A_2129 = tpu.memref_squeeze %dma_wait3A_2128 : memref<1x32x128xf32, #tpu.memory_space<any>> -> memref<32x128xf32, #tpu.memory_space<any>>
    %dma_wait3A_2130 = arith.constant 0 : i32
    %dma_wait3A_2131 = arith.constant 0 : i32
    %dma_wait3A_2132 = tpu.memref_slice %arg1[%get3A_160, %dma_wait3A_2130, %dma_wait3A_2131] : memref<20000x32x128xf32, #tpu.memory_space<any>> -> memref<1x32x128xf32, #tpu.memory_space<any>>
    %dma_wait3A_2133 = tpu.memref_squeeze %dma_wait3A_2132 : memref<1x32x128xf32, #tpu.memory_space<any>> -> memref<32x128xf32, #tpu.memory_space<any>>
    tpu.wait_dma2 semaphore(%arg3 : memref<!tpu.dma_semaphore, #tpu.memory_space<semaphore_mem>>) src(%dma_wait3A_2133 : memref<32x128xf32, #tpu.memory_space<any>>) dst(%dma_wait3A_2129 : memref<32x128xf32, #tpu.memory_space<any>>)
    %dma_wait3A_2134 = arith.constant 81 : i32
    %dma_wait3A_2135 = arith.constant 0 : i32
    %dma_wait3A_2136 = arith.constant 0 : i32
    %dma_wait3A_2137 = tpu.memref_slice %arg2[%dma_wait3A_2134, %dma_wait3A_2135, %dma_wait3A_2136] : memref<128x32x128xf32, #tpu.memory_space<any>> -> memref<1x32x128xf32, #tpu.memory_space<any>>
    %dma_wait3A_2138 = tpu.memref_squeeze %dma_wait3A_2137 : memref<1x32x128xf32, #tpu.memory_space<any>> -> memref<32x128xf32, #tpu.memory_space<any>>
    %dma_wait3A_2139 = arith.constant 0 : i32
    %dma_wait3A_2140 = arith.constant 0 : i32
    %dma_wait3A_2141 = tpu.memref_slice %arg1[%get3A_162, %dma_wait3A_2139, %dma_wait3A_2140] : memref<20000x32x128xf32, #tpu.memory_space<any>> -> memref<1x32x128xf32, #tpu.memory_space<any>>
    %dma_wait3A_2142 = tpu.memref_squeeze %dma_wait3A_2141 : memref<1x32x128xf32, #tpu.memory_space<any>> -> memref<32x128xf32, #tpu.memory_space<any>>
    tpu.wait_dma2 semaphore(%arg3 : memref<!tpu.dma_semaphore, #tpu.memory_space<semaphore_mem>>) src(%dma_wait3A_2142 : memref<32x128xf32, #tpu.memory_space<any>>) dst(%dma_wait3A_2138 : memref<32x128xf32, #tpu.memory_space<any>>)
    %dma_wait3A_2143 = arith.constant 82 : i32
    %dma_wait3A_2144 = arith.constant 0 : i32
    %dma_wait3A_2145 = arith.constant 0 : i32
    %dma_wait3A_2146 = tpu.memref_slice %arg2[%dma_wait3A_2143, %dma_wait3A_2144, %dma_wait3A_2145] : memref<128x32x128xf32, #tpu.memory_space<any>> -> memref<1x32x128xf32, #tpu.memory_space<any>>
    %dma_wait3A_2147 = tpu.memref_squeeze %dma_wait3A_2146 : memref<1x32x128xf32, #tpu.memory_space<any>> -> memref<32x128xf32, #tpu.memory_space<any>>
    %dma_wait3A_2148 = arith.constant 0 : i32
    %dma_wait3A_2149 = arith.constant 0 : i32
    %dma_wait3A_2150 = tpu.memref_slice %arg1[%get3A_164, %dma_wait3A_2148, %dma_wait3A_2149] : memref<20000x32x128xf32, #tpu.memory_space<any>> -> memref<1x32x128xf32, #tpu.memory_space<any>>
    %dma_wait3A_2151 = tpu.memref_squeeze %dma_wait3A_2150 : memref<1x32x128xf32, #tpu.memory_space<any>> -> memref<32x128xf32, #tpu.memory_space<any>>
    tpu.wait_dma2 semaphore(%arg3 : memref<!tpu.dma_semaphore, #tpu.memory_space<semaphore_mem>>) src(%dma_wait3A_2151 : memref<32x128xf32, #tpu.memory_space<any>>) dst(%dma_wait3A_2147 : memref<32x128xf32, #tpu.memory_space<any>>)
    %dma_wait3A_2152 = arith.constant 83 : i32
    %dma_wait3A_2153 = arith.constant 0 : i32
    %dma_wait3A_2154 = arith.constant 0 : i32
    %dma_wait3A_2155 = tpu.memref_slice %arg2[%dma_wait3A_2152, %dma_wait3A_2153, %dma_wait3A_2154] : memref<128x32x128xf32, #tpu.memory_space<any>> -> memref<1x32x128xf32, #tpu.memory_space<any>>
    %dma_wait3A_2156 = tpu.memref_squeeze %dma_wait3A_2155 : memref<1x32x128xf32, #tpu.memory_space<any>> -> memref<32x128xf32, #tpu.memory_space<any>>
    %dma_wait3A_2157 = arith.constant 0 : i32
    %dma_wait3A_2158 = arith.constant 0 : i32
    %dma_wait3A_2159 = tpu.memref_slice %arg1[%get3A_166, %dma_wait3A_2157, %dma_wait3A_2158] : memref<20000x32x128xf32, #tpu.memory_space<any>> -> memref<1x32x128xf32, #tpu.memory_space<any>>
    %dma_wait3A_2160 = tpu.memref_squeeze %dma_wait3A_2159 : memref<1x32x128xf32, #tpu.memory_space<any>> -> memref<32x128xf32, #tpu.memory_space<any>>
    tpu.wait_dma2 semaphore(%arg3 : memref<!tpu.dma_semaphore, #tpu.memory_space<semaphore_mem>>) src(%dma_wait3A_2160 : memref<32x128xf32, #tpu.memory_space<any>>) dst(%dma_wait3A_2156 : memref<32x128xf32, #tpu.memory_space<any>>)
    %dma_wait3A_2161 = arith.constant 84 : i32
    %dma_wait3A_2162 = arith.constant 0 : i32
    %dma_wait3A_2163 = arith.constant 0 : i32
    %dma_wait3A_2164 = tpu.memref_slice %arg2[%dma_wait3A_2161, %dma_wait3A_2162, %dma_wait3A_2163] : memref<128x32x128xf32, #tpu.memory_space<any>> -> memref<1x32x128xf32, #tpu.memory_space<any>>
    %dma_wait3A_2165 = tpu.memref_squeeze %dma_wait3A_2164 : memref<1x32x128xf32, #tpu.memory_space<any>> -> memref<32x128xf32, #tpu.memory_space<any>>
    %dma_wait3A_2166 = arith.constant 0 : i32
    %dma_wait3A_2167 = arith.constant 0 : i32
    %dma_wait3A_2168 = tpu.memref_slice %arg1[%get3A_168, %dma_wait3A_2166, %dma_wait3A_2167] : memref<20000x32x128xf32, #tpu.memory_space<any>> -> memref<1x32x128xf32, #tpu.memory_space<any>>
    %dma_wait3A_2169 = tpu.memref_squeeze %dma_wait3A_2168 : memref<1x32x128xf32, #tpu.memory_space<any>> -> memref<32x128xf32, #tpu.memory_space<any>>
    tpu.wait_dma2 semaphore(%arg3 : memref<!tpu.dma_semaphore, #tpu.memory_space<semaphore_mem>>) src(%dma_wait3A_2169 : memref<32x128xf32, #tpu.memory_space<any>>) dst(%dma_wait3A_2165 : memref<32x128xf32, #tpu.memory_space<any>>)
    %dma_wait3A_2170 = arith.constant 85 : i32
    %dma_wait3A_2171 = arith.constant 0 : i32
    %dma_wait3A_2172 = arith.constant 0 : i32
    %dma_wait3A_2173 = tpu.memref_slice %arg2[%dma_wait3A_2170, %dma_wait3A_2171, %dma_wait3A_2172] : memref<128x32x128xf32, #tpu.memory_space<any>> -> memref<1x32x128xf32, #tpu.memory_space<any>>
    %dma_wait3A_2174 = tpu.memref_squeeze %dma_wait3A_2173 : memref<1x32x128xf32, #tpu.memory_space<any>> -> memref<32x128xf32, #tpu.memory_space<any>>
    %dma_wait3A_2175 = arith.constant 0 : i32
    %dma_wait3A_2176 = arith.constant 0 : i32
    %dma_wait3A_2177 = tpu.memref_slice %arg1[%get3A_170, %dma_wait3A_2175, %dma_wait3A_2176] : memref<20000x32x128xf32, #tpu.memory_space<any>> -> memref<1x32x128xf32, #tpu.memory_space<any>>
    %dma_wait3A_2178 = tpu.memref_squeeze %dma_wait3A_2177 : memref<1x32x128xf32, #tpu.memory_space<any>> -> memref<32x128xf32, #tpu.memory_space<any>>
    tpu.wait_dma2 semaphore(%arg3 : memref<!tpu.dma_semaphore, #tpu.memory_space<semaphore_mem>>) src(%dma_wait3A_2178 : memref<32x128xf32, #tpu.memory_space<any>>) dst(%dma_wait3A_2174 : memref<32x128xf32, #tpu.memory_space<any>>)
    %dma_wait3A_2179 = arith.constant 86 : i32
    %dma_wait3A_2180 = arith.constant 0 : i32
    %dma_wait3A_2181 = arith.constant 0 : i32
    %dma_wait3A_2182 = tpu.memref_slice %arg2[%dma_wait3A_2179, %dma_wait3A_2180, %dma_wait3A_2181] : memref<128x32x128xf32, #tpu.memory_space<any>> -> memref<1x32x128xf32, #tpu.memory_space<any>>
    %dma_wait3A_2183 = tpu.memref_squeeze %dma_wait3A_2182 : memref<1x32x128xf32, #tpu.memory_space<any>> -> memref<32x128xf32, #tpu.memory_space<any>>
    %dma_wait3A_2184 = arith.constant 0 : i32
    %dma_wait3A_2185 = arith.constant 0 : i32
    %dma_wait3A_2186 = tpu.memref_slice %arg1[%get3A_172, %dma_wait3A_2184, %dma_wait3A_2185] : memref<20000x32x128xf32, #tpu.memory_space<any>> -> memref<1x32x128xf32, #tpu.memory_space<any>>
    %dma_wait3A_2187 = tpu.memref_squeeze %dma_wait3A_2186 : memref<1x32x128xf32, #tpu.memory_space<any>> -> memref<32x128xf32, #tpu.memory_space<any>>
    tpu.wait_dma2 semaphore(%arg3 : memref<!tpu.dma_semaphore, #tpu.memory_space<semaphore_mem>>) src(%dma_wait3A_2187 : memref<32x128xf32, #tpu.memory_space<any>>) dst(%dma_wait3A_2183 : memref<32x128xf32, #tpu.memory_space<any>>)
    %dma_wait3A_2188 = arith.constant 87 : i32
    %dma_wait3A_2189 = arith.constant 0 : i32
    %dma_wait3A_2190 = arith.constant 0 : i32
    %dma_wait3A_2191 = tpu.memref_slice %arg2[%dma_wait3A_2188, %dma_wait3A_2189, %dma_wait3A_2190] : memref<128x32x128xf32, #tpu.memory_space<any>> -> memref<1x32x128xf32, #tpu.memory_space<any>>
    %dma_wait3A_2192 = tpu.memref_squeeze %dma_wait3A_2191 : memref<1x32x128xf32, #tpu.memory_space<any>> -> memref<32x128xf32, #tpu.memory_space<any>>
    %dma_wait3A_2193 = arith.constant 0 : i32
    %dma_wait3A_2194 = arith.constant 0 : i32
    %dma_wait3A_2195 = tpu.memref_slice %arg1[%get3A_174, %dma_wait3A_2193, %dma_wait3A_2194] : memref<20000x32x128xf32, #tpu.memory_space<any>> -> memref<1x32x128xf32, #tpu.memory_space<any>>
    %dma_wait3A_2196 = tpu.memref_squeeze %dma_wait3A_2195 : memref<1x32x128xf32, #tpu.memory_space<any>> -> memref<32x128xf32, #tpu.memory_space<any>>
    tpu.wait_dma2 semaphore(%arg3 : memref<!tpu.dma_semaphore, #tpu.memory_space<semaphore_mem>>) src(%dma_wait3A_2196 : memref<32x128xf32, #tpu.memory_space<any>>) dst(%dma_wait3A_2192 : memref<32x128xf32, #tpu.memory_space<any>>)
    %dma_wait3A_2197 = arith.constant 88 : i32
    %dma_wait3A_2198 = arith.constant 0 : i32
    %dma_wait3A_2199 = arith.constant 0 : i32
    %dma_wait3A_2200 = tpu.memref_slice %arg2[%dma_wait3A_2197, %dma_wait3A_2198, %dma_wait3A_2199] : memref<128x32x128xf32, #tpu.memory_space<any>> -> memref<1x32x128xf32, #tpu.memory_space<any>>
    %dma_wait3A_2201 = tpu.memref_squeeze %dma_wait3A_2200 : memref<1x32x128xf32, #tpu.memory_space<any>> -> memref<32x128xf32, #tpu.memory_space<any>>
    %dma_wait3A_2202 = arith.constant 0 : i32
    %dma_wait3A_2203 = arith.constant 0 : i32
    %dma_wait3A_2204 = tpu.memref_slice %arg1[%get3A_176, %dma_wait3A_2202, %dma_wait3A_2203] : memref<20000x32x128xf32, #tpu.memory_space<any>> -> memref<1x32x128xf32, #tpu.memory_space<any>>
    %dma_wait3A_2205 = tpu.memref_squeeze %dma_wait3A_2204 : memref<1x32x128xf32, #tpu.memory_space<any>> -> memref<32x128xf32, #tpu.memory_space<any>>
    tpu.wait_dma2 semaphore(%arg3 : memref<!tpu.dma_semaphore, #tpu.memory_space<semaphore_mem>>) src(%dma_wait3A_2205 : memref<32x128xf32, #tpu.memory_space<any>>) dst(%dma_wait3A_2201 : memref<32x128xf32, #tpu.memory_space<any>>)
    %dma_wait3A_2206 = arith.constant 89 : i32
    %dma_wait3A_2207 = arith.constant 0 : i32
    %dma_wait3A_2208 = arith.constant 0 : i32
    %dma_wait3A_2209 = tpu.memref_slice %arg2[%dma_wait3A_2206, %dma_wait3A_2207, %dma_wait3A_2208] : memref<128x32x128xf32, #tpu.memory_space<any>> -> memref<1x32x128xf32, #tpu.memory_space<any>>
    %dma_wait3A_2210 = tpu.memref_squeeze %dma_wait3A_2209 : memref<1x32x128xf32, #tpu.memory_space<any>> -> memref<32x128xf32, #tpu.memory_space<any>>
    %dma_wait3A_2211 = arith.constant 0 : i32
    %dma_wait3A_2212 = arith.constant 0 : i32
    %dma_wait3A_2213 = tpu.memref_slice %arg1[%get3A_178, %dma_wait3A_2211, %dma_wait3A_2212] : memref<20000x32x128xf32, #tpu.memory_space<any>> -> memref<1x32x128xf32, #tpu.memory_space<any>>
    %dma_wait3A_2214 = tpu.memref_squeeze %dma_wait3A_2213 : memref<1x32x128xf32, #tpu.memory_space<any>> -> memref<32x128xf32, #tpu.memory_space<any>>
    tpu.wait_dma2 semaphore(%arg3 : memref<!tpu.dma_semaphore, #tpu.memory_space<semaphore_mem>>) src(%dma_wait3A_2214 : memref<32x128xf32, #tpu.memory_space<any>>) dst(%dma_wait3A_2210 : memref<32x128xf32, #tpu.memory_space<any>>)
    %dma_wait3A_2215 = arith.constant 90 : i32
    %dma_wait3A_2216 = arith.constant 0 : i32
    %dma_wait3A_2217 = arith.constant 0 : i32
    %dma_wait3A_2218 = tpu.memref_slice %arg2[%dma_wait3A_2215, %dma_wait3A_2216, %dma_wait3A_2217] : memref<128x32x128xf32, #tpu.memory_space<any>> -> memref<1x32x128xf32, #tpu.memory_space<any>>
    %dma_wait3A_2219 = tpu.memref_squeeze %dma_wait3A_2218 : memref<1x32x128xf32, #tpu.memory_space<any>> -> memref<32x128xf32, #tpu.memory_space<any>>
    %dma_wait3A_2220 = arith.constant 0 : i32
    %dma_wait3A_2221 = arith.constant 0 : i32
    %dma_wait3A_2222 = tpu.memref_slice %arg1[%get3A_180, %dma_wait3A_2220, %dma_wait3A_2221] : memref<20000x32x128xf32, #tpu.memory_space<any>> -> memref<1x32x128xf32, #tpu.memory_space<any>>
    %dma_wait3A_2223 = tpu.memref_squeeze %dma_wait3A_2222 : memref<1x32x128xf32, #tpu.memory_space<any>> -> memref<32x128xf32, #tpu.memory_space<any>>
    tpu.wait_dma2 semaphore(%arg3 : memref<!tpu.dma_semaphore, #tpu.memory_space<semaphore_mem>>) src(%dma_wait3A_2223 : memref<32x128xf32, #tpu.memory_space<any>>) dst(%dma_wait3A_2219 : memref<32x128xf32, #tpu.memory_space<any>>)
    %dma_wait3A_2224 = arith.constant 91 : i32
    %dma_wait3A_2225 = arith.constant 0 : i32
    %dma_wait3A_2226 = arith.constant 0 : i32
    %dma_wait3A_2227 = tpu.memref_slice %arg2[%dma_wait3A_2224, %dma_wait3A_2225, %dma_wait3A_2226] : memref<128x32x128xf32, #tpu.memory_space<any>> -> memref<1x32x128xf32, #tpu.memory_space<any>>
    %dma_wait3A_2228 = tpu.memref_squeeze %dma_wait3A_2227 : memref<1x32x128xf32, #tpu.memory_space<any>> -> memref<32x128xf32, #tpu.memory_space<any>>
    %dma_wait3A_2229 = arith.constant 0 : i32
    %dma_wait3A_2230 = arith.constant 0 : i32
    %dma_wait3A_2231 = tpu.memref_slice %arg1[%get3A_182, %dma_wait3A_2229, %dma_wait3A_2230] : memref<20000x32x128xf32, #tpu.memory_space<any>> -> memref<1x32x128xf32, #tpu.memory_space<any>>
    %dma_wait3A_2232 = tpu.memref_squeeze %dma_wait3A_2231 : memref<1x32x128xf32, #tpu.memory_space<any>> -> memref<32x128xf32, #tpu.memory_space<any>>
    tpu.wait_dma2 semaphore(%arg3 : memref<!tpu.dma_semaphore, #tpu.memory_space<semaphore_mem>>) src(%dma_wait3A_2232 : memref<32x128xf32, #tpu.memory_space<any>>) dst(%dma_wait3A_2228 : memref<32x128xf32, #tpu.memory_space<any>>)
    %dma_wait3A_2233 = arith.constant 92 : i32
    %dma_wait3A_2234 = arith.constant 0 : i32
    %dma_wait3A_2235 = arith.constant 0 : i32
    %dma_wait3A_2236 = tpu.memref_slice %arg2[%dma_wait3A_2233, %dma_wait3A_2234, %dma_wait3A_2235] : memref<128x32x128xf32, #tpu.memory_space<any>> -> memref<1x32x128xf32, #tpu.memory_space<any>>
    %dma_wait3A_2237 = tpu.memref_squeeze %dma_wait3A_2236 : memref<1x32x128xf32, #tpu.memory_space<any>> -> memref<32x128xf32, #tpu.memory_space<any>>
    %dma_wait3A_2238 = arith.constant 0 : i32
    %dma_wait3A_2239 = arith.constant 0 : i32
    %dma_wait3A_2240 = tpu.memref_slice %arg1[%get3A_184, %dma_wait3A_2238, %dma_wait3A_2239] : memref<20000x32x128xf32, #tpu.memory_space<any>> -> memref<1x32x128xf32, #tpu.memory_space<any>>
    %dma_wait3A_2241 = tpu.memref_squeeze %dma_wait3A_2240 : memref<1x32x128xf32, #tpu.memory_space<any>> -> memref<32x128xf32, #tpu.memory_space<any>>
    tpu.wait_dma2 semaphore(%arg3 : memref<!tpu.dma_semaphore, #tpu.memory_space<semaphore_mem>>) src(%dma_wait3A_2241 : memref<32x128xf32, #tpu.memory_space<any>>) dst(%dma_wait3A_2237 : memref<32x128xf32, #tpu.memory_space<any>>)
    %dma_wait3A_2242 = arith.constant 93 : i32
    %dma_wait3A_2243 = arith.constant 0 : i32
    %dma_wait3A_2244 = arith.constant 0 : i32
    %dma_wait3A_2245 = tpu.memref_slice %arg2[%dma_wait3A_2242, %dma_wait3A_2243, %dma_wait3A_2244] : memref<128x32x128xf32, #tpu.memory_space<any>> -> memref<1x32x128xf32, #tpu.memory_space<any>>
    %dma_wait3A_2246 = tpu.memref_squeeze %dma_wait3A_2245 : memref<1x32x128xf32, #tpu.memory_space<any>> -> memref<32x128xf32, #tpu.memory_space<any>>
    %dma_wait3A_2247 = arith.constant 0 : i32
    %dma_wait3A_2248 = arith.constant 0 : i32
    %dma_wait3A_2249 = tpu.memref_slice %arg1[%get3A_186, %dma_wait3A_2247, %dma_wait3A_2248] : memref<20000x32x128xf32, #tpu.memory_space<any>> -> memref<1x32x128xf32, #tpu.memory_space<any>>
    %dma_wait3A_2250 = tpu.memref_squeeze %dma_wait3A_2249 : memref<1x32x128xf32, #tpu.memory_space<any>> -> memref<32x128xf32, #tpu.memory_space<any>>
    tpu.wait_dma2 semaphore(%arg3 : memref<!tpu.dma_semaphore, #tpu.memory_space<semaphore_mem>>) src(%dma_wait3A_2250 : memref<32x128xf32, #tpu.memory_space<any>>) dst(%dma_wait3A_2246 : memref<32x128xf32, #tpu.memory_space<any>>)
    %dma_wait3A_2251 = arith.constant 94 : i32
    %dma_wait3A_2252 = arith.constant 0 : i32
    %dma_wait3A_2253 = arith.constant 0 : i32
    %dma_wait3A_2254 = tpu.memref_slice %arg2[%dma_wait3A_2251, %dma_wait3A_2252, %dma_wait3A_2253] : memref<128x32x128xf32, #tpu.memory_space<any>> -> memref<1x32x128xf32, #tpu.memory_space<any>>
    %dma_wait3A_2255 = tpu.memref_squeeze %dma_wait3A_2254 : memref<1x32x128xf32, #tpu.memory_space<any>> -> memref<32x128xf32, #tpu.memory_space<any>>
    %dma_wait3A_2256 = arith.constant 0 : i32
    %dma_wait3A_2257 = arith.constant 0 : i32
    %dma_wait3A_2258 = tpu.memref_slice %arg1[%get3A_188, %dma_wait3A_2256, %dma_wait3A_2257] : memref<20000x32x128xf32, #tpu.memory_space<any>> -> memref<1x32x128xf32, #tpu.memory_space<any>>
    %dma_wait3A_2259 = tpu.memref_squeeze %dma_wait3A_2258 : memref<1x32x128xf32, #tpu.memory_space<any>> -> memref<32x128xf32, #tpu.memory_space<any>>
    tpu.wait_dma2 semaphore(%arg3 : memref<!tpu.dma_semaphore, #tpu.memory_space<semaphore_mem>>) src(%dma_wait3A_2259 : memref<32x128xf32, #tpu.memory_space<any>>) dst(%dma_wait3A_2255 : memref<32x128xf32, #tpu.memory_space<any>>)
    %dma_wait3A_2260 = arith.constant 95 : i32
    %dma_wait3A_2261 = arith.constant 0 : i32
    %dma_wait3A_2262 = arith.constant 0 : i32
    %dma_wait3A_2263 = tpu.memref_slice %arg2[%dma_wait3A_2260, %dma_wait3A_2261, %dma_wait3A_2262] : memref<128x32x128xf32, #tpu.memory_space<any>> -> memref<1x32x128xf32, #tpu.memory_space<any>>
    %dma_wait3A_2264 = tpu.memref_squeeze %dma_wait3A_2263 : memref<1x32x128xf32, #tpu.memory_space<any>> -> memref<32x128xf32, #tpu.memory_space<any>>
    %dma_wait3A_2265 = arith.constant 0 : i32
    %dma_wait3A_2266 = arith.constant 0 : i32
    %dma_wait3A_2267 = tpu.memref_slice %arg1[%get3A_190, %dma_wait3A_2265, %dma_wait3A_2266] : memref<20000x32x128xf32, #tpu.memory_space<any>> -> memref<1x32x128xf32, #tpu.memory_space<any>>
    %dma_wait3A_2268 = tpu.memref_squeeze %dma_wait3A_2267 : memref<1x32x128xf32, #tpu.memory_space<any>> -> memref<32x128xf32, #tpu.memory_space<any>>
    tpu.wait_dma2 semaphore(%arg3 : memref<!tpu.dma_semaphore, #tpu.memory_space<semaphore_mem>>) src(%dma_wait3A_2268 : memref<32x128xf32, #tpu.memory_space<any>>) dst(%dma_wait3A_2264 : memref<32x128xf32, #tpu.memory_space<any>>)
    %dma_wait3A_2269 = arith.constant 96 : i32
    %dma_wait3A_2270 = arith.constant 0 : i32
    %dma_wait3A_2271 = arith.constant 0 : i32
    %dma_wait3A_2272 = tpu.memref_slice %arg2[%dma_wait3A_2269, %dma_wait3A_2270, %dma_wait3A_2271] : memref<128x32x128xf32, #tpu.memory_space<any>> -> memref<1x32x128xf32, #tpu.memory_space<any>>
    %dma_wait3A_2273 = tpu.memref_squeeze %dma_wait3A_2272 : memref<1x32x128xf32, #tpu.memory_space<any>> -> memref<32x128xf32, #tpu.memory_space<any>>
    %dma_wait3A_2274 = arith.constant 0 : i32
    %dma_wait3A_2275 = arith.constant 0 : i32
    %dma_wait3A_2276 = tpu.memref_slice %arg1[%get3A_192, %dma_wait3A_2274, %dma_wait3A_2275] : memref<20000x32x128xf32, #tpu.memory_space<any>> -> memref<1x32x128xf32, #tpu.memory_space<any>>
    %dma_wait3A_2277 = tpu.memref_squeeze %dma_wait3A_2276 : memref<1x32x128xf32, #tpu.memory_space<any>> -> memref<32x128xf32, #tpu.memory_space<any>>
    tpu.wait_dma2 semaphore(%arg3 : memref<!tpu.dma_semaphore, #tpu.memory_space<semaphore_mem>>) src(%dma_wait3A_2277 : memref<32x128xf32, #tpu.memory_space<any>>) dst(%dma_wait3A_2273 : memref<32x128xf32, #tpu.memory_space<any>>)
    %dma_wait3A_2278 = arith.constant 97 : i32
    %dma_wait3A_2279 = arith.constant 0 : i32
    %dma_wait3A_2280 = arith.constant 0 : i32
    %dma_wait3A_2281 = tpu.memref_slice %arg2[%dma_wait3A_2278, %dma_wait3A_2279, %dma_wait3A_2280] : memref<128x32x128xf32, #tpu.memory_space<any>> -> memref<1x32x128xf32, #tpu.memory_space<any>>
    %dma_wait3A_2282 = tpu.memref_squeeze %dma_wait3A_2281 : memref<1x32x128xf32, #tpu.memory_space<any>> -> memref<32x128xf32, #tpu.memory_space<any>>
    %dma_wait3A_2283 = arith.constant 0 : i32
    %dma_wait3A_2284 = arith.constant 0 : i32
    %dma_wait3A_2285 = tpu.memref_slice %arg1[%get3A_194, %dma_wait3A_2283, %dma_wait3A_2284] : memref<20000x32x128xf32, #tpu.memory_space<any>> -> memref<1x32x128xf32, #tpu.memory_space<any>>
    %dma_wait3A_2286 = tpu.memref_squeeze %dma_wait3A_2285 : memref<1x32x128xf32, #tpu.memory_space<any>> -> memref<32x128xf32, #tpu.memory_space<any>>
    tpu.wait_dma2 semaphore(%arg3 : memref<!tpu.dma_semaphore, #tpu.memory_space<semaphore_mem>>) src(%dma_wait3A_2286 : memref<32x128xf32, #tpu.memory_space<any>>) dst(%dma_wait3A_2282 : memref<32x128xf32, #tpu.memory_space<any>>)
    %dma_wait3A_2287 = arith.constant 98 : i32
    %dma_wait3A_2288 = arith.constant 0 : i32
    %dma_wait3A_2289 = arith.constant 0 : i32
    %dma_wait3A_2290 = tpu.memref_slice %arg2[%dma_wait3A_2287, %dma_wait3A_2288, %dma_wait3A_2289] : memref<128x32x128xf32, #tpu.memory_space<any>> -> memref<1x32x128xf32, #tpu.memory_space<any>>
    %dma_wait3A_2291 = tpu.memref_squeeze %dma_wait3A_2290 : memref<1x32x128xf32, #tpu.memory_space<any>> -> memref<32x128xf32, #tpu.memory_space<any>>
    %dma_wait3A_2292 = arith.constant 0 : i32
    %dma_wait3A_2293 = arith.constant 0 : i32
    %dma_wait3A_2294 = tpu.memref_slice %arg1[%get3A_196, %dma_wait3A_2292, %dma_wait3A_2293] : memref<20000x32x128xf32, #tpu.memory_space<any>> -> memref<1x32x128xf32, #tpu.memory_space<any>>
    %dma_wait3A_2295 = tpu.memref_squeeze %dma_wait3A_2294 : memref<1x32x128xf32, #tpu.memory_space<any>> -> memref<32x128xf32, #tpu.memory_space<any>>
    tpu.wait_dma2 semaphore(%arg3 : memref<!tpu.dma_semaphore, #tpu.memory_space<semaphore_mem>>) src(%dma_wait3A_2295 : memref<32x128xf32, #tpu.memory_space<any>>) dst(%dma_wait3A_2291 : memref<32x128xf32, #tpu.memory_space<any>>)
    %dma_wait3A_2296 = arith.constant 99 : i32
    %dma_wait3A_2297 = arith.constant 0 : i32
    %dma_wait3A_2298 = arith.constant 0 : i32
    %dma_wait3A_2299 = tpu.memref_slice %arg2[%dma_wait3A_2296, %dma_wait3A_2297, %dma_wait3A_2298] : memref<128x32x128xf32, #tpu.memory_space<any>> -> memref<1x32x128xf32, #tpu.memory_space<any>>
    %dma_wait3A_2300 = tpu.memref_squeeze %dma_wait3A_2299 : memref<1x32x128xf32, #tpu.memory_space<any>> -> memref<32x128xf32, #tpu.memory_space<any>>
    %dma_wait3A_2301 = arith.constant 0 : i32
    %dma_wait3A_2302 = arith.constant 0 : i32
    %dma_wait3A_2303 = tpu.memref_slice %arg1[%get3A_198, %dma_wait3A_2301, %dma_wait3A_2302] : memref<20000x32x128xf32, #tpu.memory_space<any>> -> memref<1x32x128xf32, #tpu.memory_space<any>>
    %dma_wait3A_2304 = tpu.memref_squeeze %dma_wait3A_2303 : memref<1x32x128xf32, #tpu.memory_space<any>> -> memref<32x128xf32, #tpu.memory_space<any>>
    tpu.wait_dma2 semaphore(%arg3 : memref<!tpu.dma_semaphore, #tpu.memory_space<semaphore_mem>>) src(%dma_wait3A_2304 : memref<32x128xf32, #tpu.memory_space<any>>) dst(%dma_wait3A_2300 : memref<32x128xf32, #tpu.memory_space<any>>)
    %dma_wait3A_2305 = arith.constant 100 : i32
    %dma_wait3A_2306 = arith.constant 0 : i32
    %dma_wait3A_2307 = arith.constant 0 : i32
    %dma_wait3A_2308 = tpu.memref_slice %arg2[%dma_wait3A_2305, %dma_wait3A_2306, %dma_wait3A_2307] : memref<128x32x128xf32, #tpu.memory_space<any>> -> memref<1x32x128xf32, #tpu.memory_space<any>>
    %dma_wait3A_2309 = tpu.memref_squeeze %dma_wait3A_2308 : memref<1x32x128xf32, #tpu.memory_space<any>> -> memref<32x128xf32, #tpu.memory_space<any>>
    %dma_wait3A_2310 = arith.constant 0 : i32
    %dma_wait3A_2311 = arith.constant 0 : i32
    %dma_wait3A_2312 = tpu.memref_slice %arg1[%get3A_200, %dma_wait3A_2310, %dma_wait3A_2311] : memref<20000x32x128xf32, #tpu.memory_space<any>> -> memref<1x32x128xf32, #tpu.memory_space<any>>
    %dma_wait3A_2313 = tpu.memref_squeeze %dma_wait3A_2312 : memref<1x32x128xf32, #tpu.memory_space<any>> -> memref<32x128xf32, #tpu.memory_space<any>>
    tpu.wait_dma2 semaphore(%arg3 : memref<!tpu.dma_semaphore, #tpu.memory_space<semaphore_mem>>) src(%dma_wait3A_2313 : memref<32x128xf32, #tpu.memory_space<any>>) dst(%dma_wait3A_2309 : memref<32x128xf32, #tpu.memory_space<any>>)
    %dma_wait3A_2314 = arith.constant 101 : i32
    %dma_wait3A_2315 = arith.constant 0 : i32
    %dma_wait3A_2316 = arith.constant 0 : i32
    %dma_wait3A_2317 = tpu.memref_slice %arg2[%dma_wait3A_2314, %dma_wait3A_2315, %dma_wait3A_2316] : memref<128x32x128xf32, #tpu.memory_space<any>> -> memref<1x32x128xf32, #tpu.memory_space<any>>
    %dma_wait3A_2318 = tpu.memref_squeeze %dma_wait3A_2317 : memref<1x32x128xf32, #tpu.memory_space<any>> -> memref<32x128xf32, #tpu.memory_space<any>>
    %dma_wait3A_2319 = arith.constant 0 : i32
    %dma_wait3A_2320 = arith.constant 0 : i32
    %dma_wait3A_2321 = tpu.memref_slice %arg1[%get3A_202, %dma_wait3A_2319, %dma_wait3A_2320] : memref<20000x32x128xf32, #tpu.memory_space<any>> -> memref<1x32x128xf32, #tpu.memory_space<any>>
    %dma_wait3A_2322 = tpu.memref_squeeze %dma_wait3A_2321 : memref<1x32x128xf32, #tpu.memory_space<any>> -> memref<32x128xf32, #tpu.memory_space<any>>
    tpu.wait_dma2 semaphore(%arg3 : memref<!tpu.dma_semaphore, #tpu.memory_space<semaphore_mem>>) src(%dma_wait3A_2322 : memref<32x128xf32, #tpu.memory_space<any>>) dst(%dma_wait3A_2318 : memref<32x128xf32, #tpu.memory_space<any>>)
    %dma_wait3A_2323 = arith.constant 102 : i32
    %dma_wait3A_2324 = arith.constant 0 : i32
    %dma_wait3A_2325 = arith.constant 0 : i32
    %dma_wait3A_2326 = tpu.memref_slice %arg2[%dma_wait3A_2323, %dma_wait3A_2324, %dma_wait3A_2325] : memref<128x32x128xf32, #tpu.memory_space<any>> -> memref<1x32x128xf32, #tpu.memory_space<any>>
    %dma_wait3A_2327 = tpu.memref_squeeze %dma_wait3A_2326 : memref<1x32x128xf32, #tpu.memory_space<any>> -> memref<32x128xf32, #tpu.memory_space<any>>
    %dma_wait3A_2328 = arith.constant 0 : i32
    %dma_wait3A_2329 = arith.constant 0 : i32
    %dma_wait3A_2330 = tpu.memref_slice %arg1[%get3A_204, %dma_wait3A_2328, %dma_wait3A_2329] : memref<20000x32x128xf32, #tpu.memory_space<any>> -> memref<1x32x128xf32, #tpu.memory_space<any>>
    %dma_wait3A_2331 = tpu.memref_squeeze %dma_wait3A_2330 : memref<1x32x128xf32, #tpu.memory_space<any>> -> memref<32x128xf32, #tpu.memory_space<any>>
    tpu.wait_dma2 semaphore(%arg3 : memref<!tpu.dma_semaphore, #tpu.memory_space<semaphore_mem>>) src(%dma_wait3A_2331 : memref<32x128xf32, #tpu.memory_space<any>>) dst(%dma_wait3A_2327 : memref<32x128xf32, #tpu.memory_space<any>>)
    %dma_wait3A_2332 = arith.constant 103 : i32
    %dma_wait3A_2333 = arith.constant 0 : i32
    %dma_wait3A_2334 = arith.constant 0 : i32
    %dma_wait3A_2335 = tpu.memref_slice %arg2[%dma_wait3A_2332, %dma_wait3A_2333, %dma_wait3A_2334] : memref<128x32x128xf32, #tpu.memory_space<any>> -> memref<1x32x128xf32, #tpu.memory_space<any>>
    %dma_wait3A_2336 = tpu.memref_squeeze %dma_wait3A_2335 : memref<1x32x128xf32, #tpu.memory_space<any>> -> memref<32x128xf32, #tpu.memory_space<any>>
    %dma_wait3A_2337 = arith.constant 0 : i32
    %dma_wait3A_2338 = arith.constant 0 : i32
    %dma_wait3A_2339 = tpu.memref_slice %arg1[%get3A_206, %dma_wait3A_2337, %dma_wait3A_2338] : memref<20000x32x128xf32, #tpu.memory_space<any>> -> memref<1x32x128xf32, #tpu.memory_space<any>>
    %dma_wait3A_2340 = tpu.memref_squeeze %dma_wait3A_2339 : memref<1x32x128xf32, #tpu.memory_space<any>> -> memref<32x128xf32, #tpu.memory_space<any>>
    tpu.wait_dma2 semaphore(%arg3 : memref<!tpu.dma_semaphore, #tpu.memory_space<semaphore_mem>>) src(%dma_wait3A_2340 : memref<32x128xf32, #tpu.memory_space<any>>) dst(%dma_wait3A_2336 : memref<32x128xf32, #tpu.memory_space<any>>)
    %dma_wait3A_2341 = arith.constant 104 : i32
    %dma_wait3A_2342 = arith.constant 0 : i32
    %dma_wait3A_2343 = arith.constant 0 : i32
    %dma_wait3A_2344 = tpu.memref_slice %arg2[%dma_wait3A_2341, %dma_wait3A_2342, %dma_wait3A_2343] : memref<128x32x128xf32, #tpu.memory_space<any>> -> memref<1x32x128xf32, #tpu.memory_space<any>>
    %dma_wait3A_2345 = tpu.memref_squeeze %dma_wait3A_2344 : memref<1x32x128xf32, #tpu.memory_space<any>> -> memref<32x128xf32, #tpu.memory_space<any>>
    %dma_wait3A_2346 = arith.constant 0 : i32
    %dma_wait3A_2347 = arith.constant 0 : i32
    %dma_wait3A_2348 = tpu.memref_slice %arg1[%get3A_208, %dma_wait3A_2346, %dma_wait3A_2347] : memref<20000x32x128xf32, #tpu.memory_space<any>> -> memref<1x32x128xf32, #tpu.memory_space<any>>
    %dma_wait3A_2349 = tpu.memref_squeeze %dma_wait3A_2348 : memref<1x32x128xf32, #tpu.memory_space<any>> -> memref<32x128xf32, #tpu.memory_space<any>>
    tpu.wait_dma2 semaphore(%arg3 : memref<!tpu.dma_semaphore, #tpu.memory_space<semaphore_mem>>) src(%dma_wait3A_2349 : memref<32x128xf32, #tpu.memory_space<any>>) dst(%dma_wait3A_2345 : memref<32x128xf32, #tpu.memory_space<any>>)
    %dma_wait3A_2350 = arith.constant 105 : i32
    %dma_wait3A_2351 = arith.constant 0 : i32
    %dma_wait3A_2352 = arith.constant 0 : i32
    %dma_wait3A_2353 = tpu.memref_slice %arg2[%dma_wait3A_2350, %dma_wait3A_2351, %dma_wait3A_2352] : memref<128x32x128xf32, #tpu.memory_space<any>> -> memref<1x32x128xf32, #tpu.memory_space<any>>
    %dma_wait3A_2354 = tpu.memref_squeeze %dma_wait3A_2353 : memref<1x32x128xf32, #tpu.memory_space<any>> -> memref<32x128xf32, #tpu.memory_space<any>>
    %dma_wait3A_2355 = arith.constant 0 : i32
    %dma_wait3A_2356 = arith.constant 0 : i32
    %dma_wait3A_2357 = tpu.memref_slice %arg1[%get3A_210, %dma_wait3A_2355, %dma_wait3A_2356] : memref<20000x32x128xf32, #tpu.memory_space<any>> -> memref<1x32x128xf32, #tpu.memory_space<any>>
    %dma_wait3A_2358 = tpu.memref_squeeze %dma_wait3A_2357 : memref<1x32x128xf32, #tpu.memory_space<any>> -> memref<32x128xf32, #tpu.memory_space<any>>
    tpu.wait_dma2 semaphore(%arg3 : memref<!tpu.dma_semaphore, #tpu.memory_space<semaphore_mem>>) src(%dma_wait3A_2358 : memref<32x128xf32, #tpu.memory_space<any>>) dst(%dma_wait3A_2354 : memref<32x128xf32, #tpu.memory_space<any>>)
    %dma_wait3A_2359 = arith.constant 106 : i32
    %dma_wait3A_2360 = arith.constant 0 : i32
    %dma_wait3A_2361 = arith.constant 0 : i32
    %dma_wait3A_2362 = tpu.memref_slice %arg2[%dma_wait3A_2359, %dma_wait3A_2360, %dma_wait3A_2361] : memref<128x32x128xf32, #tpu.memory_space<any>> -> memref<1x32x128xf32, #tpu.memory_space<any>>
    %dma_wait3A_2363 = tpu.memref_squeeze %dma_wait3A_2362 : memref<1x32x128xf32, #tpu.memory_space<any>> -> memref<32x128xf32, #tpu.memory_space<any>>
    %dma_wait3A_2364 = arith.constant 0 : i32
    %dma_wait3A_2365 = arith.constant 0 : i32
    %dma_wait3A_2366 = tpu.memref_slice %arg1[%get3A_212, %dma_wait3A_2364, %dma_wait3A_2365] : memref<20000x32x128xf32, #tpu.memory_space<any>> -> memref<1x32x128xf32, #tpu.memory_space<any>>
    %dma_wait3A_2367 = tpu.memref_squeeze %dma_wait3A_2366 : memref<1x32x128xf32, #tpu.memory_space<any>> -> memref<32x128xf32, #tpu.memory_space<any>>
    tpu.wait_dma2 semaphore(%arg3 : memref<!tpu.dma_semaphore, #tpu.memory_space<semaphore_mem>>) src(%dma_wait3A_2367 : memref<32x128xf32, #tpu.memory_space<any>>) dst(%dma_wait3A_2363 : memref<32x128xf32, #tpu.memory_space<any>>)
    %dma_wait3A_2368 = arith.constant 107 : i32
    %dma_wait3A_2369 = arith.constant 0 : i32
    %dma_wait3A_2370 = arith.constant 0 : i32
    %dma_wait3A_2371 = tpu.memref_slice %arg2[%dma_wait3A_2368, %dma_wait3A_2369, %dma_wait3A_2370] : memref<128x32x128xf32, #tpu.memory_space<any>> -> memref<1x32x128xf32, #tpu.memory_space<any>>
    %dma_wait3A_2372 = tpu.memref_squeeze %dma_wait3A_2371 : memref<1x32x128xf32, #tpu.memory_space<any>> -> memref<32x128xf32, #tpu.memory_space<any>>
    %dma_wait3A_2373 = arith.constant 0 : i32
    %dma_wait3A_2374 = arith.constant 0 : i32
    %dma_wait3A_2375 = tpu.memref_slice %arg1[%get3A_214, %dma_wait3A_2373, %dma_wait3A_2374] : memref<20000x32x128xf32, #tpu.memory_space<any>> -> memref<1x32x128xf32, #tpu.memory_space<any>>
    %dma_wait3A_2376 = tpu.memref_squeeze %dma_wait3A_2375 : memref<1x32x128xf32, #tpu.memory_space<any>> -> memref<32x128xf32, #tpu.memory_space<any>>
    tpu.wait_dma2 semaphore(%arg3 : memref<!tpu.dma_semaphore, #tpu.memory_space<semaphore_mem>>) src(%dma_wait3A_2376 : memref<32x128xf32, #tpu.memory_space<any>>) dst(%dma_wait3A_2372 : memref<32x128xf32, #tpu.memory_space<any>>)
    %dma_wait3A_2377 = arith.constant 108 : i32
    %dma_wait3A_2378 = arith.constant 0 : i32
    %dma_wait3A_2379 = arith.constant 0 : i32
    %dma_wait3A_2380 = tpu.memref_slice %arg2[%dma_wait3A_2377, %dma_wait3A_2378, %dma_wait3A_2379] : memref<128x32x128xf32, #tpu.memory_space<any>> -> memref<1x32x128xf32, #tpu.memory_space<any>>
    %dma_wait3A_2381 = tpu.memref_squeeze %dma_wait3A_2380 : memref<1x32x128xf32, #tpu.memory_space<any>> -> memref<32x128xf32, #tpu.memory_space<any>>
    %dma_wait3A_2382 = arith.constant 0 : i32
    %dma_wait3A_2383 = arith.constant 0 : i32
    %dma_wait3A_2384 = tpu.memref_slice %arg1[%get3A_216, %dma_wait3A_2382, %dma_wait3A_2383] : memref<20000x32x128xf32, #tpu.memory_space<any>> -> memref<1x32x128xf32, #tpu.memory_space<any>>
    %dma_wait3A_2385 = tpu.memref_squeeze %dma_wait3A_2384 : memref<1x32x128xf32, #tpu.memory_space<any>> -> memref<32x128xf32, #tpu.memory_space<any>>
    tpu.wait_dma2 semaphore(%arg3 : memref<!tpu.dma_semaphore, #tpu.memory_space<semaphore_mem>>) src(%dma_wait3A_2385 : memref<32x128xf32, #tpu.memory_space<any>>) dst(%dma_wait3A_2381 : memref<32x128xf32, #tpu.memory_space<any>>)
    %dma_wait3A_2386 = arith.constant 109 : i32
    %dma_wait3A_2387 = arith.constant 0 : i32
    %dma_wait3A_2388 = arith.constant 0 : i32
    %dma_wait3A_2389 = tpu.memref_slice %arg2[%dma_wait3A_2386, %dma_wait3A_2387, %dma_wait3A_2388] : memref<128x32x128xf32, #tpu.memory_space<any>> -> memref<1x32x128xf32, #tpu.memory_space<any>>
    %dma_wait3A_2390 = tpu.memref_squeeze %dma_wait3A_2389 : memref<1x32x128xf32, #tpu.memory_space<any>> -> memref<32x128xf32, #tpu.memory_space<any>>
    %dma_wait3A_2391 = arith.constant 0 : i32
    %dma_wait3A_2392 = arith.constant 0 : i32
    %dma_wait3A_2393 = tpu.memref_slice %arg1[%get3A_218, %dma_wait3A_2391, %dma_wait3A_2392] : memref<20000x32x128xf32, #tpu.memory_space<any>> -> memref<1x32x128xf32, #tpu.memory_space<any>>
    %dma_wait3A_2394 = tpu.memref_squeeze %dma_wait3A_2393 : memref<1x32x128xf32, #tpu.memory_space<any>> -> memref<32x128xf32, #tpu.memory_space<any>>
    tpu.wait_dma2 semaphore(%arg3 : memref<!tpu.dma_semaphore, #tpu.memory_space<semaphore_mem>>) src(%dma_wait3A_2394 : memref<32x128xf32, #tpu.memory_space<any>>) dst(%dma_wait3A_2390 : memref<32x128xf32, #tpu.memory_space<any>>)
    %dma_wait3A_2395 = arith.constant 110 : i32
    %dma_wait3A_2396 = arith.constant 0 : i32
    %dma_wait3A_2397 = arith.constant 0 : i32
    %dma_wait3A_2398 = tpu.memref_slice %arg2[%dma_wait3A_2395, %dma_wait3A_2396, %dma_wait3A_2397] : memref<128x32x128xf32, #tpu.memory_space<any>> -> memref<1x32x128xf32, #tpu.memory_space<any>>
    %dma_wait3A_2399 = tpu.memref_squeeze %dma_wait3A_2398 : memref<1x32x128xf32, #tpu.memory_space<any>> -> memref<32x128xf32, #tpu.memory_space<any>>
    %dma_wait3A_2400 = arith.constant 0 : i32
    %dma_wait3A_2401 = arith.constant 0 : i32
    %dma_wait3A_2402 = tpu.memref_slice %arg1[%get3A_220, %dma_wait3A_2400, %dma_wait3A_2401] : memref<20000x32x128xf32, #tpu.memory_space<any>> -> memref<1x32x128xf32, #tpu.memory_space<any>>
    %dma_wait3A_2403 = tpu.memref_squeeze %dma_wait3A_2402 : memref<1x32x128xf32, #tpu.memory_space<any>> -> memref<32x128xf32, #tpu.memory_space<any>>
    tpu.wait_dma2 semaphore(%arg3 : memref<!tpu.dma_semaphore, #tpu.memory_space<semaphore_mem>>) src(%dma_wait3A_2403 : memref<32x128xf32, #tpu.memory_space<any>>) dst(%dma_wait3A_2399 : memref<32x128xf32, #tpu.memory_space<any>>)
    %dma_wait3A_2404 = arith.constant 111 : i32
    %dma_wait3A_2405 = arith.constant 0 : i32
    %dma_wait3A_2406 = arith.constant 0 : i32
    %dma_wait3A_2407 = tpu.memref_slice %arg2[%dma_wait3A_2404, %dma_wait3A_2405, %dma_wait3A_2406] : memref<128x32x128xf32, #tpu.memory_space<any>> -> memref<1x32x128xf32, #tpu.memory_space<any>>
    %dma_wait3A_2408 = tpu.memref_squeeze %dma_wait3A_2407 : memref<1x32x128xf32, #tpu.memory_space<any>> -> memref<32x128xf32, #tpu.memory_space<any>>
    %dma_wait3A_2409 = arith.constant 0 : i32
    %dma_wait3A_2410 = arith.constant 0 : i32
    %dma_wait3A_2411 = tpu.memref_slice %arg1[%get3A_222, %dma_wait3A_2409, %dma_wait3A_2410] : memref<20000x32x128xf32, #tpu.memory_space<any>> -> memref<1x32x128xf32, #tpu.memory_space<any>>
    %dma_wait3A_2412 = tpu.memref_squeeze %dma_wait3A_2411 : memref<1x32x128xf32, #tpu.memory_space<any>> -> memref<32x128xf32, #tpu.memory_space<any>>
    tpu.wait_dma2 semaphore(%arg3 : memref<!tpu.dma_semaphore, #tpu.memory_space<semaphore_mem>>) src(%dma_wait3A_2412 : memref<32x128xf32, #tpu.memory_space<any>>) dst(%dma_wait3A_2408 : memref<32x128xf32, #tpu.memory_space<any>>)
    %dma_wait3A_2413 = arith.constant 112 : i32
    %dma_wait3A_2414 = arith.constant 0 : i32
    %dma_wait3A_2415 = arith.constant 0 : i32
    %dma_wait3A_2416 = tpu.memref_slice %arg2[%dma_wait3A_2413, %dma_wait3A_2414, %dma_wait3A_2415] : memref<128x32x128xf32, #tpu.memory_space<any>> -> memref<1x32x128xf32, #tpu.memory_space<any>>
    %dma_wait3A_2417 = tpu.memref_squeeze %dma_wait3A_2416 : memref<1x32x128xf32, #tpu.memory_space<any>> -> memref<32x128xf32, #tpu.memory_space<any>>
    %dma_wait3A_2418 = arith.constant 0 : i32
    %dma_wait3A_2419 = arith.constant 0 : i32
    %dma_wait3A_2420 = tpu.memref_slice %arg1[%get3A_224, %dma_wait3A_2418, %dma_wait3A_2419] : memref<20000x32x128xf32, #tpu.memory_space<any>> -> memref<1x32x128xf32, #tpu.memory_space<any>>
    %dma_wait3A_2421 = tpu.memref_squeeze %dma_wait3A_2420 : memref<1x32x128xf32, #tpu.memory_space<any>> -> memref<32x128xf32, #tpu.memory_space<any>>
    tpu.wait_dma2 semaphore(%arg3 : memref<!tpu.dma_semaphore, #tpu.memory_space<semaphore_mem>>) src(%dma_wait3A_2421 : memref<32x128xf32, #tpu.memory_space<any>>) dst(%dma_wait3A_2417 : memref<32x128xf32, #tpu.memory_space<any>>)
    %dma_wait3A_2422 = arith.constant 113 : i32
    %dma_wait3A_2423 = arith.constant 0 : i32
    %dma_wait3A_2424 = arith.constant 0 : i32
    %dma_wait3A_2425 = tpu.memref_slice %arg2[%dma_wait3A_2422, %dma_wait3A_2423, %dma_wait3A_2424] : memref<128x32x128xf32, #tpu.memory_space<any>> -> memref<1x32x128xf32, #tpu.memory_space<any>>
    %dma_wait3A_2426 = tpu.memref_squeeze %dma_wait3A_2425 : memref<1x32x128xf32, #tpu.memory_space<any>> -> memref<32x128xf32, #tpu.memory_space<any>>
    %dma_wait3A_2427 = arith.constant 0 : i32
    %dma_wait3A_2428 = arith.constant 0 : i32
    %dma_wait3A_2429 = tpu.memref_slice %arg1[%get3A_226, %dma_wait3A_2427, %dma_wait3A_2428] : memref<20000x32x128xf32, #tpu.memory_space<any>> -> memref<1x32x128xf32, #tpu.memory_space<any>>
    %dma_wait3A_2430 = tpu.memref_squeeze %dma_wait3A_2429 : memref<1x32x128xf32, #tpu.memory_space<any>> -> memref<32x128xf32, #tpu.memory_space<any>>
    tpu.wait_dma2 semaphore(%arg3 : memref<!tpu.dma_semaphore, #tpu.memory_space<semaphore_mem>>) src(%dma_wait3A_2430 : memref<32x128xf32, #tpu.memory_space<any>>) dst(%dma_wait3A_2426 : memref<32x128xf32, #tpu.memory_space<any>>)
    %dma_wait3A_2431 = arith.constant 114 : i32
    %dma_wait3A_2432 = arith.constant 0 : i32
    %dma_wait3A_2433 = arith.constant 0 : i32
    %dma_wait3A_2434 = tpu.memref_slice %arg2[%dma_wait3A_2431, %dma_wait3A_2432, %dma_wait3A_2433] : memref<128x32x128xf32, #tpu.memory_space<any>> -> memref<1x32x128xf32, #tpu.memory_space<any>>
    %dma_wait3A_2435 = tpu.memref_squeeze %dma_wait3A_2434 : memref<1x32x128xf32, #tpu.memory_space<any>> -> memref<32x128xf32, #tpu.memory_space<any>>
    %dma_wait3A_2436 = arith.constant 0 : i32
    %dma_wait3A_2437 = arith.constant 0 : i32
    %dma_wait3A_2438 = tpu.memref_slice %arg1[%get3A_228, %dma_wait3A_2436, %dma_wait3A_2437] : memref<20000x32x128xf32, #tpu.memory_space<any>> -> memref<1x32x128xf32, #tpu.memory_space<any>>
    %dma_wait3A_2439 = tpu.memref_squeeze %dma_wait3A_2438 : memref<1x32x128xf32, #tpu.memory_space<any>> -> memref<32x128xf32, #tpu.memory_space<any>>
    tpu.wait_dma2 semaphore(%arg3 : memref<!tpu.dma_semaphore, #tpu.memory_space<semaphore_mem>>) src(%dma_wait3A_2439 : memref<32x128xf32, #tpu.memory_space<any>>) dst(%dma_wait3A_2435 : memref<32x128xf32, #tpu.memory_space<any>>)
    %dma_wait3A_2440 = arith.constant 115 : i32
    %dma_wait3A_2441 = arith.constant 0 : i32
    %dma_wait3A_2442 = arith.constant 0 : i32
    %dma_wait3A_2443 = tpu.memref_slice %arg2[%dma_wait3A_2440, %dma_wait3A_2441, %dma_wait3A_2442] : memref<128x32x128xf32, #tpu.memory_space<any>> -> memref<1x32x128xf32, #tpu.memory_space<any>>
    %dma_wait3A_2444 = tpu.memref_squeeze %dma_wait3A_2443 : memref<1x32x128xf32, #tpu.memory_space<any>> -> memref<32x128xf32, #tpu.memory_space<any>>
    %dma_wait3A_2445 = arith.constant 0 : i32
    %dma_wait3A_2446 = arith.constant 0 : i32
    %dma_wait3A_2447 = tpu.memref_slice %arg1[%get3A_230, %dma_wait3A_2445, %dma_wait3A_2446] : memref<20000x32x128xf32, #tpu.memory_space<any>> -> memref<1x32x128xf32, #tpu.memory_space<any>>
    %dma_wait3A_2448 = tpu.memref_squeeze %dma_wait3A_2447 : memref<1x32x128xf32, #tpu.memory_space<any>> -> memref<32x128xf32, #tpu.memory_space<any>>
    tpu.wait_dma2 semaphore(%arg3 : memref<!tpu.dma_semaphore, #tpu.memory_space<semaphore_mem>>) src(%dma_wait3A_2448 : memref<32x128xf32, #tpu.memory_space<any>>) dst(%dma_wait3A_2444 : memref<32x128xf32, #tpu.memory_space<any>>)
    %dma_wait3A_2449 = arith.constant 116 : i32
    %dma_wait3A_2450 = arith.constant 0 : i32
    %dma_wait3A_2451 = arith.constant 0 : i32
    %dma_wait3A_2452 = tpu.memref_slice %arg2[%dma_wait3A_2449, %dma_wait3A_2450, %dma_wait3A_2451] : memref<128x32x128xf32, #tpu.memory_space<any>> -> memref<1x32x128xf32, #tpu.memory_space<any>>
    %dma_wait3A_2453 = tpu.memref_squeeze %dma_wait3A_2452 : memref<1x32x128xf32, #tpu.memory_space<any>> -> memref<32x128xf32, #tpu.memory_space<any>>
    %dma_wait3A_2454 = arith.constant 0 : i32
    %dma_wait3A_2455 = arith.constant 0 : i32
    %dma_wait3A_2456 = tpu.memref_slice %arg1[%get3A_232, %dma_wait3A_2454, %dma_wait3A_2455] : memref<20000x32x128xf32, #tpu.memory_space<any>> -> memref<1x32x128xf32, #tpu.memory_space<any>>
    %dma_wait3A_2457 = tpu.memref_squeeze %dma_wait3A_2456 : memref<1x32x128xf32, #tpu.memory_space<any>> -> memref<32x128xf32, #tpu.memory_space<any>>
    tpu.wait_dma2 semaphore(%arg3 : memref<!tpu.dma_semaphore, #tpu.memory_space<semaphore_mem>>) src(%dma_wait3A_2457 : memref<32x128xf32, #tpu.memory_space<any>>) dst(%dma_wait3A_2453 : memref<32x128xf32, #tpu.memory_space<any>>)
    %dma_wait3A_2458 = arith.constant 117 : i32
    %dma_wait3A_2459 = arith.constant 0 : i32
    %dma_wait3A_2460 = arith.constant 0 : i32
    %dma_wait3A_2461 = tpu.memref_slice %arg2[%dma_wait3A_2458, %dma_wait3A_2459, %dma_wait3A_2460] : memref<128x32x128xf32, #tpu.memory_space<any>> -> memref<1x32x128xf32, #tpu.memory_space<any>>
    %dma_wait3A_2462 = tpu.memref_squeeze %dma_wait3A_2461 : memref<1x32x128xf32, #tpu.memory_space<any>> -> memref<32x128xf32, #tpu.memory_space<any>>
    %dma_wait3A_2463 = arith.constant 0 : i32
    %dma_wait3A_2464 = arith.constant 0 : i32
    %dma_wait3A_2465 = tpu.memref_slice %arg1[%get3A_234, %dma_wait3A_2463, %dma_wait3A_2464] : memref<20000x32x128xf32, #tpu.memory_space<any>> -> memref<1x32x128xf32, #tpu.memory_space<any>>
    %dma_wait3A_2466 = tpu.memref_squeeze %dma_wait3A_2465 : memref<1x32x128xf32, #tpu.memory_space<any>> -> memref<32x128xf32, #tpu.memory_space<any>>
    tpu.wait_dma2 semaphore(%arg3 : memref<!tpu.dma_semaphore, #tpu.memory_space<semaphore_mem>>) src(%dma_wait3A_2466 : memref<32x128xf32, #tpu.memory_space<any>>) dst(%dma_wait3A_2462 : memref<32x128xf32, #tpu.memory_space<any>>)
    %dma_wait3A_2467 = arith.constant 118 : i32
    %dma_wait3A_2468 = arith.constant 0 : i32
    %dma_wait3A_2469 = arith.constant 0 : i32
    %dma_wait3A_2470 = tpu.memref_slice %arg2[%dma_wait3A_2467, %dma_wait3A_2468, %dma_wait3A_2469] : memref<128x32x128xf32, #tpu.memory_space<any>> -> memref<1x32x128xf32, #tpu.memory_space<any>>
    %dma_wait3A_2471 = tpu.memref_squeeze %dma_wait3A_2470 : memref<1x32x128xf32, #tpu.memory_space<any>> -> memref<32x128xf32, #tpu.memory_space<any>>
    %dma_wait3A_2472 = arith.constant 0 : i32
    %dma_wait3A_2473 = arith.constant 0 : i32
    %dma_wait3A_2474 = tpu.memref_slice %arg1[%get3A_236, %dma_wait3A_2472, %dma_wait3A_2473] : memref<20000x32x128xf32, #tpu.memory_space<any>> -> memref<1x32x128xf32, #tpu.memory_space<any>>
    %dma_wait3A_2475 = tpu.memref_squeeze %dma_wait3A_2474 : memref<1x32x128xf32, #tpu.memory_space<any>> -> memref<32x128xf32, #tpu.memory_space<any>>
    tpu.wait_dma2 semaphore(%arg3 : memref<!tpu.dma_semaphore, #tpu.memory_space<semaphore_mem>>) src(%dma_wait3A_2475 : memref<32x128xf32, #tpu.memory_space<any>>) dst(%dma_wait3A_2471 : memref<32x128xf32, #tpu.memory_space<any>>)
    %dma_wait3A_2476 = arith.constant 119 : i32
    %dma_wait3A_2477 = arith.constant 0 : i32
    %dma_wait3A_2478 = arith.constant 0 : i32
    %dma_wait3A_2479 = tpu.memref_slice %arg2[%dma_wait3A_2476, %dma_wait3A_2477, %dma_wait3A_2478] : memref<128x32x128xf32, #tpu.memory_space<any>> -> memref<1x32x128xf32, #tpu.memory_space<any>>
    %dma_wait3A_2480 = tpu.memref_squeeze %dma_wait3A_2479 : memref<1x32x128xf32, #tpu.memory_space<any>> -> memref<32x128xf32, #tpu.memory_space<any>>
    %dma_wait3A_2481 = arith.constant 0 : i32
    %dma_wait3A_2482 = arith.constant 0 : i32
    %dma_wait3A_2483 = tpu.memref_slice %arg1[%get3A_238, %dma_wait3A_2481, %dma_wait3A_2482] : memref<20000x32x128xf32, #tpu.memory_space<any>> -> memref<1x32x128xf32, #tpu.memory_space<any>>
    %dma_wait3A_2484 = tpu.memref_squeeze %dma_wait3A_2483 : memref<1x32x128xf32, #tpu.memory_space<any>> -> memref<32x128xf32, #tpu.memory_space<any>>
    tpu.wait_dma2 semaphore(%arg3 : memref<!tpu.dma_semaphore, #tpu.memory_space<semaphore_mem>>) src(%dma_wait3A_2484 : memref<32x128xf32, #tpu.memory_space<any>>) dst(%dma_wait3A_2480 : memref<32x128xf32, #tpu.memory_space<any>>)
    %dma_wait3A_2485 = arith.constant 120 : i32
    %dma_wait3A_2486 = arith.constant 0 : i32
    %dma_wait3A_2487 = arith.constant 0 : i32
    %dma_wait3A_2488 = tpu.memref_slice %arg2[%dma_wait3A_2485, %dma_wait3A_2486, %dma_wait3A_2487] : memref<128x32x128xf32, #tpu.memory_space<any>> -> memref<1x32x128xf32, #tpu.memory_space<any>>
    %dma_wait3A_2489 = tpu.memref_squeeze %dma_wait3A_2488 : memref<1x32x128xf32, #tpu.memory_space<any>> -> memref<32x128xf32, #tpu.memory_space<any>>
    %dma_wait3A_2490 = arith.constant 0 : i32
    %dma_wait3A_2491 = arith.constant 0 : i32
    %dma_wait3A_2492 = tpu.memref_slice %arg1[%get3A_240, %dma_wait3A_2490, %dma_wait3A_2491] : memref<20000x32x128xf32, #tpu.memory_space<any>> -> memref<1x32x128xf32, #tpu.memory_space<any>>
    %dma_wait3A_2493 = tpu.memref_squeeze %dma_wait3A_2492 : memref<1x32x128xf32, #tpu.memory_space<any>> -> memref<32x128xf32, #tpu.memory_space<any>>
    tpu.wait_dma2 semaphore(%arg3 : memref<!tpu.dma_semaphore, #tpu.memory_space<semaphore_mem>>) src(%dma_wait3A_2493 : memref<32x128xf32, #tpu.memory_space<any>>) dst(%dma_wait3A_2489 : memref<32x128xf32, #tpu.memory_space<any>>)
    %dma_wait3A_2494 = arith.constant 121 : i32
    %dma_wait3A_2495 = arith.constant 0 : i32
    %dma_wait3A_2496 = arith.constant 0 : i32
    %dma_wait3A_2497 = tpu.memref_slice %arg2[%dma_wait3A_2494, %dma_wait3A_2495, %dma_wait3A_2496] : memref<128x32x128xf32, #tpu.memory_space<any>> -> memref<1x32x128xf32, #tpu.memory_space<any>>
    %dma_wait3A_2498 = tpu.memref_squeeze %dma_wait3A_2497 : memref<1x32x128xf32, #tpu.memory_space<any>> -> memref<32x128xf32, #tpu.memory_space<any>>
    %dma_wait3A_2499 = arith.constant 0 : i32
    %dma_wait3A_2500 = arith.constant 0 : i32
    %dma_wait3A_2501 = tpu.memref_slice %arg1[%get3A_242, %dma_wait3A_2499, %dma_wait3A_2500] : memref<20000x32x128xf32, #tpu.memory_space<any>> -> memref<1x32x128xf32, #tpu.memory_space<any>>
    %dma_wait3A_2502 = tpu.memref_squeeze %dma_wait3A_2501 : memref<1x32x128xf32, #tpu.memory_space<any>> -> memref<32x128xf32, #tpu.memory_space<any>>
    tpu.wait_dma2 semaphore(%arg3 : memref<!tpu.dma_semaphore, #tpu.memory_space<semaphore_mem>>) src(%dma_wait3A_2502 : memref<32x128xf32, #tpu.memory_space<any>>) dst(%dma_wait3A_2498 : memref<32x128xf32, #tpu.memory_space<any>>)
    %dma_wait3A_2503 = arith.constant 122 : i32
    %dma_wait3A_2504 = arith.constant 0 : i32
    %dma_wait3A_2505 = arith.constant 0 : i32
    %dma_wait3A_2506 = tpu.memref_slice %arg2[%dma_wait3A_2503, %dma_wait3A_2504, %dma_wait3A_2505] : memref<128x32x128xf32, #tpu.memory_space<any>> -> memref<1x32x128xf32, #tpu.memory_space<any>>
    %dma_wait3A_2507 = tpu.memref_squeeze %dma_wait3A_2506 : memref<1x32x128xf32, #tpu.memory_space<any>> -> memref<32x128xf32, #tpu.memory_space<any>>
    %dma_wait3A_2508 = arith.constant 0 : i32
    %dma_wait3A_2509 = arith.constant 0 : i32
    %dma_wait3A_2510 = tpu.memref_slice %arg1[%get3A_244, %dma_wait3A_2508, %dma_wait3A_2509] : memref<20000x32x128xf32, #tpu.memory_space<any>> -> memref<1x32x128xf32, #tpu.memory_space<any>>
    %dma_wait3A_2511 = tpu.memref_squeeze %dma_wait3A_2510 : memref<1x32x128xf32, #tpu.memory_space<any>> -> memref<32x128xf32, #tpu.memory_space<any>>
    tpu.wait_dma2 semaphore(%arg3 : memref<!tpu.dma_semaphore, #tpu.memory_space<semaphore_mem>>) src(%dma_wait3A_2511 : memref<32x128xf32, #tpu.memory_space<any>>) dst(%dma_wait3A_2507 : memref<32x128xf32, #tpu.memory_space<any>>)
    %dma_wait3A_2512 = arith.constant 123 : i32
    %dma_wait3A_2513 = arith.constant 0 : i32
    %dma_wait3A_2514 = arith.constant 0 : i32
    %dma_wait3A_2515 = tpu.memref_slice %arg2[%dma_wait3A_2512, %dma_wait3A_2513, %dma_wait3A_2514] : memref<128x32x128xf32, #tpu.memory_space<any>> -> memref<1x32x128xf32, #tpu.memory_space<any>>
    %dma_wait3A_2516 = tpu.memref_squeeze %dma_wait3A_2515 : memref<1x32x128xf32, #tpu.memory_space<any>> -> memref<32x128xf32, #tpu.memory_space<any>>
    %dma_wait3A_2517 = arith.constant 0 : i32
    %dma_wait3A_2518 = arith.constant 0 : i32
    %dma_wait3A_2519 = tpu.memref_slice %arg1[%get3A_246, %dma_wait3A_2517, %dma_wait3A_2518] : memref<20000x32x128xf32, #tpu.memory_space<any>> -> memref<1x32x128xf32, #tpu.memory_space<any>>
    %dma_wait3A_2520 = tpu.memref_squeeze %dma_wait3A_2519 : memref<1x32x128xf32, #tpu.memory_space<any>> -> memref<32x128xf32, #tpu.memory_space<any>>
    tpu.wait_dma2 semaphore(%arg3 : memref<!tpu.dma_semaphore, #tpu.memory_space<semaphore_mem>>) src(%dma_wait3A_2520 : memref<32x128xf32, #tpu.memory_space<any>>) dst(%dma_wait3A_2516 : memref<32x128xf32, #tpu.memory_space<any>>)
    %dma_wait3A_2521 = arith.constant 124 : i32
    %dma_wait3A_2522 = arith.constant 0 : i32
    %dma_wait3A_2523 = arith.constant 0 : i32
    %dma_wait3A_2524 = tpu.memref_slice %arg2[%dma_wait3A_2521, %dma_wait3A_2522, %dma_wait3A_2523] : memref<128x32x128xf32, #tpu.memory_space<any>> -> memref<1x32x128xf32, #tpu.memory_space<any>>
    %dma_wait3A_2525 = tpu.memref_squeeze %dma_wait3A_2524 : memref<1x32x128xf32, #tpu.memory_space<any>> -> memref<32x128xf32, #tpu.memory_space<any>>
    %dma_wait3A_2526 = arith.constant 0 : i32
    %dma_wait3A_2527 = arith.constant 0 : i32
    %dma_wait3A_2528 = tpu.memref_slice %arg1[%get3A_248, %dma_wait3A_2526, %dma_wait3A_2527] : memref<20000x32x128xf32, #tpu.memory_space<any>> -> memref<1x32x128xf32, #tpu.memory_space<any>>
    %dma_wait3A_2529 = tpu.memref_squeeze %dma_wait3A_2528 : memref<1x32x128xf32, #tpu.memory_space<any>> -> memref<32x128xf32, #tpu.memory_space<any>>
    tpu.wait_dma2 semaphore(%arg3 : memref<!tpu.dma_semaphore, #tpu.memory_space<semaphore_mem>>) src(%dma_wait3A_2529 : memref<32x128xf32, #tpu.memory_space<any>>) dst(%dma_wait3A_2525 : memref<32x128xf32, #tpu.memory_space<any>>)
    %dma_wait3A_2530 = arith.constant 125 : i32
    %dma_wait3A_2531 = arith.constant 0 : i32
    %dma_wait3A_2532 = arith.constant 0 : i32
    %dma_wait3A_2533 = tpu.memref_slice %arg2[%dma_wait3A_2530, %dma_wait3A_2531, %dma_wait3A_2532] : memref<128x32x128xf32, #tpu.memory_space<any>> -> memref<1x32x128xf32, #tpu.memory_space<any>>
    %dma_wait3A_2534 = tpu.memref_squeeze %dma_wait3A_2533 : memref<1x32x128xf32, #tpu.memory_space<any>> -> memref<32x128xf32, #tpu.memory_space<any>>
    %dma_wait3A_2535 = arith.constant 0 : i32
    %dma_wait3A_2536 = arith.constant 0 : i32
    %dma_wait3A_2537 = tpu.memref_slice %arg1[%get3A_250, %dma_wait3A_2535, %dma_wait3A_2536] : memref<20000x32x128xf32, #tpu.memory_space<any>> -> memref<1x32x128xf32, #tpu.memory_space<any>>
    %dma_wait3A_2538 = tpu.memref_squeeze %dma_wait3A_2537 : memref<1x32x128xf32, #tpu.memory_space<any>> -> memref<32x128xf32, #tpu.memory_space<any>>
    tpu.wait_dma2 semaphore(%arg3 : memref<!tpu.dma_semaphore, #tpu.memory_space<semaphore_mem>>) src(%dma_wait3A_2538 : memref<32x128xf32, #tpu.memory_space<any>>) dst(%dma_wait3A_2534 : memref<32x128xf32, #tpu.memory_space<any>>)
    %dma_wait3A_2539 = arith.constant 126 : i32
    %dma_wait3A_2540 = arith.constant 0 : i32
    %dma_wait3A_2541 = arith.constant 0 : i32
    %dma_wait3A_2542 = tpu.memref_slice %arg2[%dma_wait3A_2539, %dma_wait3A_2540, %dma_wait3A_2541] : memref<128x32x128xf32, #tpu.memory_space<any>> -> memref<1x32x128xf32, #tpu.memory_space<any>>
    %dma_wait3A_2543 = tpu.memref_squeeze %dma_wait3A_2542 : memref<1x32x128xf32, #tpu.memory_space<any>> -> memref<32x128xf32, #tpu.memory_space<any>>
    %dma_wait3A_2544 = arith.constant 0 : i32
    %dma_wait3A_2545 = arith.constant 0 : i32
    %dma_wait3A_2546 = tpu.memref_slice %arg1[%get3A_252, %dma_wait3A_2544, %dma_wait3A_2545] : memref<20000x32x128xf32, #tpu.memory_space<any>> -> memref<1x32x128xf32, #tpu.memory_space<any>>
    %dma_wait3A_2547 = tpu.memref_squeeze %dma_wait3A_2546 : memref<1x32x128xf32, #tpu.memory_space<any>> -> memref<32x128xf32, #tpu.memory_space<any>>
    tpu.wait_dma2 semaphore(%arg3 : memref<!tpu.dma_semaphore, #tpu.memory_space<semaphore_mem>>) src(%dma_wait3A_2547 : memref<32x128xf32, #tpu.memory_space<any>>) dst(%dma_wait3A_2543 : memref<32x128xf32, #tpu.memory_space<any>>)
    %dma_wait3A_2548 = arith.constant 127 : i32
    %dma_wait3A_2549 = arith.constant 0 : i32
    %dma_wait3A_2550 = arith.constant 0 : i32
    %dma_wait3A_2551 = tpu.memref_slice %arg2[%dma_wait3A_2548, %dma_wait3A_2549, %dma_wait3A_2550] : memref<128x32x128xf32, #tpu.memory_space<any>> -> memref<1x32x128xf32, #tpu.memory_space<any>>
    %dma_wait3A_2552 = tpu.memref_squeeze %dma_wait3A_2551 : memref<1x32x128xf32, #tpu.memory_space<any>> -> memref<32x128xf32, #tpu.memory_space<any>>
    %dma_wait3A_2553 = arith.constant 0 : i32
    %dma_wait3A_2554 = arith.constant 0 : i32
    %dma_wait3A_2555 = tpu.memref_slice %arg1[%get3A_254, %dma_wait3A_2553, %dma_wait3A_2554] : memref<20000x32x128xf32, #tpu.memory_space<any>> -> memref<1x32x128xf32, #tpu.memory_space<any>>
    %dma_wait3A_2556 = tpu.memref_squeeze %dma_wait3A_2555 : memref<1x32x128xf32, #tpu.memory_space<any>> -> memref<32x128xf32, #tpu.memory_space<any>>
    tpu.wait_dma2 semaphore(%arg3 : memref<!tpu.dma_semaphore, #tpu.memory_space<semaphore_mem>>) src(%dma_wait3A_2556 : memref<32x128xf32, #tpu.memory_space<any>>) dst(%dma_wait3A_2552 : memref<32x128xf32, #tpu.memory_space<any>>)
    return
  }
}

</mosaic_0001>

<sc_bundles>
// kernel: sparse-core-data-format-call.cloned.1.call-start
scs
called_computation_lowered:
.L_overlay_start_0:
0x0: {  	s2 =	sld [smem:$0x3FD9]  }
0x1: {  	s3 =	sld [smem:$0x3FFE];
	_ =	sdelay $0x1  }
0x2: {  	s1 =	srdreg.scid  }
0x3: {  	s0 =	sand.u32 $0x1, s1  }
0x4: {  	s18 =	sshll.u32 s0, $0xA;
	s2 =	sadd.s32 s3, s2  }
0x5: {  	s2 =	sadd.s32 s2, s18  }
0x6: {  	[smem:$0x3FC6] =	sst s2  }
0x7: {  	_ = 	snop  }
0x8: {  	s2 =	sld [smem:$0x3FC9];
	(tm) =	ssettm $0x1  }
0x9: {  	s19 =	sld [smem:$0x3FFB];
	_ =	sdelay $0x3  }
0xa: {  	_ =	strace s19  }
0xb: {  	s3 =	sld [smem:$0x3FFC];
	_ =	sdelay $0x3  }
0xc: {  	_ =	strace s3  }
0xd: {  	s3 =	sld [smem:$0x3FFD];
	_ =	sdelay $0x3  }
0xe: {  	_ =	strace s3  }
0xf: {  	_ =	strace $0x8FFFFFFF  }
0x10: {  	s20 =	sld [smem:$0x3FDB];
	_ =	sdelay $0x1  }
0x11: {  	s4 =	simm.s32 $_scs_section_size  }
0x12: {  	s5 =	simm.s32 $_size__tile_overlayer_lowered;
	s6 =	simm.s32 $_tile_overlayer_lowered  }
0x13: {  	s23 =	simm.s32 $0x1BFF;
	s22 =	sshll.u32 s6, $0x1;
	s3 =	sadd.s32 s4, s20  }
0x14: {  	s7 =	simm.s32 $0x0;
	s21 =	sshll.u32 s5, $0x1;
	s5 =	sadd.s32 s22, s3  }
0x15: {  	[timem:s7], [sflag:s23] =	dma.local [hbm:s5], s21  }
0x16: {  	_ =	swait.ge [sflag:s23], s21  }
0x17: {  	s4 =	ssub.s32 $0x0, s21;
	[sflag:s23] =	ssyncset.done $0x0  }
0x18: {  	[sflag:s23] =	ssyncadd.s32 s4;
	_ =	sdelay $0x1  }
0x19: {  	s24 =	simm.s32 $0x1B8B  }
0x1a: {  	_ =	swait.ge [sflag:s24], $0x1  }
0x1b: {  	[sflag:s24] =	ssyncset.done $0x0  }
0x1c: {  	s26 =	simm.s32 $0x1B8E;
	s25 =	sld [smem:$0x3FFE];
	[sflag:s24] =	ssyncadd.s32 $0xFFFFFFFF  }
0x1d: {  	s27 =	simm.s32 $execute0_lowered;
	[smem:$0x3FD2] =	sst s26  }
0x1e: {  	s5 =	sshll.u32 s27, $0x1;
	_ =	strace $0x80000046;
	[dreg:$0x1] =	wrdreg $0xFFFFFFFF  }
0x1f: {  	s28 =	simm.s32 $_size_execute0_lowered;
	s3 =	sadd.s32 s3, s5;
	[dreg:$0x0] =	wrdreg $0x0  }
0x20: {  	s5 =	sshll.u32 s28, $0x1;
	[dreg:$0x2] =	wrdreg s3  }
0x21: {  	[dreg:$0x3] =	wrdreg s5  }
0x22: {  	[dreg:$0x4] =	wrdreg $0xC0  }
0x23: {  	_ =	task [dreg:s7], $0x5FFFF  }
0x24: {  	[dreg:$0x1] =	wrdreg $0xFFFFFFFF  }
0x25: {  	[dreg:$0x0] =	wrdreg $0x60  }
0x26: {  	[dreg:$0x2] =	wrdreg s2  }
0x27: {  	[dreg:$0x3] =	wrdreg s25  }
0x28: {  	[dreg:$0x4] =	wrdreg $0x9  }
0x29: {  	_ =	task.clear_ibuf [dreg:s7], $0x5FFFF;
	_ =	strace $0x90000046  }
0x2a: {  	s29 =	simm.s32 $0x9;
	_ =	strace $0x80000048  }
0x2b: {  	_ =	swait.ge [sflag:s29], $0x1  }
0x2c: {  	[sflag:s29] =	ssyncadd.s32 $0xFFFFFFFF  }
0x2d: {  	_ =	strace $0x90000048  }
0x2e: {  	_ =	sfence  }
0x2f: {  	s30 =	sld [smem:$0x0];
	_ =	sdelay $0x2  }
0x30: {  	s31 =	sshll.u32 s1, $0xD;
	s1 =	sshrl.u32 s1, $0x2  }
0x31: {  	s3 =	sand.u32 $0x4000, s31;
	s1 =	sadd.s32 s1, s30  }
0x32: {  	s0 =	sor.u32 s3, s0;
	s1 =	sshll.u32 s1, $0x11  }
0x33: {  	s0 =	sor.u32 s1, s0  }
0x34: {  	s0 =	sadd.s32 $0x8F2B, s0  }
0x35: {  	[sflag:s0] =	ssyncadd.remote.s32 $0x1  }
0x36: {  	_ =	sfence.sel $0xFFFF  }
0x37: {  	[dreg:$0x0] =	wrdreg $0xFFFFFFFF;
	(pc) =	sbr.abs _section_cstart, $3  }
0x38: {  	[dreg:$0x1] =	wrdreg $0xFFFFFFFF  }
0x39: {  	_ =	task.clear_ibuf [dreg:s7], $0x2FFFF;
	_ =	strace $0x9FFFFFFF  }
0x3a: {  	(tm) =	ssettm $0x7FFFFFFF  }
0x3b: {  	_ =	shalt  }
tec
execute0_lowered:
.L_overlay_start_1:
0x0: {  	(tag) =	ssettag $0x1  }
0x1: {  	s0 =	srdreg.scid;
	s6 =	rddreg [dreg:$0x0]  }
0x2: {  	s5 =	rddreg [dreg:$0x1];
	s1 =	stileid.u32;
	s30 =	simm.s32 $0x2  }
0x3: {  	s13 =	simm.s32 $0x0;
	s9 =	simm.s32 $0x1000;
	s0 =	sshll.u32 s0, $0x4  }
0x4: {  	s10 =	simm.s32 $0x0;
	s14 =	simm.s32 $0x0;
	s2 =	sand.u32 $0x10, s0  }
0x5: {  	s11 =	stileid.u32;
	s12 =	simm.s32 $0x0;
	s3 =	ssub.s32 $0x20, s2  }
0x6: {  	s7 =	ssub.s32 $0x9D3, s1;
	s0 =	rddreg [dreg:$0x2];
	s4 =	sshrl.u32 s3, $0x4  }
.Ltmp0:
0x7: {  	s8 =	sshrl.u32 s3, $0x5;
	s4 =	sand.u32 $0x1, s4;
	(pc) =	sbr.rel .LBB1_1-.Ltmp0, $4  }
0x8: {  	_ =	strace $0x80000047;
	s7 =	sshrl.u32 s7, $0x4;
	s4 =	sadd.s32 s8, s4  }
0x9: {  	s31 =	sshll.u32 s2, $0x7;
	s3 =	simm.s32 $0x1;
	s4 =	smul.u32 s7, s4  }
0xa: {  	s5 =	sadd.s32 $0x600, s5;
	s6 =	sadd.s32 s6, s31;
	[sflag:s3] =	ssyncpa.u1 $0x0  }
0xb: {  	[sflag:s30] =	ssyncpa.u1 $0x0;
	s8 =	simm.s32 $0x800;
	s7 =	sadd.s32 $0x1, s4  }
.LBB1_7:
0xc: {  	s15 =	sadd.s32 $0x10, s11  }
0xd: {  	p1 =	sgt.s32 s15, $0x9C3  }
0xe: {  	s15 =	smov.u32 @p1 s1;
	p1 =	sne.s32 s12, s7  }
.Ltmp1:
0xf: {  	p0 =	slt.u32 s12, $0x2;
	(pc) =	sbr.rel @!p1 .LBB1_8-.Ltmp1, $4  }
0x10: {  	s13 =	simm.s32 @!p0 $0x2  }
0x11: {  	s16 =	sadd.s32 $0x1, s12;
	s14 =	smov.u32 s11;
	_ =	swait.ge @!p0 [sflag:s13], $0x4000  }
0x12: {  	s10 =	sadd.s32 $0x4000, s10;
	s12 =	smov.u32 s16;
	[sflag:s13] =	ssyncset.done @!p0 $0x0  }
0x13: {  	s11 =	smov.u32 s15;
	[sflag:s13] =	ssyncadd.s32 @!p0 $0xFFFFC000;
	s13 =	smov.u32 s2  }
.LBB1_1:
0x14: {  	p0 =	sge.u32 s12, s4  }
0x15: {  	s15 =	sxor.u32 @!p0 $0xFFFFFFFF, s12  }
0x16: {  	s31 =	sadd.s32 $0xFFFFFFFF, s12;
	s16 =	sshll.u32 @!p0 s11, $0xC;
	s15 =	sshll.u32 @!p0 s15, $0xE  }
0x17: {  	s17 =	simm.s32 @!p0 $0x0;
	s16 =	sadd.s32 @!p0 s16, s6;
	s15 =	sand.u32 @!p0 $0x4000, s15  }
0x18: {  	[tilespmem:s15], [sflag:$0x1] =	stream.linear.gather @!p0 [hbm4b:s16+s17], $0x4000, $0x38;
	[tilespmem:$0x10000] =	vst v63  }
0x19: {  	p0 =	sge.u32 s31, s4  }
.Ltmp2:
0x1a: {  	_ = 	snop;
	(pc) =	sbr.rel @p0 .LBB1_7-.Ltmp2, $1  }
0x1b: {  	_ =	sdelay $0x3  }
0x1c: {  	s16 =	sand.u32 $0x4000, s10  }
0x1d: {  	_ =	swait.ge [sflag:s3], $0x4000;
	s18 =	sshll.u32 s12, $0xE;
	s15 =	sor.u32 $0x8040, s16  }
0x1e: {  	s17 =	sor.u32 $0x40, s16;
	[sflag:s3] =	ssyncset.done $0x0;
	s31 =	sand.u32 $0x4000, s18  }
0x1f: {  	s18 =	simm.s32 $0x0;
	[sflag:s3] =	ssyncadd.s32 $0xFFFFC000;
	s16 =	sor.u32 $0x8000, s31  }
.LBB1_3:
0x20: {  	v0 =	vmov s17;
	_ =	sdelay $0x3  }
0x21: {  	s20 =	simm.s32 $0x0  }
0x22: {  	v6 =	vld.idx.msk [tilespmem:v0+s20+$0x30 ss:$0x1], $0xffff  }
0x23: {  	v7 =	vld.idx.msk [tilespmem:v0+s20+$0xFFFFFFC0 ss:$0x1], $0xffff  }
0x24: {  	v5 =	vld.idx.msk [tilespmem:v0+s20+$0xFFFFFFD0 ss:$0x1], $0xffff  }
0x25: {  	v4 =	vld.idx.msk [tilespmem:v0+s20+$0xFFFFFFE0 ss:$0x1], $0xffff  }
0x26: {  	v3 =	vld.idx.msk [tilespmem:v0+s20+$0xFFFFFFF0 ss:$0x1], $0xffff  }
0x27: {  	v1 =	vld.idx.msk [tilespmem:v0+s20+$0x0 ss:$0x1], $0xffff  }
0x28: {  	v2 =	vld.idx.msk [tilespmem:v0+s20+$0x10 ss:$0x1], $0xffff;
	[tilespmem:s15+$0x30] =	vst v6  }
0x29: {  	s19 =	simm.s32 $0x80;
	s21 =	simm.s32 $0x400;
	[tilespmem:s15+$0xFFFFFFC0] =	vst v7;
	v6 =	vld.idx.msk [tilespmem:v0+s20+$0x20 ss:$0x1], $0xffff;
	s20 =	smov.u32 s15  }
.LBB1_4:
0x2a: {  	p0 =	sne.s32 s21, $0xE00;
	v7 =	vld.idx.msk [tilespmem:v0+s19+$0x30 ss:$0x1], $0xffff;
	[tilespmem:s20+$0xFFFFFFD0] =	vst v5  }
0x2b: {  	v8 =	vld.idx.msk [tilespmem:v0+s19+$0xFFFFFFC0 ss:$0x1], $0xffff;
	[tilespmem:s20+$0xFFFFFFE0] =	vst v4  }
0x2c: {  	v5 =	vld.idx.msk [tilespmem:v0+s19+$0xFFFFFFD0 ss:$0x1], $0xffff;
	[tilespmem:s20+$0xFFFFFFF0] =	vst v3  }
.Ltmp3:
0x2d: {  	v4 =	vld.idx.msk [tilespmem:v0+s19+$0xFFFFFFE0 ss:$0x1], $0xffff;
	[tilespmem:s20+$0x0] =	vst v1;
	(pc) =	sbr.rel @p0 .LBB1_4-.Ltmp3, $4  }
0x2e: {  	v3 =	vld.idx.msk [tilespmem:v0+s19+$0xFFFFFFF0 ss:$0x1], $0xffff;
	[tilespmem:s20+$0x10] =	vst v2  }
0x2f: {  	v1 =	vld.idx.msk [tilespmem:v0+s19+$0x0 ss:$0x1], $0xffff;
	[tilespmem:s20+$0x20] =	vst v6;
	s20 =	sadd.s32 $0x800, s20  }
0x30: {  	v2 =	vld.idx.msk [tilespmem:v0+s19+$0x10 ss:$0x1], $0xffff;
	[tilespmem:s20+$0x30] =	vst v7  }
0x31: {  	[tilespmem:s20+$0xFFFFFFC0] =	vst v8;
	v6 =	vld.idx.msk [tilespmem:v0+s19+$0x20 ss:$0x1], $0xffff;
	s19 =	sshra.s32 s21, $0x2;
	s21 =	sadd.s32 $0x200, s21  }
0x32: {  	_ =	sdelay $0x2  }
0x33: {  	[tilespmem:s20+$0xFFFFFFD0] =	vst v5  }
0x34: {  	v56 =	vld.idx.msk [tilespmem:v0+s19+$0x30 ss:$0x1], $0xffff;
	[tilespmem:s20+$0xFFFFFFE0] =	vst v4  }
0x35: {  	v57 =	vld.idx.msk [tilespmem:v0+s19+$0xFFFFFFC0 ss:$0x1], $0xffff;
	[tilespmem:s20+$0xFFFFFFF0] =	vst v3  }
0x36: {  	v58 =	vld.idx.msk [tilespmem:v0+s19+$0xFFFFFFD0 ss:$0x1], $0xffff;
	[tilespmem:s20+$0x0] =	vst v1  }
0x37: {  	v59 =	vld.idx.msk [tilespmem:v0+s19+$0xFFFFFFE0 ss:$0x1], $0xffff;
	[tilespmem:s20+$0x10] =	vst v2  }
0x38: {  	v60 =	vld.idx.msk [tilespmem:v0+s19+$0xFFFFFFF0 ss:$0x1], $0xffff;
	s31 =	sadd.s32 $0x800, s20;
	[tilespmem:s20+$0x20] =	vst v6  }
0x39: {  	v61 =	vld.idx.msk [tilespmem:v0+s19+$0x0 ss:$0x1], $0xffff;
	[tilespmem:s31+$0x30] =	vst v56  }
0x3a: {  	v62 =	vld.idx.msk [tilespmem:v0+s19+$0x10 ss:$0x1], $0xffff;
	s18 =	sadd.s32 $0x1, s18;
	[tilespmem:s31+$0xFFFFFFC0] =	vst v57  }
0x3b: {  	v63 =	vld.idx.msk [tilespmem:v0+s19+$0x20 ss:$0x1], $0xffff;
	p0 =	sne.s32 s18, $0x10;
	[tilespmem:s31+$0xFFFFFFD0] =	vst v58  }
.Ltmp4:
0x3c: {  	[tilespmem:s31+$0xFFFFFFE0] =	vst v59;
	(pc) =	sbr.rel @p0 .LBB1_3-.Ltmp4, $4  }
0x3d: {  	[tilespmem:s31+$0xFFFFFFF0] =	vst v60  }
0x3e: {  	[tilespmem:s31+$0x0] =	vst v61  }
0x3f: {  	[tilespmem:s31+$0x10] =	vst v62  }
0x40: {  	s15 =	sadd.s32 $0x80, s15;
	s17 =	sadd.s32 $0x400, s17;
	[tilespmem:s31+$0x20] =	vst v63  }
.Ltmp5:
0x41: {  	(pc) =	sbr.rel .LBB1_7-.Ltmp5, $4  }
0x42: {  	s14 =	sshll.u32 s14, $0xC  }
0x43: {  	s13 =	sshll.u32 s13, $0x4;
	s14 =	sadd.s32 s5, s14  }
0x44: {  	s13 =	sadd.s32 s13, s14  }
0x45: {  	[hbm4b:s13+s8] =	stream.strided.scatter [tilespmem:s16], [sflag:$0x2], $0x4000, s9, s8, $0x38;
	[tilespmem:$0x10000] =	vst v63  }
.LBB1_8:
0x46: {  	_ =	sfence.sel $0x180000  }
0x47: {  	s2 =	simm.s32 $0x1;
	[bflag:$0x0] =	sbarrier.arrive $0xFFFF  }
0x48: {  	s31 =	simm.s32 $0x2;
	[sflag:s2] =	ssyncpa.u1 $0x1  }
0x49: {  	[sflag:s31] =	ssyncpa.u1 $0x1  }
0x4a: {  	p0 =	sne.s32 s1, $0x0;
	_ =	strace $0x90000047  }
0x4b: {  	s0 =	sadd.s32 @!p0 $0x100000, s0;
	[bflag:$0x2] =	sbarrier.arrive $0xFFFF  }
0x4c: {  	[sflag:s0] =	ssyncadd.tile.s32 @!p0 $0x1;
	_ =	shalt  }
.Lfunc_end1:
_tile_overlayer_lowered:
.L_overlay_start_2:
0x4d: {  	(tag) =	ssettag $0x2  }
0x4e: {  	s0 =	rddreg [dreg:$0x0];
	s2 =	stileid.u32  }
0x4f: {  	s1 =	rddreg [dreg:$0x1];
	p0 =	sne.s32 s2, $0x0  }
0x50: {  	s3 =	rddreg [dreg:$0x2];
	[bflag:$0x3] =	sbarrier.arrive $0xFFFF;
	s2 =	simm.s32 @!p0 $0x1C01  }
0x51: {  	[timem:s3], [sflag:s2] =	dma.local @!p0 [hbm:s0], s1  }
0x52: {  	s0 =	simm.s32 @!p0 $0x1  }
0x53: {  	_ =	swait.ge @!p0 [sflag:s0], s1  }
0x54: {  	s1 =	ssub.s32 @!p0 $0x0, s1;
	[sflag:s0] =	ssyncset.done @!p0 $0x0  }
0x55: {  	[sflag:s0] =	ssyncadd.s32 @!p0 s1  }
0x56: {  	[bflag:$0x3] =	sbarrier.arrive $0xFFFF  }
0x57: {  	_ =	shalt  }

</sc_bundles>
